<compile_context>
chip_gen: v7x
topology: tpu7x:2x2x1
jax: 0.10.2.dev20260603
libtpu: 0.0.44.dev20260713+nightly
codegen_flags: <defaults>
</compile_context>

<pallas_src>
import functools

import jax
import jax.numpy as jnp
from jax import lax
from jax.experimental import pallas as pl
from jax.experimental.pallas import tpu as pltpu
from jax.experimental.pallas import tpu_sc as plsc

NEG_INF = -1e30
LANES = 16


def _sc_body(T, V, LP, CH, logits_hbm, tgt_hbm, emit_hbm, sp_hbm,
             row_v0, row_v1, emit_v, sv_v, tgt_v, sem0, sem1):
    cid = lax.axis_index("c")
    sid = lax.axis_index("s")
    w = sid * 2 + cid
    b = w // 2
    t0 = (w % 2) * (T // 2)
    nch = (T // 2) // CH
    ngr = LP // LANES
    wide = 8

    pltpu.sync_copy(tgt_hbm.at[b], tgt_v)
    idxs = [tgt_v[pl.ds(g * LANES, LANES)] for g in range(ngr)]

    def start(ci, buf, sem):
        pltpu.async_copy(logits_hbm.at[pl.ds(b * T + t0 + ci * CH, CH)],
                         buf, sem)

    def wait(buf, sem):
        pltpu.make_async_copy(logits_hbm.at[pl.ds(0, CH)], buf, sem).wait()

    def process(ci, buf):
        trow = t0 + ci * CH

        def row(r, carry2):
            accs = [jnp.exp(buf[r, pl.ds(u * LANES, LANES)])
                    for u in range(wide)]
            for j in range(1, V // (LANES * wide)):
                for u in range(wide):
                    accs[u] = accs[u] + jnp.exp(
                        buf[r, pl.ds((j * wide + u) * LANES, LANES)])
            accs = tuple(accs)
            while len(accs) > 1:
                accs = tuple(accs[2 * u] + accs[2 * u + 1]
                             for u in range(len(accs) // 2))
            sv_v[r] = accs[0]
            ridx = jnp.full((LANES,), r, dtype=jnp.int32)
            for g in range(ngr):
                emit_v[r, pl.ds(g * LANES, LANES)] = plsc.load_gather(
                    buf, [ridx, idxs[g]])
            return carry2

        lax.fori_loop(0, CH, row, 0, unroll=2)
        pltpu.sync_copy(emit_v, emit_hbm.at[pl.ds(trow, CH), b])
        pltpu.sync_copy(sv_v, sp_hbm.at[b, pl.ds(trow, CH)])

    start(0, row_v0, sem0)

    def chunk2(i, carry):
        wait(row_v0, sem0)
        start(2 * i + 1, row_v1, sem1)
        process(2 * i, row_v0)
        wait(row_v1, sem1)

        @pl.when(2 * i + 2 < nch)
        def _next():
            start(2 * i + 2, row_v0, sem0)

        process(2 * i + 1, row_v1)
        return carry

    lax.fori_loop(0, nch // 2, chunk2, 0)


def _rec_body(emit_ref, sp_ref, out_ref, alpha_ref, den_ref,
              w0_ref, w1_ref, w2_ref, c0_ref, c1_ref, c2_ref, c3_ref, c4_ref):
    jt = pl.program_id(0)
    nj = pl.num_programs(0)
    t_blk, nb, lp = emit_ref.shape
    npair = t_blk // 2

    @pl.when(jt == 0)
    def _init_den():
        den_ref[:, :] = jnp.zeros_like(den_ref)

    s = jnp.sum(sp_ref[:, :, :], axis=-1)
    den_ref[:, :] += jnp.sum(jnp.log(s)).reshape(1, 1)

    lane = lax.broadcasted_iota(jnp.int32, (nb, lp), 1)
    first = lane == 0

    def pre(c, carry):
        E = emit_ref[pl.ds(c * 16, 16)].reshape(8, 2, nb, lp)
        e1, e2 = E[:, 0], E[:, 1]
        sh_e1 = jnp.concatenate(
            [jnp.full((8, nb, 1), NEG_INF, jnp.float32), e1[:, :, :-1]], axis=2)
        m = jnp.maximum(e1, sh_e1)
        d = -jnp.abs(e1 - sh_e1)
        w0_ref[pl.ds(c * 8, 8)] = e1 + e2
        w1_ref[pl.ds(c * 8, 8)] = m + jnp.log1p(jnp.exp(d)) + e2
        w2_ref[pl.ds(c * 8, 8)] = sh_e1 + e2
        return carry

    lax.fori_loop(0, t_blk // 16, pre, 0)

    def shift(x, j):
        return jnp.concatenate(
            [jnp.full(x.shape[:-1] + (j,), NEG_INF, jnp.float32),
             x[..., :-j]], axis=-1)

    def lse2(a, b):
        m = jnp.maximum(a, b)
        return m + jnp.log(jnp.exp(a - m) + jnp.exp(b - m))

    def lse3(a, b, c):
        m = jnp.maximum(jnp.maximum(a, b), c)
        return m + jnp.log(jnp.exp(a - m) + jnp.exp(b - m) + jnp.exp(c - m))

    def pre2(c, carry):
        A0 = w0_ref[pl.ds(c * 8, 8)].reshape(4, 2, nb, lp)
        A1 = w1_ref[pl.ds(c * 8, 8)].reshape(4, 2, nb, lp)
        A2 = w2_ref[pl.ds(c * 8, 8)].reshape(4, 2, nb, lp)
        a0, b0 = A0[:, 0], A0[:, 1]
        a1, b1 = A1[:, 0], A1[:, 1]
        a2, b2 = A2[:, 0], A2[:, 1]
        c0_ref[pl.ds(c * 4, 4)] = a0 + b0
        c1_ref[pl.ds(c * 4, 4)] = lse2(a1 + b0, shift(a0, 1) + b1)
        c2_ref[pl.ds(c * 4, 4)] = lse3(a2 + b0, shift(a1, 1) + b1,
                                       shift(a0, 2) + b2)
        c3_ref[pl.ds(c * 4, 4)] = lse2(shift(a2, 1) + b1, shift(a1, 2) + b2)
        c4_ref[pl.ds(c * 4, 4)] = shift(a2, 2) + b2
        return carry

    lax.fori_loop(0, t_blk // 16, pre2, 0)

    def plain_step(e_t, alpha):
        sh = jnp.concatenate(
            [jnp.full((nb, 1), NEG_INF, dtype=alpha.dtype), alpha[:, :-1]],
            axis=1)
        m = jnp.maximum(alpha, sh)
        d = -jnp.abs(alpha - sh)
        return m + jnp.log1p(jnp.exp(d)) + e_t

    @pl.when(jt == 0)
    def _first_block():
        alpha = jnp.where(first, emit_ref[0], NEG_INF)
        alpha_ref[:, :] = plain_step(emit_ref[1], alpha)

    def pair_step(p, alpha):
        x0 = alpha + w0_ref[p]
        x1 = shift(alpha, 1) + w1_ref[p]
        x2 = shift(alpha, 2) + w2_ref[p]
        m = jnp.maximum(jnp.maximum(x0, x1), x2)
        ssum = jnp.exp(x0 - m) + jnp.exp(x1 - m) + jnp.exp(x2 - m)
        return m + jnp.log(ssum)

    @pl.when(jt == 0)
    def _first_pair():
        alpha_ref[:, :] = pair_step(1, alpha_ref[:, :])

    q0 = jnp.where(jt == 0, 1, 0)

    def quad_step(q, alpha):
        x0 = alpha + c0_ref[q]
        x1 = shift(alpha, 1) + c1_ref[q]
        x2 = shift(alpha, 2) + c2_ref[q]
        x3 = shift(alpha, 3) + c3_ref[q]
        x4 = shift(alpha, 4) + c4_ref[q]
        m = jnp.maximum(jnp.maximum(jnp.maximum(x0, x1), jnp.maximum(x2, x3)),
                        x4)
        ssum = (jnp.exp(x0 - m) + jnp.exp(x1 - m) + jnp.exp(x2 - m)
                + jnp.exp(x3 - m) + jnp.exp(x4 - m))
        return m + jnp.log(ssum)

    alpha = lax.fori_loop(q0, t_blk // 4, quad_step, alpha_ref[:, :])
    alpha_ref[:, :] = alpha

    @pl.when(jt == nj - 1)
    def _finish():
        num = jnp.sum(jnp.where(lane == lp - 8 - 1, alpha, 0.0))
        out_ref[:, :] = den_ref[:, :] - num.reshape(1, 1)


def kernel(logits, targets):
    B, T, V = logits.shape
    L = targets.shape[1]
    LP = L + 8
    CH = 16
    T_BLK = 160
    NJ = T // T_BLK

    tgt = jnp.pad(targets.astype(jnp.int32), ((0, 0), (0, LP - L)), mode="edge")

    mesh = plsc.VectorSubcoreMesh(core_axis_name="c", subcore_axis_name="s")
    sc = functools.partial(
        pl.kernel,
        mesh=mesh,
        compiler_params=pltpu.CompilerParams(needs_layout_passes=False),
        out_type=[
            jax.ShapeDtypeStruct((T, B, LP), jnp.float32),
            jax.ShapeDtypeStruct((B, T, LANES), jnp.float32),
        ],
        scratch_types=[
            pltpu.VMEM((CH, V), jnp.float32),
            pltpu.VMEM((CH, V), jnp.float32),
            pltpu.VMEM((CH, LP), jnp.float32),
            pltpu.VMEM((CH, LANES), jnp.float32),
            pltpu.VMEM((LP,), jnp.int32),
            pltpu.SemaphoreType.DMA,
            pltpu.SemaphoreType.DMA,
        ],
    )(functools.partial(_sc_body, T, V, LP, CH))
    emit, sp = sc(jnp.reshape(logits, (B * T, V)), tgt)

    out = pl.pallas_call(
        _rec_body,
        grid=(NJ,),
        in_specs=[
            pl.BlockSpec((T_BLK, B, LP), lambda jt: (jt, 0, 0)),
            pl.BlockSpec((B, T_BLK, LANES), lambda jt: (0, jt, 0)),
        ],
        out_specs=pl.BlockSpec((1, 1), lambda jt: (0, 0)),
        out_shape=jax.ShapeDtypeStruct((1, 1), jnp.float32),
        scratch_shapes=[
            pltpu.VMEM((B, LP), jnp.float32),
            pltpu.VMEM((1, 1), jnp.float32),
            pltpu.VMEM((T_BLK // 2, B, LP), jnp.float32),
            pltpu.VMEM((T_BLK // 2, B, LP), jnp.float32),
            pltpu.VMEM((T_BLK // 2, B, LP), jnp.float32),
            pltpu.VMEM((T_BLK // 4, B, LP), jnp.float32),
            pltpu.VMEM((T_BLK // 4, B, LP), jnp.float32),
            pltpu.VMEM((T_BLK // 4, B, LP), jnp.float32),
            pltpu.VMEM((T_BLK // 4, B, LP), jnp.float32),
            pltpu.VMEM((T_BLK // 4, B, LP), jnp.float32),
        ],
    )(emit, sp)
    return out[0, 0]

# --- scband reference (transcript-rebuilt; emitter-appended) ---
"""Pipeline reference for scband-lfmmiloss-44186623541949 (READ-ONLY COPY).

The authoritative reference and input builder live on the scoring server;
editing this copy changes nothing except your own understanding.
"""

import jax, jax.numpy as jnp
import numpy as np

DEN_SCALE = 1.0
NEG_INF = -1e30


def setup_inputs(seed: int = 0) -> dict:
    key = jax.random.key(seed)
    k1, k2_ = jax.random.split(key)
    B, T, V, L = 16, 1600, 2048, 200
    logits = jax.random.normal(k1, (B, T, V), dtype=jnp.float32)
    targets = jax.random.randint(k2_, (B, L), 0, V, dtype=jnp.int64)
    return {"logits": logits, "targets": targets}


def _num_score_single(lp, tgt):
    # lp: [T, V] frame-level arc scores; tgt: [L] label ids
    # Numerator graph = linear FSA over the target sequence with self-loops
    # (exact intersect_dense(num_graphs, dense_fsa_vec) on a linear graph).
    L = tgt.shape[0]
    emit = lp[:, tgt]  # [T, L] gather of per-frame scores for target labels
    alpha0 = jnp.full((L,), NEG_INF, dtype=lp.dtype).at[0].set(emit[0, 0])

    def step(alpha, e_t):
        shifted = jnp.concatenate([jnp.full((1,), NEG_INF, dtype=alpha.dtype), alpha[:-1]])
        alpha = jnp.logaddexp(alpha, shifted) + e_t
        return alpha, None

    alphaT, _ = jax.lax.scan(step, alpha0, emit[1:])
    return alphaT[-1]


def reference(logits, targets):
    # dense_fsa_vec scores == logits [B, T, V]
    # Numerator total scores: forward algorithm over linear label graph.
    num_tot_scores = jax.vmap(_num_score_single)(logits, targets)  # [B]
    # Denominator graph = fully-connected phone loop with uniform transitions:
    # total score = sum_t logsumexp_v(logits[b, t, v]).
    den_tot_scores = jnp.sum(jax.nn.logsumexp(logits, axis=-1), axis=-1)  # [B]
    tot_scores = num_tot_scores - DEN_SCALE * den_tot_scores
    loss = -jnp.sum(tot_scores)
    return loss

if __name__ == "__main__":
    import jax
    _d = setup_inputs()
    print(jax.jit(kernel)(*tuple(_d.values())))

</pallas_src>

<mosaic_0001>
#map = affine_map<(d0, d1) -> (0, 0)>
#map1 = affine_map<(d0, d1) -> (0, 0, 0)>
module attributes {stable_mosaic.version = 14 : i64} {
  func.func @_sc_body(%arg0: i32, %arg1: i32, %arg2: memref<25600x2048xf32, #tpu.memory_space<hbm>>, %arg3: memref<16x208xi32, #tpu.memory_space<hbm>>, %arg4: memref<1600x16x208xf32, #tpu.memory_space<hbm>>, %arg5: memref<16x1600x16xf32, #tpu.memory_space<hbm>>, %arg6: memref<16x2048xf32, #tpu.memory_space<vmem>>, %arg7: memref<16x2048xf32, #tpu.memory_space<vmem>>, %arg8: memref<16x208xf32, #tpu.memory_space<vmem>>, %arg9: memref<16x16xf32, #tpu.memory_space<vmem>>, %arg10: memref<208xi32, #tpu.memory_space<vmem>>, %arg11: memref<!tpu.dma_semaphore, #tpu.memory_space<semaphore_mem>>, %arg12: memref<!tpu.dma_semaphore, #tpu.memory_space<semaphore_mem>>) attributes {dimension_semantics = [#tpu.dimension_semantics<core_parallel>, #tpu.dimension_semantics<subcore_parallel>], iteration_bounds = array<i64: 2, 16>, scalar_prefetch = 0 : i64, scratch_operands = 7 : i64, tpu.core_type = #tpu.core_type<sc_vector_subcore>, window_params = [{transform_indices = #map}, {transform_indices = #map}, {transform_indices = #map1}, {transform_indices = #map1}]} {
    %mul3A = arith.constant 2 : i32
    %mul3A_0 = arith.muli %arg1, %mul3A : i32
    %add3A = arith.addi %mul3A_0, %arg0 : i32
    %jit3A = arith.constant 2 : i32
    %div3A = arith.divsi %add3A, %jit3A : i32
    %sign3A = arith.constant 0 : i32
    %sign3A_1 = arith.cmpi sgt, %add3A, %sign3A : i32
    %sign3A_2 = arith.extui %sign3A_1 : i1 to i32
    %sign3A_3 = arith.constant 0 : i32
    %sign3A_4 = arith.cmpi slt, %add3A, %sign3A_3 : i32
    %sign3A_5 = arith.extui %sign3A_4 : i1 to i32
    %sign3A_6 = arith.subi %sign3A_2, %sign3A_5 : i32
    %sign3A_7 = arith.constant 0 : i32
    %sign3A_8 = arith.cmpi sgt, %jit3A, %sign3A_7 : i32
    %sign3A_9 = arith.extui %sign3A_8 : i1 to i32
    %sign3A_10 = arith.constant 0 : i32
    %sign3A_11 = arith.cmpi slt, %jit3A, %sign3A_10 : i32
    %sign3A_12 = arith.extui %sign3A_11 : i1 to i32
    %sign3A_13 = arith.subi %sign3A_9, %sign3A_12 : i32
    %ne3A = arith.cmpi ne, %sign3A_6, %sign3A_13 : i32
    %rem3A = arith.remsi %add3A, %jit3A : i32
    %ne3A_14 = arith.constant 0 : i32
    %ne3A_15 = arith.cmpi ne, %rem3A, %ne3A_14 : i32
    %and3A = arith.andi %ne3A, %ne3A_15 : i1
    %sub3A = arith.constant 1 : i32
    %sub3A_16 = arith.subi %div3A, %sub3A : i32
    %select_n3A = arith.select %and3A, %sub3A_16, %div3A : i32
    %jit3A_17 = arith.constant 2 : i32
    %eq3A = arith.constant 0 : i32
    %eq3A_18 = arith.cmpi eq, %jit3A_17, %eq3A : i32
    %jit3A_19 = arith.constant 1 : i32
    %select_n3A_20 = arith.select %eq3A_18, %jit3A_19, %jit3A_17 : i32
    %rem3A_21 = arith.remsi %add3A, %select_n3A_20 : i32
    %ne3A_22 = arith.constant 0 : i32
    %ne3A_23 = arith.cmpi ne, %rem3A_21, %ne3A_22 : i32
    %lt3A = arith.constant 0 : i32
    %lt3A_24 = arith.cmpi slt, %rem3A_21, %lt3A : i32
    %lt3A_25 = arith.constant 0 : i32
    %lt3A_26 = arith.cmpi slt, %select_n3A_20, %lt3A_25 : i32
    %ne3A_27 = arith.xori %lt3A_24, %lt3A_26 : i1
    %and3A_28 = arith.andi %ne3A_27, %ne3A_23 : i1
    %add3A_29 = arith.addi %rem3A_21, %select_n3A_20 : i32
    %select_n3A_30 = arith.select %and3A_28, %add3A_29, %rem3A_21 : i32
    %mul3A_31 = arith.constant 800 : i32
    %mul3A_32 = arith.muli %select_n3A_30, %mul3A_31 : i32
    "tpu.region"() ({
      %run_scoped3A = tpu.sem_alloc : memref<!tpu.dma_semaphore, #tpu.memory_space<semaphore_mem>>
      %dma_start3A_71 = arith.constant 0 : i32
      %dma_start3A_72 = tpu.memref_slice %arg3[%select_n3A, %dma_start3A_71] : memref<16x208xi32, #tpu.memory_space<hbm>> -> memref<1x208xi32, #tpu.memory_space<hbm>>
      %dma_start3A_73 = tpu.memref_squeeze %dma_start3A_72 : memref<1x208xi32, #tpu.memory_space<hbm>> -> memref<208xi32, #tpu.memory_space<hbm>>
      %dma_start3A_74 = arith.constant 0 : i32
      %dma_start3A_75 = tpu.memref_slice %arg3[%select_n3A, %dma_start3A_74] : memref<16x208xi32, #tpu.memory_space<hbm>> -> memref<1x208xi32, #tpu.memory_space<hbm>>
      %dma_start3A_76 = tpu.memref_squeeze %dma_start3A_75 : memref<1x208xi32, #tpu.memory_space<hbm>> -> memref<208xi32, #tpu.memory_space<hbm>>
      tpu.enqueue_dma source(%dma_start3A_76 : memref<208xi32, #tpu.memory_space<hbm>>) target(%arg10 : memref<208xi32, #tpu.memory_space<vmem>>) target_semaphore(%run_scoped3A : memref<!tpu.dma_semaphore, #tpu.memory_space<semaphore_mem>>)
      %dma_wait3A = arith.constant 0 : i32
      %dma_wait3A_77 = tpu.memref_slice %arg3[%select_n3A, %dma_wait3A] : memref<16x208xi32, #tpu.memory_space<hbm>> -> memref<1x208xi32, #tpu.memory_space<hbm>>
      %dma_wait3A_78 = tpu.memref_squeeze %dma_wait3A_77 : memref<1x208xi32, #tpu.memory_space<hbm>> -> memref<208xi32, #tpu.memory_space<hbm>>
      %dma_wait3A_79 = arith.constant 0 : i32
      %dma_wait3A_80 = tpu.memref_slice %arg3[%select_n3A, %dma_wait3A_79] : memref<16x208xi32, #tpu.memory_space<hbm>> -> memref<1x208xi32, #tpu.memory_space<hbm>>
      %dma_wait3A_81 = tpu.memref_squeeze %dma_wait3A_80 : memref<1x208xi32, #tpu.memory_space<hbm>> -> memref<208xi32, #tpu.memory_space<hbm>>
      tpu.wait_dma2 semaphore(%run_scoped3A : memref<!tpu.dma_semaphore, #tpu.memory_space<semaphore_mem>>) src(%dma_wait3A_81 : memref<208xi32, #tpu.memory_space<hbm>>) dst(%arg10 : memref<208xi32, #tpu.memory_space<vmem>>)
      tpu.yield
    }) : () -> ()
    %get3A = arith.constant 0 : index
    %get3A_33 = tpu.vector_load %arg10[%get3A] {strides = array<i32>} : memref<208xi32, #tpu.memory_space<vmem>>, vector<16xi32>,
    %get3A_34 = arith.constant 16 : index
    %get3A_35 = tpu.vector_load %arg10[%get3A_34] {strides = array<i32>} : memref<208xi32, #tpu.memory_space<vmem>>, vector<16xi32>,
    %get3A_36 = arith.constant 32 : index
    %get3A_37 = tpu.vector_load %arg10[%get3A_36] {strides = array<i32>} : memref<208xi32, #tpu.memory_space<vmem>>, vector<16xi32>,
    %get3A_38 = arith.constant 48 : index
    %get3A_39 = tpu.vector_load %arg10[%get3A_38] {strides = array<i32>} : memref<208xi32, #tpu.memory_space<vmem>>, vector<16xi32>,
    %get3A_40 = arith.constant 64 : index
    %get3A_41 = tpu.vector_load %arg10[%get3A_40] {strides = array<i32>} : memref<208xi32, #tpu.memory_space<vmem>>, vector<16xi32>,
    %get3A_42 = arith.constant 80 : index
    %get3A_43 = tpu.vector_load %arg10[%get3A_42] {strides = array<i32>} : memref<208xi32, #tpu.memory_space<vmem>>, vector<16xi32>,
    %get3A_44 = arith.constant 96 : index
    %get3A_45 = tpu.vector_load %arg10[%get3A_44] {strides = array<i32>} : memref<208xi32, #tpu.memory_space<vmem>>, vector<16xi32>,
    %get3A_46 = arith.constant 112 : index
    %get3A_47 = tpu.vector_load %arg10[%get3A_46] {strides = array<i32>} : memref<208xi32, #tpu.memory_space<vmem>>, vector<16xi32>,
    %get3A_48 = arith.constant 128 : index
    %get3A_49 = tpu.vector_load %arg10[%get3A_48] {strides = array<i32>} : memref<208xi32, #tpu.memory_space<vmem>>, vector<16xi32>,
    %get3A_50 = arith.constant 144 : index
    %get3A_51 = tpu.vector_load %arg10[%get3A_50] {strides = array<i32>} : memref<208xi32, #tpu.memory_space<vmem>>, vector<16xi32>,
    %get3A_52 = arith.constant 160 : index
    %get3A_53 = tpu.vector_load %arg10[%get3A_52] {strides = array<i32>} : memref<208xi32, #tpu.memory_space<vmem>>, vector<16xi32>,
    %get3A_54 = arith.constant 176 : index
    %get3A_55 = tpu.vector_load %arg10[%get3A_54] {strides = array<i32>} : memref<208xi32, #tpu.memory_space<vmem>>, vector<16xi32>,
    %get3A_56 = arith.constant 192 : index
    %get3A_57 = tpu.vector_load %arg10[%get3A_56] {strides = array<i32>} : memref<208xi32, #tpu.memory_space<vmem>>, vector<16xi32>,
    %mul3A_58 = arith.constant 1600 : i32
    %mul3A_59 = arith.muli %select_n3A, %mul3A_58 : i32
    %add3A_60 = arith.addi %mul3A_59, %mul3A_32 : i32
    %add3A_61 = arith.constant 0 : i32
    %add3A_62 = arith.addi %add3A_60, %add3A_61 : i32
    %dma_start3A = arith.constant 0 : i32
    %dma_start3A_63 = tpu.memref_slice %arg2[%add3A_62, %dma_start3A] : memref<25600x2048xf32, #tpu.memory_space<hbm>> -> memref<16x2048xf32, #tpu.memory_space<hbm>>
    %dma_start3A_64 = arith.constant 0 : i32
    %dma_start3A_65 = tpu.memref_slice %arg2[%add3A_62, %dma_start3A_64] : memref<25600x2048xf32, #tpu.memory_space<hbm>> -> memref<16x2048xf32, #tpu.memory_space<hbm>>
    tpu.enqueue_dma source(%dma_start3A_65 : memref<16x2048xf32, #tpu.memory_space<hbm>>) target(%arg6 : memref<16x2048xf32, #tpu.memory_space<vmem>>) target_semaphore(%arg11 : memref<!tpu.dma_semaphore, #tpu.memory_space<semaphore_mem>>)
    %scan3A = arith.constant 0 : i32
    %scan3A_66 = arith.constant 0 : i32
    %scan3A_67 = arith.constant 25 : i32
    %scan3A_68 = arith.addi %scan3A_66, %scan3A_67 : i32
    %scan3A_69 = arith.constant 1 : i32
    scf.for %scan3A_71 = %scan3A_66 to %scan3A_68 step %scan3A_69  : i32 {
      %dma_wait3A = arith.constant 0 : i32
      %dma_wait3A_72 = arith.constant 0 : i32
      %dma_wait3A_73 = tpu.memref_slice %arg2[%dma_wait3A, %dma_wait3A_72] : memref<25600x2048xf32, #tpu.memory_space<hbm>> -> memref<16x2048xf32, #tpu.memory_space<hbm>>
      %dma_wait3A_74 = arith.constant 0 : i32
      %dma_wait3A_75 = arith.constant 0 : i32
      %dma_wait3A_76 = tpu.memref_slice %arg2[%dma_wait3A_74, %dma_wait3A_75] : memref<25600x2048xf32, #tpu.memory_space<hbm>> -> memref<16x2048xf32, #tpu.memory_space<hbm>>
      tpu.wait_dma2 semaphore(%arg11 : memref<!tpu.dma_semaphore, #tpu.memory_space<semaphore_mem>>) src(%dma_wait3A_76 : memref<16x2048xf32, #tpu.memory_space<hbm>>) dst(%arg6 : memref<16x2048xf32, #tpu.memory_space<vmem>>)
      %mul3A_77 = arith.constant 2 : i32
      %mul3A_78 = arith.muli %mul3A_77, %scan3A_71 : i32
      %add3A_79 = arith.constant 1 : i32
      %add3A_80 = arith.addi %mul3A_78, %add3A_79 : i32
      %mul3A_81 = arith.constant 1600 : i32
      %mul3A_82 = arith.muli %select_n3A, %mul3A_81 : i32
      %add3A_83 = arith.addi %mul3A_82, %mul3A_32 : i32
      %mul3A_84 = arith.constant 16 : i32
      %mul3A_85 = arith.muli %add3A_80, %mul3A_84 : i32
      %add3A_86 = arith.addi %add3A_83, %mul3A_85 : i32
      %dma_start3A_87 = arith.constant 0 : i32
      %dma_start3A_88 = tpu.memref_slice %arg2[%add3A_86, %dma_start3A_87] : memref<25600x2048xf32, #tpu.memory_space<hbm>> -> memref<16x2048xf32, #tpu.memory_space<hbm>>
      %dma_start3A_89 = arith.constant 0 : i32
      %dma_start3A_90 = tpu.memref_slice %arg2[%add3A_86, %dma_start3A_89] : memref<25600x2048xf32, #tpu.memory_space<hbm>> -> memref<16x2048xf32, #tpu.memory_space<hbm>>
      tpu.enqueue_dma source(%dma_start3A_90 : memref<16x2048xf32, #tpu.memory_space<hbm>>) target(%arg7 : memref<16x2048xf32, #tpu.memory_space<vmem>>) target_semaphore(%arg12 : memref<!tpu.dma_semaphore, #tpu.memory_space<semaphore_mem>>)
      %mul3A_91 = arith.constant 2 : i32
      %mul3A_92 = arith.muli %mul3A_91, %scan3A_71 : i32
      %mul3A_93 = arith.constant 16 : i32
      %mul3A_94 = arith.muli %mul3A_92, %mul3A_93 : i32
      %add3A_95 = arith.addi %mul3A_32, %mul3A_94 : i32
      %scan3A_96 = arith.constant 0 : i32
      %scan3A_97 = arith.constant 0 : i32
      %scan3A_98 = arith.constant 16 : i32
      %scan3A_99 = arith.addi %scan3A_97, %scan3A_98 : i32
      %scan3A_100 = arith.constant 2 : i32
      scf.for %scan3A_128 = %scan3A_97 to %scan3A_99 step %scan3A_100  : i32 {
        %get3A_129 = arith.index_cast %scan3A_128 : i32 to index
        %get3A_130 = arith.constant 0 : index
        %get3A_131 = tpu.vector_load %arg6[%get3A_129, %get3A_130] {strides = array<i32>} : memref<16x2048xf32, #tpu.memory_space<vmem>>, vector<16xf32>,
        %exp3A = math.exp %get3A_131 : vector<16xf32>
        %get3A_132 = arith.index_cast %scan3A_128 : i32 to index
        %get3A_133 = arith.constant 16 : index
        %get3A_134 = tpu.vector_load %arg6[%get3A_132, %get3A_133] {strides = array<i32>} : memref<16x2048xf32, #tpu.memory_space<vmem>>, vector<16xf32>,
        %exp3A_135 = math.exp %get3A_134 : vector<16xf32>
        %get3A_136 = arith.index_cast %scan3A_128 : i32 to index
        %get3A_137 = arith.constant 32 : index
        %get3A_138 = tpu.vector_load %arg6[%get3A_136, %get3A_137] {strides = array<i32>} : memref<16x2048xf32, #tpu.memory_space<vmem>>, vector<16xf32>,
        %exp3A_139 = math.exp %get3A_138 : vector<16xf32>
        %get3A_140 = arith.index_cast %scan3A_128 : i32 to index
        %get3A_141 = arith.constant 48 : index
        %get3A_142 = tpu.vector_load %arg6[%get3A_140, %get3A_141] {strides = array<i32>} : memref<16x2048xf32, #tpu.memory_space<vmem>>, vector<16xf32>,
        %exp3A_143 = math.exp %get3A_142 : vector<16xf32>
        %get3A_144 = arith.index_cast %scan3A_128 : i32 to index
        %get3A_145 = arith.constant 64 : index
        %get3A_146 = tpu.vector_load %arg6[%get3A_144, %get3A_145] {strides = array<i32>} : memref<16x2048xf32, #tpu.memory_space<vmem>>, vector<16xf32>,
        %exp3A_147 = math.exp %get3A_146 : vector<16xf32>
        %get3A_148 = arith.index_cast %scan3A_128 : i32 to index
        %get3A_149 = arith.constant 80 : index
        %get3A_150 = tpu.vector_load %arg6[%get3A_148, %get3A_149] {strides = array<i32>} : memref<16x2048xf32, #tpu.memory_space<vmem>>, vector<16xf32>,
        %exp3A_151 = math.exp %get3A_150 : vector<16xf32>
        %get3A_152 = arith.index_cast %scan3A_128 : i32 to index
        %get3A_153 = arith.constant 96 : index
        %get3A_154 = tpu.vector_load %arg6[%get3A_152, %get3A_153] {strides = array<i32>} : memref<16x2048xf32, #tpu.memory_space<vmem>>, vector<16xf32>,
        %exp3A_155 = math.exp %get3A_154 : vector<16xf32>
        %get3A_156 = arith.index_cast %scan3A_128 : i32 to index
        %get3A_157 = arith.constant 112 : index
        %get3A_158 = tpu.vector_load %arg6[%get3A_156, %get3A_157] {strides = array<i32>} : memref<16x2048xf32, #tpu.memory_space<vmem>>, vector<16xf32>,
        %exp3A_159 = math.exp %get3A_158 : vector<16xf32>
        %get3A_160 = arith.index_cast %scan3A_128 : i32 to index
        %get3A_161 = arith.constant 128 : index
        %get3A_162 = tpu.vector_load %arg6[%get3A_160, %get3A_161] {strides = array<i32>} : memref<16x2048xf32, #tpu.memory_space<vmem>>, vector<16xf32>,
        %exp3A_163 = math.exp %get3A_162 : vector<16xf32>
        %add3A_164 = arith.addf %exp3A, %exp3A_163 : vector<16xf32>
        %get3A_165 = arith.index_cast %scan3A_128 : i32 to index
        %get3A_166 = arith.constant 144 : index
        %get3A_167 = tpu.vector_load %arg6[%get3A_165, %get3A_166] {strides = array<i32>} : memref<16x2048xf32, #tpu.memory_space<vmem>>, vector<16xf32>,
        %exp3A_168 = math.exp %get3A_167 : vector<16xf32>
        %add3A_169 = arith.addf %exp3A_135, %exp3A_168 : vector<16xf32>
        %get3A_170 = arith.index_cast %scan3A_128 : i32 to index
        %get3A_171 = arith.constant 160 : index
        %get3A_172 = tpu.vector_load %arg6[%get3A_170, %get3A_171] {strides = array<i32>} : memref<16x2048xf32, #tpu.memory_space<vmem>>, vector<16xf32>,
        %exp3A_173 = math.exp %get3A_172 : vector<16xf32>
        %add3A_174 = arith.addf %exp3A_139, %exp3A_173 : vector<16xf32>
        %get3A_175 = arith.index_cast %scan3A_128 : i32 to index
        %get3A_176 = arith.constant 176 : index
        %get3A_177 = tpu.vector_load %arg6[%get3A_175, %get3A_176] {strides = array<i32>} : memref<16x2048xf32, #tpu.memory_space<vmem>>, vector<16xf32>,
        %exp3A_178 = math.exp %get3A_177 : vector<16xf32>
        %add3A_179 = arith.addf %exp3A_143, %exp3A_178 : vector<16xf32>
        %get3A_180 = arith.index_cast %scan3A_128 : i32 to index
        %get3A_181 = arith.constant 192 : index
        %get3A_182 = tpu.vector_load %arg6[%get3A_180, %get3A_181] {strides = array<i32>} : memref<16x2048xf32, #tpu.memory_space<vmem>>, vector<16xf32>,
        %exp3A_183 = math.exp %get3A_182 : vector<16xf32>
        %add3A_184 = arith.addf %exp3A_147, %exp3A_183 : vector<16xf32>
        %get3A_185 = arith.index_cast %scan3A_128 : i32 to index
        %get3A_186 = arith.constant 208 : index
        %get3A_187 = tpu.vector_load %arg6[%get3A_185, %get3A_186] {strides = array<i32>} : memref<16x2048xf32, #tpu.memory_space<vmem>>, vector<16xf32>,
        %exp3A_188 = math.exp %get3A_187 : vector<16xf32>
        %add3A_189 = arith.addf %exp3A_151, %exp3A_188 : vector<16xf32>
        %get3A_190 = arith.index_cast %scan3A_128 : i32 to index
        %get3A_191 = arith.constant 224 : index
        %get3A_192 = tpu.vector_load %arg6[%get3A_190, %get3A_191] {strides = array<i32>} : memref<16x2048xf32, #tpu.memory_space<vmem>>, vector<16xf32>,
        %exp3A_193 = math.exp %get3A_192 : vector<16xf32>
        %add3A_194 = arith.addf %exp3A_155, %exp3A_193 : vector<16xf32>
        %get3A_195 = arith.index_cast %scan3A_128 : i32 to index
        %get3A_196 = arith.constant 240 : index
        %get3A_197 = tpu.vector_load %arg6[%get3A_195, %get3A_196] {strides = array<i32>} : memref<16x2048xf32, #tpu.memory_space<vmem>>, vector<16xf32>,
        %exp3A_198 = math.exp %get3A_197 : vector<16xf32>
        %add3A_199 = arith.addf %exp3A_159, %exp3A_198 : vector<16xf32>
        %get3A_200 = arith.index_cast %scan3A_128 : i32 to index
        %get3A_201 = arith.constant 256 : index
        %get3A_202 = tpu.vector_load %arg6[%get3A_200, %get3A_201] {strides = array<i32>} : memref<16x2048xf32, #tpu.memory_space<vmem>>, vector<16xf32>,
        %exp3A_203 = math.exp %get3A_202 : vector<16xf32>
        %add3A_204 = arith.addf %add3A_164, %exp3A_203 : vector<16xf32>
        %get3A_205 = arith.index_cast %scan3A_128 : i32 to index
        %get3A_206 = arith.constant 272 : index
        %get3A_207 = tpu.vector_load %arg6[%get3A_205, %get3A_206] {strides = array<i32>} : memref<16x2048xf32, #tpu.memory_space<vmem>>, vector<16xf32>,
        %exp3A_208 = math.exp %get3A_207 : vector<16xf32>
        %add3A_209 = arith.addf %add3A_169, %exp3A_208 : vector<16xf32>
        %get3A_210 = arith.index_cast %scan3A_128 : i32 to index
        %get3A_211 = arith.constant 288 : index
        %get3A_212 = tpu.vector_load %arg6[%get3A_210, %get3A_211] {strides = array<i32>} : memref<16x2048xf32, #tpu.memory_space<vmem>>, vector<16xf32>,
        %exp3A_213 = math.exp %get3A_212 : vector<16xf32>
        %add3A_214 = arith.addf %add3A_174, %exp3A_213 : vector<16xf32>
        %get3A_215 = arith.index_cast %scan3A_128 : i32 to index
        %get3A_216 = arith.constant 304 : index
        %get3A_217 = tpu.vector_load %arg6[%get3A_215, %get3A_216] {strides = array<i32>} : memref<16x2048xf32, #tpu.memory_space<vmem>>, vector<16xf32>,
        %exp3A_218 = math.exp %get3A_217 : vector<16xf32>
        %add3A_219 = arith.addf %add3A_179, %exp3A_218 : vector<16xf32>
        %get3A_220 = arith.index_cast %scan3A_128 : i32 to index
        %get3A_221 = arith.constant 320 : index
        %get3A_222 = tpu.vector_load %arg6[%get3A_220, %get3A_221] {strides = array<i32>} : memref<16x2048xf32, #tpu.memory_space<vmem>>, vector<16xf32>,
        %exp3A_223 = math.exp %get3A_222 : vector<16xf32>
        %add3A_224 = arith.addf %add3A_184, %exp3A_223 : vector<16xf32>
        %get3A_225 = arith.index_cast %scan3A_128 : i32 to index
        %get3A_226 = arith.constant 336 : index
        %get3A_227 = tpu.vector_load %arg6[%get3A_225, %get3A_226] {strides = array<i32>} : memref<16x2048xf32, #tpu.memory_space<vmem>>, vector<16xf32>,
        %exp3A_228 = math.exp %get3A_227 : vector<16xf32>
        %add3A_229 = arith.addf %add3A_189, %exp3A_228 : vector<16xf32>
        %get3A_230 = arith.index_cast %scan3A_128 : i32 to index
        %get3A_231 = arith.constant 352 : index
        %get3A_232 = tpu.vector_load %arg6[%get3A_230, %get3A_231] {strides = array<i32>} : memref<16x2048xf32, #tpu.memory_space<vmem>>, vector<16xf32>,
        %exp3A_233 = math.exp %get3A_232 : vector<16xf32>
        %add3A_234 = arith.addf %add3A_194, %exp3A_233 : vector<16xf32>
        %get3A_235 = arith.index_cast %scan3A_128 : i32 to index
        %get3A_236 = arith.constant 368 : index
        %get3A_237 = tpu.vector_load %arg6[%get3A_235, %get3A_236] {strides = array<i32>} : memref<16x2048xf32, #tpu.memory_space<vmem>>, vector<16xf32>,
        %exp3A_238 = math.exp %get3A_237 : vector<16xf32>
        %add3A_239 = arith.addf %add3A_199, %exp3A_238 : vector<16xf32>
        %get3A_240 = arith.index_cast %scan3A_128 : i32 to index
        %get3A_241 = arith.constant 384 : index
        %get3A_242 = tpu.vector_load %arg6[%get3A_240, %get3A_241] {strides = array<i32>} : memref<16x2048xf32, #tpu.memory_space<vmem>>, vector<16xf32>,
        %exp3A_243 = math.exp %get3A_242 : vector<16xf32>
        %add3A_244 = arith.addf %add3A_204, %exp3A_243 : vector<16xf32>
        %get3A_245 = arith.index_cast %scan3A_128 : i32 to index
        %get3A_246 = arith.constant 400 : index
        %get3A_247 = tpu.vector_load %arg6[%get3A_245, %get3A_246] {strides = array<i32>} : memref<16x2048xf32, #tpu.memory_space<vmem>>, vector<16xf32>,
        %exp3A_248 = math.exp %get3A_247 : vector<16xf32>
        %add3A_249 = arith.addf %add3A_209, %exp3A_248 : vector<16xf32>
        %get3A_250 = arith.index_cast %scan3A_128 : i32 to index
        %get3A_251 = arith.constant 416 : index
        %get3A_252 = tpu.vector_load %arg6[%get3A_250, %get3A_251] {strides = array<i32>} : memref<16x2048xf32, #tpu.memory_space<vmem>>, vector<16xf32>,
        %exp3A_253 = math.exp %get3A_252 : vector<16xf32>
        %add3A_254 = arith.addf %add3A_214, %exp3A_253 : vector<16xf32>
        %get3A_255 = arith.index_cast %scan3A_128 : i32 to index
        %get3A_256 = arith.constant 432 : index
        %get3A_257 = tpu.vector_load %arg6[%get3A_255, %get3A_256] {strides = array<i32>} : memref<16x2048xf32, #tpu.memory_space<vmem>>, vector<16xf32>,
        %exp3A_258 = math.exp %get3A_257 : vector<16xf32>
        %add3A_259 = arith.addf %add3A_219, %exp3A_258 : vector<16xf32>
        %get3A_260 = arith.index_cast %scan3A_128 : i32 to index
        %get3A_261 = arith.constant 448 : index
        %get3A_262 = tpu.vector_load %arg6[%get3A_260, %get3A_261] {strides = array<i32>} : memref<16x2048xf32, #tpu.memory_space<vmem>>, vector<16xf32>,
        %exp3A_263 = math.exp %get3A_262 : vector<16xf32>
        %add3A_264 = arith.addf %add3A_224, %exp3A_263 : vector<16xf32>
        %get3A_265 = arith.index_cast %scan3A_128 : i32 to index
        %get3A_266 = arith.constant 464 : index
        %get3A_267 = tpu.vector_load %arg6[%get3A_265, %get3A_266] {strides = array<i32>} : memref<16x2048xf32, #tpu.memory_space<vmem>>, vector<16xf32>,
        %exp3A_268 = math.exp %get3A_267 : vector<16xf32>
        %add3A_269 = arith.addf %add3A_229, %exp3A_268 : vector<16xf32>
        %get3A_270 = arith.index_cast %scan3A_128 : i32 to index
        %get3A_271 = arith.constant 480 : index
        %get3A_272 = tpu.vector_load %arg6[%get3A_270, %get3A_271] {strides = array<i32>} : memref<16x2048xf32, #tpu.memory_space<vmem>>, vector<16xf32>,
        %exp3A_273 = math.exp %get3A_272 : vector<16xf32>
        %add3A_274 = arith.addf %add3A_234, %exp3A_273 : vector<16xf32>
        %get3A_275 = arith.index_cast %scan3A_128 : i32 to index
        %get3A_276 = arith.constant 496 : index
        %get3A_277 = tpu.vector_load %arg6[%get3A_275, %get3A_276] {strides = array<i32>} : memref<16x2048xf32, #tpu.memory_space<vmem>>, vector<16xf32>,
        %exp3A_278 = math.exp %get3A_277 : vector<16xf32>
        %add3A_279 = arith.addf %add3A_239, %exp3A_278 : vector<16xf32>
        %get3A_280 = arith.index_cast %scan3A_128 : i32 to index
        %get3A_281 = arith.constant 512 : index
        %get3A_282 = tpu.vector_load %arg6[%get3A_280, %get3A_281] {strides = array<i32>} : memref<16x2048xf32, #tpu.memory_space<vmem>>, vector<16xf32>,
        %exp3A_283 = math.exp %get3A_282 : vector<16xf32>
        %add3A_284 = arith.addf %add3A_244, %exp3A_283 : vector<16xf32>
        %get3A_285 = arith.index_cast %scan3A_128 : i32 to index
        %get3A_286 = arith.constant 528 : index
        %get3A_287 = tpu.vector_load %arg6[%get3A_285, %get3A_286] {strides = array<i32>} : memref<16x2048xf32, #tpu.memory_space<vmem>>, vector<16xf32>,
        %exp3A_288 = math.exp %get3A_287 : vector<16xf32>
        %add3A_289 = arith.addf %add3A_249, %exp3A_288 : vector<16xf32>
        %get3A_290 = arith.index_cast %scan3A_128 : i32 to index
        %get3A_291 = arith.constant 544 : index
        %get3A_292 = tpu.vector_load %arg6[%get3A_290, %get3A_291] {strides = array<i32>} : memref<16x2048xf32, #tpu.memory_space<vmem>>, vector<16xf32>,
        %exp3A_293 = math.exp %get3A_292 : vector<16xf32>
        %add3A_294 = arith.addf %add3A_254, %exp3A_293 : vector<16xf32>
        %get3A_295 = arith.index_cast %scan3A_128 : i32 to index
        %get3A_296 = arith.constant 560 : index
        %get3A_297 = tpu.vector_load %arg6[%get3A_295, %get3A_296] {strides = array<i32>} : memref<16x2048xf32, #tpu.memory_space<vmem>>, vector<16xf32>,
        %exp3A_298 = math.exp %get3A_297 : vector<16xf32>
        %add3A_299 = arith.addf %add3A_259, %exp3A_298 : vector<16xf32>
        %get3A_300 = arith.index_cast %scan3A_128 : i32 to index
        %get3A_301 = arith.constant 576 : index
        %get3A_302 = tpu.vector_load %arg6[%get3A_300, %get3A_301] {strides = array<i32>} : memref<16x2048xf32, #tpu.memory_space<vmem>>, vector<16xf32>,
        %exp3A_303 = math.exp %get3A_302 : vector<16xf32>
        %add3A_304 = arith.addf %add3A_264, %exp3A_303 : vector<16xf32>
        %get3A_305 = arith.index_cast %scan3A_128 : i32 to index
        %get3A_306 = arith.constant 592 : index
        %get3A_307 = tpu.vector_load %arg6[%get3A_305, %get3A_306] {strides = array<i32>} : memref<16x2048xf32, #tpu.memory_space<vmem>>, vector<16xf32>,
        %exp3A_308 = math.exp %get3A_307 : vector<16xf32>
        %add3A_309 = arith.addf %add3A_269, %exp3A_308 : vector<16xf32>
        %get3A_310 = arith.index_cast %scan3A_128 : i32 to index
        %get3A_311 = arith.constant 608 : index
        %get3A_312 = tpu.vector_load %arg6[%get3A_310, %get3A_311] {strides = array<i32>} : memref<16x2048xf32, #tpu.memory_space<vmem>>, vector<16xf32>,
        %exp3A_313 = math.exp %get3A_312 : vector<16xf32>
        %add3A_314 = arith.addf %add3A_274, %exp3A_313 : vector<16xf32>
        %get3A_315 = arith.index_cast %scan3A_128 : i32 to index
        %get3A_316 = arith.constant 624 : index
        %get3A_317 = tpu.vector_load %arg6[%get3A_315, %get3A_316] {strides = array<i32>} : memref<16x2048xf32, #tpu.memory_space<vmem>>, vector<16xf32>,
        %exp3A_318 = math.exp %get3A_317 : vector<16xf32>
        %add3A_319 = arith.addf %add3A_279, %exp3A_318 : vector<16xf32>
        %get3A_320 = arith.index_cast %scan3A_128 : i32 to index
        %get3A_321 = arith.constant 640 : index
        %get3A_322 = tpu.vector_load %arg6[%get3A_320, %get3A_321] {strides = array<i32>} : memref<16x2048xf32, #tpu.memory_space<vmem>>, vector<16xf32>,
        %exp3A_323 = math.exp %get3A_322 : vector<16xf32>
        %add3A_324 = arith.addf %add3A_284, %exp3A_323 : vector<16xf32>
        %get3A_325 = arith.index_cast %scan3A_128 : i32 to index
        %get3A_326 = arith.constant 656 : index
        %get3A_327 = tpu.vector_load %arg6[%get3A_325, %get3A_326] {strides = array<i32>} : memref<16x2048xf32, #tpu.memory_space<vmem>>, vector<16xf32>,
        %exp3A_328 = math.exp %get3A_327 : vector<16xf32>
        %add3A_329 = arith.addf %add3A_289, %exp3A_328 : vector<16xf32>
        %get3A_330 = arith.index_cast %scan3A_128 : i32 to index
        %get3A_331 = arith.constant 672 : index
        %get3A_332 = tpu.vector_load %arg6[%get3A_330, %get3A_331] {strides = array<i32>} : memref<16x2048xf32, #tpu.memory_space<vmem>>, vector<16xf32>,
        %exp3A_333 = math.exp %get3A_332 : vector<16xf32>
        %add3A_334 = arith.addf %add3A_294, %exp3A_333 : vector<16xf32>
        %get3A_335 = arith.index_cast %scan3A_128 : i32 to index
        %get3A_336 = arith.constant 688 : index
        %get3A_337 = tpu.vector_load %arg6[%get3A_335, %get3A_336] {strides = array<i32>} : memref<16x2048xf32, #tpu.memory_space<vmem>>, vector<16xf32>,
        %exp3A_338 = math.exp %get3A_337 : vector<16xf32>
        %add3A_339 = arith.addf %add3A_299, %exp3A_338 : vector<16xf32>
        %get3A_340 = arith.index_cast %scan3A_128 : i32 to index
        %get3A_341 = arith.constant 704 : index
        %get3A_342 = tpu.vector_load %arg6[%get3A_340, %get3A_341] {strides = array<i32>} : memref<16x2048xf32, #tpu.memory_space<vmem>>, vector<16xf32>,
        %exp3A_343 = math.exp %get3A_342 : vector<16xf32>
        %add3A_344 = arith.addf %add3A_304, %exp3A_343 : vector<16xf32>
        %get3A_345 = arith.index_cast %scan3A_128 : i32 to index
        %get3A_346 = arith.constant 720 : index
        %get3A_347 = tpu.vector_load %arg6[%get3A_345, %get3A_346] {strides = array<i32>} : memref<16x2048xf32, #tpu.memory_space<vmem>>, vector<16xf32>,
        %exp3A_348 = math.exp %get3A_347 : vector<16xf32>
        %add3A_349 = arith.addf %add3A_309, %exp3A_348 : vector<16xf32>
        %get3A_350 = arith.index_cast %scan3A_128 : i32 to index
        %get3A_351 = arith.constant 736 : index
        %get3A_352 = tpu.vector_load %arg6[%get3A_350, %get3A_351] {strides = array<i32>} : memref<16x2048xf32, #tpu.memory_space<vmem>>, vector<16xf32>,
        %exp3A_353 = math.exp %get3A_352 : vector<16xf32>
        %add3A_354 = arith.addf %add3A_314, %exp3A_353 : vector<16xf32>
        %get3A_355 = arith.index_cast %scan3A_128 : i32 to index
        %get3A_356 = arith.constant 752 : index
        %get3A_357 = tpu.vector_load %arg6[%get3A_355, %get3A_356] {strides = array<i32>} : memref<16x2048xf32, #tpu.memory_space<vmem>>, vector<16xf32>,
        %exp3A_358 = math.exp %get3A_357 : vector<16xf32>
        %add3A_359 = arith.addf %add3A_319, %exp3A_358 : vector<16xf32>
        %get3A_360 = arith.index_cast %scan3A_128 : i32 to index
        %get3A_361 = arith.constant 768 : index
        %get3A_362 = tpu.vector_load %arg6[%get3A_360, %get3A_361] {strides = array<i32>} : memref<16x2048xf32, #tpu.memory_space<vmem>>, vector<16xf32>,
        %exp3A_363 = math.exp %get3A_362 : vector<16xf32>
        %add3A_364 = arith.addf %add3A_324, %exp3A_363 : vector<16xf32>
        %get3A_365 = arith.index_cast %scan3A_128 : i32 to index
        %get3A_366 = arith.constant 784 : index
        %get3A_367 = tpu.vector_load %arg6[%get3A_365, %get3A_366] {strides = array<i32>} : memref<16x2048xf32, #tpu.memory_space<vmem>>, vector<16xf32>,
        %exp3A_368 = math.exp %get3A_367 : vector<16xf32>
        %add3A_369 = arith.addf %add3A_329, %exp3A_368 : vector<16xf32>
        %get3A_370 = arith.index_cast %scan3A_128 : i32 to index
        %get3A_371 = arith.constant 800 : index
        %get3A_372 = tpu.vector_load %arg6[%get3A_370, %get3A_371] {strides = array<i32>} : memref<16x2048xf32, #tpu.memory_space<vmem>>, vector<16xf32>,
        %exp3A_373 = math.exp %get3A_372 : vector<16xf32>
        %add3A_374 = arith.addf %add3A_334, %exp3A_373 : vector<16xf32>
        %get3A_375 = arith.index_cast %scan3A_128 : i32 to index
        %get3A_376 = arith.constant 816 : index
        %get3A_377 = tpu.vector_load %arg6[%get3A_375, %get3A_376] {strides = array<i32>} : memref<16x2048xf32, #tpu.memory_space<vmem>>, vector<16xf32>,
        %exp3A_378 = math.exp %get3A_377 : vector<16xf32>
        %add3A_379 = arith.addf %add3A_339, %exp3A_378 : vector<16xf32>
        %get3A_380 = arith.index_cast %scan3A_128 : i32 to index
        %get3A_381 = arith.constant 832 : index
        %get3A_382 = tpu.vector_load %arg6[%get3A_380, %get3A_381] {strides = array<i32>} : memref<16x2048xf32, #tpu.memory_space<vmem>>, vector<16xf32>,
        %exp3A_383 = math.exp %get3A_382 : vector<16xf32>
        %add3A_384 = arith.addf %add3A_344, %exp3A_383 : vector<16xf32>
        %get3A_385 = arith.index_cast %scan3A_128 : i32 to index
        %get3A_386 = arith.constant 848 : index
        %get3A_387 = tpu.vector_load %arg6[%get3A_385, %get3A_386] {strides = array<i32>} : memref<16x2048xf32, #tpu.memory_space<vmem>>, vector<16xf32>,
        %exp3A_388 = math.exp %get3A_387 : vector<16xf32>
        %add3A_389 = arith.addf %add3A_349, %exp3A_388 : vector<16xf32>
        %get3A_390 = arith.index_cast %scan3A_128 : i32 to index
        %get3A_391 = arith.constant 864 : index
        %get3A_392 = tpu.vector_load %arg6[%get3A_390, %get3A_391] {strides = array<i32>} : memref<16x2048xf32, #tpu.memory_space<vmem>>, vector<16xf32>,
        %exp3A_393 = math.exp %get3A_392 : vector<16xf32>
        %add3A_394 = arith.addf %add3A_354, %exp3A_393 : vector<16xf32>
        %get3A_395 = arith.index_cast %scan3A_128 : i32 to index
        %get3A_396 = arith.constant 880 : index
        %get3A_397 = tpu.vector_load %arg6[%get3A_395, %get3A_396] {strides = array<i32>} : memref<16x2048xf32, #tpu.memory_space<vmem>>, vector<16xf32>,
        %exp3A_398 = math.exp %get3A_397 : vector<16xf32>
        %add3A_399 = arith.addf %add3A_359, %exp3A_398 : vector<16xf32>
        %get3A_400 = arith.index_cast %scan3A_128 : i32 to index
        %get3A_401 = arith.constant 896 : index
        %get3A_402 = tpu.vector_load %arg6[%get3A_400, %get3A_401] {strides = array<i32>} : memref<16x2048xf32, #tpu.memory_space<vmem>>, vector<16xf32>,
        %exp3A_403 = math.exp %get3A_402 : vector<16xf32>
        %add3A_404 = arith.addf %add3A_364, %exp3A_403 : vector<16xf32>
        %get3A_405 = arith.index_cast %scan3A_128 : i32 to index
        %get3A_406 = arith.constant 912 : index
        %get3A_407 = tpu.vector_load %arg6[%get3A_405, %get3A_406] {strides = array<i32>} : memref<16x2048xf32, #tpu.memory_space<vmem>>, vector<16xf32>,
        %exp3A_408 = math.exp %get3A_407 : vector<16xf32>
        %add3A_409 = arith.addf %add3A_369, %exp3A_408 : vector<16xf32>
        %get3A_410 = arith.index_cast %scan3A_128 : i32 to index
        %get3A_411 = arith.constant 928 : index
        %get3A_412 = tpu.vector_load %arg6[%get3A_410, %get3A_411] {strides = array<i32>} : memref<16x2048xf32, #tpu.memory_space<vmem>>, vector<16xf32>,
        %exp3A_413 = math.exp %get3A_412 : vector<16xf32>
        %add3A_414 = arith.addf %add3A_374, %exp3A_413 : vector<16xf32>
        %get3A_415 = arith.index_cast %scan3A_128 : i32 to index
        %get3A_416 = arith.constant 944 : index
        %get3A_417 = tpu.vector_load %arg6[%get3A_415, %get3A_416] {strides = array<i32>} : memref<16x2048xf32, #tpu.memory_space<vmem>>, vector<16xf32>,
        %exp3A_418 = math.exp %get3A_417 : vector<16xf32>
        %add3A_419 = arith.addf %add3A_379, %exp3A_418 : vector<16xf32>
        %get3A_420 = arith.index_cast %scan3A_128 : i32 to index
        %get3A_421 = arith.constant 960 : index
        %get3A_422 = tpu.vector_load %arg6[%get3A_420, %get3A_421] {strides = array<i32>} : memref<16x2048xf32, #tpu.memory_space<vmem>>, vector<16xf32>,
        %exp3A_423 = math.exp %get3A_422 : vector<16xf32>
        %add3A_424 = arith.addf %add3A_384, %exp3A_423 : vector<16xf32>
        %get3A_425 = arith.index_cast %scan3A_128 : i32 to index
        %get3A_426 = arith.constant 976 : index
        %get3A_427 = tpu.vector_load %arg6[%get3A_425, %get3A_426] {strides = array<i32>} : memref<16x2048xf32, #tpu.memory_space<vmem>>, vector<16xf32>,
        %exp3A_428 = math.exp %get3A_427 : vector<16xf32>
        %add3A_429 = arith.addf %add3A_389, %exp3A_428 : vector<16xf32>
        %get3A_430 = arith.index_cast %scan3A_128 : i32 to index
        %get3A_431 = arith.constant 992 : index
        %get3A_432 = tpu.vector_load %arg6[%get3A_430, %get3A_431] {strides = array<i32>} : memref<16x2048xf32, #tpu.memory_space<vmem>>, vector<16xf32>,
        %exp3A_433 = math.exp %get3A_432 : vector<16xf32>
        %add3A_434 = arith.addf %add3A_394, %exp3A_433 : vector<16xf32>
        %get3A_435 = arith.index_cast %scan3A_128 : i32 to index
        %get3A_436 = arith.constant 1008 : index
        %get3A_437 = tpu.vector_load %arg6[%get3A_435, %get3A_436] {strides = array<i32>} : memref<16x2048xf32, #tpu.memory_space<vmem>>, vector<16xf32>,
        %exp3A_438 = math.exp %get3A_437 : vector<16xf32>
        %add3A_439 = arith.addf %add3A_399, %exp3A_438 : vector<16xf32>
        %get3A_440 = arith.index_cast %scan3A_128 : i32 to index
        %get3A_441 = arith.constant 1024 : index
        %get3A_442 = tpu.vector_load %arg6[%get3A_440, %get3A_441] {strides = array<i32>} : memref<16x2048xf32, #tpu.memory_space<vmem>>, vector<16xf32>,
        %exp3A_443 = math.exp %get3A_442 : vector<16xf32>
        %add3A_444 = arith.addf %add3A_404, %exp3A_443 : vector<16xf32>
        %get3A_445 = arith.index_cast %scan3A_128 : i32 to index
        %get3A_446 = arith.constant 1040 : index
        %get3A_447 = tpu.vector_load %arg6[%get3A_445, %get3A_446] {strides = array<i32>} : memref<16x2048xf32, #tpu.memory_space<vmem>>, vector<16xf32>,
        %exp3A_448 = math.exp %get3A_447 : vector<16xf32>
        %add3A_449 = arith.addf %add3A_409, %exp3A_448 : vector<16xf32>
        %get3A_450 = arith.index_cast %scan3A_128 : i32 to index
        %get3A_451 = arith.constant 1056 : index
        %get3A_452 = tpu.vector_load %arg6[%get3A_450, %get3A_451] {strides = array<i32>} : memref<16x2048xf32, #tpu.memory_space<vmem>>, vector<16xf32>,
        %exp3A_453 = math.exp %get3A_452 : vector<16xf32>
        %add3A_454 = arith.addf %add3A_414, %exp3A_453 : vector<16xf32>
        %get3A_455 = arith.index_cast %scan3A_128 : i32 to index
        %get3A_456 = arith.constant 1072 : index
        %get3A_457 = tpu.vector_load %arg6[%get3A_455, %get3A_456] {strides = array<i32>} : memref<16x2048xf32, #tpu.memory_space<vmem>>, vector<16xf32>,
        %exp3A_458 = math.exp %get3A_457 : vector<16xf32>
        %add3A_459 = arith.addf %add3A_419, %exp3A_458 : vector<16xf32>
        %get3A_460 = arith.index_cast %scan3A_128 : i32 to index
        %get3A_461 = arith.constant 1088 : index
        %get3A_462 = tpu.vector_load %arg6[%get3A_460, %get3A_461] {strides = array<i32>} : memref<16x2048xf32, #tpu.memory_space<vmem>>, vector<16xf32>,
        %exp3A_463 = math.exp %get3A_462 : vector<16xf32>
        %add3A_464 = arith.addf %add3A_424, %exp3A_463 : vector<16xf32>
        %get3A_465 = arith.index_cast %scan3A_128 : i32 to index
        %get3A_466 = arith.constant 1104 : index
        %get3A_467 = tpu.vector_load %arg6[%get3A_465, %get3A_466] {strides = array<i32>} : memref<16x2048xf32, #tpu.memory_space<vmem>>, vector<16xf32>,
        %exp3A_468 = math.exp %get3A_467 : vector<16xf32>
        %add3A_469 = arith.addf %add3A_429, %exp3A_468 : vector<16xf32>
        %get3A_470 = arith.index_cast %scan3A_128 : i32 to index
        %get3A_471 = arith.constant 1120 : index
        %get3A_472 = tpu.vector_load %arg6[%get3A_470, %get3A_471] {strides = array<i32>} : memref<16x2048xf32, #tpu.memory_space<vmem>>, vector<16xf32>,
        %exp3A_473 = math.exp %get3A_472 : vector<16xf32>
        %add3A_474 = arith.addf %add3A_434, %exp3A_473 : vector<16xf32>
        %get3A_475 = arith.index_cast %scan3A_128 : i32 to index
        %get3A_476 = arith.constant 1136 : index
        %get3A_477 = tpu.vector_load %arg6[%get3A_475, %get3A_476] {strides = array<i32>} : memref<16x2048xf32, #tpu.memory_space<vmem>>, vector<16xf32>,
        %exp3A_478 = math.exp %get3A_477 : vector<16xf32>
        %add3A_479 = arith.addf %add3A_439, %exp3A_478 : vector<16xf32>
        %get3A_480 = arith.index_cast %scan3A_128 : i32 to index
        %get3A_481 = arith.constant 1152 : index
        %get3A_482 = tpu.vector_load %arg6[%get3A_480, %get3A_481] {strides = array<i32>} : memref<16x2048xf32, #tpu.memory_space<vmem>>, vector<16xf32>,
        %exp3A_483 = math.exp %get3A_482 : vector<16xf32>
        %add3A_484 = arith.addf %add3A_444, %exp3A_483 : vector<16xf32>
        %get3A_485 = arith.index_cast %scan3A_128 : i32 to index
        %get3A_486 = arith.constant 1168 : index
        %get3A_487 = tpu.vector_load %arg6[%get3A_485, %get3A_486] {strides = array<i32>} : memref<16x2048xf32, #tpu.memory_space<vmem>>, vector<16xf32>,
        %exp3A_488 = math.exp %get3A_487 : vector<16xf32>
        %add3A_489 = arith.addf %add3A_449, %exp3A_488 : vector<16xf32>
        %get3A_490 = arith.index_cast %scan3A_128 : i32 to index
        %get3A_491 = arith.constant 1184 : index
        %get3A_492 = tpu.vector_load %arg6[%get3A_490, %get3A_491] {strides = array<i32>} : memref<16x2048xf32, #tpu.memory_space<vmem>>, vector<16xf32>,
        %exp3A_493 = math.exp %get3A_492 : vector<16xf32>
        %add3A_494 = arith.addf %add3A_454, %exp3A_493 : vector<16xf32>
        %get3A_495 = arith.index_cast %scan3A_128 : i32 to index
        %get3A_496 = arith.constant 1200 : index
        %get3A_497 = tpu.vector_load %arg6[%get3A_495, %get3A_496] {strides = array<i32>} : memref<16x2048xf32, #tpu.memory_space<vmem>>, vector<16xf32>,
        %exp3A_498 = math.exp %get3A_497 : vector<16xf32>
        %add3A_499 = arith.addf %add3A_459, %exp3A_498 : vector<16xf32>
        %get3A_500 = arith.index_cast %scan3A_128 : i32 to index
        %get3A_501 = arith.constant 1216 : index
        %get3A_502 = tpu.vector_load %arg6[%get3A_500, %get3A_501] {strides = array<i32>} : memref<16x2048xf32, #tpu.memory_space<vmem>>, vector<16xf32>,
        %exp3A_503 = math.exp %get3A_502 : vector<16xf32>
        %add3A_504 = arith.addf %add3A_464, %exp3A_503 : vector<16xf32>
        %get3A_505 = arith.index_cast %scan3A_128 : i32 to index
        %get3A_506 = arith.constant 1232 : index
        %get3A_507 = tpu.vector_load %arg6[%get3A_505, %get3A_506] {strides = array<i32>} : memref<16x2048xf32, #tpu.memory_space<vmem>>, vector<16xf32>,
        %exp3A_508 = math.exp %get3A_507 : vector<16xf32>
        %add3A_509 = arith.addf %add3A_469, %exp3A_508 : vector<16xf32>
        %get3A_510 = arith.index_cast %scan3A_128 : i32 to index
        %get3A_511 = arith.constant 1248 : index
        %get3A_512 = tpu.vector_load %arg6[%get3A_510, %get3A_511] {strides = array<i32>} : memref<16x2048xf32, #tpu.memory_space<vmem>>, vector<16xf32>,
        %exp3A_513 = math.exp %get3A_512 : vector<16xf32>
        %add3A_514 = arith.addf %add3A_474, %exp3A_513 : vector<16xf32>
        %get3A_515 = arith.index_cast %scan3A_128 : i32 to index
        %get3A_516 = arith.constant 1264 : index
        %get3A_517 = tpu.vector_load %arg6[%get3A_515, %get3A_516] {strides = array<i32>} : memref<16x2048xf32, #tpu.memory_space<vmem>>, vector<16xf32>,
        %exp3A_518 = math.exp %get3A_517 : vector<16xf32>
        %add3A_519 = arith.addf %add3A_479, %exp3A_518 : vector<16xf32>
        %get3A_520 = arith.index_cast %scan3A_128 : i32 to index
        %get3A_521 = arith.constant 1280 : index
        %get3A_522 = tpu.vector_load %arg6[%get3A_520, %get3A_521] {strides = array<i32>} : memref<16x2048xf32, #tpu.memory_space<vmem>>, vector<16xf32>,
        %exp3A_523 = math.exp %get3A_522 : vector<16xf32>
        %add3A_524 = arith.addf %add3A_484, %exp3A_523 : vector<16xf32>
        %get3A_525 = arith.index_cast %scan3A_128 : i32 to index
        %get3A_526 = arith.constant 1296 : index
        %get3A_527 = tpu.vector_load %arg6[%get3A_525, %get3A_526] {strides = array<i32>} : memref<16x2048xf32, #tpu.memory_space<vmem>>, vector<16xf32>,
        %exp3A_528 = math.exp %get3A_527 : vector<16xf32>
        %add3A_529 = arith.addf %add3A_489, %exp3A_528 : vector<16xf32>
        %get3A_530 = arith.index_cast %scan3A_128 : i32 to index
        %get3A_531 = arith.constant 1312 : index
        %get3A_532 = tpu.vector_load %arg6[%get3A_530, %get3A_531] {strides = array<i32>} : memref<16x2048xf32, #tpu.memory_space<vmem>>, vector<16xf32>,
        %exp3A_533 = math.exp %get3A_532 : vector<16xf32>
        %add3A_534 = arith.addf %add3A_494, %exp3A_533 : vector<16xf32>
        %get3A_535 = arith.index_cast %scan3A_128 : i32 to index
        %get3A_536 = arith.constant 1328 : index
        %get3A_537 = tpu.vector_load %arg6[%get3A_535, %get3A_536] {strides = array<i32>} : memref<16x2048xf32, #tpu.memory_space<vmem>>, vector<16xf32>,
        %exp3A_538 = math.exp %get3A_537 : vector<16xf32>
        %add3A_539 = arith.addf %add3A_499, %exp3A_538 : vector<16xf32>
        %get3A_540 = arith.index_cast %scan3A_128 : i32 to index
        %get3A_541 = arith.constant 1344 : index
        %get3A_542 = tpu.vector_load %arg6[%get3A_540, %get3A_541] {strides = array<i32>} : memref<16x2048xf32, #tpu.memory_space<vmem>>, vector<16xf32>,
        %exp3A_543 = math.exp %get3A_542 : vector<16xf32>
        %add3A_544 = arith.addf %add3A_504, %exp3A_543 : vector<16xf32>
        %get3A_545 = arith.index_cast %scan3A_128 : i32 to index
        %get3A_546 = arith.constant 1360 : index
        %get3A_547 = tpu.vector_load %arg6[%get3A_545, %get3A_546] {strides = array<i32>} : memref<16x2048xf32, #tpu.memory_space<vmem>>, vector<16xf32>,
        %exp3A_548 = math.exp %get3A_547 : vector<16xf32>
        %add3A_549 = arith.addf %add3A_509, %exp3A_548 : vector<16xf32>
        %get3A_550 = arith.index_cast %scan3A_128 : i32 to index
        %get3A_551 = arith.constant 1376 : index
        %get3A_552 = tpu.vector_load %arg6[%get3A_550, %get3A_551] {strides = array<i32>} : memref<16x2048xf32, #tpu.memory_space<vmem>>, vector<16xf32>,
        %exp3A_553 = math.exp %get3A_552 : vector<16xf32>
        %add3A_554 = arith.addf %add3A_514, %exp3A_553 : vector<16xf32>
        %get3A_555 = arith.index_cast %scan3A_128 : i32 to index
        %get3A_556 = arith.constant 1392 : index
        %get3A_557 = tpu.vector_load %arg6[%get3A_555, %get3A_556] {strides = array<i32>} : memref<16x2048xf32, #tpu.memory_space<vmem>>, vector<16xf32>,
        %exp3A_558 = math.exp %get3A_557 : vector<16xf32>
        %add3A_559 = arith.addf %add3A_519, %exp3A_558 : vector<16xf32>
        %get3A_560 = arith.index_cast %scan3A_128 : i32 to index
        %get3A_561 = arith.constant 1408 : index
        %get3A_562 = tpu.vector_load %arg6[%get3A_560, %get3A_561] {strides = array<i32>} : memref<16x2048xf32, #tpu.memory_space<vmem>>, vector<16xf32>,
        %exp3A_563 = math.exp %get3A_562 : vector<16xf32>
        %add3A_564 = arith.addf %add3A_524, %exp3A_563 : vector<16xf32>
        %get3A_565 = arith.index_cast %scan3A_128 : i32 to index
        %get3A_566 = arith.constant 1424 : index
        %get3A_567 = tpu.vector_load %arg6[%get3A_565, %get3A_566] {strides = array<i32>} : memref<16x2048xf32, #tpu.memory_space<vmem>>, vector<16xf32>,
        %exp3A_568 = math.exp %get3A_567 : vector<16xf32>
        %add3A_569 = arith.addf %add3A_529, %exp3A_568 : vector<16xf32>
        %get3A_570 = arith.index_cast %scan3A_128 : i32 to index
        %get3A_571 = arith.constant 1440 : index
        %get3A_572 = tpu.vector_load %arg6[%get3A_570, %get3A_571] {strides = array<i32>} : memref<16x2048xf32, #tpu.memory_space<vmem>>, vector<16xf32>,
        %exp3A_573 = math.exp %get3A_572 : vector<16xf32>
        %add3A_574 = arith.addf %add3A_534, %exp3A_573 : vector<16xf32>
        %get3A_575 = arith.index_cast %scan3A_128 : i32 to index
        %get3A_576 = arith.constant 1456 : index
        %get3A_577 = tpu.vector_load %arg6[%get3A_575, %get3A_576] {strides = array<i32>} : memref<16x2048xf32, #tpu.memory_space<vmem>>, vector<16xf32>,
        %exp3A_578 = math.exp %get3A_577 : vector<16xf32>
        %add3A_579 = arith.addf %add3A_539, %exp3A_578 : vector<16xf32>
        %get3A_580 = arith.index_cast %scan3A_128 : i32 to index
        %get3A_581 = arith.constant 1472 : index
        %get3A_582 = tpu.vector_load %arg6[%get3A_580, %get3A_581] {strides = array<i32>} : memref<16x2048xf32, #tpu.memory_space<vmem>>, vector<16xf32>,
        %exp3A_583 = math.exp %get3A_582 : vector<16xf32>
        %add3A_584 = arith.addf %add3A_544, %exp3A_583 : vector<16xf32>
        %get3A_585 = arith.index_cast %scan3A_128 : i32 to index
        %get3A_586 = arith.constant 1488 : index
        %get3A_587 = tpu.vector_load %arg6[%get3A_585, %get3A_586] {strides = array<i32>} : memref<16x2048xf32, #tpu.memory_space<vmem>>, vector<16xf32>,
        %exp3A_588 = math.exp %get3A_587 : vector<16xf32>
        %add3A_589 = arith.addf %add3A_549, %exp3A_588 : vector<16xf32>
        %get3A_590 = arith.index_cast %scan3A_128 : i32 to index
        %get3A_591 = arith.constant 1504 : index
        %get3A_592 = tpu.vector_load %arg6[%get3A_590, %get3A_591] {strides = array<i32>} : memref<16x2048xf32, #tpu.memory_space<vmem>>, vector<16xf32>,
        %exp3A_593 = math.exp %get3A_592 : vector<16xf32>
        %add3A_594 = arith.addf %add3A_554, %exp3A_593 : vector<16xf32>
        %get3A_595 = arith.index_cast %scan3A_128 : i32 to index
        %get3A_596 = arith.constant 1520 : index
        %get3A_597 = tpu.vector_load %arg6[%get3A_595, %get3A_596] {strides = array<i32>} : memref<16x2048xf32, #tpu.memory_space<vmem>>, vector<16xf32>,
        %exp3A_598 = math.exp %get3A_597 : vector<16xf32>
        %add3A_599 = arith.addf %add3A_559, %exp3A_598 : vector<16xf32>
        %get3A_600 = arith.index_cast %scan3A_128 : i32 to index
        %get3A_601 = arith.constant 1536 : index
        %get3A_602 = tpu.vector_load %arg6[%get3A_600, %get3A_601] {strides = array<i32>} : memref<16x2048xf32, #tpu.memory_space<vmem>>, vector<16xf32>,
        %exp3A_603 = math.exp %get3A_602 : vector<16xf32>
        %add3A_604 = arith.addf %add3A_564, %exp3A_603 : vector<16xf32>
        %get3A_605 = arith.index_cast %scan3A_128 : i32 to index
        %get3A_606 = arith.constant 1552 : index
        %get3A_607 = tpu.vector_load %arg6[%get3A_605, %get3A_606] {strides = array<i32>} : memref<16x2048xf32, #tpu.memory_space<vmem>>, vector<16xf32>,
        %exp3A_608 = math.exp %get3A_607 : vector<16xf32>
        %add3A_609 = arith.addf %add3A_569, %exp3A_608 : vector<16xf32>
        %get3A_610 = arith.index_cast %scan3A_128 : i32 to index
        %get3A_611 = arith.constant 1568 : index
        %get3A_612 = tpu.vector_load %arg6[%get3A_610, %get3A_611] {strides = array<i32>} : memref<16x2048xf32, #tpu.memory_space<vmem>>, vector<16xf32>,
        %exp3A_613 = math.exp %get3A_612 : vector<16xf32>
        %add3A_614 = arith.addf %add3A_574, %exp3A_613 : vector<16xf32>
        %get3A_615 = arith.index_cast %scan3A_128 : i32 to index
        %get3A_616 = arith.constant 1584 : index
        %get3A_617 = tpu.vector_load %arg6[%get3A_615, %get3A_616] {strides = array<i32>} : memref<16x2048xf32, #tpu.memory_space<vmem>>, vector<16xf32>,
        %exp3A_618 = math.exp %get3A_617 : vector<16xf32>
        %add3A_619 = arith.addf %add3A_579, %exp3A_618 : vector<16xf32>
        %get3A_620 = arith.index_cast %scan3A_128 : i32 to index
        %get3A_621 = arith.constant 1600 : index
        %get3A_622 = tpu.vector_load %arg6[%get3A_620, %get3A_621] {strides = array<i32>} : memref<16x2048xf32, #tpu.memory_space<vmem>>, vector<16xf32>,
        %exp3A_623 = math.exp %get3A_622 : vector<16xf32>
        %add3A_624 = arith.addf %add3A_584, %exp3A_623 : vector<16xf32>
        %get3A_625 = arith.index_cast %scan3A_128 : i32 to index
        %get3A_626 = arith.constant 1616 : index
        %get3A_627 = tpu.vector_load %arg6[%get3A_625, %get3A_626] {strides = array<i32>} : memref<16x2048xf32, #tpu.memory_space<vmem>>, vector<16xf32>,
        %exp3A_628 = math.exp %get3A_627 : vector<16xf32>
        %add3A_629 = arith.addf %add3A_589, %exp3A_628 : vector<16xf32>
        %get3A_630 = arith.index_cast %scan3A_128 : i32 to index
        %get3A_631 = arith.constant 1632 : index
        %get3A_632 = tpu.vector_load %arg6[%get3A_630, %get3A_631] {strides = array<i32>} : memref<16x2048xf32, #tpu.memory_space<vmem>>, vector<16xf32>,
        %exp3A_633 = math.exp %get3A_632 : vector<16xf32>
        %add3A_634 = arith.addf %add3A_594, %exp3A_633 : vector<16xf32>
        %get3A_635 = arith.index_cast %scan3A_128 : i32 to index
        %get3A_636 = arith.constant 1648 : index
        %get3A_637 = tpu.vector_load %arg6[%get3A_635, %get3A_636] {strides = array<i32>} : memref<16x2048xf32, #tpu.memory_space<vmem>>, vector<16xf32>,
        %exp3A_638 = math.exp %get3A_637 : vector<16xf32>
        %add3A_639 = arith.addf %add3A_599, %exp3A_638 : vector<16xf32>
        %get3A_640 = arith.index_cast %scan3A_128 : i32 to index
        %get3A_641 = arith.constant 1664 : index
        %get3A_642 = tpu.vector_load %arg6[%get3A_640, %get3A_641] {strides = array<i32>} : memref<16x2048xf32, #tpu.memory_space<vmem>>, vector<16xf32>,
        %exp3A_643 = math.exp %get3A_642 : vector<16xf32>
        %add3A_644 = arith.addf %add3A_604, %exp3A_643 : vector<16xf32>
        %get3A_645 = arith.index_cast %scan3A_128 : i32 to index
        %get3A_646 = arith.constant 1680 : index
        %get3A_647 = tpu.vector_load %arg6[%get3A_645, %get3A_646] {strides = array<i32>} : memref<16x2048xf32, #tpu.memory_space<vmem>>, vector<16xf32>,
        %exp3A_648 = math.exp %get3A_647 : vector<16xf32>
        %add3A_649 = arith.addf %add3A_609, %exp3A_648 : vector<16xf32>
        %get3A_650 = arith.index_cast %scan3A_128 : i32 to index
        %get3A_651 = arith.constant 1696 : index
        %get3A_652 = tpu.vector_load %arg6[%get3A_650, %get3A_651] {strides = array<i32>} : memref<16x2048xf32, #tpu.memory_space<vmem>>, vector<16xf32>,
        %exp3A_653 = math.exp %get3A_652 : vector<16xf32>
        %add3A_654 = arith.addf %add3A_614, %exp3A_653 : vector<16xf32>
        %get3A_655 = arith.index_cast %scan3A_128 : i32 to index
        %get3A_656 = arith.constant 1712 : index
        %get3A_657 = tpu.vector_load %arg6[%get3A_655, %get3A_656] {strides = array<i32>} : memref<16x2048xf32, #tpu.memory_space<vmem>>, vector<16xf32>,
        %exp3A_658 = math.exp %get3A_657 : vector<16xf32>
        %add3A_659 = arith.addf %add3A_619, %exp3A_658 : vector<16xf32>
        %get3A_660 = arith.index_cast %scan3A_128 : i32 to index
        %get3A_661 = arith.constant 1728 : index
        %get3A_662 = tpu.vector_load %arg6[%get3A_660, %get3A_661] {strides = array<i32>} : memref<16x2048xf32, #tpu.memory_space<vmem>>, vector<16xf32>,
        %exp3A_663 = math.exp %get3A_662 : vector<16xf32>
        %add3A_664 = arith.addf %add3A_624, %exp3A_663 : vector<16xf32>
        %get3A_665 = arith.index_cast %scan3A_128 : i32 to index
        %get3A_666 = arith.constant 1744 : index
        %get3A_667 = tpu.vector_load %arg6[%get3A_665, %get3A_666] {strides = array<i32>} : memref<16x2048xf32, #tpu.memory_space<vmem>>, vector<16xf32>,
        %exp3A_668 = math.exp %get3A_667 : vector<16xf32>
        %add3A_669 = arith.addf %add3A_629, %exp3A_668 : vector<16xf32>
        %get3A_670 = arith.index_cast %scan3A_128 : i32 to index
        %get3A_671 = arith.constant 1760 : index
        %get3A_672 = tpu.vector_load %arg6[%get3A_670, %get3A_671] {strides = array<i32>} : memref<16x2048xf32, #tpu.memory_space<vmem>>, vector<16xf32>,
        %exp3A_673 = math.exp %get3A_672 : vector<16xf32>
        %add3A_674 = arith.addf %add3A_634, %exp3A_673 : vector<16xf32>
        %get3A_675 = arith.index_cast %scan3A_128 : i32 to index
        %get3A_676 = arith.constant 1776 : index
        %get3A_677 = tpu.vector_load %arg6[%get3A_675, %get3A_676] {strides = array<i32>} : memref<16x2048xf32, #tpu.memory_space<vmem>>, vector<16xf32>,
        %exp3A_678 = math.exp %get3A_677 : vector<16xf32>
        %add3A_679 = arith.addf %add3A_639, %exp3A_678 : vector<16xf32>
        %get3A_680 = arith.index_cast %scan3A_128 : i32 to index
        %get3A_681 = arith.constant 1792 : index
        %get3A_682 = tpu.vector_load %arg6[%get3A_680, %get3A_681] {strides = array<i32>} : memref<16x2048xf32, #tpu.memory_space<vmem>>, vector<16xf32>,
        %exp3A_683 = math.exp %get3A_682 : vector<16xf32>
        %add3A_684 = arith.addf %add3A_644, %exp3A_683 : vector<16xf32>
        %get3A_685 = arith.index_cast %scan3A_128 : i32 to index
        %get3A_686 = arith.constant 1808 : index
        %get3A_687 = tpu.vector_load %arg6[%get3A_685, %get3A_686] {strides = array<i32>} : memref<16x2048xf32, #tpu.memory_space<vmem>>, vector<16xf32>,
        %exp3A_688 = math.exp %get3A_687 : vector<16xf32>
        %add3A_689 = arith.addf %add3A_649, %exp3A_688 : vector<16xf32>
        %get3A_690 = arith.index_cast %scan3A_128 : i32 to index
        %get3A_691 = arith.constant 1824 : index
        %get3A_692 = tpu.vector_load %arg6[%get3A_690, %get3A_691] {strides = array<i32>} : memref<16x2048xf32, #tpu.memory_space<vmem>>, vector<16xf32>,
        %exp3A_693 = math.exp %get3A_692 : vector<16xf32>
        %add3A_694 = arith.addf %add3A_654, %exp3A_693 : vector<16xf32>
        %get3A_695 = arith.index_cast %scan3A_128 : i32 to index
        %get3A_696 = arith.constant 1840 : index
        %get3A_697 = tpu.vector_load %arg6[%get3A_695, %get3A_696] {strides = array<i32>} : memref<16x2048xf32, #tpu.memory_space<vmem>>, vector<16xf32>,
        %exp3A_698 = math.exp %get3A_697 : vector<16xf32>
        %add3A_699 = arith.addf %add3A_659, %exp3A_698 : vector<16xf32>
        %get3A_700 = arith.index_cast %scan3A_128 : i32 to index
        %get3A_701 = arith.constant 1856 : index
        %get3A_702 = tpu.vector_load %arg6[%get3A_700, %get3A_701] {strides = array<i32>} : memref<16x2048xf32, #tpu.memory_space<vmem>>, vector<16xf32>,
        %exp3A_703 = math.exp %get3A_702 : vector<16xf32>
        %add3A_704 = arith.addf %add3A_664, %exp3A_703 : vector<16xf32>
        %get3A_705 = arith.index_cast %scan3A_128 : i32 to index
        %get3A_706 = arith.constant 1872 : index
        %get3A_707 = tpu.vector_load %arg6[%get3A_705, %get3A_706] {strides = array<i32>} : memref<16x2048xf32, #tpu.memory_space<vmem>>, vector<16xf32>,
        %exp3A_708 = math.exp %get3A_707 : vector<16xf32>
        %add3A_709 = arith.addf %add3A_669, %exp3A_708 : vector<16xf32>
        %get3A_710 = arith.index_cast %scan3A_128 : i32 to index
        %get3A_711 = arith.constant 1888 : index
        %get3A_712 = tpu.vector_load %arg6[%get3A_710, %get3A_711] {strides = array<i32>} : memref<16x2048xf32, #tpu.memory_space<vmem>>, vector<16xf32>,
        %exp3A_713 = math.exp %get3A_712 : vector<16xf32>
        %add3A_714 = arith.addf %add3A_674, %exp3A_713 : vector<16xf32>
        %get3A_715 = arith.index_cast %scan3A_128 : i32 to index
        %get3A_716 = arith.constant 1904 : index
        %get3A_717 = tpu.vector_load %arg6[%get3A_715, %get3A_716] {strides = array<i32>} : memref<16x2048xf32, #tpu.memory_space<vmem>>, vector<16xf32>,
        %exp3A_718 = math.exp %get3A_717 : vector<16xf32>
        %add3A_719 = arith.addf %add3A_679, %exp3A_718 : vector<16xf32>
        %get3A_720 = arith.index_cast %scan3A_128 : i32 to index
        %get3A_721 = arith.constant 1920 : index
        %get3A_722 = tpu.vector_load %arg6[%get3A_720, %get3A_721] {strides = array<i32>} : memref<16x2048xf32, #tpu.memory_space<vmem>>, vector<16xf32>,
        %exp3A_723 = math.exp %get3A_722 : vector<16xf32>
        %add3A_724 = arith.addf %add3A_684, %exp3A_723 : vector<16xf32>
        %get3A_725 = arith.index_cast %scan3A_128 : i32 to index
        %get3A_726 = arith.constant 1936 : index
        %get3A_727 = tpu.vector_load %arg6[%get3A_725, %get3A_726] {strides = array<i32>} : memref<16x2048xf32, #tpu.memory_space<vmem>>, vector<16xf32>,
        %exp3A_728 = math.exp %get3A_727 : vector<16xf32>
        %add3A_729 = arith.addf %add3A_689, %exp3A_728 : vector<16xf32>
        %get3A_730 = arith.index_cast %scan3A_128 : i32 to index
        %get3A_731 = arith.constant 1952 : index
        %get3A_732 = tpu.vector_load %arg6[%get3A_730, %get3A_731] {strides = array<i32>} : memref<16x2048xf32, #tpu.memory_space<vmem>>, vector<16xf32>,
        %exp3A_733 = math.exp %get3A_732 : vector<16xf32>
        %add3A_734 = arith.addf %add3A_694, %exp3A_733 : vector<16xf32>
        %get3A_735 = arith.index_cast %scan3A_128 : i32 to index
        %get3A_736 = arith.constant 1968 : index
        %get3A_737 = tpu.vector_load %arg6[%get3A_735, %get3A_736] {strides = array<i32>} : memref<16x2048xf32, #tpu.memory_space<vmem>>, vector<16xf32>,
        %exp3A_738 = math.exp %get3A_737 : vector<16xf32>
        %add3A_739 = arith.addf %add3A_699, %exp3A_738 : vector<16xf32>
        %get3A_740 = arith.index_cast %scan3A_128 : i32 to index
        %get3A_741 = arith.constant 1984 : index
        %get3A_742 = tpu.vector_load %arg6[%get3A_740, %get3A_741] {strides = array<i32>} : memref<16x2048xf32, #tpu.memory_space<vmem>>, vector<16xf32>,
        %exp3A_743 = math.exp %get3A_742 : vector<16xf32>
        %add3A_744 = arith.addf %add3A_704, %exp3A_743 : vector<16xf32>
        %get3A_745 = arith.index_cast %scan3A_128 : i32 to index
        %get3A_746 = arith.constant 2000 : index
        %get3A_747 = tpu.vector_load %arg6[%get3A_745, %get3A_746] {strides = array<i32>} : memref<16x2048xf32, #tpu.memory_space<vmem>>, vector<16xf32>,
        %exp3A_748 = math.exp %get3A_747 : vector<16xf32>
        %add3A_749 = arith.addf %add3A_709, %exp3A_748 : vector<16xf32>
        %get3A_750 = arith.index_cast %scan3A_128 : i32 to index
        %get3A_751 = arith.constant 2016 : index
        %get3A_752 = tpu.vector_load %arg6[%get3A_750, %get3A_751] {strides = array<i32>} : memref<16x2048xf32, #tpu.memory_space<vmem>>, vector<16xf32>,
        %exp3A_753 = math.exp %get3A_752 : vector<16xf32>
        %add3A_754 = arith.addf %add3A_714, %exp3A_753 : vector<16xf32>
        %get3A_755 = arith.index_cast %scan3A_128 : i32 to index
        %get3A_756 = arith.constant 2032 : index
        %get3A_757 = tpu.vector_load %arg6[%get3A_755, %get3A_756] {strides = array<i32>} : memref<16x2048xf32, #tpu.memory_space<vmem>>, vector<16xf32>,
        %exp3A_758 = math.exp %get3A_757 : vector<16xf32>
        %add3A_759 = arith.addf %add3A_719, %exp3A_758 : vector<16xf32>
        %add3A_760 = arith.addf %add3A_724, %add3A_729 : vector<16xf32>
        %add3A_761 = arith.addf %add3A_734, %add3A_739 : vector<16xf32>
        %add3A_762 = arith.addf %add3A_744, %add3A_749 : vector<16xf32>
        %add3A_763 = arith.addf %add3A_754, %add3A_759 : vector<16xf32>
        %add3A_764 = arith.addf %add3A_760, %add3A_761 : vector<16xf32>
        %add3A_765 = arith.addf %add3A_762, %add3A_763 : vector<16xf32>
        %add3A_766 = arith.addf %add3A_764, %add3A_765 : vector<16xf32>
        %swap3A = arith.index_cast %scan3A_128 : i32 to index
        %swap3A_767 = arith.constant 0 : index
        %swap3A_768 = tpu.vector_load %arg9[%swap3A, %swap3A_767] {strides = array<i32>} : memref<16x16xf32, #tpu.memory_space<vmem>>, vector<16xf32>,
        tpu.vector_store %arg9[%swap3A, %swap3A_767], %add3A_766 {strides = array<i32>} : memref<16x16xf32, #tpu.memory_space<vmem>>, vector<16xf32>,
        %broadcast_in_dim3A = vector.broadcast %scan3A_128 : i32 to vector<16xi32>
        %gather3A = tpu.vector_load_idx %arg6[%broadcast_in_dim3A, %get3A_33] : memref<16x2048xf32, #tpu.memory_space<vmem>>[vector<16xi32>, vector<16xi32>], vector<16xf32>,
        %swap3A_769 = arith.index_cast %scan3A_128 : i32 to index
        %swap3A_770 = arith.constant 0 : index
        %swap3A_771 = tpu.vector_load %arg8[%swap3A_769, %swap3A_770] {strides = array<i32>} : memref<16x208xf32, #tpu.memory_space<vmem>>, vector<16xf32>,
        tpu.vector_store %arg8[%swap3A_769, %swap3A_770], %gather3A {strides = array<i32>} : memref<16x208xf32, #tpu.memory_space<vmem>>, vector<16xf32>,
        %gather3A_772 = tpu.vector_load_idx %arg6[%broadcast_in_dim3A, %get3A_35] : memref<16x2048xf32, #tpu.memory_space<vmem>>[vector<16xi32>, vector<16xi32>], vector<16xf32>,
        %swap3A_773 = arith.index_cast %scan3A_128 : i32 to index
        %swap3A_774 = arith.constant 16 : index
        %swap3A_775 = tpu.vector_load %arg8[%swap3A_773, %swap3A_774] {strides = array<i32>} : memref<16x208xf32, #tpu.memory_space<vmem>>, vector<16xf32>,
        tpu.vector_store %arg8[%swap3A_773, %swap3A_774], %gather3A_772 {strides = array<i32>} : memref<16x208xf32, #tpu.memory_space<vmem>>, vector<16xf32>,
        %gather3A_776 = tpu.vector_load_idx %arg6[%broadcast_in_dim3A, %get3A_37] : memref<16x2048xf32, #tpu.memory_space<vmem>>[vector<16xi32>, vector<16xi32>], vector<16xf32>,
        %swap3A_777 = arith.index_cast %scan3A_128 : i32 to index
        %swap3A_778 = arith.constant 32 : index
        %swap3A_779 = tpu.vector_load %arg8[%swap3A_777, %swap3A_778] {strides = array<i32>} : memref<16x208xf32, #tpu.memory_space<vmem>>, vector<16xf32>,
        tpu.vector_store %arg8[%swap3A_777, %swap3A_778], %gather3A_776 {strides = array<i32>} : memref<16x208xf32, #tpu.memory_space<vmem>>, vector<16xf32>,
        %gather3A_780 = tpu.vector_load_idx %arg6[%broadcast_in_dim3A, %get3A_39] : memref<16x2048xf32, #tpu.memory_space<vmem>>[vector<16xi32>, vector<16xi32>], vector<16xf32>,
        %swap3A_781 = arith.index_cast %scan3A_128 : i32 to index
        %swap3A_782 = arith.constant 48 : index
        %swap3A_783 = tpu.vector_load %arg8[%swap3A_781, %swap3A_782] {strides = array<i32>} : memref<16x208xf32, #tpu.memory_space<vmem>>, vector<16xf32>,
        tpu.vector_store %arg8[%swap3A_781, %swap3A_782], %gather3A_780 {strides = array<i32>} : memref<16x208xf32, #tpu.memory_space<vmem>>, vector<16xf32>,
        %gather3A_784 = tpu.vector_load_idx %arg6[%broadcast_in_dim3A, %get3A_41] : memref<16x2048xf32, #tpu.memory_space<vmem>>[vector<16xi32>, vector<16xi32>], vector<16xf32>,
        %swap3A_785 = arith.index_cast %scan3A_128 : i32 to index
        %swap3A_786 = arith.constant 64 : index
        %swap3A_787 = tpu.vector_load %arg8[%swap3A_785, %swap3A_786] {strides = array<i32>} : memref<16x208xf32, #tpu.memory_space<vmem>>, vector<16xf32>,
        tpu.vector_store %arg8[%swap3A_785, %swap3A_786], %gather3A_784 {strides = array<i32>} : memref<16x208xf32, #tpu.memory_space<vmem>>, vector<16xf32>,
        %gather3A_788 = tpu.vector_load_idx %arg6[%broadcast_in_dim3A, %get3A_43] : memref<16x2048xf32, #tpu.memory_space<vmem>>[vector<16xi32>, vector<16xi32>], vector<16xf32>,
        %swap3A_789 = arith.index_cast %scan3A_128 : i32 to index
        %swap3A_790 = arith.constant 80 : index
        %swap3A_791 = tpu.vector_load %arg8[%swap3A_789, %swap3A_790] {strides = array<i32>} : memref<16x208xf32, #tpu.memory_space<vmem>>, vector<16xf32>,
        tpu.vector_store %arg8[%swap3A_789, %swap3A_790], %gather3A_788 {strides = array<i32>} : memref<16x208xf32, #tpu.memory_space<vmem>>, vector<16xf32>,
        %gather3A_792 = tpu.vector_load_idx %arg6[%broadcast_in_dim3A, %get3A_45] : memref<16x2048xf32, #tpu.memory_space<vmem>>[vector<16xi32>, vector<16xi32>], vector<16xf32>,
        %swap3A_793 = arith.index_cast %scan3A_128 : i32 to index
        %swap3A_794 = arith.constant 96 : index
        %swap3A_795 = tpu.vector_load %arg8[%swap3A_793, %swap3A_794] {strides = array<i32>} : memref<16x208xf32, #tpu.memory_space<vmem>>, vector<16xf32>,
        tpu.vector_store %arg8[%swap3A_793, %swap3A_794], %gather3A_792 {strides = array<i32>} : memref<16x208xf32, #tpu.memory_space<vmem>>, vector<16xf32>,
        %gather3A_796 = tpu.vector_load_idx %arg6[%broadcast_in_dim3A, %get3A_47] : memref<16x2048xf32, #tpu.memory_space<vmem>>[vector<16xi32>, vector<16xi32>], vector<16xf32>,
        %swap3A_797 = arith.index_cast %scan3A_128 : i32 to index
        %swap3A_798 = arith.constant 112 : index
        %swap3A_799 = tpu.vector_load %arg8[%swap3A_797, %swap3A_798] {strides = array<i32>} : memref<16x208xf32, #tpu.memory_space<vmem>>, vector<16xf32>,
        tpu.vector_store %arg8[%swap3A_797, %swap3A_798], %gather3A_796 {strides = array<i32>} : memref<16x208xf32, #tpu.memory_space<vmem>>, vector<16xf32>,
        %gather3A_800 = tpu.vector_load_idx %arg6[%broadcast_in_dim3A, %get3A_49] : memref<16x2048xf32, #tpu.memory_space<vmem>>[vector<16xi32>, vector<16xi32>], vector<16xf32>,
        %swap3A_801 = arith.index_cast %scan3A_128 : i32 to index
        %swap3A_802 = arith.constant 128 : index
        %swap3A_803 = tpu.vector_load %arg8[%swap3A_801, %swap3A_802] {strides = array<i32>} : memref<16x208xf32, #tpu.memory_space<vmem>>, vector<16xf32>,
        tpu.vector_store %arg8[%swap3A_801, %swap3A_802], %gather3A_800 {strides = array<i32>} : memref<16x208xf32, #tpu.memory_space<vmem>>, vector<16xf32>,
        %gather3A_804 = tpu.vector_load_idx %arg6[%broadcast_in_dim3A, %get3A_51] : memref<16x2048xf32, #tpu.memory_space<vmem>>[vector<16xi32>, vector<16xi32>], vector<16xf32>,
        %swap3A_805 = arith.index_cast %scan3A_128 : i32 to index
        %swap3A_806 = arith.constant 144 : index
        %swap3A_807 = tpu.vector_load %arg8[%swap3A_805, %swap3A_806] {strides = array<i32>} : memref<16x208xf32, #tpu.memory_space<vmem>>, vector<16xf32>,
        tpu.vector_store %arg8[%swap3A_805, %swap3A_806], %gather3A_804 {strides = array<i32>} : memref<16x208xf32, #tpu.memory_space<vmem>>, vector<16xf32>,
        %gather3A_808 = tpu.vector_load_idx %arg6[%broadcast_in_dim3A, %get3A_53] : memref<16x2048xf32, #tpu.memory_space<vmem>>[vector<16xi32>, vector<16xi32>], vector<16xf32>,
        %swap3A_809 = arith.index_cast %scan3A_128 : i32 to index
        %swap3A_810 = arith.constant 160 : index
        %swap3A_811 = tpu.vector_load %arg8[%swap3A_809, %swap3A_810] {strides = array<i32>} : memref<16x208xf32, #tpu.memory_space<vmem>>, vector<16xf32>,
        tpu.vector_store %arg8[%swap3A_809, %swap3A_810], %gather3A_808 {strides = array<i32>} : memref<16x208xf32, #tpu.memory_space<vmem>>, vector<16xf32>,
        %gather3A_812 = tpu.vector_load_idx %arg6[%broadcast_in_dim3A, %get3A_55] : memref<16x2048xf32, #tpu.memory_space<vmem>>[vector<16xi32>, vector<16xi32>], vector<16xf32>,
        %swap3A_813 = arith.index_cast %scan3A_128 : i32 to index
        %swap3A_814 = arith.constant 176 : index
        %swap3A_815 = tpu.vector_load %arg8[%swap3A_813, %swap3A_814] {strides = array<i32>} : memref<16x208xf32, #tpu.memory_space<vmem>>, vector<16xf32>,
        tpu.vector_store %arg8[%swap3A_813, %swap3A_814], %gather3A_812 {strides = array<i32>} : memref<16x208xf32, #tpu.memory_space<vmem>>, vector<16xf32>,
        %gather3A_816 = tpu.vector_load_idx %arg6[%broadcast_in_dim3A, %get3A_57] : memref<16x2048xf32, #tpu.memory_space<vmem>>[vector<16xi32>, vector<16xi32>], vector<16xf32>,
        %swap3A_817 = arith.index_cast %scan3A_128 : i32 to index
        %swap3A_818 = arith.constant 192 : index
        %swap3A_819 = tpu.vector_load %arg8[%swap3A_817, %swap3A_818] {strides = array<i32>} : memref<16x208xf32, #tpu.memory_space<vmem>>, vector<16xf32>,
        tpu.vector_store %arg8[%swap3A_817, %swap3A_818], %gather3A_816 {strides = array<i32>} : memref<16x208xf32, #tpu.memory_space<vmem>>, vector<16xf32>,
        %scan3A_820 = arith.constant 1 : i32
        %scan3A_821 = arith.addi %scan3A_128, %scan3A_820 : i32
        %get3A_822 = arith.index_cast %scan3A_821 : i32 to index
        %get3A_823 = arith.constant 0 : index
        %get3A_824 = tpu.vector_load %arg6[%get3A_822, %get3A_823] {strides = array<i32>} : memref<16x2048xf32, #tpu.memory_space<vmem>>, vector<16xf32>,
        %exp3A_825 = math.exp %get3A_824 : vector<16xf32>
        %get3A_826 = arith.index_cast %scan3A_821 : i32 to index
        %get3A_827 = arith.constant 16 : index
        %get3A_828 = tpu.vector_load %arg6[%get3A_826, %get3A_827] {strides = array<i32>} : memref<16x2048xf32, #tpu.memory_space<vmem>>, vector<16xf32>,
        %exp3A_829 = math.exp %get3A_828 : vector<16xf32>
        %get3A_830 = arith.index_cast %scan3A_821 : i32 to index
        %get3A_831 = arith.constant 32 : index
        %get3A_832 = tpu.vector_load %arg6[%get3A_830, %get3A_831] {strides = array<i32>} : memref<16x2048xf32, #tpu.memory_space<vmem>>, vector<16xf32>,
        %exp3A_833 = math.exp %get3A_832 : vector<16xf32>
        %get3A_834 = arith.index_cast %scan3A_821 : i32 to index
        %get3A_835 = arith.constant 48 : index
        %get3A_836 = tpu.vector_load %arg6[%get3A_834, %get3A_835] {strides = array<i32>} : memref<16x2048xf32, #tpu.memory_space<vmem>>, vector<16xf32>,
        %exp3A_837 = math.exp %get3A_836 : vector<16xf32>
        %get3A_838 = arith.index_cast %scan3A_821 : i32 to index
        %get3A_839 = arith.constant 64 : index
        %get3A_840 = tpu.vector_load %arg6[%get3A_838, %get3A_839] {strides = array<i32>} : memref<16x2048xf32, #tpu.memory_space<vmem>>, vector<16xf32>,
        %exp3A_841 = math.exp %get3A_840 : vector<16xf32>
        %get3A_842 = arith.index_cast %scan3A_821 : i32 to index
        %get3A_843 = arith.constant 80 : index
        %get3A_844 = tpu.vector_load %arg6[%get3A_842, %get3A_843] {strides = array<i32>} : memref<16x2048xf32, #tpu.memory_space<vmem>>, vector<16xf32>,
        %exp3A_845 = math.exp %get3A_844 : vector<16xf32>
        %get3A_846 = arith.index_cast %scan3A_821 : i32 to index
        %get3A_847 = arith.constant 96 : index
        %get3A_848 = tpu.vector_load %arg6[%get3A_846, %get3A_847] {strides = array<i32>} : memref<16x2048xf32, #tpu.memory_space<vmem>>, vector<16xf32>,
        %exp3A_849 = math.exp %get3A_848 : vector<16xf32>
        %get3A_850 = arith.index_cast %scan3A_821 : i32 to index
        %get3A_851 = arith.constant 112 : index
        %get3A_852 = tpu.vector_load %arg6[%get3A_850, %get3A_851] {strides = array<i32>} : memref<16x2048xf32, #tpu.memory_space<vmem>>, vector<16xf32>,
        %exp3A_853 = math.exp %get3A_852 : vector<16xf32>
        %get3A_854 = arith.index_cast %scan3A_821 : i32 to index
        %get3A_855 = arith.constant 128 : index
        %get3A_856 = tpu.vector_load %arg6[%get3A_854, %get3A_855] {strides = array<i32>} : memref<16x2048xf32, #tpu.memory_space<vmem>>, vector<16xf32>,
        %exp3A_857 = math.exp %get3A_856 : vector<16xf32>
        %add3A_858 = arith.addf %exp3A_825, %exp3A_857 : vector<16xf32>
        %get3A_859 = arith.index_cast %scan3A_821 : i32 to index
        %get3A_860 = arith.constant 144 : index
        %get3A_861 = tpu.vector_load %arg6[%get3A_859, %get3A_860] {strides = array<i32>} : memref<16x2048xf32, #tpu.memory_space<vmem>>, vector<16xf32>,
        %exp3A_862 = math.exp %get3A_861 : vector<16xf32>
        %add3A_863 = arith.addf %exp3A_829, %exp3A_862 : vector<16xf32>
        %get3A_864 = arith.index_cast %scan3A_821 : i32 to index
        %get3A_865 = arith.constant 160 : index
        %get3A_866 = tpu.vector_load %arg6[%get3A_864, %get3A_865] {strides = array<i32>} : memref<16x2048xf32, #tpu.memory_space<vmem>>, vector<16xf32>,
        %exp3A_867 = math.exp %get3A_866 : vector<16xf32>
        %add3A_868 = arith.addf %exp3A_833, %exp3A_867 : vector<16xf32>
        %get3A_869 = arith.index_cast %scan3A_821 : i32 to index
        %get3A_870 = arith.constant 176 : index
        %get3A_871 = tpu.vector_load %arg6[%get3A_869, %get3A_870] {strides = array<i32>} : memref<16x2048xf32, #tpu.memory_space<vmem>>, vector<16xf32>,
        %exp3A_872 = math.exp %get3A_871 : vector<16xf32>
        %add3A_873 = arith.addf %exp3A_837, %exp3A_872 : vector<16xf32>
        %get3A_874 = arith.index_cast %scan3A_821 : i32 to index
        %get3A_875 = arith.constant 192 : index
        %get3A_876 = tpu.vector_load %arg6[%get3A_874, %get3A_875] {strides = array<i32>} : memref<16x2048xf32, #tpu.memory_space<vmem>>, vector<16xf32>,
        %exp3A_877 = math.exp %get3A_876 : vector<16xf32>
        %add3A_878 = arith.addf %exp3A_841, %exp3A_877 : vector<16xf32>
        %get3A_879 = arith.index_cast %scan3A_821 : i32 to index
        %get3A_880 = arith.constant 208 : index
        %get3A_881 = tpu.vector_load %arg6[%get3A_879, %get3A_880] {strides = array<i32>} : memref<16x2048xf32, #tpu.memory_space<vmem>>, vector<16xf32>,
        %exp3A_882 = math.exp %get3A_881 : vector<16xf32>
        %add3A_883 = arith.addf %exp3A_845, %exp3A_882 : vector<16xf32>
        %get3A_884 = arith.index_cast %scan3A_821 : i32 to index
        %get3A_885 = arith.constant 224 : index
        %get3A_886 = tpu.vector_load %arg6[%get3A_884, %get3A_885] {strides = array<i32>} : memref<16x2048xf32, #tpu.memory_space<vmem>>, vector<16xf32>,
        %exp3A_887 = math.exp %get3A_886 : vector<16xf32>
        %add3A_888 = arith.addf %exp3A_849, %exp3A_887 : vector<16xf32>
        %get3A_889 = arith.index_cast %scan3A_821 : i32 to index
        %get3A_890 = arith.constant 240 : index
        %get3A_891 = tpu.vector_load %arg6[%get3A_889, %get3A_890] {strides = array<i32>} : memref<16x2048xf32, #tpu.memory_space<vmem>>, vector<16xf32>,
        %exp3A_892 = math.exp %get3A_891 : vector<16xf32>
        %add3A_893 = arith.addf %exp3A_853, %exp3A_892 : vector<16xf32>
        %get3A_894 = arith.index_cast %scan3A_821 : i32 to index
        %get3A_895 = arith.constant 256 : index
        %get3A_896 = tpu.vector_load %arg6[%get3A_894, %get3A_895] {strides = array<i32>} : memref<16x2048xf32, #tpu.memory_space<vmem>>, vector<16xf32>,
        %exp3A_897 = math.exp %get3A_896 : vector<16xf32>
        %add3A_898 = arith.addf %add3A_858, %exp3A_897 : vector<16xf32>
        %get3A_899 = arith.index_cast %scan3A_821 : i32 to index
        %get3A_900 = arith.constant 272 : index
        %get3A_901 = tpu.vector_load %arg6[%get3A_899, %get3A_900] {strides = array<i32>} : memref<16x2048xf32, #tpu.memory_space<vmem>>, vector<16xf32>,
        %exp3A_902 = math.exp %get3A_901 : vector<16xf32>
        %add3A_903 = arith.addf %add3A_863, %exp3A_902 : vector<16xf32>
        %get3A_904 = arith.index_cast %scan3A_821 : i32 to index
        %get3A_905 = arith.constant 288 : index
        %get3A_906 = tpu.vector_load %arg6[%get3A_904, %get3A_905] {strides = array<i32>} : memref<16x2048xf32, #tpu.memory_space<vmem>>, vector<16xf32>,
        %exp3A_907 = math.exp %get3A_906 : vector<16xf32>
        %add3A_908 = arith.addf %add3A_868, %exp3A_907 : vector<16xf32>
        %get3A_909 = arith.index_cast %scan3A_821 : i32 to index
        %get3A_910 = arith.constant 304 : index
        %get3A_911 = tpu.vector_load %arg6[%get3A_909, %get3A_910] {strides = array<i32>} : memref<16x2048xf32, #tpu.memory_space<vmem>>, vector<16xf32>,
        %exp3A_912 = math.exp %get3A_911 : vector<16xf32>
        %add3A_913 = arith.addf %add3A_873, %exp3A_912 : vector<16xf32>
        %get3A_914 = arith.index_cast %scan3A_821 : i32 to index
        %get3A_915 = arith.constant 320 : index
        %get3A_916 = tpu.vector_load %arg6[%get3A_914, %get3A_915] {strides = array<i32>} : memref<16x2048xf32, #tpu.memory_space<vmem>>, vector<16xf32>,
        %exp3A_917 = math.exp %get3A_916 : vector<16xf32>
        %add3A_918 = arith.addf %add3A_878, %exp3A_917 : vector<16xf32>
        %get3A_919 = arith.index_cast %scan3A_821 : i32 to index
        %get3A_920 = arith.constant 336 : index
        %get3A_921 = tpu.vector_load %arg6[%get3A_919, %get3A_920] {strides = array<i32>} : memref<16x2048xf32, #tpu.memory_space<vmem>>, vector<16xf32>,
        %exp3A_922 = math.exp %get3A_921 : vector<16xf32>
        %add3A_923 = arith.addf %add3A_883, %exp3A_922 : vector<16xf32>
        %get3A_924 = arith.index_cast %scan3A_821 : i32 to index
        %get3A_925 = arith.constant 352 : index
        %get3A_926 = tpu.vector_load %arg6[%get3A_924, %get3A_925] {strides = array<i32>} : memref<16x2048xf32, #tpu.memory_space<vmem>>, vector<16xf32>,
        %exp3A_927 = math.exp %get3A_926 : vector<16xf32>
        %add3A_928 = arith.addf %add3A_888, %exp3A_927 : vector<16xf32>
        %get3A_929 = arith.index_cast %scan3A_821 : i32 to index
        %get3A_930 = arith.constant 368 : index
        %get3A_931 = tpu.vector_load %arg6[%get3A_929, %get3A_930] {strides = array<i32>} : memref<16x2048xf32, #tpu.memory_space<vmem>>, vector<16xf32>,
        %exp3A_932 = math.exp %get3A_931 : vector<16xf32>
        %add3A_933 = arith.addf %add3A_893, %exp3A_932 : vector<16xf32>
        %get3A_934 = arith.index_cast %scan3A_821 : i32 to index
        %get3A_935 = arith.constant 384 : index
        %get3A_936 = tpu.vector_load %arg6[%get3A_934, %get3A_935] {strides = array<i32>} : memref<16x2048xf32, #tpu.memory_space<vmem>>, vector<16xf32>,
        %exp3A_937 = math.exp %get3A_936 : vector<16xf32>
        %add3A_938 = arith.addf %add3A_898, %exp3A_937 : vector<16xf32>
        %get3A_939 = arith.index_cast %scan3A_821 : i32 to index
        %get3A_940 = arith.constant 400 : index
        %get3A_941 = tpu.vector_load %arg6[%get3A_939, %get3A_940] {strides = array<i32>} : memref<16x2048xf32, #tpu.memory_space<vmem>>, vector<16xf32>,
        %exp3A_942 = math.exp %get3A_941 : vector<16xf32>
        %add3A_943 = arith.addf %add3A_903, %exp3A_942 : vector<16xf32>
        %get3A_944 = arith.index_cast %scan3A_821 : i32 to index
        %get3A_945 = arith.constant 416 : index
        %get3A_946 = tpu.vector_load %arg6[%get3A_944, %get3A_945] {strides = array<i32>} : memref<16x2048xf32, #tpu.memory_space<vmem>>, vector<16xf32>,
        %exp3A_947 = math.exp %get3A_946 : vector<16xf32>
        %add3A_948 = arith.addf %add3A_908, %exp3A_947 : vector<16xf32>
        %get3A_949 = arith.index_cast %scan3A_821 : i32 to index
        %get3A_950 = arith.constant 432 : index
        %get3A_951 = tpu.vector_load %arg6[%get3A_949, %get3A_950] {strides = array<i32>} : memref<16x2048xf32, #tpu.memory_space<vmem>>, vector<16xf32>,
        %exp3A_952 = math.exp %get3A_951 : vector<16xf32>
        %add3A_953 = arith.addf %add3A_913, %exp3A_952 : vector<16xf32>
        %get3A_954 = arith.index_cast %scan3A_821 : i32 to index
        %get3A_955 = arith.constant 448 : index
        %get3A_956 = tpu.vector_load %arg6[%get3A_954, %get3A_955] {strides = array<i32>} : memref<16x2048xf32, #tpu.memory_space<vmem>>, vector<16xf32>,
        %exp3A_957 = math.exp %get3A_956 : vector<16xf32>
        %add3A_958 = arith.addf %add3A_918, %exp3A_957 : vector<16xf32>
        %get3A_959 = arith.index_cast %scan3A_821 : i32 to index
        %get3A_960 = arith.constant 464 : index
        %get3A_961 = tpu.vector_load %arg6[%get3A_959, %get3A_960] {strides = array<i32>} : memref<16x2048xf32, #tpu.memory_space<vmem>>, vector<16xf32>,
        %exp3A_962 = math.exp %get3A_961 : vector<16xf32>
        %add3A_963 = arith.addf %add3A_923, %exp3A_962 : vector<16xf32>
        %get3A_964 = arith.index_cast %scan3A_821 : i32 to index
        %get3A_965 = arith.constant 480 : index
        %get3A_966 = tpu.vector_load %arg6[%get3A_964, %get3A_965] {strides = array<i32>} : memref<16x2048xf32, #tpu.memory_space<vmem>>, vector<16xf32>,
        %exp3A_967 = math.exp %get3A_966 : vector<16xf32>
        %add3A_968 = arith.addf %add3A_928, %exp3A_967 : vector<16xf32>
        %get3A_969 = arith.index_cast %scan3A_821 : i32 to index
        %get3A_970 = arith.constant 496 : index
        %get3A_971 = tpu.vector_load %arg6[%get3A_969, %get3A_970] {strides = array<i32>} : memref<16x2048xf32, #tpu.memory_space<vmem>>, vector<16xf32>,
        %exp3A_972 = math.exp %get3A_971 : vector<16xf32>
        %add3A_973 = arith.addf %add3A_933, %exp3A_972 : vector<16xf32>
        %get3A_974 = arith.index_cast %scan3A_821 : i32 to index
        %get3A_975 = arith.constant 512 : index
        %get3A_976 = tpu.vector_load %arg6[%get3A_974, %get3A_975] {strides = array<i32>} : memref<16x2048xf32, #tpu.memory_space<vmem>>, vector<16xf32>,
        %exp3A_977 = math.exp %get3A_976 : vector<16xf32>
        %add3A_978 = arith.addf %add3A_938, %exp3A_977 : vector<16xf32>
        %get3A_979 = arith.index_cast %scan3A_821 : i32 to index
        %get3A_980 = arith.constant 528 : index
        %get3A_981 = tpu.vector_load %arg6[%get3A_979, %get3A_980] {strides = array<i32>} : memref<16x2048xf32, #tpu.memory_space<vmem>>, vector<16xf32>,
        %exp3A_982 = math.exp %get3A_981 : vector<16xf32>
        %add3A_983 = arith.addf %add3A_943, %exp3A_982 : vector<16xf32>
        %get3A_984 = arith.index_cast %scan3A_821 : i32 to index
        %get3A_985 = arith.constant 544 : index
        %get3A_986 = tpu.vector_load %arg6[%get3A_984, %get3A_985] {strides = array<i32>} : memref<16x2048xf32, #tpu.memory_space<vmem>>, vector<16xf32>,
        %exp3A_987 = math.exp %get3A_986 : vector<16xf32>
        %add3A_988 = arith.addf %add3A_948, %exp3A_987 : vector<16xf32>
        %get3A_989 = arith.index_cast %scan3A_821 : i32 to index
        %get3A_990 = arith.constant 560 : index
        %get3A_991 = tpu.vector_load %arg6[%get3A_989, %get3A_990] {strides = array<i32>} : memref<16x2048xf32, #tpu.memory_space<vmem>>, vector<16xf32>,
        %exp3A_992 = math.exp %get3A_991 : vector<16xf32>
        %add3A_993 = arith.addf %add3A_953, %exp3A_992 : vector<16xf32>
        %get3A_994 = arith.index_cast %scan3A_821 : i32 to index
        %get3A_995 = arith.constant 576 : index
        %get3A_996 = tpu.vector_load %arg6[%get3A_994, %get3A_995] {strides = array<i32>} : memref<16x2048xf32, #tpu.memory_space<vmem>>, vector<16xf32>,
        %exp3A_997 = math.exp %get3A_996 : vector<16xf32>
        %add3A_998 = arith.addf %add3A_958, %exp3A_997 : vector<16xf32>
        %get3A_999 = arith.index_cast %scan3A_821 : i32 to index
        %get3A_1000 = arith.constant 592 : index
        %get3A_1001 = tpu.vector_load %arg6[%get3A_999, %get3A_1000] {strides = array<i32>} : memref<16x2048xf32, #tpu.memory_space<vmem>>, vector<16xf32>,
        %exp3A_1002 = math.exp %get3A_1001 : vector<16xf32>
        %add3A_1003 = arith.addf %add3A_963, %exp3A_1002 : vector<16xf32>
        %get3A_1004 = arith.index_cast %scan3A_821 : i32 to index
        %get3A_1005 = arith.constant 608 : index
        %get3A_1006 = tpu.vector_load %arg6[%get3A_1004, %get3A_1005] {strides = array<i32>} : memref<16x2048xf32, #tpu.memory_space<vmem>>, vector<16xf32>,
        %exp3A_1007 = math.exp %get3A_1006 : vector<16xf32>
        %add3A_1008 = arith.addf %add3A_968, %exp3A_1007 : vector<16xf32>
        %get3A_1009 = arith.index_cast %scan3A_821 : i32 to index
        %get3A_1010 = arith.constant 624 : index
        %get3A_1011 = tpu.vector_load %arg6[%get3A_1009, %get3A_1010] {strides = array<i32>} : memref<16x2048xf32, #tpu.memory_space<vmem>>, vector<16xf32>,
        %exp3A_1012 = math.exp %get3A_1011 : vector<16xf32>
        %add3A_1013 = arith.addf %add3A_973, %exp3A_1012 : vector<16xf32>
        %get3A_1014 = arith.index_cast %scan3A_821 : i32 to index
        %get3A_1015 = arith.constant 640 : index
        %get3A_1016 = tpu.vector_load %arg6[%get3A_1014, %get3A_1015] {strides = array<i32>} : memref<16x2048xf32, #tpu.memory_space<vmem>>, vector<16xf32>,
        %exp3A_1017 = math.exp %get3A_1016 : vector<16xf32>
        %add3A_1018 = arith.addf %add3A_978, %exp3A_1017 : vector<16xf32>
        %get3A_1019 = arith.index_cast %scan3A_821 : i32 to index
        %get3A_1020 = arith.constant 656 : index
        %get3A_1021 = tpu.vector_load %arg6[%get3A_1019, %get3A_1020] {strides = array<i32>} : memref<16x2048xf32, #tpu.memory_space<vmem>>, vector<16xf32>,
        %exp3A_1022 = math.exp %get3A_1021 : vector<16xf32>
        %add3A_1023 = arith.addf %add3A_983, %exp3A_1022 : vector<16xf32>
        %get3A_1024 = arith.index_cast %scan3A_821 : i32 to index
        %get3A_1025 = arith.constant 672 : index
        %get3A_1026 = tpu.vector_load %arg6[%get3A_1024, %get3A_1025] {strides = array<i32>} : memref<16x2048xf32, #tpu.memory_space<vmem>>, vector<16xf32>,
        %exp3A_1027 = math.exp %get3A_1026 : vector<16xf32>
        %add3A_1028 = arith.addf %add3A_988, %exp3A_1027 : vector<16xf32>
        %get3A_1029 = arith.index_cast %scan3A_821 : i32 to index
        %get3A_1030 = arith.constant 688 : index
        %get3A_1031 = tpu.vector_load %arg6[%get3A_1029, %get3A_1030] {strides = array<i32>} : memref<16x2048xf32, #tpu.memory_space<vmem>>, vector<16xf32>,
        %exp3A_1032 = math.exp %get3A_1031 : vector<16xf32>
        %add3A_1033 = arith.addf %add3A_993, %exp3A_1032 : vector<16xf32>
        %get3A_1034 = arith.index_cast %scan3A_821 : i32 to index
        %get3A_1035 = arith.constant 704 : index
        %get3A_1036 = tpu.vector_load %arg6[%get3A_1034, %get3A_1035] {strides = array<i32>} : memref<16x2048xf32, #tpu.memory_space<vmem>>, vector<16xf32>,
        %exp3A_1037 = math.exp %get3A_1036 : vector<16xf32>
        %add3A_1038 = arith.addf %add3A_998, %exp3A_1037 : vector<16xf32>
        %get3A_1039 = arith.index_cast %scan3A_821 : i32 to index
        %get3A_1040 = arith.constant 720 : index
        %get3A_1041 = tpu.vector_load %arg6[%get3A_1039, %get3A_1040] {strides = array<i32>} : memref<16x2048xf32, #tpu.memory_space<vmem>>, vector<16xf32>,
        %exp3A_1042 = math.exp %get3A_1041 : vector<16xf32>
        %add3A_1043 = arith.addf %add3A_1003, %exp3A_1042 : vector<16xf32>
        %get3A_1044 = arith.index_cast %scan3A_821 : i32 to index
        %get3A_1045 = arith.constant 736 : index
        %get3A_1046 = tpu.vector_load %arg6[%get3A_1044, %get3A_1045] {strides = array<i32>} : memref<16x2048xf32, #tpu.memory_space<vmem>>, vector<16xf32>,
        %exp3A_1047 = math.exp %get3A_1046 : vector<16xf32>
        %add3A_1048 = arith.addf %add3A_1008, %exp3A_1047 : vector<16xf32>
        %get3A_1049 = arith.index_cast %scan3A_821 : i32 to index
        %get3A_1050 = arith.constant 752 : index
        %get3A_1051 = tpu.vector_load %arg6[%get3A_1049, %get3A_1050] {strides = array<i32>} : memref<16x2048xf32, #tpu.memory_space<vmem>>, vector<16xf32>,
        %exp3A_1052 = math.exp %get3A_1051 : vector<16xf32>
        %add3A_1053 = arith.addf %add3A_1013, %exp3A_1052 : vector<16xf32>
        %get3A_1054 = arith.index_cast %scan3A_821 : i32 to index
        %get3A_1055 = arith.constant 768 : index
        %get3A_1056 = tpu.vector_load %arg6[%get3A_1054, %get3A_1055] {strides = array<i32>} : memref<16x2048xf32, #tpu.memory_space<vmem>>, vector<16xf32>,
        %exp3A_1057 = math.exp %get3A_1056 : vector<16xf32>
        %add3A_1058 = arith.addf %add3A_1018, %exp3A_1057 : vector<16xf32>
        %get3A_1059 = arith.index_cast %scan3A_821 : i32 to index
        %get3A_1060 = arith.constant 784 : index
        %get3A_1061 = tpu.vector_load %arg6[%get3A_1059, %get3A_1060] {strides = array<i32>} : memref<16x2048xf32, #tpu.memory_space<vmem>>, vector<16xf32>,
        %exp3A_1062 = math.exp %get3A_1061 : vector<16xf32>
        %add3A_1063 = arith.addf %add3A_1023, %exp3A_1062 : vector<16xf32>
        %get3A_1064 = arith.index_cast %scan3A_821 : i32 to index
        %get3A_1065 = arith.constant 800 : index
        %get3A_1066 = tpu.vector_load %arg6[%get3A_1064, %get3A_1065] {strides = array<i32>} : memref<16x2048xf32, #tpu.memory_space<vmem>>, vector<16xf32>,
        %exp3A_1067 = math.exp %get3A_1066 : vector<16xf32>
        %add3A_1068 = arith.addf %add3A_1028, %exp3A_1067 : vector<16xf32>
        %get3A_1069 = arith.index_cast %scan3A_821 : i32 to index
        %get3A_1070 = arith.constant 816 : index
        %get3A_1071 = tpu.vector_load %arg6[%get3A_1069, %get3A_1070] {strides = array<i32>} : memref<16x2048xf32, #tpu.memory_space<vmem>>, vector<16xf32>,
        %exp3A_1072 = math.exp %get3A_1071 : vector<16xf32>
        %add3A_1073 = arith.addf %add3A_1033, %exp3A_1072 : vector<16xf32>
        %get3A_1074 = arith.index_cast %scan3A_821 : i32 to index
        %get3A_1075 = arith.constant 832 : index
        %get3A_1076 = tpu.vector_load %arg6[%get3A_1074, %get3A_1075] {strides = array<i32>} : memref<16x2048xf32, #tpu.memory_space<vmem>>, vector<16xf32>,
        %exp3A_1077 = math.exp %get3A_1076 : vector<16xf32>
        %add3A_1078 = arith.addf %add3A_1038, %exp3A_1077 : vector<16xf32>
        %get3A_1079 = arith.index_cast %scan3A_821 : i32 to index
        %get3A_1080 = arith.constant 848 : index
        %get3A_1081 = tpu.vector_load %arg6[%get3A_1079, %get3A_1080] {strides = array<i32>} : memref<16x2048xf32, #tpu.memory_space<vmem>>, vector<16xf32>,
        %exp3A_1082 = math.exp %get3A_1081 : vector<16xf32>
        %add3A_1083 = arith.addf %add3A_1043, %exp3A_1082 : vector<16xf32>
        %get3A_1084 = arith.index_cast %scan3A_821 : i32 to index
        %get3A_1085 = arith.constant 864 : index
        %get3A_1086 = tpu.vector_load %arg6[%get3A_1084, %get3A_1085] {strides = array<i32>} : memref<16x2048xf32, #tpu.memory_space<vmem>>, vector<16xf32>,
        %exp3A_1087 = math.exp %get3A_1086 : vector<16xf32>
        %add3A_1088 = arith.addf %add3A_1048, %exp3A_1087 : vector<16xf32>
        %get3A_1089 = arith.index_cast %scan3A_821 : i32 to index
        %get3A_1090 = arith.constant 880 : index
        %get3A_1091 = tpu.vector_load %arg6[%get3A_1089, %get3A_1090] {strides = array<i32>} : memref<16x2048xf32, #tpu.memory_space<vmem>>, vector<16xf32>,
        %exp3A_1092 = math.exp %get3A_1091 : vector<16xf32>
        %add3A_1093 = arith.addf %add3A_1053, %exp3A_1092 : vector<16xf32>
        %get3A_1094 = arith.index_cast %scan3A_821 : i32 to index
        %get3A_1095 = arith.constant 896 : index
        %get3A_1096 = tpu.vector_load %arg6[%get3A_1094, %get3A_1095] {strides = array<i32>} : memref<16x2048xf32, #tpu.memory_space<vmem>>, vector<16xf32>,
        %exp3A_1097 = math.exp %get3A_1096 : vector<16xf32>
        %add3A_1098 = arith.addf %add3A_1058, %exp3A_1097 : vector<16xf32>
        %get3A_1099 = arith.index_cast %scan3A_821 : i32 to index
        %get3A_1100 = arith.constant 912 : index
        %get3A_1101 = tpu.vector_load %arg6[%get3A_1099, %get3A_1100] {strides = array<i32>} : memref<16x2048xf32, #tpu.memory_space<vmem>>, vector<16xf32>,
        %exp3A_1102 = math.exp %get3A_1101 : vector<16xf32>
        %add3A_1103 = arith.addf %add3A_1063, %exp3A_1102 : vector<16xf32>
        %get3A_1104 = arith.index_cast %scan3A_821 : i32 to index
        %get3A_1105 = arith.constant 928 : index
        %get3A_1106 = tpu.vector_load %arg6[%get3A_1104, %get3A_1105] {strides = array<i32>} : memref<16x2048xf32, #tpu.memory_space<vmem>>, vector<16xf32>,
        %exp3A_1107 = math.exp %get3A_1106 : vector<16xf32>
        %add3A_1108 = arith.addf %add3A_1068, %exp3A_1107 : vector<16xf32>
        %get3A_1109 = arith.index_cast %scan3A_821 : i32 to index
        %get3A_1110 = arith.constant 944 : index
        %get3A_1111 = tpu.vector_load %arg6[%get3A_1109, %get3A_1110] {strides = array<i32>} : memref<16x2048xf32, #tpu.memory_space<vmem>>, vector<16xf32>,
        %exp3A_1112 = math.exp %get3A_1111 : vector<16xf32>
        %add3A_1113 = arith.addf %add3A_1073, %exp3A_1112 : vector<16xf32>
        %get3A_1114 = arith.index_cast %scan3A_821 : i32 to index
        %get3A_1115 = arith.constant 960 : index
        %get3A_1116 = tpu.vector_load %arg6[%get3A_1114, %get3A_1115] {strides = array<i32>} : memref<16x2048xf32, #tpu.memory_space<vmem>>, vector<16xf32>,
        %exp3A_1117 = math.exp %get3A_1116 : vector<16xf32>
        %add3A_1118 = arith.addf %add3A_1078, %exp3A_1117 : vector<16xf32>
        %get3A_1119 = arith.index_cast %scan3A_821 : i32 to index
        %get3A_1120 = arith.constant 976 : index
        %get3A_1121 = tpu.vector_load %arg6[%get3A_1119, %get3A_1120] {strides = array<i32>} : memref<16x2048xf32, #tpu.memory_space<vmem>>, vector<16xf32>,
        %exp3A_1122 = math.exp %get3A_1121 : vector<16xf32>
        %add3A_1123 = arith.addf %add3A_1083, %exp3A_1122 : vector<16xf32>
        %get3A_1124 = arith.index_cast %scan3A_821 : i32 to index
        %get3A_1125 = arith.constant 992 : index
        %get3A_1126 = tpu.vector_load %arg6[%get3A_1124, %get3A_1125] {strides = array<i32>} : memref<16x2048xf32, #tpu.memory_space<vmem>>, vector<16xf32>,
        %exp3A_1127 = math.exp %get3A_1126 : vector<16xf32>
        %add3A_1128 = arith.addf %add3A_1088, %exp3A_1127 : vector<16xf32>
        %get3A_1129 = arith.index_cast %scan3A_821 : i32 to index
        %get3A_1130 = arith.constant 1008 : index
        %get3A_1131 = tpu.vector_load %arg6[%get3A_1129, %get3A_1130] {strides = array<i32>} : memref<16x2048xf32, #tpu.memory_space<vmem>>, vector<16xf32>,
        %exp3A_1132 = math.exp %get3A_1131 : vector<16xf32>
        %add3A_1133 = arith.addf %add3A_1093, %exp3A_1132 : vector<16xf32>
        %get3A_1134 = arith.index_cast %scan3A_821 : i32 to index
        %get3A_1135 = arith.constant 1024 : index
        %get3A_1136 = tpu.vector_load %arg6[%get3A_1134, %get3A_1135] {strides = array<i32>} : memref<16x2048xf32, #tpu.memory_space<vmem>>, vector<16xf32>,
        %exp3A_1137 = math.exp %get3A_1136 : vector<16xf32>
        %add3A_1138 = arith.addf %add3A_1098, %exp3A_1137 : vector<16xf32>
        %get3A_1139 = arith.index_cast %scan3A_821 : i32 to index
        %get3A_1140 = arith.constant 1040 : index
        %get3A_1141 = tpu.vector_load %arg6[%get3A_1139, %get3A_1140] {strides = array<i32>} : memref<16x2048xf32, #tpu.memory_space<vmem>>, vector<16xf32>,
        %exp3A_1142 = math.exp %get3A_1141 : vector<16xf32>
        %add3A_1143 = arith.addf %add3A_1103, %exp3A_1142 : vector<16xf32>
        %get3A_1144 = arith.index_cast %scan3A_821 : i32 to index
        %get3A_1145 = arith.constant 1056 : index
        %get3A_1146 = tpu.vector_load %arg6[%get3A_1144, %get3A_1145] {strides = array<i32>} : memref<16x2048xf32, #tpu.memory_space<vmem>>, vector<16xf32>,
        %exp3A_1147 = math.exp %get3A_1146 : vector<16xf32>
        %add3A_1148 = arith.addf %add3A_1108, %exp3A_1147 : vector<16xf32>
        %get3A_1149 = arith.index_cast %scan3A_821 : i32 to index
        %get3A_1150 = arith.constant 1072 : index
        %get3A_1151 = tpu.vector_load %arg6[%get3A_1149, %get3A_1150] {strides = array<i32>} : memref<16x2048xf32, #tpu.memory_space<vmem>>, vector<16xf32>,
        %exp3A_1152 = math.exp %get3A_1151 : vector<16xf32>
        %add3A_1153 = arith.addf %add3A_1113, %exp3A_1152 : vector<16xf32>
        %get3A_1154 = arith.index_cast %scan3A_821 : i32 to index
        %get3A_1155 = arith.constant 1088 : index
        %get3A_1156 = tpu.vector_load %arg6[%get3A_1154, %get3A_1155] {strides = array<i32>} : memref<16x2048xf32, #tpu.memory_space<vmem>>, vector<16xf32>,
        %exp3A_1157 = math.exp %get3A_1156 : vector<16xf32>
        %add3A_1158 = arith.addf %add3A_1118, %exp3A_1157 : vector<16xf32>
        %get3A_1159 = arith.index_cast %scan3A_821 : i32 to index
        %get3A_1160 = arith.constant 1104 : index
        %get3A_1161 = tpu.vector_load %arg6[%get3A_1159, %get3A_1160] {strides = array<i32>} : memref<16x2048xf32, #tpu.memory_space<vmem>>, vector<16xf32>,
        %exp3A_1162 = math.exp %get3A_1161 : vector<16xf32>
        %add3A_1163 = arith.addf %add3A_1123, %exp3A_1162 : vector<16xf32>
        %get3A_1164 = arith.index_cast %scan3A_821 : i32 to index
        %get3A_1165 = arith.constant 1120 : index
        %get3A_1166 = tpu.vector_load %arg6[%get3A_1164, %get3A_1165] {strides = array<i32>} : memref<16x2048xf32, #tpu.memory_space<vmem>>, vector<16xf32>,
        %exp3A_1167 = math.exp %get3A_1166 : vector<16xf32>
        %add3A_1168 = arith.addf %add3A_1128, %exp3A_1167 : vector<16xf32>
        %get3A_1169 = arith.index_cast %scan3A_821 : i32 to index
        %get3A_1170 = arith.constant 1136 : index
        %get3A_1171 = tpu.vector_load %arg6[%get3A_1169, %get3A_1170] {strides = array<i32>} : memref<16x2048xf32, #tpu.memory_space<vmem>>, vector<16xf32>,
        %exp3A_1172 = math.exp %get3A_1171 : vector<16xf32>
        %add3A_1173 = arith.addf %add3A_1133, %exp3A_1172 : vector<16xf32>
        %get3A_1174 = arith.index_cast %scan3A_821 : i32 to index
        %get3A_1175 = arith.constant 1152 : index
        %get3A_1176 = tpu.vector_load %arg6[%get3A_1174, %get3A_1175] {strides = array<i32>} : memref<16x2048xf32, #tpu.memory_space<vmem>>, vector<16xf32>,
        %exp3A_1177 = math.exp %get3A_1176 : vector<16xf32>
        %add3A_1178 = arith.addf %add3A_1138, %exp3A_1177 : vector<16xf32>
        %get3A_1179 = arith.index_cast %scan3A_821 : i32 to index
        %get3A_1180 = arith.constant 1168 : index
        %get3A_1181 = tpu.vector_load %arg6[%get3A_1179, %get3A_1180] {strides = array<i32>} : memref<16x2048xf32, #tpu.memory_space<vmem>>, vector<16xf32>,
        %exp3A_1182 = math.exp %get3A_1181 : vector<16xf32>
        %add3A_1183 = arith.addf %add3A_1143, %exp3A_1182 : vector<16xf32>
        %get3A_1184 = arith.index_cast %scan3A_821 : i32 to index
        %get3A_1185 = arith.constant 1184 : index
        %get3A_1186 = tpu.vector_load %arg6[%get3A_1184, %get3A_1185] {strides = array<i32>} : memref<16x2048xf32, #tpu.memory_space<vmem>>, vector<16xf32>,
        %exp3A_1187 = math.exp %get3A_1186 : vector<16xf32>
        %add3A_1188 = arith.addf %add3A_1148, %exp3A_1187 : vector<16xf32>
        %get3A_1189 = arith.index_cast %scan3A_821 : i32 to index
        %get3A_1190 = arith.constant 1200 : index
        %get3A_1191 = tpu.vector_load %arg6[%get3A_1189, %get3A_1190] {strides = array<i32>} : memref<16x2048xf32, #tpu.memory_space<vmem>>, vector<16xf32>,
        %exp3A_1192 = math.exp %get3A_1191 : vector<16xf32>
        %add3A_1193 = arith.addf %add3A_1153, %exp3A_1192 : vector<16xf32>
        %get3A_1194 = arith.index_cast %scan3A_821 : i32 to index
        %get3A_1195 = arith.constant 1216 : index
        %get3A_1196 = tpu.vector_load %arg6[%get3A_1194, %get3A_1195] {strides = array<i32>} : memref<16x2048xf32, #tpu.memory_space<vmem>>, vector<16xf32>,
        %exp3A_1197 = math.exp %get3A_1196 : vector<16xf32>
        %add3A_1198 = arith.addf %add3A_1158, %exp3A_1197 : vector<16xf32>
        %get3A_1199 = arith.index_cast %scan3A_821 : i32 to index
        %get3A_1200 = arith.constant 1232 : index
        %get3A_1201 = tpu.vector_load %arg6[%get3A_1199, %get3A_1200] {strides = array<i32>} : memref<16x2048xf32, #tpu.memory_space<vmem>>, vector<16xf32>,
        %exp3A_1202 = math.exp %get3A_1201 : vector<16xf32>
        %add3A_1203 = arith.addf %add3A_1163, %exp3A_1202 : vector<16xf32>
        %get3A_1204 = arith.index_cast %scan3A_821 : i32 to index
        %get3A_1205 = arith.constant 1248 : index
        %get3A_1206 = tpu.vector_load %arg6[%get3A_1204, %get3A_1205] {strides = array<i32>} : memref<16x2048xf32, #tpu.memory_space<vmem>>, vector<16xf32>,
        %exp3A_1207 = math.exp %get3A_1206 : vector<16xf32>
        %add3A_1208 = arith.addf %add3A_1168, %exp3A_1207 : vector<16xf32>
        %get3A_1209 = arith.index_cast %scan3A_821 : i32 to index
        %get3A_1210 = arith.constant 1264 : index
        %get3A_1211 = tpu.vector_load %arg6[%get3A_1209, %get3A_1210] {strides = array<i32>} : memref<16x2048xf32, #tpu.memory_space<vmem>>, vector<16xf32>,
        %exp3A_1212 = math.exp %get3A_1211 : vector<16xf32>
        %add3A_1213 = arith.addf %add3A_1173, %exp3A_1212 : vector<16xf32>
        %get3A_1214 = arith.index_cast %scan3A_821 : i32 to index
        %get3A_1215 = arith.constant 1280 : index
        %get3A_1216 = tpu.vector_load %arg6[%get3A_1214, %get3A_1215] {strides = array<i32>} : memref<16x2048xf32, #tpu.memory_space<vmem>>, vector<16xf32>,
        %exp3A_1217 = math.exp %get3A_1216 : vector<16xf32>
        %add3A_1218 = arith.addf %add3A_1178, %exp3A_1217 : vector<16xf32>
        %get3A_1219 = arith.index_cast %scan3A_821 : i32 to index
        %get3A_1220 = arith.constant 1296 : index
        %get3A_1221 = tpu.vector_load %arg6[%get3A_1219, %get3A_1220] {strides = array<i32>} : memref<16x2048xf32, #tpu.memory_space<vmem>>, vector<16xf32>,
        %exp3A_1222 = math.exp %get3A_1221 : vector<16xf32>
        %add3A_1223 = arith.addf %add3A_1183, %exp3A_1222 : vector<16xf32>
        %get3A_1224 = arith.index_cast %scan3A_821 : i32 to index
        %get3A_1225 = arith.constant 1312 : index
        %get3A_1226 = tpu.vector_load %arg6[%get3A_1224, %get3A_1225] {strides = array<i32>} : memref<16x2048xf32, #tpu.memory_space<vmem>>, vector<16xf32>,
        %exp3A_1227 = math.exp %get3A_1226 : vector<16xf32>
        %add3A_1228 = arith.addf %add3A_1188, %exp3A_1227 : vector<16xf32>
        %get3A_1229 = arith.index_cast %scan3A_821 : i32 to index
        %get3A_1230 = arith.constant 1328 : index
        %get3A_1231 = tpu.vector_load %arg6[%get3A_1229, %get3A_1230] {strides = array<i32>} : memref<16x2048xf32, #tpu.memory_space<vmem>>, vector<16xf32>,
        %exp3A_1232 = math.exp %get3A_1231 : vector<16xf32>
        %add3A_1233 = arith.addf %add3A_1193, %exp3A_1232 : vector<16xf32>
        %get3A_1234 = arith.index_cast %scan3A_821 : i32 to index
        %get3A_1235 = arith.constant 1344 : index
        %get3A_1236 = tpu.vector_load %arg6[%get3A_1234, %get3A_1235] {strides = array<i32>} : memref<16x2048xf32, #tpu.memory_space<vmem>>, vector<16xf32>,
        %exp3A_1237 = math.exp %get3A_1236 : vector<16xf32>
        %add3A_1238 = arith.addf %add3A_1198, %exp3A_1237 : vector<16xf32>
        %get3A_1239 = arith.index_cast %scan3A_821 : i32 to index
        %get3A_1240 = arith.constant 1360 : index
        %get3A_1241 = tpu.vector_load %arg6[%get3A_1239, %get3A_1240] {strides = array<i32>} : memref<16x2048xf32, #tpu.memory_space<vmem>>, vector<16xf32>,
        %exp3A_1242 = math.exp %get3A_1241 : vector<16xf32>
        %add3A_1243 = arith.addf %add3A_1203, %exp3A_1242 : vector<16xf32>
        %get3A_1244 = arith.index_cast %scan3A_821 : i32 to index
        %get3A_1245 = arith.constant 1376 : index
        %get3A_1246 = tpu.vector_load %arg6[%get3A_1244, %get3A_1245] {strides = array<i32>} : memref<16x2048xf32, #tpu.memory_space<vmem>>, vector<16xf32>,
        %exp3A_1247 = math.exp %get3A_1246 : vector<16xf32>
        %add3A_1248 = arith.addf %add3A_1208, %exp3A_1247 : vector<16xf32>
        %get3A_1249 = arith.index_cast %scan3A_821 : i32 to index
        %get3A_1250 = arith.constant 1392 : index
        %get3A_1251 = tpu.vector_load %arg6[%get3A_1249, %get3A_1250] {strides = array<i32>} : memref<16x2048xf32, #tpu.memory_space<vmem>>, vector<16xf32>,
        %exp3A_1252 = math.exp %get3A_1251 : vector<16xf32>
        %add3A_1253 = arith.addf %add3A_1213, %exp3A_1252 : vector<16xf32>
        %get3A_1254 = arith.index_cast %scan3A_821 : i32 to index
        %get3A_1255 = arith.constant 1408 : index
        %get3A_1256 = tpu.vector_load %arg6[%get3A_1254, %get3A_1255] {strides = array<i32>} : memref<16x2048xf32, #tpu.memory_space<vmem>>, vector<16xf32>,
        %exp3A_1257 = math.exp %get3A_1256 : vector<16xf32>
        %add3A_1258 = arith.addf %add3A_1218, %exp3A_1257 : vector<16xf32>
        %get3A_1259 = arith.index_cast %scan3A_821 : i32 to index
        %get3A_1260 = arith.constant 1424 : index
        %get3A_1261 = tpu.vector_load %arg6[%get3A_1259, %get3A_1260] {strides = array<i32>} : memref<16x2048xf32, #tpu.memory_space<vmem>>, vector<16xf32>,
        %exp3A_1262 = math.exp %get3A_1261 : vector<16xf32>
        %add3A_1263 = arith.addf %add3A_1223, %exp3A_1262 : vector<16xf32>
        %get3A_1264 = arith.index_cast %scan3A_821 : i32 to index
        %get3A_1265 = arith.constant 1440 : index
        %get3A_1266 = tpu.vector_load %arg6[%get3A_1264, %get3A_1265] {strides = array<i32>} : memref<16x2048xf32, #tpu.memory_space<vmem>>, vector<16xf32>,
        %exp3A_1267 = math.exp %get3A_1266 : vector<16xf32>
        %add3A_1268 = arith.addf %add3A_1228, %exp3A_1267 : vector<16xf32>
        %get3A_1269 = arith.index_cast %scan3A_821 : i32 to index
        %get3A_1270 = arith.constant 1456 : index
        %get3A_1271 = tpu.vector_load %arg6[%get3A_1269, %get3A_1270] {strides = array<i32>} : memref<16x2048xf32, #tpu.memory_space<vmem>>, vector<16xf32>,
        %exp3A_1272 = math.exp %get3A_1271 : vector<16xf32>
        %add3A_1273 = arith.addf %add3A_1233, %exp3A_1272 : vector<16xf32>
        %get3A_1274 = arith.index_cast %scan3A_821 : i32 to index
        %get3A_1275 = arith.constant 1472 : index
        %get3A_1276 = tpu.vector_load %arg6[%get3A_1274, %get3A_1275] {strides = array<i32>} : memref<16x2048xf32, #tpu.memory_space<vmem>>, vector<16xf32>,
        %exp3A_1277 = math.exp %get3A_1276 : vector<16xf32>
        %add3A_1278 = arith.addf %add3A_1238, %exp3A_1277 : vector<16xf32>
        %get3A_1279 = arith.index_cast %scan3A_821 : i32 to index
        %get3A_1280 = arith.constant 1488 : index
        %get3A_1281 = tpu.vector_load %arg6[%get3A_1279, %get3A_1280] {strides = array<i32>} : memref<16x2048xf32, #tpu.memory_space<vmem>>, vector<16xf32>,
        %exp3A_1282 = math.exp %get3A_1281 : vector<16xf32>
        %add3A_1283 = arith.addf %add3A_1243, %exp3A_1282 : vector<16xf32>
        %get3A_1284 = arith.index_cast %scan3A_821 : i32 to index
        %get3A_1285 = arith.constant 1504 : index
        %get3A_1286 = tpu.vector_load %arg6[%get3A_1284, %get3A_1285] {strides = array<i32>} : memref<16x2048xf32, #tpu.memory_space<vmem>>, vector<16xf32>,
        %exp3A_1287 = math.exp %get3A_1286 : vector<16xf32>
        %add3A_1288 = arith.addf %add3A_1248, %exp3A_1287 : vector<16xf32>
        %get3A_1289 = arith.index_cast %scan3A_821 : i32 to index
        %get3A_1290 = arith.constant 1520 : index
        %get3A_1291 = tpu.vector_load %arg6[%get3A_1289, %get3A_1290] {strides = array<i32>} : memref<16x2048xf32, #tpu.memory_space<vmem>>, vector<16xf32>,
        %exp3A_1292 = math.exp %get3A_1291 : vector<16xf32>
        %add3A_1293 = arith.addf %add3A_1253, %exp3A_1292 : vector<16xf32>
        %get3A_1294 = arith.index_cast %scan3A_821 : i32 to index
        %get3A_1295 = arith.constant 1536 : index
        %get3A_1296 = tpu.vector_load %arg6[%get3A_1294, %get3A_1295] {strides = array<i32>} : memref<16x2048xf32, #tpu.memory_space<vmem>>, vector<16xf32>,
        %exp3A_1297 = math.exp %get3A_1296 : vector<16xf32>
        %add3A_1298 = arith.addf %add3A_1258, %exp3A_1297 : vector<16xf32>
        %get3A_1299 = arith.index_cast %scan3A_821 : i32 to index
        %get3A_1300 = arith.constant 1552 : index
        %get3A_1301 = tpu.vector_load %arg6[%get3A_1299, %get3A_1300] {strides = array<i32>} : memref<16x2048xf32, #tpu.memory_space<vmem>>, vector<16xf32>,
        %exp3A_1302 = math.exp %get3A_1301 : vector<16xf32>
        %add3A_1303 = arith.addf %add3A_1263, %exp3A_1302 : vector<16xf32>
        %get3A_1304 = arith.index_cast %scan3A_821 : i32 to index
        %get3A_1305 = arith.constant 1568 : index
        %get3A_1306 = tpu.vector_load %arg6[%get3A_1304, %get3A_1305] {strides = array<i32>} : memref<16x2048xf32, #tpu.memory_space<vmem>>, vector<16xf32>,
        %exp3A_1307 = math.exp %get3A_1306 : vector<16xf32>
        %add3A_1308 = arith.addf %add3A_1268, %exp3A_1307 : vector<16xf32>
        %get3A_1309 = arith.index_cast %scan3A_821 : i32 to index
        %get3A_1310 = arith.constant 1584 : index
        %get3A_1311 = tpu.vector_load %arg6[%get3A_1309, %get3A_1310] {strides = array<i32>} : memref<16x2048xf32, #tpu.memory_space<vmem>>, vector<16xf32>,
        %exp3A_1312 = math.exp %get3A_1311 : vector<16xf32>
        %add3A_1313 = arith.addf %add3A_1273, %exp3A_1312 : vector<16xf32>
        %get3A_1314 = arith.index_cast %scan3A_821 : i32 to index
        %get3A_1315 = arith.constant 1600 : index
        %get3A_1316 = tpu.vector_load %arg6[%get3A_1314, %get3A_1315] {strides = array<i32>} : memref<16x2048xf32, #tpu.memory_space<vmem>>, vector<16xf32>,
        %exp3A_1317 = math.exp %get3A_1316 : vector<16xf32>
        %add3A_1318 = arith.addf %add3A_1278, %exp3A_1317 : vector<16xf32>
        %get3A_1319 = arith.index_cast %scan3A_821 : i32 to index
        %get3A_1320 = arith.constant 1616 : index
        %get3A_1321 = tpu.vector_load %arg6[%get3A_1319, %get3A_1320] {strides = array<i32>} : memref<16x2048xf32, #tpu.memory_space<vmem>>, vector<16xf32>,
        %exp3A_1322 = math.exp %get3A_1321 : vector<16xf32>
        %add3A_1323 = arith.addf %add3A_1283, %exp3A_1322 : vector<16xf32>
        %get3A_1324 = arith.index_cast %scan3A_821 : i32 to index
        %get3A_1325 = arith.constant 1632 : index
        %get3A_1326 = tpu.vector_load %arg6[%get3A_1324, %get3A_1325] {strides = array<i32>} : memref<16x2048xf32, #tpu.memory_space<vmem>>, vector<16xf32>,
        %exp3A_1327 = math.exp %get3A_1326 : vector<16xf32>
        %add3A_1328 = arith.addf %add3A_1288, %exp3A_1327 : vector<16xf32>
        %get3A_1329 = arith.index_cast %scan3A_821 : i32 to index
        %get3A_1330 = arith.constant 1648 : index
        %get3A_1331 = tpu.vector_load %arg6[%get3A_1329, %get3A_1330] {strides = array<i32>} : memref<16x2048xf32, #tpu.memory_space<vmem>>, vector<16xf32>,
        %exp3A_1332 = math.exp %get3A_1331 : vector<16xf32>
        %add3A_1333 = arith.addf %add3A_1293, %exp3A_1332 : vector<16xf32>
        %get3A_1334 = arith.index_cast %scan3A_821 : i32 to index
        %get3A_1335 = arith.constant 1664 : index
        %get3A_1336 = tpu.vector_load %arg6[%get3A_1334, %get3A_1335] {strides = array<i32>} : memref<16x2048xf32, #tpu.memory_space<vmem>>, vector<16xf32>,
        %exp3A_1337 = math.exp %get3A_1336 : vector<16xf32>
        %add3A_1338 = arith.addf %add3A_1298, %exp3A_1337 : vector<16xf32>
        %get3A_1339 = arith.index_cast %scan3A_821 : i32 to index
        %get3A_1340 = arith.constant 1680 : index
        %get3A_1341 = tpu.vector_load %arg6[%get3A_1339, %get3A_1340] {strides = array<i32>} : memref<16x2048xf32, #tpu.memory_space<vmem>>, vector<16xf32>,
        %exp3A_1342 = math.exp %get3A_1341 : vector<16xf32>
        %add3A_1343 = arith.addf %add3A_1303, %exp3A_1342 : vector<16xf32>
        %get3A_1344 = arith.index_cast %scan3A_821 : i32 to index
        %get3A_1345 = arith.constant 1696 : index
        %get3A_1346 = tpu.vector_load %arg6[%get3A_1344, %get3A_1345] {strides = array<i32>} : memref<16x2048xf32, #tpu.memory_space<vmem>>, vector<16xf32>,
        %exp3A_1347 = math.exp %get3A_1346 : vector<16xf32>
        %add3A_1348 = arith.addf %add3A_1308, %exp3A_1347 : vector<16xf32>
        %get3A_1349 = arith.index_cast %scan3A_821 : i32 to index
        %get3A_1350 = arith.constant 1712 : index
        %get3A_1351 = tpu.vector_load %arg6[%get3A_1349, %get3A_1350] {strides = array<i32>} : memref<16x2048xf32, #tpu.memory_space<vmem>>, vector<16xf32>,
        %exp3A_1352 = math.exp %get3A_1351 : vector<16xf32>
        %add3A_1353 = arith.addf %add3A_1313, %exp3A_1352 : vector<16xf32>
        %get3A_1354 = arith.index_cast %scan3A_821 : i32 to index
        %get3A_1355 = arith.constant 1728 : index
        %get3A_1356 = tpu.vector_load %arg6[%get3A_1354, %get3A_1355] {strides = array<i32>} : memref<16x2048xf32, #tpu.memory_space<vmem>>, vector<16xf32>,
        %exp3A_1357 = math.exp %get3A_1356 : vector<16xf32>
        %add3A_1358 = arith.addf %add3A_1318, %exp3A_1357 : vector<16xf32>
        %get3A_1359 = arith.index_cast %scan3A_821 : i32 to index
        %get3A_1360 = arith.constant 1744 : index
        %get3A_1361 = tpu.vector_load %arg6[%get3A_1359, %get3A_1360] {strides = array<i32>} : memref<16x2048xf32, #tpu.memory_space<vmem>>, vector<16xf32>,
        %exp3A_1362 = math.exp %get3A_1361 : vector<16xf32>
        %add3A_1363 = arith.addf %add3A_1323, %exp3A_1362 : vector<16xf32>
        %get3A_1364 = arith.index_cast %scan3A_821 : i32 to index
        %get3A_1365 = arith.constant 1760 : index
        %get3A_1366 = tpu.vector_load %arg6[%get3A_1364, %get3A_1365] {strides = array<i32>} : memref<16x2048xf32, #tpu.memory_space<vmem>>, vector<16xf32>,
        %exp3A_1367 = math.exp %get3A_1366 : vector<16xf32>
        %add3A_1368 = arith.addf %add3A_1328, %exp3A_1367 : vector<16xf32>
        %get3A_1369 = arith.index_cast %scan3A_821 : i32 to index
        %get3A_1370 = arith.constant 1776 : index
        %get3A_1371 = tpu.vector_load %arg6[%get3A_1369, %get3A_1370] {strides = array<i32>} : memref<16x2048xf32, #tpu.memory_space<vmem>>, vector<16xf32>,
        %exp3A_1372 = math.exp %get3A_1371 : vector<16xf32>
        %add3A_1373 = arith.addf %add3A_1333, %exp3A_1372 : vector<16xf32>
        %get3A_1374 = arith.index_cast %scan3A_821 : i32 to index
        %get3A_1375 = arith.constant 1792 : index
        %get3A_1376 = tpu.vector_load %arg6[%get3A_1374, %get3A_1375] {strides = array<i32>} : memref<16x2048xf32, #tpu.memory_space<vmem>>, vector<16xf32>,
        %exp3A_1377 = math.exp %get3A_1376 : vector<16xf32>
        %add3A_1378 = arith.addf %add3A_1338, %exp3A_1377 : vector<16xf32>
        %get3A_1379 = arith.index_cast %scan3A_821 : i32 to index
        %get3A_1380 = arith.constant 1808 : index
        %get3A_1381 = tpu.vector_load %arg6[%get3A_1379, %get3A_1380] {strides = array<i32>} : memref<16x2048xf32, #tpu.memory_space<vmem>>, vector<16xf32>,
        %exp3A_1382 = math.exp %get3A_1381 : vector<16xf32>
        %add3A_1383 = arith.addf %add3A_1343, %exp3A_1382 : vector<16xf32>
        %get3A_1384 = arith.index_cast %scan3A_821 : i32 to index
        %get3A_1385 = arith.constant 1824 : index
        %get3A_1386 = tpu.vector_load %arg6[%get3A_1384, %get3A_1385] {strides = array<i32>} : memref<16x2048xf32, #tpu.memory_space<vmem>>, vector<16xf32>,
        %exp3A_1387 = math.exp %get3A_1386 : vector<16xf32>
        %add3A_1388 = arith.addf %add3A_1348, %exp3A_1387 : vector<16xf32>
        %get3A_1389 = arith.index_cast %scan3A_821 : i32 to index
        %get3A_1390 = arith.constant 1840 : index
        %get3A_1391 = tpu.vector_load %arg6[%get3A_1389, %get3A_1390] {strides = array<i32>} : memref<16x2048xf32, #tpu.memory_space<vmem>>, vector<16xf32>,
        %exp3A_1392 = math.exp %get3A_1391 : vector<16xf32>
        %add3A_1393 = arith.addf %add3A_1353, %exp3A_1392 : vector<16xf32>
        %get3A_1394 = arith.index_cast %scan3A_821 : i32 to index
        %get3A_1395 = arith.constant 1856 : index
        %get3A_1396 = tpu.vector_load %arg6[%get3A_1394, %get3A_1395] {strides = array<i32>} : memref<16x2048xf32, #tpu.memory_space<vmem>>, vector<16xf32>,
        %exp3A_1397 = math.exp %get3A_1396 : vector<16xf32>
        %add3A_1398 = arith.addf %add3A_1358, %exp3A_1397 : vector<16xf32>
        %get3A_1399 = arith.index_cast %scan3A_821 : i32 to index
        %get3A_1400 = arith.constant 1872 : index
        %get3A_1401 = tpu.vector_load %arg6[%get3A_1399, %get3A_1400] {strides = array<i32>} : memref<16x2048xf32, #tpu.memory_space<vmem>>, vector<16xf32>,
        %exp3A_1402 = math.exp %get3A_1401 : vector<16xf32>
        %add3A_1403 = arith.addf %add3A_1363, %exp3A_1402 : vector<16xf32>
        %get3A_1404 = arith.index_cast %scan3A_821 : i32 to index
        %get3A_1405 = arith.constant 1888 : index
        %get3A_1406 = tpu.vector_load %arg6[%get3A_1404, %get3A_1405] {strides = array<i32>} : memref<16x2048xf32, #tpu.memory_space<vmem>>, vector<16xf32>,
        %exp3A_1407 = math.exp %get3A_1406 : vector<16xf32>
        %add3A_1408 = arith.addf %add3A_1368, %exp3A_1407 : vector<16xf32>
        %get3A_1409 = arith.index_cast %scan3A_821 : i32 to index
        %get3A_1410 = arith.constant 1904 : index
        %get3A_1411 = tpu.vector_load %arg6[%get3A_1409, %get3A_1410] {strides = array<i32>} : memref<16x2048xf32, #tpu.memory_space<vmem>>, vector<16xf32>,
        %exp3A_1412 = math.exp %get3A_1411 : vector<16xf32>
        %add3A_1413 = arith.addf %add3A_1373, %exp3A_1412 : vector<16xf32>
        %get3A_1414 = arith.index_cast %scan3A_821 : i32 to index
        %get3A_1415 = arith.constant 1920 : index
        %get3A_1416 = tpu.vector_load %arg6[%get3A_1414, %get3A_1415] {strides = array<i32>} : memref<16x2048xf32, #tpu.memory_space<vmem>>, vector<16xf32>,
        %exp3A_1417 = math.exp %get3A_1416 : vector<16xf32>
        %add3A_1418 = arith.addf %add3A_1378, %exp3A_1417 : vector<16xf32>
        %get3A_1419 = arith.index_cast %scan3A_821 : i32 to index
        %get3A_1420 = arith.constant 1936 : index
        %get3A_1421 = tpu.vector_load %arg6[%get3A_1419, %get3A_1420] {strides = array<i32>} : memref<16x2048xf32, #tpu.memory_space<vmem>>, vector<16xf32>,
        %exp3A_1422 = math.exp %get3A_1421 : vector<16xf32>
        %add3A_1423 = arith.addf %add3A_1383, %exp3A_1422 : vector<16xf32>
        %get3A_1424 = arith.index_cast %scan3A_821 : i32 to index
        %get3A_1425 = arith.constant 1952 : index
        %get3A_1426 = tpu.vector_load %arg6[%get3A_1424, %get3A_1425] {strides = array<i32>} : memref<16x2048xf32, #tpu.memory_space<vmem>>, vector<16xf32>,
        %exp3A_1427 = math.exp %get3A_1426 : vector<16xf32>
        %add3A_1428 = arith.addf %add3A_1388, %exp3A_1427 : vector<16xf32>
        %get3A_1429 = arith.index_cast %scan3A_821 : i32 to index
        %get3A_1430 = arith.constant 1968 : index
        %get3A_1431 = tpu.vector_load %arg6[%get3A_1429, %get3A_1430] {strides = array<i32>} : memref<16x2048xf32, #tpu.memory_space<vmem>>, vector<16xf32>,
        %exp3A_1432 = math.exp %get3A_1431 : vector<16xf32>
        %add3A_1433 = arith.addf %add3A_1393, %exp3A_1432 : vector<16xf32>
        %get3A_1434 = arith.index_cast %scan3A_821 : i32 to index
        %get3A_1435 = arith.constant 1984 : index
        %get3A_1436 = tpu.vector_load %arg6[%get3A_1434, %get3A_1435] {strides = array<i32>} : memref<16x2048xf32, #tpu.memory_space<vmem>>, vector<16xf32>,
        %exp3A_1437 = math.exp %get3A_1436 : vector<16xf32>
        %add3A_1438 = arith.addf %add3A_1398, %exp3A_1437 : vector<16xf32>
        %get3A_1439 = arith.index_cast %scan3A_821 : i32 to index
        %get3A_1440 = arith.constant 2000 : index
        %get3A_1441 = tpu.vector_load %arg6[%get3A_1439, %get3A_1440] {strides = array<i32>} : memref<16x2048xf32, #tpu.memory_space<vmem>>, vector<16xf32>,
        %exp3A_1442 = math.exp %get3A_1441 : vector<16xf32>
        %add3A_1443 = arith.addf %add3A_1403, %exp3A_1442 : vector<16xf32>
        %get3A_1444 = arith.index_cast %scan3A_821 : i32 to index
        %get3A_1445 = arith.constant 2016 : index
        %get3A_1446 = tpu.vector_load %arg6[%get3A_1444, %get3A_1445] {strides = array<i32>} : memref<16x2048xf32, #tpu.memory_space<vmem>>, vector<16xf32>,
        %exp3A_1447 = math.exp %get3A_1446 : vector<16xf32>
        %add3A_1448 = arith.addf %add3A_1408, %exp3A_1447 : vector<16xf32>
        %get3A_1449 = arith.index_cast %scan3A_821 : i32 to index
        %get3A_1450 = arith.constant 2032 : index
        %get3A_1451 = tpu.vector_load %arg6[%get3A_1449, %get3A_1450] {strides = array<i32>} : memref<16x2048xf32, #tpu.memory_space<vmem>>, vector<16xf32>,
        %exp3A_1452 = math.exp %get3A_1451 : vector<16xf32>
        %add3A_1453 = arith.addf %add3A_1413, %exp3A_1452 : vector<16xf32>
        %add3A_1454 = arith.addf %add3A_1418, %add3A_1423 : vector<16xf32>
        %add3A_1455 = arith.addf %add3A_1428, %add3A_1433 : vector<16xf32>
        %add3A_1456 = arith.addf %add3A_1438, %add3A_1443 : vector<16xf32>
        %add3A_1457 = arith.addf %add3A_1448, %add3A_1453 : vector<16xf32>
        %add3A_1458 = arith.addf %add3A_1454, %add3A_1455 : vector<16xf32>
        %add3A_1459 = arith.addf %add3A_1456, %add3A_1457 : vector<16xf32>
        %add3A_1460 = arith.addf %add3A_1458, %add3A_1459 : vector<16xf32>
        %swap3A_1461 = arith.index_cast %scan3A_821 : i32 to index
        %swap3A_1462 = arith.constant 0 : index
        %swap3A_1463 = tpu.vector_load %arg9[%swap3A_1461, %swap3A_1462] {strides = array<i32>} : memref<16x16xf32, #tpu.memory_space<vmem>>, vector<16xf32>,
        tpu.vector_store %arg9[%swap3A_1461, %swap3A_1462], %add3A_1460 {strides = array<i32>} : memref<16x16xf32, #tpu.memory_space<vmem>>, vector<16xf32>,
        %broadcast_in_dim3A_1464 = vector.broadcast %scan3A_821 : i32 to vector<16xi32>
        %gather3A_1465 = tpu.vector_load_idx %arg6[%broadcast_in_dim3A_1464, %get3A_33] : memref<16x2048xf32, #tpu.memory_space<vmem>>[vector<16xi32>, vector<16xi32>], vector<16xf32>,
        %swap3A_1466 = arith.index_cast %scan3A_821 : i32 to index
        %swap3A_1467 = arith.constant 0 : index
        %swap3A_1468 = tpu.vector_load %arg8[%swap3A_1466, %swap3A_1467] {strides = array<i32>} : memref<16x208xf32, #tpu.memory_space<vmem>>, vector<16xf32>,
        tpu.vector_store %arg8[%swap3A_1466, %swap3A_1467], %gather3A_1465 {strides = array<i32>} : memref<16x208xf32, #tpu.memory_space<vmem>>, vector<16xf32>,
        %gather3A_1469 = tpu.vector_load_idx %arg6[%broadcast_in_dim3A_1464, %get3A_35] : memref<16x2048xf32, #tpu.memory_space<vmem>>[vector<16xi32>, vector<16xi32>], vector<16xf32>,
        %swap3A_1470 = arith.index_cast %scan3A_821 : i32 to index
        %swap3A_1471 = arith.constant 16 : index
        %swap3A_1472 = tpu.vector_load %arg8[%swap3A_1470, %swap3A_1471] {strides = array<i32>} : memref<16x208xf32, #tpu.memory_space<vmem>>, vector<16xf32>,
        tpu.vector_store %arg8[%swap3A_1470, %swap3A_1471], %gather3A_1469 {strides = array<i32>} : memref<16x208xf32, #tpu.memory_space<vmem>>, vector<16xf32>,
        %gather3A_1473 = tpu.vector_load_idx %arg6[%broadcast_in_dim3A_1464, %get3A_37] : memref<16x2048xf32, #tpu.memory_space<vmem>>[vector<16xi32>, vector<16xi32>], vector<16xf32>,
        %swap3A_1474 = arith.index_cast %scan3A_821 : i32 to index
        %swap3A_1475 = arith.constant 32 : index
        %swap3A_1476 = tpu.vector_load %arg8[%swap3A_1474, %swap3A_1475] {strides = array<i32>} : memref<16x208xf32, #tpu.memory_space<vmem>>, vector<16xf32>,
        tpu.vector_store %arg8[%swap3A_1474, %swap3A_1475], %gather3A_1473 {strides = array<i32>} : memref<16x208xf32, #tpu.memory_space<vmem>>, vector<16xf32>,
        %gather3A_1477 = tpu.vector_load_idx %arg6[%broadcast_in_dim3A_1464, %get3A_39] : memref<16x2048xf32, #tpu.memory_space<vmem>>[vector<16xi32>, vector<16xi32>], vector<16xf32>,
        %swap3A_1478 = arith.index_cast %scan3A_821 : i32 to index
        %swap3A_1479 = arith.constant 48 : index
        %swap3A_1480 = tpu.vector_load %arg8[%swap3A_1478, %swap3A_1479] {strides = array<i32>} : memref<16x208xf32, #tpu.memory_space<vmem>>, vector<16xf32>,
        tpu.vector_store %arg8[%swap3A_1478, %swap3A_1479], %gather3A_1477 {strides = array<i32>} : memref<16x208xf32, #tpu.memory_space<vmem>>, vector<16xf32>,
        %gather3A_1481 = tpu.vector_load_idx %arg6[%broadcast_in_dim3A_1464, %get3A_41] : memref<16x2048xf32, #tpu.memory_space<vmem>>[vector<16xi32>, vector<16xi32>], vector<16xf32>,
        %swap3A_1482 = arith.index_cast %scan3A_821 : i32 to index
        %swap3A_1483 = arith.constant 64 : index
        %swap3A_1484 = tpu.vector_load %arg8[%swap3A_1482, %swap3A_1483] {strides = array<i32>} : memref<16x208xf32, #tpu.memory_space<vmem>>, vector<16xf32>,
        tpu.vector_store %arg8[%swap3A_1482, %swap3A_1483], %gather3A_1481 {strides = array<i32>} : memref<16x208xf32, #tpu.memory_space<vmem>>, vector<16xf32>,
        %gather3A_1485 = tpu.vector_load_idx %arg6[%broadcast_in_dim3A_1464, %get3A_43] : memref<16x2048xf32, #tpu.memory_space<vmem>>[vector<16xi32>, vector<16xi32>], vector<16xf32>,
        %swap3A_1486 = arith.index_cast %scan3A_821 : i32 to index
        %swap3A_1487 = arith.constant 80 : index
        %swap3A_1488 = tpu.vector_load %arg8[%swap3A_1486, %swap3A_1487] {strides = array<i32>} : memref<16x208xf32, #tpu.memory_space<vmem>>, vector<16xf32>,
        tpu.vector_store %arg8[%swap3A_1486, %swap3A_1487], %gather3A_1485 {strides = array<i32>} : memref<16x208xf32, #tpu.memory_space<vmem>>, vector<16xf32>,
        %gather3A_1489 = tpu.vector_load_idx %arg6[%broadcast_in_dim3A_1464, %get3A_45] : memref<16x2048xf32, #tpu.memory_space<vmem>>[vector<16xi32>, vector<16xi32>], vector<16xf32>,
        %swap3A_1490 = arith.index_cast %scan3A_821 : i32 to index
        %swap3A_1491 = arith.constant 96 : index
        %swap3A_1492 = tpu.vector_load %arg8[%swap3A_1490, %swap3A_1491] {strides = array<i32>} : memref<16x208xf32, #tpu.memory_space<vmem>>, vector<16xf32>,
        tpu.vector_store %arg8[%swap3A_1490, %swap3A_1491], %gather3A_1489 {strides = array<i32>} : memref<16x208xf32, #tpu.memory_space<vmem>>, vector<16xf32>,
        %gather3A_1493 = tpu.vector_load_idx %arg6[%broadcast_in_dim3A_1464, %get3A_47] : memref<16x2048xf32, #tpu.memory_space<vmem>>[vector<16xi32>, vector<16xi32>], vector<16xf32>,
        %swap3A_1494 = arith.index_cast %scan3A_821 : i32 to index
        %swap3A_1495 = arith.constant 112 : index
        %swap3A_1496 = tpu.vector_load %arg8[%swap3A_1494, %swap3A_1495] {strides = array<i32>} : memref<16x208xf32, #tpu.memory_space<vmem>>, vector<16xf32>,
        tpu.vector_store %arg8[%swap3A_1494, %swap3A_1495], %gather3A_1493 {strides = array<i32>} : memref<16x208xf32, #tpu.memory_space<vmem>>, vector<16xf32>,
        %gather3A_1497 = tpu.vector_load_idx %arg6[%broadcast_in_dim3A_1464, %get3A_49] : memref<16x2048xf32, #tpu.memory_space<vmem>>[vector<16xi32>, vector<16xi32>], vector<16xf32>,
        %swap3A_1498 = arith.index_cast %scan3A_821 : i32 to index
        %swap3A_1499 = arith.constant 128 : index
        %swap3A_1500 = tpu.vector_load %arg8[%swap3A_1498, %swap3A_1499] {strides = array<i32>} : memref<16x208xf32, #tpu.memory_space<vmem>>, vector<16xf32>,
        tpu.vector_store %arg8[%swap3A_1498, %swap3A_1499], %gather3A_1497 {strides = array<i32>} : memref<16x208xf32, #tpu.memory_space<vmem>>, vector<16xf32>,
        %gather3A_1501 = tpu.vector_load_idx %arg6[%broadcast_in_dim3A_1464, %get3A_51] : memref<16x2048xf32, #tpu.memory_space<vmem>>[vector<16xi32>, vector<16xi32>], vector<16xf32>,
        %swap3A_1502 = arith.index_cast %scan3A_821 : i32 to index
        %swap3A_1503 = arith.constant 144 : index
        %swap3A_1504 = tpu.vector_load %arg8[%swap3A_1502, %swap3A_1503] {strides = array<i32>} : memref<16x208xf32, #tpu.memory_space<vmem>>, vector<16xf32>,
        tpu.vector_store %arg8[%swap3A_1502, %swap3A_1503], %gather3A_1501 {strides = array<i32>} : memref<16x208xf32, #tpu.memory_space<vmem>>, vector<16xf32>,
        %gather3A_1505 = tpu.vector_load_idx %arg6[%broadcast_in_dim3A_1464, %get3A_53] : memref<16x2048xf32, #tpu.memory_space<vmem>>[vector<16xi32>, vector<16xi32>], vector<16xf32>,
        %swap3A_1506 = arith.index_cast %scan3A_821 : i32 to index
        %swap3A_1507 = arith.constant 160 : index
        %swap3A_1508 = tpu.vector_load %arg8[%swap3A_1506, %swap3A_1507] {strides = array<i32>} : memref<16x208xf32, #tpu.memory_space<vmem>>, vector<16xf32>,
        tpu.vector_store %arg8[%swap3A_1506, %swap3A_1507], %gather3A_1505 {strides = array<i32>} : memref<16x208xf32, #tpu.memory_space<vmem>>, vector<16xf32>,
        %gather3A_1509 = tpu.vector_load_idx %arg6[%broadcast_in_dim3A_1464, %get3A_55] : memref<16x2048xf32, #tpu.memory_space<vmem>>[vector<16xi32>, vector<16xi32>], vector<16xf32>,
        %swap3A_1510 = arith.index_cast %scan3A_821 : i32 to index
        %swap3A_1511 = arith.constant 176 : index
        %swap3A_1512 = tpu.vector_load %arg8[%swap3A_1510, %swap3A_1511] {strides = array<i32>} : memref<16x208xf32, #tpu.memory_space<vmem>>, vector<16xf32>,
        tpu.vector_store %arg8[%swap3A_1510, %swap3A_1511], %gather3A_1509 {strides = array<i32>} : memref<16x208xf32, #tpu.memory_space<vmem>>, vector<16xf32>,
        %gather3A_1513 = tpu.vector_load_idx %arg6[%broadcast_in_dim3A_1464, %get3A_57] : memref<16x2048xf32, #tpu.memory_space<vmem>>[vector<16xi32>, vector<16xi32>], vector<16xf32>,
        %swap3A_1514 = arith.index_cast %scan3A_821 : i32 to index
        %swap3A_1515 = arith.constant 192 : index
        %swap3A_1516 = tpu.vector_load %arg8[%swap3A_1514, %swap3A_1515] {strides = array<i32>} : memref<16x208xf32, #tpu.memory_space<vmem>>, vector<16xf32>,
        tpu.vector_store %arg8[%swap3A_1514, %swap3A_1515], %gather3A_1513 {strides = array<i32>} : memref<16x208xf32, #tpu.memory_space<vmem>>, vector<16xf32>,
      }
      %scan3A_101 = arith.constant 16 : i32
      "tpu.region"() ({
        %run_scoped3A = tpu.sem_alloc : memref<!tpu.dma_semaphore, #tpu.memory_space<semaphore_mem>>
        %dma_start3A_128 = arith.constant 0 : i32
        %dma_start3A_129 = tpu.memref_slice %arg4[%add3A_95, %select_n3A, %dma_start3A_128] : memref<1600x16x208xf32, #tpu.memory_space<hbm>> -> memref<16x1x208xf32, #tpu.memory_space<hbm>>
        %dma_start3A_130 = tpu.memref_squeeze %dma_start3A_129 : memref<16x1x208xf32, #tpu.memory_space<hbm>> -> memref<16x208xf32, #tpu.memory_space<hbm>>
        %dma_start3A_131 = arith.constant 0 : i32
        %dma_start3A_132 = tpu.memref_slice %arg4[%add3A_95, %select_n3A, %dma_start3A_131] : memref<1600x16x208xf32, #tpu.memory_space<hbm>> -> memref<16x1x208xf32, #tpu.memory_space<hbm>>
        %dma_start3A_133 = tpu.memref_squeeze %dma_start3A_132 : memref<16x1x208xf32, #tpu.memory_space<hbm>> -> memref<16x208xf32, #tpu.memory_space<hbm>>
        tpu.enqueue_dma source(%arg8 : memref<16x208xf32, #tpu.memory_space<vmem>>) target(%dma_start3A_133 : memref<16x208xf32, #tpu.memory_space<hbm>>) target_semaphore(%run_scoped3A : memref<!tpu.dma_semaphore, #tpu.memory_space<semaphore_mem>>)
        %dma_wait3A_134 = arith.constant 0 : i32
        %dma_wait3A_135 = tpu.memref_slice %arg4[%add3A_95, %select_n3A, %dma_wait3A_134] : memref<1600x16x208xf32, #tpu.memory_space<hbm>> -> memref<16x1x208xf32, #tpu.memory_space<hbm>>
        %dma_wait3A_136 = tpu.memref_squeeze %dma_wait3A_135 : memref<16x1x208xf32, #tpu.memory_space<hbm>> -> memref<16x208xf32, #tpu.memory_space<hbm>>
        %dma_wait3A_137 = arith.constant 0 : i32
        %dma_wait3A_138 = tpu.memref_slice %arg4[%add3A_95, %select_n3A, %dma_wait3A_137] : memref<1600x16x208xf32, #tpu.memory_space<hbm>> -> memref<16x1x208xf32, #tpu.memory_space<hbm>>
        %dma_wait3A_139 = tpu.memref_squeeze %dma_wait3A_138 : memref<16x1x208xf32, #tpu.memory_space<hbm>> -> memref<16x208xf32, #tpu.memory_space<hbm>>
        tpu.wait_dma2 semaphore(%run_scoped3A : memref<!tpu.dma_semaphore, #tpu.memory_space<semaphore_mem>>) src(%arg8 : memref<16x208xf32, #tpu.memory_space<vmem>>) dst(%dma_wait3A_139 : memref<16x208xf32, #tpu.memory_space<hbm>>)
        tpu.yield
      }) : () -> ()
      "tpu.region"() ({
        %run_scoped3A = tpu.sem_alloc : memref<!tpu.dma_semaphore, #tpu.memory_space<semaphore_mem>>
        %dma_start3A_128 = arith.constant 0 : i32
        %dma_start3A_129 = tpu.memref_slice %arg5[%select_n3A, %add3A_95, %dma_start3A_128] : memref<16x1600x16xf32, #tpu.memory_space<hbm>> -> memref<1x16x16xf32, #tpu.memory_space<hbm>>
        %dma_start3A_130 = tpu.memref_squeeze %dma_start3A_129 : memref<1x16x16xf32, #tpu.memory_space<hbm>> -> memref<16x16xf32, #tpu.memory_space<hbm>>
        %dma_start3A_131 = arith.constant 0 : i32
        %dma_start3A_132 = tpu.memref_slice %arg5[%select_n3A, %add3A_95, %dma_start3A_131] : memref<16x1600x16xf32, #tpu.memory_space<hbm>> -> memref<1x16x16xf32, #tpu.memory_space<hbm>>
        %dma_start3A_133 = tpu.memref_squeeze %dma_start3A_132 : memref<1x16x16xf32, #tpu.memory_space<hbm>> -> memref<16x16xf32, #tpu.memory_space<hbm>>
        tpu.enqueue_dma source(%arg9 : memref<16x16xf32, #tpu.memory_space<vmem>>) target(%dma_start3A_133 : memref<16x16xf32, #tpu.memory_space<hbm>>) target_semaphore(%run_scoped3A : memref<!tpu.dma_semaphore, #tpu.memory_space<semaphore_mem>>)
        %dma_wait3A_134 = arith.constant 0 : i32
        %dma_wait3A_135 = tpu.memref_slice %arg5[%select_n3A, %add3A_95, %dma_wait3A_134] : memref<16x1600x16xf32, #tpu.memory_space<hbm>> -> memref<1x16x16xf32, #tpu.memory_space<hbm>>
        %dma_wait3A_136 = tpu.memref_squeeze %dma_wait3A_135 : memref<1x16x16xf32, #tpu.memory_space<hbm>> -> memref<16x16xf32, #tpu.memory_space<hbm>>
        %dma_wait3A_137 = arith.constant 0 : i32
        %dma_wait3A_138 = tpu.memref_slice %arg5[%select_n3A, %add3A_95, %dma_wait3A_137] : memref<16x1600x16xf32, #tpu.memory_space<hbm>> -> memref<1x16x16xf32, #tpu.memory_space<hbm>>
        %dma_wait3A_139 = tpu.memref_squeeze %dma_wait3A_138 : memref<1x16x16xf32, #tpu.memory_space<hbm>> -> memref<16x16xf32, #tpu.memory_space<hbm>>
        tpu.wait_dma2 semaphore(%run_scoped3A : memref<!tpu.dma_semaphore, #tpu.memory_space<semaphore_mem>>) src(%arg9 : memref<16x16xf32, #tpu.memory_space<vmem>>) dst(%dma_wait3A_139 : memref<16x16xf32, #tpu.memory_space<hbm>>)
        tpu.yield
      }) : () -> ()
      %dma_wait3A_102 = arith.constant 0 : i32
      %dma_wait3A_103 = arith.constant 0 : i32
      %dma_wait3A_104 = tpu.memref_slice %arg2[%dma_wait3A_102, %dma_wait3A_103] : memref<25600x2048xf32, #tpu.memory_space<hbm>> -> memref<16x2048xf32, #tpu.memory_space<hbm>>
      %dma_wait3A_105 = arith.constant 0 : i32
      %dma_wait3A_106 = arith.constant 0 : i32
      %dma_wait3A_107 = tpu.memref_slice %arg2[%dma_wait3A_105, %dma_wait3A_106] : memref<25600x2048xf32, #tpu.memory_space<hbm>> -> memref<16x2048xf32, #tpu.memory_space<hbm>>
      tpu.wait_dma2 semaphore(%arg12 : memref<!tpu.dma_semaphore, #tpu.memory_space<semaphore_mem>>) src(%dma_wait3A_107 : memref<16x2048xf32, #tpu.memory_space<hbm>>) dst(%arg7 : memref<16x2048xf32, #tpu.memory_space<vmem>>)
      %mul3A_108 = arith.constant 2 : i32
      %mul3A_109 = arith.muli %mul3A_108, %scan3A_71 : i32
      %add3A_110 = arith.constant 2 : i32
      %add3A_111 = arith.addi %mul3A_109, %add3A_110 : i32
      %lt3A_112 = arith.constant 50 : i32
      %lt3A_113 = arith.cmpi slt, %add3A_111, %lt3A_112 : i32
      %convert_element_type3A = arith.extui %lt3A_113 : i1 to i32
      %cond3A = arith.constant 0 : i32
      %cond3A_114 = arith.cmpi ne, %convert_element_type3A, %cond3A : i32
      scf.if %cond3A_114 {
        %mul3A_128 = arith.constant 2 : i32
        %mul3A_129 = arith.muli %mul3A_128, %scan3A_71 : i32
        %add3A_130 = arith.constant 2 : i32
        %add3A_131 = arith.addi %mul3A_129, %add3A_130 : i32
        %mul3A_132 = arith.constant 1600 : i32
        %mul3A_133 = arith.muli %select_n3A, %mul3A_132 : i32
        %add3A_134 = arith.addi %mul3A_133, %mul3A_32 : i32
        %mul3A_135 = arith.constant 16 : i32
        %mul3A_136 = arith.muli %add3A_131, %mul3A_135 : i32
        %add3A_137 = arith.addi %add3A_134, %mul3A_136 : i32
        %dma_start3A_138 = arith.constant 0 : i32
        %dma_start3A_139 = tpu.memref_slice %arg2[%add3A_137, %dma_start3A_138] : memref<25600x2048xf32, #tpu.memory_space<hbm>> -> memref<16x2048xf32, #tpu.memory_space<hbm>>
        %dma_start3A_140 = arith.constant 0 : i32
        %dma_start3A_141 = tpu.memref_slice %arg2[%add3A_137, %dma_start3A_140] : memref<25600x2048xf32, #tpu.memory_space<hbm>> -> memref<16x2048xf32, #tpu.memory_space<hbm>>
        tpu.enqueue_dma source(%dma_start3A_141 : memref<16x2048xf32, #tpu.memory_space<hbm>>) target(%arg6 : memref<16x2048xf32, #tpu.memory_space<vmem>>) target_semaphore(%arg11 : memref<!tpu.dma_semaphore, #tpu.memory_space<semaphore_mem>>)
      } else {
      }
      %mul3A_115 = arith.constant 2 : i32
      %mul3A_116 = arith.muli %mul3A_115, %scan3A_71 : i32
      %add3A_117 = arith.constant 1 : i32
      %add3A_118 = arith.addi %mul3A_116, %add3A_117 : i32
      %mul3A_119 = arith.constant 16 : i32
      %mul3A_120 = arith.muli %add3A_118, %mul3A_119 : i32
      %add3A_121 = arith.addi %mul3A_32, %mul3A_120 : i32
      %scan3A_122 = arith.constant 0 : i32
      %scan3A_123 = arith.constant 0 : i32
      %scan3A_124 = arith.constant 16 : i32
      %scan3A_125 = arith.addi %scan3A_123, %scan3A_124 : i32
      %scan3A_126 = arith.constant 2 : i32
      scf.for %scan3A_128 = %scan3A_123 to %scan3A_125 step %scan3A_126  : i32 {
        %get3A_129 = arith.index_cast %scan3A_128 : i32 to index
        %get3A_130 = arith.constant 0 : index
        %get3A_131 = tpu.vector_load %arg7[%get3A_129, %get3A_130] {strides = array<i32>} : memref<16x2048xf32, #tpu.memory_space<vmem>>, vector<16xf32>,
        %exp3A = math.exp %get3A_131 : vector<16xf32>
        %get3A_132 = arith.index_cast %scan3A_128 : i32 to index
        %get3A_133 = arith.constant 16 : index
        %get3A_134 = tpu.vector_load %arg7[%get3A_132, %get3A_133] {strides = array<i32>} : memref<16x2048xf32, #tpu.memory_space<vmem>>, vector<16xf32>,
        %exp3A_135 = math.exp %get3A_134 : vector<16xf32>
        %get3A_136 = arith.index_cast %scan3A_128 : i32 to index
        %get3A_137 = arith.constant 32 : index
        %get3A_138 = tpu.vector_load %arg7[%get3A_136, %get3A_137] {strides = array<i32>} : memref<16x2048xf32, #tpu.memory_space<vmem>>, vector<16xf32>,
        %exp3A_139 = math.exp %get3A_138 : vector<16xf32>
        %get3A_140 = arith.index_cast %scan3A_128 : i32 to index
        %get3A_141 = arith.constant 48 : index
        %get3A_142 = tpu.vector_load %arg7[%get3A_140, %get3A_141] {strides = array<i32>} : memref<16x2048xf32, #tpu.memory_space<vmem>>, vector<16xf32>,
        %exp3A_143 = math.exp %get3A_142 : vector<16xf32>
        %get3A_144 = arith.index_cast %scan3A_128 : i32 to index
        %get3A_145 = arith.constant 64 : index
        %get3A_146 = tpu.vector_load %arg7[%get3A_144, %get3A_145] {strides = array<i32>} : memref<16x2048xf32, #tpu.memory_space<vmem>>, vector<16xf32>,
        %exp3A_147 = math.exp %get3A_146 : vector<16xf32>
        %get3A_148 = arith.index_cast %scan3A_128 : i32 to index
        %get3A_149 = arith.constant 80 : index
        %get3A_150 = tpu.vector_load %arg7[%get3A_148, %get3A_149] {strides = array<i32>} : memref<16x2048xf32, #tpu.memory_space<vmem>>, vector<16xf32>,
        %exp3A_151 = math.exp %get3A_150 : vector<16xf32>
        %get3A_152 = arith.index_cast %scan3A_128 : i32 to index
        %get3A_153 = arith.constant 96 : index
        %get3A_154 = tpu.vector_load %arg7[%get3A_152, %get3A_153] {strides = array<i32>} : memref<16x2048xf32, #tpu.memory_space<vmem>>, vector<16xf32>,
        %exp3A_155 = math.exp %get3A_154 : vector<16xf32>
        %get3A_156 = arith.index_cast %scan3A_128 : i32 to index
        %get3A_157 = arith.constant 112 : index
        %get3A_158 = tpu.vector_load %arg7[%get3A_156, %get3A_157] {strides = array<i32>} : memref<16x2048xf32, #tpu.memory_space<vmem>>, vector<16xf32>,
        %exp3A_159 = math.exp %get3A_158 : vector<16xf32>
        %get3A_160 = arith.index_cast %scan3A_128 : i32 to index
        %get3A_161 = arith.constant 128 : index
        %get3A_162 = tpu.vector_load %arg7[%get3A_160, %get3A_161] {strides = array<i32>} : memref<16x2048xf32, #tpu.memory_space<vmem>>, vector<16xf32>,
        %exp3A_163 = math.exp %get3A_162 : vector<16xf32>
        %add3A_164 = arith.addf %exp3A, %exp3A_163 : vector<16xf32>
        %get3A_165 = arith.index_cast %scan3A_128 : i32 to index
        %get3A_166 = arith.constant 144 : index
        %get3A_167 = tpu.vector_load %arg7[%get3A_165, %get3A_166] {strides = array<i32>} : memref<16x2048xf32, #tpu.memory_space<vmem>>, vector<16xf32>,
        %exp3A_168 = math.exp %get3A_167 : vector<16xf32>
        %add3A_169 = arith.addf %exp3A_135, %exp3A_168 : vector<16xf32>
        %get3A_170 = arith.index_cast %scan3A_128 : i32 to index
        %get3A_171 = arith.constant 160 : index
        %get3A_172 = tpu.vector_load %arg7[%get3A_170, %get3A_171] {strides = array<i32>} : memref<16x2048xf32, #tpu.memory_space<vmem>>, vector<16xf32>,
        %exp3A_173 = math.exp %get3A_172 : vector<16xf32>
        %add3A_174 = arith.addf %exp3A_139, %exp3A_173 : vector<16xf32>
        %get3A_175 = arith.index_cast %scan3A_128 : i32 to index
        %get3A_176 = arith.constant 176 : index
        %get3A_177 = tpu.vector_load %arg7[%get3A_175, %get3A_176] {strides = array<i32>} : memref<16x2048xf32, #tpu.memory_space<vmem>>, vector<16xf32>,
        %exp3A_178 = math.exp %get3A_177 : vector<16xf32>
        %add3A_179 = arith.addf %exp3A_143, %exp3A_178 : vector<16xf32>
        %get3A_180 = arith.index_cast %scan3A_128 : i32 to index
        %get3A_181 = arith.constant 192 : index
        %get3A_182 = tpu.vector_load %arg7[%get3A_180, %get3A_181] {strides = array<i32>} : memref<16x2048xf32, #tpu.memory_space<vmem>>, vector<16xf32>,
        %exp3A_183 = math.exp %get3A_182 : vector<16xf32>
        %add3A_184 = arith.addf %exp3A_147, %exp3A_183 : vector<16xf32>
        %get3A_185 = arith.index_cast %scan3A_128 : i32 to index
        %get3A_186 = arith.constant 208 : index
        %get3A_187 = tpu.vector_load %arg7[%get3A_185, %get3A_186] {strides = array<i32>} : memref<16x2048xf32, #tpu.memory_space<vmem>>, vector<16xf32>,
        %exp3A_188 = math.exp %get3A_187 : vector<16xf32>
        %add3A_189 = arith.addf %exp3A_151, %exp3A_188 : vector<16xf32>
        %get3A_190 = arith.index_cast %scan3A_128 : i32 to index
        %get3A_191 = arith.constant 224 : index
        %get3A_192 = tpu.vector_load %arg7[%get3A_190, %get3A_191] {strides = array<i32>} : memref<16x2048xf32, #tpu.memory_space<vmem>>, vector<16xf32>,
        %exp3A_193 = math.exp %get3A_192 : vector<16xf32>
        %add3A_194 = arith.addf %exp3A_155, %exp3A_193 : vector<16xf32>
        %get3A_195 = arith.index_cast %scan3A_128 : i32 to index
        %get3A_196 = arith.constant 240 : index
        %get3A_197 = tpu.vector_load %arg7[%get3A_195, %get3A_196] {strides = array<i32>} : memref<16x2048xf32, #tpu.memory_space<vmem>>, vector<16xf32>,
        %exp3A_198 = math.exp %get3A_197 : vector<16xf32>
        %add3A_199 = arith.addf %exp3A_159, %exp3A_198 : vector<16xf32>
        %get3A_200 = arith.index_cast %scan3A_128 : i32 to index
        %get3A_201 = arith.constant 256 : index
        %get3A_202 = tpu.vector_load %arg7[%get3A_200, %get3A_201] {strides = array<i32>} : memref<16x2048xf32, #tpu.memory_space<vmem>>, vector<16xf32>,
        %exp3A_203 = math.exp %get3A_202 : vector<16xf32>
        %add3A_204 = arith.addf %add3A_164, %exp3A_203 : vector<16xf32>
        %get3A_205 = arith.index_cast %scan3A_128 : i32 to index
        %get3A_206 = arith.constant 272 : index
        %get3A_207 = tpu.vector_load %arg7[%get3A_205, %get3A_206] {strides = array<i32>} : memref<16x2048xf32, #tpu.memory_space<vmem>>, vector<16xf32>,
        %exp3A_208 = math.exp %get3A_207 : vector<16xf32>
        %add3A_209 = arith.addf %add3A_169, %exp3A_208 : vector<16xf32>
        %get3A_210 = arith.index_cast %scan3A_128 : i32 to index
        %get3A_211 = arith.constant 288 : index
        %get3A_212 = tpu.vector_load %arg7[%get3A_210, %get3A_211] {strides = array<i32>} : memref<16x2048xf32, #tpu.memory_space<vmem>>, vector<16xf32>,
        %exp3A_213 = math.exp %get3A_212 : vector<16xf32>
        %add3A_214 = arith.addf %add3A_174, %exp3A_213 : vector<16xf32>
        %get3A_215 = arith.index_cast %scan3A_128 : i32 to index
        %get3A_216 = arith.constant 304 : index
        %get3A_217 = tpu.vector_load %arg7[%get3A_215, %get3A_216] {strides = array<i32>} : memref<16x2048xf32, #tpu.memory_space<vmem>>, vector<16xf32>,
        %exp3A_218 = math.exp %get3A_217 : vector<16xf32>
        %add3A_219 = arith.addf %add3A_179, %exp3A_218 : vector<16xf32>
        %get3A_220 = arith.index_cast %scan3A_128 : i32 to index
        %get3A_221 = arith.constant 320 : index
        %get3A_222 = tpu.vector_load %arg7[%get3A_220, %get3A_221] {strides = array<i32>} : memref<16x2048xf32, #tpu.memory_space<vmem>>, vector<16xf32>,
        %exp3A_223 = math.exp %get3A_222 : vector<16xf32>
        %add3A_224 = arith.addf %add3A_184, %exp3A_223 : vector<16xf32>
        %get3A_225 = arith.index_cast %scan3A_128 : i32 to index
        %get3A_226 = arith.constant 336 : index
        %get3A_227 = tpu.vector_load %arg7[%get3A_225, %get3A_226] {strides = array<i32>} : memref<16x2048xf32, #tpu.memory_space<vmem>>, vector<16xf32>,
        %exp3A_228 = math.exp %get3A_227 : vector<16xf32>
        %add3A_229 = arith.addf %add3A_189, %exp3A_228 : vector<16xf32>
        %get3A_230 = arith.index_cast %scan3A_128 : i32 to index
        %get3A_231 = arith.constant 352 : index
        %get3A_232 = tpu.vector_load %arg7[%get3A_230, %get3A_231] {strides = array<i32>} : memref<16x2048xf32, #tpu.memory_space<vmem>>, vector<16xf32>,
        %exp3A_233 = math.exp %get3A_232 : vector<16xf32>
        %add3A_234 = arith.addf %add3A_194, %exp3A_233 : vector<16xf32>
        %get3A_235 = arith.index_cast %scan3A_128 : i32 to index
        %get3A_236 = arith.constant 368 : index
        %get3A_237 = tpu.vector_load %arg7[%get3A_235, %get3A_236] {strides = array<i32>} : memref<16x2048xf32, #tpu.memory_space<vmem>>, vector<16xf32>,
        %exp3A_238 = math.exp %get3A_237 : vector<16xf32>
        %add3A_239 = arith.addf %add3A_199, %exp3A_238 : vector<16xf32>
        %get3A_240 = arith.index_cast %scan3A_128 : i32 to index
        %get3A_241 = arith.constant 384 : index
        %get3A_242 = tpu.vector_load %arg7[%get3A_240, %get3A_241] {strides = array<i32>} : memref<16x2048xf32, #tpu.memory_space<vmem>>, vector<16xf32>,
        %exp3A_243 = math.exp %get3A_242 : vector<16xf32>
        %add3A_244 = arith.addf %add3A_204, %exp3A_243 : vector<16xf32>
        %get3A_245 = arith.index_cast %scan3A_128 : i32 to index
        %get3A_246 = arith.constant 400 : index
        %get3A_247 = tpu.vector_load %arg7[%get3A_245, %get3A_246] {strides = array<i32>} : memref<16x2048xf32, #tpu.memory_space<vmem>>, vector<16xf32>,
        %exp3A_248 = math.exp %get3A_247 : vector<16xf32>
        %add3A_249 = arith.addf %add3A_209, %exp3A_248 : vector<16xf32>
        %get3A_250 = arith.index_cast %scan3A_128 : i32 to index
        %get3A_251 = arith.constant 416 : index
        %get3A_252 = tpu.vector_load %arg7[%get3A_250, %get3A_251] {strides = array<i32>} : memref<16x2048xf32, #tpu.memory_space<vmem>>, vector<16xf32>,
        %exp3A_253 = math.exp %get3A_252 : vector<16xf32>
        %add3A_254 = arith.addf %add3A_214, %exp3A_253 : vector<16xf32>
        %get3A_255 = arith.index_cast %scan3A_128 : i32 to index
        %get3A_256 = arith.constant 432 : index
        %get3A_257 = tpu.vector_load %arg7[%get3A_255, %get3A_256] {strides = array<i32>} : memref<16x2048xf32, #tpu.memory_space<vmem>>, vector<16xf32>,
        %exp3A_258 = math.exp %get3A_257 : vector<16xf32>
        %add3A_259 = arith.addf %add3A_219, %exp3A_258 : vector<16xf32>
        %get3A_260 = arith.index_cast %scan3A_128 : i32 to index
        %get3A_261 = arith.constant 448 : index
        %get3A_262 = tpu.vector_load %arg7[%get3A_260, %get3A_261] {strides = array<i32>} : memref<16x2048xf32, #tpu.memory_space<vmem>>, vector<16xf32>,
        %exp3A_263 = math.exp %get3A_262 : vector<16xf32>
        %add3A_264 = arith.addf %add3A_224, %exp3A_263 : vector<16xf32>
        %get3A_265 = arith.index_cast %scan3A_128 : i32 to index
        %get3A_266 = arith.constant 464 : index
        %get3A_267 = tpu.vector_load %arg7[%get3A_265, %get3A_266] {strides = array<i32>} : memref<16x2048xf32, #tpu.memory_space<vmem>>, vector<16xf32>,
        %exp3A_268 = math.exp %get3A_267 : vector<16xf32>
        %add3A_269 = arith.addf %add3A_229, %exp3A_268 : vector<16xf32>
        %get3A_270 = arith.index_cast %scan3A_128 : i32 to index
        %get3A_271 = arith.constant 480 : index
        %get3A_272 = tpu.vector_load %arg7[%get3A_270, %get3A_271] {strides = array<i32>} : memref<16x2048xf32, #tpu.memory_space<vmem>>, vector<16xf32>,
        %exp3A_273 = math.exp %get3A_272 : vector<16xf32>
        %add3A_274 = arith.addf %add3A_234, %exp3A_273 : vector<16xf32>
        %get3A_275 = arith.index_cast %scan3A_128 : i32 to index
        %get3A_276 = arith.constant 496 : index
        %get3A_277 = tpu.vector_load %arg7[%get3A_275, %get3A_276] {strides = array<i32>} : memref<16x2048xf32, #tpu.memory_space<vmem>>, vector<16xf32>,
        %exp3A_278 = math.exp %get3A_277 : vector<16xf32>
        %add3A_279 = arith.addf %add3A_239, %exp3A_278 : vector<16xf32>
        %get3A_280 = arith.index_cast %scan3A_128 : i32 to index
        %get3A_281 = arith.constant 512 : index
        %get3A_282 = tpu.vector_load %arg7[%get3A_280, %get3A_281] {strides = array<i32>} : memref<16x2048xf32, #tpu.memory_space<vmem>>, vector<16xf32>,
        %exp3A_283 = math.exp %get3A_282 : vector<16xf32>
        %add3A_284 = arith.addf %add3A_244, %exp3A_283 : vector<16xf32>
        %get3A_285 = arith.index_cast %scan3A_128 : i32 to index
        %get3A_286 = arith.constant 528 : index
        %get3A_287 = tpu.vector_load %arg7[%get3A_285, %get3A_286] {strides = array<i32>} : memref<16x2048xf32, #tpu.memory_space<vmem>>, vector<16xf32>,
        %exp3A_288 = math.exp %get3A_287 : vector<16xf32>
        %add3A_289 = arith.addf %add3A_249, %exp3A_288 : vector<16xf32>
        %get3A_290 = arith.index_cast %scan3A_128 : i32 to index
        %get3A_291 = arith.constant 544 : index
        %get3A_292 = tpu.vector_load %arg7[%get3A_290, %get3A_291] {strides = array<i32>} : memref<16x2048xf32, #tpu.memory_space<vmem>>, vector<16xf32>,
        %exp3A_293 = math.exp %get3A_292 : vector<16xf32>
        %add3A_294 = arith.addf %add3A_254, %exp3A_293 : vector<16xf32>
        %get3A_295 = arith.index_cast %scan3A_128 : i32 to index
        %get3A_296 = arith.constant 560 : index
        %get3A_297 = tpu.vector_load %arg7[%get3A_295, %get3A_296] {strides = array<i32>} : memref<16x2048xf32, #tpu.memory_space<vmem>>, vector<16xf32>,
        %exp3A_298 = math.exp %get3A_297 : vector<16xf32>
        %add3A_299 = arith.addf %add3A_259, %exp3A_298 : vector<16xf32>
        %get3A_300 = arith.index_cast %scan3A_128 : i32 to index
        %get3A_301 = arith.constant 576 : index
        %get3A_302 = tpu.vector_load %arg7[%get3A_300, %get3A_301] {strides = array<i32>} : memref<16x2048xf32, #tpu.memory_space<vmem>>, vector<16xf32>,
        %exp3A_303 = math.exp %get3A_302 : vector<16xf32>
        %add3A_304 = arith.addf %add3A_264, %exp3A_303 : vector<16xf32>
        %get3A_305 = arith.index_cast %scan3A_128 : i32 to index
        %get3A_306 = arith.constant 592 : index
        %get3A_307 = tpu.vector_load %arg7[%get3A_305, %get3A_306] {strides = array<i32>} : memref<16x2048xf32, #tpu.memory_space<vmem>>, vector<16xf32>,
        %exp3A_308 = math.exp %get3A_307 : vector<16xf32>
        %add3A_309 = arith.addf %add3A_269, %exp3A_308 : vector<16xf32>
        %get3A_310 = arith.index_cast %scan3A_128 : i32 to index
        %get3A_311 = arith.constant 608 : index
        %get3A_312 = tpu.vector_load %arg7[%get3A_310, %get3A_311] {strides = array<i32>} : memref<16x2048xf32, #tpu.memory_space<vmem>>, vector<16xf32>,
        %exp3A_313 = math.exp %get3A_312 : vector<16xf32>
        %add3A_314 = arith.addf %add3A_274, %exp3A_313 : vector<16xf32>
        %get3A_315 = arith.index_cast %scan3A_128 : i32 to index
        %get3A_316 = arith.constant 624 : index
        %get3A_317 = tpu.vector_load %arg7[%get3A_315, %get3A_316] {strides = array<i32>} : memref<16x2048xf32, #tpu.memory_space<vmem>>, vector<16xf32>,
        %exp3A_318 = math.exp %get3A_317 : vector<16xf32>
        %add3A_319 = arith.addf %add3A_279, %exp3A_318 : vector<16xf32>
        %get3A_320 = arith.index_cast %scan3A_128 : i32 to index
        %get3A_321 = arith.constant 640 : index
        %get3A_322 = tpu.vector_load %arg7[%get3A_320, %get3A_321] {strides = array<i32>} : memref<16x2048xf32, #tpu.memory_space<vmem>>, vector<16xf32>,
        %exp3A_323 = math.exp %get3A_322 : vector<16xf32>
        %add3A_324 = arith.addf %add3A_284, %exp3A_323 : vector<16xf32>
        %get3A_325 = arith.index_cast %scan3A_128 : i32 to index
        %get3A_326 = arith.constant 656 : index
        %get3A_327 = tpu.vector_load %arg7[%get3A_325, %get3A_326] {strides = array<i32>} : memref<16x2048xf32, #tpu.memory_space<vmem>>, vector<16xf32>,
        %exp3A_328 = math.exp %get3A_327 : vector<16xf32>
        %add3A_329 = arith.addf %add3A_289, %exp3A_328 : vector<16xf32>
        %get3A_330 = arith.index_cast %scan3A_128 : i32 to index
        %get3A_331 = arith.constant 672 : index
        %get3A_332 = tpu.vector_load %arg7[%get3A_330, %get3A_331] {strides = array<i32>} : memref<16x2048xf32, #tpu.memory_space<vmem>>, vector<16xf32>,
        %exp3A_333 = math.exp %get3A_332 : vector<16xf32>
        %add3A_334 = arith.addf %add3A_294, %exp3A_333 : vector<16xf32>
        %get3A_335 = arith.index_cast %scan3A_128 : i32 to index
        %get3A_336 = arith.constant 688 : index
        %get3A_337 = tpu.vector_load %arg7[%get3A_335, %get3A_336] {strides = array<i32>} : memref<16x2048xf32, #tpu.memory_space<vmem>>, vector<16xf32>,
        %exp3A_338 = math.exp %get3A_337 : vector<16xf32>
        %add3A_339 = arith.addf %add3A_299, %exp3A_338 : vector<16xf32>
        %get3A_340 = arith.index_cast %scan3A_128 : i32 to index
        %get3A_341 = arith.constant 704 : index
        %get3A_342 = tpu.vector_load %arg7[%get3A_340, %get3A_341] {strides = array<i32>} : memref<16x2048xf32, #tpu.memory_space<vmem>>, vector<16xf32>,
        %exp3A_343 = math.exp %get3A_342 : vector<16xf32>
        %add3A_344 = arith.addf %add3A_304, %exp3A_343 : vector<16xf32>
        %get3A_345 = arith.index_cast %scan3A_128 : i32 to index
        %get3A_346 = arith.constant 720 : index
        %get3A_347 = tpu.vector_load %arg7[%get3A_345, %get3A_346] {strides = array<i32>} : memref<16x2048xf32, #tpu.memory_space<vmem>>, vector<16xf32>,
        %exp3A_348 = math.exp %get3A_347 : vector<16xf32>
        %add3A_349 = arith.addf %add3A_309, %exp3A_348 : vector<16xf32>
        %get3A_350 = arith.index_cast %scan3A_128 : i32 to index
        %get3A_351 = arith.constant 736 : index
        %get3A_352 = tpu.vector_load %arg7[%get3A_350, %get3A_351] {strides = array<i32>} : memref<16x2048xf32, #tpu.memory_space<vmem>>, vector<16xf32>,
        %exp3A_353 = math.exp %get3A_352 : vector<16xf32>
        %add3A_354 = arith.addf %add3A_314, %exp3A_353 : vector<16xf32>
        %get3A_355 = arith.index_cast %scan3A_128 : i32 to index
        %get3A_356 = arith.constant 752 : index
        %get3A_357 = tpu.vector_load %arg7[%get3A_355, %get3A_356] {strides = array<i32>} : memref<16x2048xf32, #tpu.memory_space<vmem>>, vector<16xf32>,
        %exp3A_358 = math.exp %get3A_357 : vector<16xf32>
        %add3A_359 = arith.addf %add3A_319, %exp3A_358 : vector<16xf32>
        %get3A_360 = arith.index_cast %scan3A_128 : i32 to index
        %get3A_361 = arith.constant 768 : index
        %get3A_362 = tpu.vector_load %arg7[%get3A_360, %get3A_361] {strides = array<i32>} : memref<16x2048xf32, #tpu.memory_space<vmem>>, vector<16xf32>,
        %exp3A_363 = math.exp %get3A_362 : vector<16xf32>
        %add3A_364 = arith.addf %add3A_324, %exp3A_363 : vector<16xf32>
        %get3A_365 = arith.index_cast %scan3A_128 : i32 to index
        %get3A_366 = arith.constant 784 : index
        %get3A_367 = tpu.vector_load %arg7[%get3A_365, %get3A_366] {strides = array<i32>} : memref<16x2048xf32, #tpu.memory_space<vmem>>, vector<16xf32>,
        %exp3A_368 = math.exp %get3A_367 : vector<16xf32>
        %add3A_369 = arith.addf %add3A_329, %exp3A_368 : vector<16xf32>
        %get3A_370 = arith.index_cast %scan3A_128 : i32 to index
        %get3A_371 = arith.constant 800 : index
        %get3A_372 = tpu.vector_load %arg7[%get3A_370, %get3A_371] {strides = array<i32>} : memref<16x2048xf32, #tpu.memory_space<vmem>>, vector<16xf32>,
        %exp3A_373 = math.exp %get3A_372 : vector<16xf32>
        %add3A_374 = arith.addf %add3A_334, %exp3A_373 : vector<16xf32>
        %get3A_375 = arith.index_cast %scan3A_128 : i32 to index
        %get3A_376 = arith.constant 816 : index
        %get3A_377 = tpu.vector_load %arg7[%get3A_375, %get3A_376] {strides = array<i32>} : memref<16x2048xf32, #tpu.memory_space<vmem>>, vector<16xf32>,
        %exp3A_378 = math.exp %get3A_377 : vector<16xf32>
        %add3A_379 = arith.addf %add3A_339, %exp3A_378 : vector<16xf32>
        %get3A_380 = arith.index_cast %scan3A_128 : i32 to index
        %get3A_381 = arith.constant 832 : index
        %get3A_382 = tpu.vector_load %arg7[%get3A_380, %get3A_381] {strides = array<i32>} : memref<16x2048xf32, #tpu.memory_space<vmem>>, vector<16xf32>,
        %exp3A_383 = math.exp %get3A_382 : vector<16xf32>
        %add3A_384 = arith.addf %add3A_344, %exp3A_383 : vector<16xf32>
        %get3A_385 = arith.index_cast %scan3A_128 : i32 to index
        %get3A_386 = arith.constant 848 : index
        %get3A_387 = tpu.vector_load %arg7[%get3A_385, %get3A_386] {strides = array<i32>} : memref<16x2048xf32, #tpu.memory_space<vmem>>, vector<16xf32>,
        %exp3A_388 = math.exp %get3A_387 : vector<16xf32>
        %add3A_389 = arith.addf %add3A_349, %exp3A_388 : vector<16xf32>
        %get3A_390 = arith.index_cast %scan3A_128 : i32 to index
        %get3A_391 = arith.constant 864 : index
        %get3A_392 = tpu.vector_load %arg7[%get3A_390, %get3A_391] {strides = array<i32>} : memref<16x2048xf32, #tpu.memory_space<vmem>>, vector<16xf32>,
        %exp3A_393 = math.exp %get3A_392 : vector<16xf32>
        %add3A_394 = arith.addf %add3A_354, %exp3A_393 : vector<16xf32>
        %get3A_395 = arith.index_cast %scan3A_128 : i32 to index
        %get3A_396 = arith.constant 880 : index
        %get3A_397 = tpu.vector_load %arg7[%get3A_395, %get3A_396] {strides = array<i32>} : memref<16x2048xf32, #tpu.memory_space<vmem>>, vector<16xf32>,
        %exp3A_398 = math.exp %get3A_397 : vector<16xf32>
        %add3A_399 = arith.addf %add3A_359, %exp3A_398 : vector<16xf32>
        %get3A_400 = arith.index_cast %scan3A_128 : i32 to index
        %get3A_401 = arith.constant 896 : index
        %get3A_402 = tpu.vector_load %arg7[%get3A_400, %get3A_401] {strides = array<i32>} : memref<16x2048xf32, #tpu.memory_space<vmem>>, vector<16xf32>,
        %exp3A_403 = math.exp %get3A_402 : vector<16xf32>
        %add3A_404 = arith.addf %add3A_364, %exp3A_403 : vector<16xf32>
        %get3A_405 = arith.index_cast %scan3A_128 : i32 to index
        %get3A_406 = arith.constant 912 : index
        %get3A_407 = tpu.vector_load %arg7[%get3A_405, %get3A_406] {strides = array<i32>} : memref<16x2048xf32, #tpu.memory_space<vmem>>, vector<16xf32>,
        %exp3A_408 = math.exp %get3A_407 : vector<16xf32>
        %add3A_409 = arith.addf %add3A_369, %exp3A_408 : vector<16xf32>
        %get3A_410 = arith.index_cast %scan3A_128 : i32 to index
        %get3A_411 = arith.constant 928 : index
        %get3A_412 = tpu.vector_load %arg7[%get3A_410, %get3A_411] {strides = array<i32>} : memref<16x2048xf32, #tpu.memory_space<vmem>>, vector<16xf32>,
        %exp3A_413 = math.exp %get3A_412 : vector<16xf32>
        %add3A_414 = arith.addf %add3A_374, %exp3A_413 : vector<16xf32>
        %get3A_415 = arith.index_cast %scan3A_128 : i32 to index
        %get3A_416 = arith.constant 944 : index
        %get3A_417 = tpu.vector_load %arg7[%get3A_415, %get3A_416] {strides = array<i32>} : memref<16x2048xf32, #tpu.memory_space<vmem>>, vector<16xf32>,
        %exp3A_418 = math.exp %get3A_417 : vector<16xf32>
        %add3A_419 = arith.addf %add3A_379, %exp3A_418 : vector<16xf32>
        %get3A_420 = arith.index_cast %scan3A_128 : i32 to index
        %get3A_421 = arith.constant 960 : index
        %get3A_422 = tpu.vector_load %arg7[%get3A_420, %get3A_421] {strides = array<i32>} : memref<16x2048xf32, #tpu.memory_space<vmem>>, vector<16xf32>,
        %exp3A_423 = math.exp %get3A_422 : vector<16xf32>
        %add3A_424 = arith.addf %add3A_384, %exp3A_423 : vector<16xf32>
        %get3A_425 = arith.index_cast %scan3A_128 : i32 to index
        %get3A_426 = arith.constant 976 : index
        %get3A_427 = tpu.vector_load %arg7[%get3A_425, %get3A_426] {strides = array<i32>} : memref<16x2048xf32, #tpu.memory_space<vmem>>, vector<16xf32>,
        %exp3A_428 = math.exp %get3A_427 : vector<16xf32>
        %add3A_429 = arith.addf %add3A_389, %exp3A_428 : vector<16xf32>
        %get3A_430 = arith.index_cast %scan3A_128 : i32 to index
        %get3A_431 = arith.constant 992 : index
        %get3A_432 = tpu.vector_load %arg7[%get3A_430, %get3A_431] {strides = array<i32>} : memref<16x2048xf32, #tpu.memory_space<vmem>>, vector<16xf32>,
        %exp3A_433 = math.exp %get3A_432 : vector<16xf32>
        %add3A_434 = arith.addf %add3A_394, %exp3A_433 : vector<16xf32>
        %get3A_435 = arith.index_cast %scan3A_128 : i32 to index
        %get3A_436 = arith.constant 1008 : index
        %get3A_437 = tpu.vector_load %arg7[%get3A_435, %get3A_436] {strides = array<i32>} : memref<16x2048xf32, #tpu.memory_space<vmem>>, vector<16xf32>,
        %exp3A_438 = math.exp %get3A_437 : vector<16xf32>
        %add3A_439 = arith.addf %add3A_399, %exp3A_438 : vector<16xf32>
        %get3A_440 = arith.index_cast %scan3A_128 : i32 to index
        %get3A_441 = arith.constant 1024 : index
        %get3A_442 = tpu.vector_load %arg7[%get3A_440, %get3A_441] {strides = array<i32>} : memref<16x2048xf32, #tpu.memory_space<vmem>>, vector<16xf32>,
        %exp3A_443 = math.exp %get3A_442 : vector<16xf32>
        %add3A_444 = arith.addf %add3A_404, %exp3A_443 : vector<16xf32>
        %get3A_445 = arith.index_cast %scan3A_128 : i32 to index
        %get3A_446 = arith.constant 1040 : index
        %get3A_447 = tpu.vector_load %arg7[%get3A_445, %get3A_446] {strides = array<i32>} : memref<16x2048xf32, #tpu.memory_space<vmem>>, vector<16xf32>,
        %exp3A_448 = math.exp %get3A_447 : vector<16xf32>
        %add3A_449 = arith.addf %add3A_409, %exp3A_448 : vector<16xf32>
        %get3A_450 = arith.index_cast %scan3A_128 : i32 to index
        %get3A_451 = arith.constant 1056 : index
        %get3A_452 = tpu.vector_load %arg7[%get3A_450, %get3A_451] {strides = array<i32>} : memref<16x2048xf32, #tpu.memory_space<vmem>>, vector<16xf32>,
        %exp3A_453 = math.exp %get3A_452 : vector<16xf32>
        %add3A_454 = arith.addf %add3A_414, %exp3A_453 : vector<16xf32>
        %get3A_455 = arith.index_cast %scan3A_128 : i32 to index
        %get3A_456 = arith.constant 1072 : index
        %get3A_457 = tpu.vector_load %arg7[%get3A_455, %get3A_456] {strides = array<i32>} : memref<16x2048xf32, #tpu.memory_space<vmem>>, vector<16xf32>,
        %exp3A_458 = math.exp %get3A_457 : vector<16xf32>
        %add3A_459 = arith.addf %add3A_419, %exp3A_458 : vector<16xf32>
        %get3A_460 = arith.index_cast %scan3A_128 : i32 to index
        %get3A_461 = arith.constant 1088 : index
        %get3A_462 = tpu.vector_load %arg7[%get3A_460, %get3A_461] {strides = array<i32>} : memref<16x2048xf32, #tpu.memory_space<vmem>>, vector<16xf32>,
        %exp3A_463 = math.exp %get3A_462 : vector<16xf32>
        %add3A_464 = arith.addf %add3A_424, %exp3A_463 : vector<16xf32>
        %get3A_465 = arith.index_cast %scan3A_128 : i32 to index
        %get3A_466 = arith.constant 1104 : index
        %get3A_467 = tpu.vector_load %arg7[%get3A_465, %get3A_466] {strides = array<i32>} : memref<16x2048xf32, #tpu.memory_space<vmem>>, vector<16xf32>,
        %exp3A_468 = math.exp %get3A_467 : vector<16xf32>
        %add3A_469 = arith.addf %add3A_429, %exp3A_468 : vector<16xf32>
        %get3A_470 = arith.index_cast %scan3A_128 : i32 to index
        %get3A_471 = arith.constant 1120 : index
        %get3A_472 = tpu.vector_load %arg7[%get3A_470, %get3A_471] {strides = array<i32>} : memref<16x2048xf32, #tpu.memory_space<vmem>>, vector<16xf32>,
        %exp3A_473 = math.exp %get3A_472 : vector<16xf32>
        %add3A_474 = arith.addf %add3A_434, %exp3A_473 : vector<16xf32>
        %get3A_475 = arith.index_cast %scan3A_128 : i32 to index
        %get3A_476 = arith.constant 1136 : index
        %get3A_477 = tpu.vector_load %arg7[%get3A_475, %get3A_476] {strides = array<i32>} : memref<16x2048xf32, #tpu.memory_space<vmem>>, vector<16xf32>,
        %exp3A_478 = math.exp %get3A_477 : vector<16xf32>
        %add3A_479 = arith.addf %add3A_439, %exp3A_478 : vector<16xf32>
        %get3A_480 = arith.index_cast %scan3A_128 : i32 to index
        %get3A_481 = arith.constant 1152 : index
        %get3A_482 = tpu.vector_load %arg7[%get3A_480, %get3A_481] {strides = array<i32>} : memref<16x2048xf32, #tpu.memory_space<vmem>>, vector<16xf32>,
        %exp3A_483 = math.exp %get3A_482 : vector<16xf32>
        %add3A_484 = arith.addf %add3A_444, %exp3A_483 : vector<16xf32>
        %get3A_485 = arith.index_cast %scan3A_128 : i32 to index
        %get3A_486 = arith.constant 1168 : index
        %get3A_487 = tpu.vector_load %arg7[%get3A_485, %get3A_486] {strides = array<i32>} : memref<16x2048xf32, #tpu.memory_space<vmem>>, vector<16xf32>,
        %exp3A_488 = math.exp %get3A_487 : vector<16xf32>
        %add3A_489 = arith.addf %add3A_449, %exp3A_488 : vector<16xf32>
        %get3A_490 = arith.index_cast %scan3A_128 : i32 to index
        %get3A_491 = arith.constant 1184 : index
        %get3A_492 = tpu.vector_load %arg7[%get3A_490, %get3A_491] {strides = array<i32>} : memref<16x2048xf32, #tpu.memory_space<vmem>>, vector<16xf32>,
        %exp3A_493 = math.exp %get3A_492 : vector<16xf32>
        %add3A_494 = arith.addf %add3A_454, %exp3A_493 : vector<16xf32>
        %get3A_495 = arith.index_cast %scan3A_128 : i32 to index
        %get3A_496 = arith.constant 1200 : index
        %get3A_497 = tpu.vector_load %arg7[%get3A_495, %get3A_496] {strides = array<i32>} : memref<16x2048xf32, #tpu.memory_space<vmem>>, vector<16xf32>,
        %exp3A_498 = math.exp %get3A_497 : vector<16xf32>
        %add3A_499 = arith.addf %add3A_459, %exp3A_498 : vector<16xf32>
        %get3A_500 = arith.index_cast %scan3A_128 : i32 to index
        %get3A_501 = arith.constant 1216 : index
        %get3A_502 = tpu.vector_load %arg7[%get3A_500, %get3A_501] {strides = array<i32>} : memref<16x2048xf32, #tpu.memory_space<vmem>>, vector<16xf32>,
        %exp3A_503 = math.exp %get3A_502 : vector<16xf32>
        %add3A_504 = arith.addf %add3A_464, %exp3A_503 : vector<16xf32>
        %get3A_505 = arith.index_cast %scan3A_128 : i32 to index
        %get3A_506 = arith.constant 1232 : index
        %get3A_507 = tpu.vector_load %arg7[%get3A_505, %get3A_506] {strides = array<i32>} : memref<16x2048xf32, #tpu.memory_space<vmem>>, vector<16xf32>,
        %exp3A_508 = math.exp %get3A_507 : vector<16xf32>
        %add3A_509 = arith.addf %add3A_469, %exp3A_508 : vector<16xf32>
        %get3A_510 = arith.index_cast %scan3A_128 : i32 to index
        %get3A_511 = arith.constant 1248 : index
        %get3A_512 = tpu.vector_load %arg7[%get3A_510, %get3A_511] {strides = array<i32>} : memref<16x2048xf32, #tpu.memory_space<vmem>>, vector<16xf32>,
        %exp3A_513 = math.exp %get3A_512 : vector<16xf32>
        %add3A_514 = arith.addf %add3A_474, %exp3A_513 : vector<16xf32>
        %get3A_515 = arith.index_cast %scan3A_128 : i32 to index
        %get3A_516 = arith.constant 1264 : index
        %get3A_517 = tpu.vector_load %arg7[%get3A_515, %get3A_516] {strides = array<i32>} : memref<16x2048xf32, #tpu.memory_space<vmem>>, vector<16xf32>,
        %exp3A_518 = math.exp %get3A_517 : vector<16xf32>
        %add3A_519 = arith.addf %add3A_479, %exp3A_518 : vector<16xf32>
        %get3A_520 = arith.index_cast %scan3A_128 : i32 to index
        %get3A_521 = arith.constant 1280 : index
        %get3A_522 = tpu.vector_load %arg7[%get3A_520, %get3A_521] {strides = array<i32>} : memref<16x2048xf32, #tpu.memory_space<vmem>>, vector<16xf32>,
        %exp3A_523 = math.exp %get3A_522 : vector<16xf32>
        %add3A_524 = arith.addf %add3A_484, %exp3A_523 : vector<16xf32>
        %get3A_525 = arith.index_cast %scan3A_128 : i32 to index
        %get3A_526 = arith.constant 1296 : index
        %get3A_527 = tpu.vector_load %arg7[%get3A_525, %get3A_526] {strides = array<i32>} : memref<16x2048xf32, #tpu.memory_space<vmem>>, vector<16xf32>,
        %exp3A_528 = math.exp %get3A_527 : vector<16xf32>
        %add3A_529 = arith.addf %add3A_489, %exp3A_528 : vector<16xf32>
        %get3A_530 = arith.index_cast %scan3A_128 : i32 to index
        %get3A_531 = arith.constant 1312 : index
        %get3A_532 = tpu.vector_load %arg7[%get3A_530, %get3A_531] {strides = array<i32>} : memref<16x2048xf32, #tpu.memory_space<vmem>>, vector<16xf32>,
        %exp3A_533 = math.exp %get3A_532 : vector<16xf32>
        %add3A_534 = arith.addf %add3A_494, %exp3A_533 : vector<16xf32>
        %get3A_535 = arith.index_cast %scan3A_128 : i32 to index
        %get3A_536 = arith.constant 1328 : index
        %get3A_537 = tpu.vector_load %arg7[%get3A_535, %get3A_536] {strides = array<i32>} : memref<16x2048xf32, #tpu.memory_space<vmem>>, vector<16xf32>,
        %exp3A_538 = math.exp %get3A_537 : vector<16xf32>
        %add3A_539 = arith.addf %add3A_499, %exp3A_538 : vector<16xf32>
        %get3A_540 = arith.index_cast %scan3A_128 : i32 to index
        %get3A_541 = arith.constant 1344 : index
        %get3A_542 = tpu.vector_load %arg7[%get3A_540, %get3A_541] {strides = array<i32>} : memref<16x2048xf32, #tpu.memory_space<vmem>>, vector<16xf32>,
        %exp3A_543 = math.exp %get3A_542 : vector<16xf32>
        %add3A_544 = arith.addf %add3A_504, %exp3A_543 : vector<16xf32>
        %get3A_545 = arith.index_cast %scan3A_128 : i32 to index
        %get3A_546 = arith.constant 1360 : index
        %get3A_547 = tpu.vector_load %arg7[%get3A_545, %get3A_546] {strides = array<i32>} : memref<16x2048xf32, #tpu.memory_space<vmem>>, vector<16xf32>,
        %exp3A_548 = math.exp %get3A_547 : vector<16xf32>
        %add3A_549 = arith.addf %add3A_509, %exp3A_548 : vector<16xf32>
        %get3A_550 = arith.index_cast %scan3A_128 : i32 to index
        %get3A_551 = arith.constant 1376 : index
        %get3A_552 = tpu.vector_load %arg7[%get3A_550, %get3A_551] {strides = array<i32>} : memref<16x2048xf32, #tpu.memory_space<vmem>>, vector<16xf32>,
        %exp3A_553 = math.exp %get3A_552 : vector<16xf32>
        %add3A_554 = arith.addf %add3A_514, %exp3A_553 : vector<16xf32>
        %get3A_555 = arith.index_cast %scan3A_128 : i32 to index
        %get3A_556 = arith.constant 1392 : index
        %get3A_557 = tpu.vector_load %arg7[%get3A_555, %get3A_556] {strides = array<i32>} : memref<16x2048xf32, #tpu.memory_space<vmem>>, vector<16xf32>,
        %exp3A_558 = math.exp %get3A_557 : vector<16xf32>
        %add3A_559 = arith.addf %add3A_519, %exp3A_558 : vector<16xf32>
        %get3A_560 = arith.index_cast %scan3A_128 : i32 to index
        %get3A_561 = arith.constant 1408 : index
        %get3A_562 = tpu.vector_load %arg7[%get3A_560, %get3A_561] {strides = array<i32>} : memref<16x2048xf32, #tpu.memory_space<vmem>>, vector<16xf32>,
        %exp3A_563 = math.exp %get3A_562 : vector<16xf32>
        %add3A_564 = arith.addf %add3A_524, %exp3A_563 : vector<16xf32>
        %get3A_565 = arith.index_cast %scan3A_128 : i32 to index
        %get3A_566 = arith.constant 1424 : index
        %get3A_567 = tpu.vector_load %arg7[%get3A_565, %get3A_566] {strides = array<i32>} : memref<16x2048xf32, #tpu.memory_space<vmem>>, vector<16xf32>,
        %exp3A_568 = math.exp %get3A_567 : vector<16xf32>
        %add3A_569 = arith.addf %add3A_529, %exp3A_568 : vector<16xf32>
        %get3A_570 = arith.index_cast %scan3A_128 : i32 to index
        %get3A_571 = arith.constant 1440 : index
        %get3A_572 = tpu.vector_load %arg7[%get3A_570, %get3A_571] {strides = array<i32>} : memref<16x2048xf32, #tpu.memory_space<vmem>>, vector<16xf32>,
        %exp3A_573 = math.exp %get3A_572 : vector<16xf32>
        %add3A_574 = arith.addf %add3A_534, %exp3A_573 : vector<16xf32>
        %get3A_575 = arith.index_cast %scan3A_128 : i32 to index
        %get3A_576 = arith.constant 1456 : index
        %get3A_577 = tpu.vector_load %arg7[%get3A_575, %get3A_576] {strides = array<i32>} : memref<16x2048xf32, #tpu.memory_space<vmem>>, vector<16xf32>,
        %exp3A_578 = math.exp %get3A_577 : vector<16xf32>
        %add3A_579 = arith.addf %add3A_539, %exp3A_578 : vector<16xf32>
        %get3A_580 = arith.index_cast %scan3A_128 : i32 to index
        %get3A_581 = arith.constant 1472 : index
        %get3A_582 = tpu.vector_load %arg7[%get3A_580, %get3A_581] {strides = array<i32>} : memref<16x2048xf32, #tpu.memory_space<vmem>>, vector<16xf32>,
        %exp3A_583 = math.exp %get3A_582 : vector<16xf32>
        %add3A_584 = arith.addf %add3A_544, %exp3A_583 : vector<16xf32>
        %get3A_585 = arith.index_cast %scan3A_128 : i32 to index
        %get3A_586 = arith.constant 1488 : index
        %get3A_587 = tpu.vector_load %arg7[%get3A_585, %get3A_586] {strides = array<i32>} : memref<16x2048xf32, #tpu.memory_space<vmem>>, vector<16xf32>,
        %exp3A_588 = math.exp %get3A_587 : vector<16xf32>
        %add3A_589 = arith.addf %add3A_549, %exp3A_588 : vector<16xf32>
        %get3A_590 = arith.index_cast %scan3A_128 : i32 to index
        %get3A_591 = arith.constant 1504 : index
        %get3A_592 = tpu.vector_load %arg7[%get3A_590, %get3A_591] {strides = array<i32>} : memref<16x2048xf32, #tpu.memory_space<vmem>>, vector<16xf32>,
        %exp3A_593 = math.exp %get3A_592 : vector<16xf32>
        %add3A_594 = arith.addf %add3A_554, %exp3A_593 : vector<16xf32>
        %get3A_595 = arith.index_cast %scan3A_128 : i32 to index
        %get3A_596 = arith.constant 1520 : index
        %get3A_597 = tpu.vector_load %arg7[%get3A_595, %get3A_596] {strides = array<i32>} : memref<16x2048xf32, #tpu.memory_space<vmem>>, vector<16xf32>,
        %exp3A_598 = math.exp %get3A_597 : vector<16xf32>
        %add3A_599 = arith.addf %add3A_559, %exp3A_598 : vector<16xf32>
        %get3A_600 = arith.index_cast %scan3A_128 : i32 to index
        %get3A_601 = arith.constant 1536 : index
        %get3A_602 = tpu.vector_load %arg7[%get3A_600, %get3A_601] {strides = array<i32>} : memref<16x2048xf32, #tpu.memory_space<vmem>>, vector<16xf32>,
        %exp3A_603 = math.exp %get3A_602 : vector<16xf32>
        %add3A_604 = arith.addf %add3A_564, %exp3A_603 : vector<16xf32>
        %get3A_605 = arith.index_cast %scan3A_128 : i32 to index
        %get3A_606 = arith.constant 1552 : index
        %get3A_607 = tpu.vector_load %arg7[%get3A_605, %get3A_606] {strides = array<i32>} : memref<16x2048xf32, #tpu.memory_space<vmem>>, vector<16xf32>,
        %exp3A_608 = math.exp %get3A_607 : vector<16xf32>
        %add3A_609 = arith.addf %add3A_569, %exp3A_608 : vector<16xf32>
        %get3A_610 = arith.index_cast %scan3A_128 : i32 to index
        %get3A_611 = arith.constant 1568 : index
        %get3A_612 = tpu.vector_load %arg7[%get3A_610, %get3A_611] {strides = array<i32>} : memref<16x2048xf32, #tpu.memory_space<vmem>>, vector<16xf32>,
        %exp3A_613 = math.exp %get3A_612 : vector<16xf32>
        %add3A_614 = arith.addf %add3A_574, %exp3A_613 : vector<16xf32>
        %get3A_615 = arith.index_cast %scan3A_128 : i32 to index
        %get3A_616 = arith.constant 1584 : index
        %get3A_617 = tpu.vector_load %arg7[%get3A_615, %get3A_616] {strides = array<i32>} : memref<16x2048xf32, #tpu.memory_space<vmem>>, vector<16xf32>,
        %exp3A_618 = math.exp %get3A_617 : vector<16xf32>
        %add3A_619 = arith.addf %add3A_579, %exp3A_618 : vector<16xf32>
        %get3A_620 = arith.index_cast %scan3A_128 : i32 to index
        %get3A_621 = arith.constant 1600 : index
        %get3A_622 = tpu.vector_load %arg7[%get3A_620, %get3A_621] {strides = array<i32>} : memref<16x2048xf32, #tpu.memory_space<vmem>>, vector<16xf32>,
        %exp3A_623 = math.exp %get3A_622 : vector<16xf32>
        %add3A_624 = arith.addf %add3A_584, %exp3A_623 : vector<16xf32>
        %get3A_625 = arith.index_cast %scan3A_128 : i32 to index
        %get3A_626 = arith.constant 1616 : index
        %get3A_627 = tpu.vector_load %arg7[%get3A_625, %get3A_626] {strides = array<i32>} : memref<16x2048xf32, #tpu.memory_space<vmem>>, vector<16xf32>,
        %exp3A_628 = math.exp %get3A_627 : vector<16xf32>
        %add3A_629 = arith.addf %add3A_589, %exp3A_628 : vector<16xf32>
        %get3A_630 = arith.index_cast %scan3A_128 : i32 to index
        %get3A_631 = arith.constant 1632 : index
        %get3A_632 = tpu.vector_load %arg7[%get3A_630, %get3A_631] {strides = array<i32>} : memref<16x2048xf32, #tpu.memory_space<vmem>>, vector<16xf32>,
        %exp3A_633 = math.exp %get3A_632 : vector<16xf32>
        %add3A_634 = arith.addf %add3A_594, %exp3A_633 : vector<16xf32>
        %get3A_635 = arith.index_cast %scan3A_128 : i32 to index
        %get3A_636 = arith.constant 1648 : index
        %get3A_637 = tpu.vector_load %arg7[%get3A_635, %get3A_636] {strides = array<i32>} : memref<16x2048xf32, #tpu.memory_space<vmem>>, vector<16xf32>,
        %exp3A_638 = math.exp %get3A_637 : vector<16xf32>
        %add3A_639 = arith.addf %add3A_599, %exp3A_638 : vector<16xf32>
        %get3A_640 = arith.index_cast %scan3A_128 : i32 to index
        %get3A_641 = arith.constant 1664 : index
        %get3A_642 = tpu.vector_load %arg7[%get3A_640, %get3A_641] {strides = array<i32>} : memref<16x2048xf32, #tpu.memory_space<vmem>>, vector<16xf32>,
        %exp3A_643 = math.exp %get3A_642 : vector<16xf32>
        %add3A_644 = arith.addf %add3A_604, %exp3A_643 : vector<16xf32>
        %get3A_645 = arith.index_cast %scan3A_128 : i32 to index
        %get3A_646 = arith.constant 1680 : index
        %get3A_647 = tpu.vector_load %arg7[%get3A_645, %get3A_646] {strides = array<i32>} : memref<16x2048xf32, #tpu.memory_space<vmem>>, vector<16xf32>,
        %exp3A_648 = math.exp %get3A_647 : vector<16xf32>
        %add3A_649 = arith.addf %add3A_609, %exp3A_648 : vector<16xf32>
        %get3A_650 = arith.index_cast %scan3A_128 : i32 to index
        %get3A_651 = arith.constant 1696 : index
        %get3A_652 = tpu.vector_load %arg7[%get3A_650, %get3A_651] {strides = array<i32>} : memref<16x2048xf32, #tpu.memory_space<vmem>>, vector<16xf32>,
        %exp3A_653 = math.exp %get3A_652 : vector<16xf32>
        %add3A_654 = arith.addf %add3A_614, %exp3A_653 : vector<16xf32>
        %get3A_655 = arith.index_cast %scan3A_128 : i32 to index
        %get3A_656 = arith.constant 1712 : index
        %get3A_657 = tpu.vector_load %arg7[%get3A_655, %get3A_656] {strides = array<i32>} : memref<16x2048xf32, #tpu.memory_space<vmem>>, vector<16xf32>,
        %exp3A_658 = math.exp %get3A_657 : vector<16xf32>
        %add3A_659 = arith.addf %add3A_619, %exp3A_658 : vector<16xf32>
        %get3A_660 = arith.index_cast %scan3A_128 : i32 to index
        %get3A_661 = arith.constant 1728 : index
        %get3A_662 = tpu.vector_load %arg7[%get3A_660, %get3A_661] {strides = array<i32>} : memref<16x2048xf32, #tpu.memory_space<vmem>>, vector<16xf32>,
        %exp3A_663 = math.exp %get3A_662 : vector<16xf32>
        %add3A_664 = arith.addf %add3A_624, %exp3A_663 : vector<16xf32>
        %get3A_665 = arith.index_cast %scan3A_128 : i32 to index
        %get3A_666 = arith.constant 1744 : index
        %get3A_667 = tpu.vector_load %arg7[%get3A_665, %get3A_666] {strides = array<i32>} : memref<16x2048xf32, #tpu.memory_space<vmem>>, vector<16xf32>,
        %exp3A_668 = math.exp %get3A_667 : vector<16xf32>
        %add3A_669 = arith.addf %add3A_629, %exp3A_668 : vector<16xf32>
        %get3A_670 = arith.index_cast %scan3A_128 : i32 to index
        %get3A_671 = arith.constant 1760 : index
        %get3A_672 = tpu.vector_load %arg7[%get3A_670, %get3A_671] {strides = array<i32>} : memref<16x2048xf32, #tpu.memory_space<vmem>>, vector<16xf32>,
        %exp3A_673 = math.exp %get3A_672 : vector<16xf32>
        %add3A_674 = arith.addf %add3A_634, %exp3A_673 : vector<16xf32>
        %get3A_675 = arith.index_cast %scan3A_128 : i32 to index
        %get3A_676 = arith.constant 1776 : index
        %get3A_677 = tpu.vector_load %arg7[%get3A_675, %get3A_676] {strides = array<i32>} : memref<16x2048xf32, #tpu.memory_space<vmem>>, vector<16xf32>,
        %exp3A_678 = math.exp %get3A_677 : vector<16xf32>
        %add3A_679 = arith.addf %add3A_639, %exp3A_678 : vector<16xf32>
        %get3A_680 = arith.index_cast %scan3A_128 : i32 to index
        %get3A_681 = arith.constant 1792 : index
        %get3A_682 = tpu.vector_load %arg7[%get3A_680, %get3A_681] {strides = array<i32>} : memref<16x2048xf32, #tpu.memory_space<vmem>>, vector<16xf32>,
        %exp3A_683 = math.exp %get3A_682 : vector<16xf32>
        %add3A_684 = arith.addf %add3A_644, %exp3A_683 : vector<16xf32>
        %get3A_685 = arith.index_cast %scan3A_128 : i32 to index
        %get3A_686 = arith.constant 1808 : index
        %get3A_687 = tpu.vector_load %arg7[%get3A_685, %get3A_686] {strides = array<i32>} : memref<16x2048xf32, #tpu.memory_space<vmem>>, vector<16xf32>,
        %exp3A_688 = math.exp %get3A_687 : vector<16xf32>
        %add3A_689 = arith.addf %add3A_649, %exp3A_688 : vector<16xf32>
        %get3A_690 = arith.index_cast %scan3A_128 : i32 to index
        %get3A_691 = arith.constant 1824 : index
        %get3A_692 = tpu.vector_load %arg7[%get3A_690, %get3A_691] {strides = array<i32>} : memref<16x2048xf32, #tpu.memory_space<vmem>>, vector<16xf32>,
        %exp3A_693 = math.exp %get3A_692 : vector<16xf32>
        %add3A_694 = arith.addf %add3A_654, %exp3A_693 : vector<16xf32>
        %get3A_695 = arith.index_cast %scan3A_128 : i32 to index
        %get3A_696 = arith.constant 1840 : index
        %get3A_697 = tpu.vector_load %arg7[%get3A_695, %get3A_696] {strides = array<i32>} : memref<16x2048xf32, #tpu.memory_space<vmem>>, vector<16xf32>,
        %exp3A_698 = math.exp %get3A_697 : vector<16xf32>
        %add3A_699 = arith.addf %add3A_659, %exp3A_698 : vector<16xf32>
        %get3A_700 = arith.index_cast %scan3A_128 : i32 to index
        %get3A_701 = arith.constant 1856 : index
        %get3A_702 = tpu.vector_load %arg7[%get3A_700, %get3A_701] {strides = array<i32>} : memref<16x2048xf32, #tpu.memory_space<vmem>>, vector<16xf32>,
        %exp3A_703 = math.exp %get3A_702 : vector<16xf32>
        %add3A_704 = arith.addf %add3A_664, %exp3A_703 : vector<16xf32>
        %get3A_705 = arith.index_cast %scan3A_128 : i32 to index
        %get3A_706 = arith.constant 1872 : index
        %get3A_707 = tpu.vector_load %arg7[%get3A_705, %get3A_706] {strides = array<i32>} : memref<16x2048xf32, #tpu.memory_space<vmem>>, vector<16xf32>,
        %exp3A_708 = math.exp %get3A_707 : vector<16xf32>
        %add3A_709 = arith.addf %add3A_669, %exp3A_708 : vector<16xf32>
        %get3A_710 = arith.index_cast %scan3A_128 : i32 to index
        %get3A_711 = arith.constant 1888 : index
        %get3A_712 = tpu.vector_load %arg7[%get3A_710, %get3A_711] {strides = array<i32>} : memref<16x2048xf32, #tpu.memory_space<vmem>>, vector<16xf32>,
        %exp3A_713 = math.exp %get3A_712 : vector<16xf32>
        %add3A_714 = arith.addf %add3A_674, %exp3A_713 : vector<16xf32>
        %get3A_715 = arith.index_cast %scan3A_128 : i32 to index
        %get3A_716 = arith.constant 1904 : index
        %get3A_717 = tpu.vector_load %arg7[%get3A_715, %get3A_716] {strides = array<i32>} : memref<16x2048xf32, #tpu.memory_space<vmem>>, vector<16xf32>,
        %exp3A_718 = math.exp %get3A_717 : vector<16xf32>
        %add3A_719 = arith.addf %add3A_679, %exp3A_718 : vector<16xf32>
        %get3A_720 = arith.index_cast %scan3A_128 : i32 to index
        %get3A_721 = arith.constant 1920 : index
        %get3A_722 = tpu.vector_load %arg7[%get3A_720, %get3A_721] {strides = array<i32>} : memref<16x2048xf32, #tpu.memory_space<vmem>>, vector<16xf32>,
        %exp3A_723 = math.exp %get3A_722 : vector<16xf32>
        %add3A_724 = arith.addf %add3A_684, %exp3A_723 : vector<16xf32>
        %get3A_725 = arith.index_cast %scan3A_128 : i32 to index
        %get3A_726 = arith.constant 1936 : index
        %get3A_727 = tpu.vector_load %arg7[%get3A_725, %get3A_726] {strides = array<i32>} : memref<16x2048xf32, #tpu.memory_space<vmem>>, vector<16xf32>,
        %exp3A_728 = math.exp %get3A_727 : vector<16xf32>
        %add3A_729 = arith.addf %add3A_689, %exp3A_728 : vector<16xf32>
        %get3A_730 = arith.index_cast %scan3A_128 : i32 to index
        %get3A_731 = arith.constant 1952 : index
        %get3A_732 = tpu.vector_load %arg7[%get3A_730, %get3A_731] {strides = array<i32>} : memref<16x2048xf32, #tpu.memory_space<vmem>>, vector<16xf32>,
        %exp3A_733 = math.exp %get3A_732 : vector<16xf32>
        %add3A_734 = arith.addf %add3A_694, %exp3A_733 : vector<16xf32>
        %get3A_735 = arith.index_cast %scan3A_128 : i32 to index
        %get3A_736 = arith.constant 1968 : index
        %get3A_737 = tpu.vector_load %arg7[%get3A_735, %get3A_736] {strides = array<i32>} : memref<16x2048xf32, #tpu.memory_space<vmem>>, vector<16xf32>,
        %exp3A_738 = math.exp %get3A_737 : vector<16xf32>
        %add3A_739 = arith.addf %add3A_699, %exp3A_738 : vector<16xf32>
        %get3A_740 = arith.index_cast %scan3A_128 : i32 to index
        %get3A_741 = arith.constant 1984 : index
        %get3A_742 = tpu.vector_load %arg7[%get3A_740, %get3A_741] {strides = array<i32>} : memref<16x2048xf32, #tpu.memory_space<vmem>>, vector<16xf32>,
        %exp3A_743 = math.exp %get3A_742 : vector<16xf32>
        %add3A_744 = arith.addf %add3A_704, %exp3A_743 : vector<16xf32>
        %get3A_745 = arith.index_cast %scan3A_128 : i32 to index
        %get3A_746 = arith.constant 2000 : index
        %get3A_747 = tpu.vector_load %arg7[%get3A_745, %get3A_746] {strides = array<i32>} : memref<16x2048xf32, #tpu.memory_space<vmem>>, vector<16xf32>,
        %exp3A_748 = math.exp %get3A_747 : vector<16xf32>
        %add3A_749 = arith.addf %add3A_709, %exp3A_748 : vector<16xf32>
        %get3A_750 = arith.index_cast %scan3A_128 : i32 to index
        %get3A_751 = arith.constant 2016 : index
        %get3A_752 = tpu.vector_load %arg7[%get3A_750, %get3A_751] {strides = array<i32>} : memref<16x2048xf32, #tpu.memory_space<vmem>>, vector<16xf32>,
        %exp3A_753 = math.exp %get3A_752 : vector<16xf32>
        %add3A_754 = arith.addf %add3A_714, %exp3A_753 : vector<16xf32>
        %get3A_755 = arith.index_cast %scan3A_128 : i32 to index
        %get3A_756 = arith.constant 2032 : index
        %get3A_757 = tpu.vector_load %arg7[%get3A_755, %get3A_756] {strides = array<i32>} : memref<16x2048xf32, #tpu.memory_space<vmem>>, vector<16xf32>,
        %exp3A_758 = math.exp %get3A_757 : vector<16xf32>
        %add3A_759 = arith.addf %add3A_719, %exp3A_758 : vector<16xf32>
        %add3A_760 = arith.addf %add3A_724, %add3A_729 : vector<16xf32>
        %add3A_761 = arith.addf %add3A_734, %add3A_739 : vector<16xf32>
        %add3A_762 = arith.addf %add3A_744, %add3A_749 : vector<16xf32>
        %add3A_763 = arith.addf %add3A_754, %add3A_759 : vector<16xf32>
        %add3A_764 = arith.addf %add3A_760, %add3A_761 : vector<16xf32>
        %add3A_765 = arith.addf %add3A_762, %add3A_763 : vector<16xf32>
        %add3A_766 = arith.addf %add3A_764, %add3A_765 : vector<16xf32>
        %swap3A = arith.index_cast %scan3A_128 : i32 to index
        %swap3A_767 = arith.constant 0 : index
        %swap3A_768 = tpu.vector_load %arg9[%swap3A, %swap3A_767] {strides = array<i32>} : memref<16x16xf32, #tpu.memory_space<vmem>>, vector<16xf32>,
        tpu.vector_store %arg9[%swap3A, %swap3A_767], %add3A_766 {strides = array<i32>} : memref<16x16xf32, #tpu.memory_space<vmem>>, vector<16xf32>,
        %broadcast_in_dim3A = vector.broadcast %scan3A_128 : i32 to vector<16xi32>
        %gather3A = tpu.vector_load_idx %arg7[%broadcast_in_dim3A, %get3A_33] : memref<16x2048xf32, #tpu.memory_space<vmem>>[vector<16xi32>, vector<16xi32>], vector<16xf32>,
        %swap3A_769 = arith.index_cast %scan3A_128 : i32 to index
        %swap3A_770 = arith.constant 0 : index
        %swap3A_771 = tpu.vector_load %arg8[%swap3A_769, %swap3A_770] {strides = array<i32>} : memref<16x208xf32, #tpu.memory_space<vmem>>, vector<16xf32>,
        tpu.vector_store %arg8[%swap3A_769, %swap3A_770], %gather3A {strides = array<i32>} : memref<16x208xf32, #tpu.memory_space<vmem>>, vector<16xf32>,
        %gather3A_772 = tpu.vector_load_idx %arg7[%broadcast_in_dim3A, %get3A_35] : memref<16x2048xf32, #tpu.memory_space<vmem>>[vector<16xi32>, vector<16xi32>], vector<16xf32>,
        %swap3A_773 = arith.index_cast %scan3A_128 : i32 to index
        %swap3A_774 = arith.constant 16 : index
        %swap3A_775 = tpu.vector_load %arg8[%swap3A_773, %swap3A_774] {strides = array<i32>} : memref<16x208xf32, #tpu.memory_space<vmem>>, vector<16xf32>,
        tpu.vector_store %arg8[%swap3A_773, %swap3A_774], %gather3A_772 {strides = array<i32>} : memref<16x208xf32, #tpu.memory_space<vmem>>, vector<16xf32>,
        %gather3A_776 = tpu.vector_load_idx %arg7[%broadcast_in_dim3A, %get3A_37] : memref<16x2048xf32, #tpu.memory_space<vmem>>[vector<16xi32>, vector<16xi32>], vector<16xf32>,
        %swap3A_777 = arith.index_cast %scan3A_128 : i32 to index
        %swap3A_778 = arith.constant 32 : index
        %swap3A_779 = tpu.vector_load %arg8[%swap3A_777, %swap3A_778] {strides = array<i32>} : memref<16x208xf32, #tpu.memory_space<vmem>>, vector<16xf32>,
        tpu.vector_store %arg8[%swap3A_777, %swap3A_778], %gather3A_776 {strides = array<i32>} : memref<16x208xf32, #tpu.memory_space<vmem>>, vector<16xf32>,
        %gather3A_780 = tpu.vector_load_idx %arg7[%broadcast_in_dim3A, %get3A_39] : memref<16x2048xf32, #tpu.memory_space<vmem>>[vector<16xi32>, vector<16xi32>], vector<16xf32>,
        %swap3A_781 = arith.index_cast %scan3A_128 : i32 to index
        %swap3A_782 = arith.constant 48 : index
        %swap3A_783 = tpu.vector_load %arg8[%swap3A_781, %swap3A_782] {strides = array<i32>} : memref<16x208xf32, #tpu.memory_space<vmem>>, vector<16xf32>,
        tpu.vector_store %arg8[%swap3A_781, %swap3A_782], %gather3A_780 {strides = array<i32>} : memref<16x208xf32, #tpu.memory_space<vmem>>, vector<16xf32>,
        %gather3A_784 = tpu.vector_load_idx %arg7[%broadcast_in_dim3A, %get3A_41] : memref<16x2048xf32, #tpu.memory_space<vmem>>[vector<16xi32>, vector<16xi32>], vector<16xf32>,
        %swap3A_785 = arith.index_cast %scan3A_128 : i32 to index
        %swap3A_786 = arith.constant 64 : index
        %swap3A_787 = tpu.vector_load %arg8[%swap3A_785, %swap3A_786] {strides = array<i32>} : memref<16x208xf32, #tpu.memory_space<vmem>>, vector<16xf32>,
        tpu.vector_store %arg8[%swap3A_785, %swap3A_786], %gather3A_784 {strides = array<i32>} : memref<16x208xf32, #tpu.memory_space<vmem>>, vector<16xf32>,
        %gather3A_788 = tpu.vector_load_idx %arg7[%broadcast_in_dim3A, %get3A_43] : memref<16x2048xf32, #tpu.memory_space<vmem>>[vector<16xi32>, vector<16xi32>], vector<16xf32>,
        %swap3A_789 = arith.index_cast %scan3A_128 : i32 to index
        %swap3A_790 = arith.constant 80 : index
        %swap3A_791 = tpu.vector_load %arg8[%swap3A_789, %swap3A_790] {strides = array<i32>} : memref<16x208xf32, #tpu.memory_space<vmem>>, vector<16xf32>,
        tpu.vector_store %arg8[%swap3A_789, %swap3A_790], %gather3A_788 {strides = array<i32>} : memref<16x208xf32, #tpu.memory_space<vmem>>, vector<16xf32>,
        %gather3A_792 = tpu.vector_load_idx %arg7[%broadcast_in_dim3A, %get3A_45] : memref<16x2048xf32, #tpu.memory_space<vmem>>[vector<16xi32>, vector<16xi32>], vector<16xf32>,
        %swap3A_793 = arith.index_cast %scan3A_128 : i32 to index
        %swap3A_794 = arith.constant 96 : index
        %swap3A_795 = tpu.vector_load %arg8[%swap3A_793, %swap3A_794] {strides = array<i32>} : memref<16x208xf32, #tpu.memory_space<vmem>>, vector<16xf32>,
        tpu.vector_store %arg8[%swap3A_793, %swap3A_794], %gather3A_792 {strides = array<i32>} : memref<16x208xf32, #tpu.memory_space<vmem>>, vector<16xf32>,
        %gather3A_796 = tpu.vector_load_idx %arg7[%broadcast_in_dim3A, %get3A_47] : memref<16x2048xf32, #tpu.memory_space<vmem>>[vector<16xi32>, vector<16xi32>], vector<16xf32>,
        %swap3A_797 = arith.index_cast %scan3A_128 : i32 to index
        %swap3A_798 = arith.constant 112 : index
        %swap3A_799 = tpu.vector_load %arg8[%swap3A_797, %swap3A_798] {strides = array<i32>} : memref<16x208xf32, #tpu.memory_space<vmem>>, vector<16xf32>,
        tpu.vector_store %arg8[%swap3A_797, %swap3A_798], %gather3A_796 {strides = array<i32>} : memref<16x208xf32, #tpu.memory_space<vmem>>, vector<16xf32>,
        %gather3A_800 = tpu.vector_load_idx %arg7[%broadcast_in_dim3A, %get3A_49] : memref<16x2048xf32, #tpu.memory_space<vmem>>[vector<16xi32>, vector<16xi32>], vector<16xf32>,
        %swap3A_801 = arith.index_cast %scan3A_128 : i32 to index
        %swap3A_802 = arith.constant 128 : index
        %swap3A_803 = tpu.vector_load %arg8[%swap3A_801, %swap3A_802] {strides = array<i32>} : memref<16x208xf32, #tpu.memory_space<vmem>>, vector<16xf32>,
        tpu.vector_store %arg8[%swap3A_801, %swap3A_802], %gather3A_800 {strides = array<i32>} : memref<16x208xf32, #tpu.memory_space<vmem>>, vector<16xf32>,
        %gather3A_804 = tpu.vector_load_idx %arg7[%broadcast_in_dim3A, %get3A_51] : memref<16x2048xf32, #tpu.memory_space<vmem>>[vector<16xi32>, vector<16xi32>], vector<16xf32>,
        %swap3A_805 = arith.index_cast %scan3A_128 : i32 to index
        %swap3A_806 = arith.constant 144 : index
        %swap3A_807 = tpu.vector_load %arg8[%swap3A_805, %swap3A_806] {strides = array<i32>} : memref<16x208xf32, #tpu.memory_space<vmem>>, vector<16xf32>,
        tpu.vector_store %arg8[%swap3A_805, %swap3A_806], %gather3A_804 {strides = array<i32>} : memref<16x208xf32, #tpu.memory_space<vmem>>, vector<16xf32>,
        %gather3A_808 = tpu.vector_load_idx %arg7[%broadcast_in_dim3A, %get3A_53] : memref<16x2048xf32, #tpu.memory_space<vmem>>[vector<16xi32>, vector<16xi32>], vector<16xf32>,
        %swap3A_809 = arith.index_cast %scan3A_128 : i32 to index
        %swap3A_810 = arith.constant 160 : index
        %swap3A_811 = tpu.vector_load %arg8[%swap3A_809, %swap3A_810] {strides = array<i32>} : memref<16x208xf32, #tpu.memory_space<vmem>>, vector<16xf32>,
        tpu.vector_store %arg8[%swap3A_809, %swap3A_810], %gather3A_808 {strides = array<i32>} : memref<16x208xf32, #tpu.memory_space<vmem>>, vector<16xf32>,
        %gather3A_812 = tpu.vector_load_idx %arg7[%broadcast_in_dim3A, %get3A_55] : memref<16x2048xf32, #tpu.memory_space<vmem>>[vector<16xi32>, vector<16xi32>], vector<16xf32>,
        %swap3A_813 = arith.index_cast %scan3A_128 : i32 to index
        %swap3A_814 = arith.constant 176 : index
        %swap3A_815 = tpu.vector_load %arg8[%swap3A_813, %swap3A_814] {strides = array<i32>} : memref<16x208xf32, #tpu.memory_space<vmem>>, vector<16xf32>,
        tpu.vector_store %arg8[%swap3A_813, %swap3A_814], %gather3A_812 {strides = array<i32>} : memref<16x208xf32, #tpu.memory_space<vmem>>, vector<16xf32>,
        %gather3A_816 = tpu.vector_load_idx %arg7[%broadcast_in_dim3A, %get3A_57] : memref<16x2048xf32, #tpu.memory_space<vmem>>[vector<16xi32>, vector<16xi32>], vector<16xf32>,
        %swap3A_817 = arith.index_cast %scan3A_128 : i32 to index
        %swap3A_818 = arith.constant 192 : index
        %swap3A_819 = tpu.vector_load %arg8[%swap3A_817, %swap3A_818] {strides = array<i32>} : memref<16x208xf32, #tpu.memory_space<vmem>>, vector<16xf32>,
        tpu.vector_store %arg8[%swap3A_817, %swap3A_818], %gather3A_816 {strides = array<i32>} : memref<16x208xf32, #tpu.memory_space<vmem>>, vector<16xf32>,
        %scan3A_820 = arith.constant 1 : i32
        %scan3A_821 = arith.addi %scan3A_128, %scan3A_820 : i32
        %get3A_822 = arith.index_cast %scan3A_821 : i32 to index
        %get3A_823 = arith.constant 0 : index
        %get3A_824 = tpu.vector_load %arg7[%get3A_822, %get3A_823] {strides = array<i32>} : memref<16x2048xf32, #tpu.memory_space<vmem>>, vector<16xf32>,
        %exp3A_825 = math.exp %get3A_824 : vector<16xf32>
        %get3A_826 = arith.index_cast %scan3A_821 : i32 to index
        %get3A_827 = arith.constant 16 : index
        %get3A_828 = tpu.vector_load %arg7[%get3A_826, %get3A_827] {strides = array<i32>} : memref<16x2048xf32, #tpu.memory_space<vmem>>, vector<16xf32>,
        %exp3A_829 = math.exp %get3A_828 : vector<16xf32>
        %get3A_830 = arith.index_cast %scan3A_821 : i32 to index
        %get3A_831 = arith.constant 32 : index
        %get3A_832 = tpu.vector_load %arg7[%get3A_830, %get3A_831] {strides = array<i32>} : memref<16x2048xf32, #tpu.memory_space<vmem>>, vector<16xf32>,
        %exp3A_833 = math.exp %get3A_832 : vector<16xf32>
        %get3A_834 = arith.index_cast %scan3A_821 : i32 to index
        %get3A_835 = arith.constant 48 : index
        %get3A_836 = tpu.vector_load %arg7[%get3A_834, %get3A_835] {strides = array<i32>} : memref<16x2048xf32, #tpu.memory_space<vmem>>, vector<16xf32>,
        %exp3A_837 = math.exp %get3A_836 : vector<16xf32>
        %get3A_838 = arith.index_cast %scan3A_821 : i32 to index
        %get3A_839 = arith.constant 64 : index
        %get3A_840 = tpu.vector_load %arg7[%get3A_838, %get3A_839] {strides = array<i32>} : memref<16x2048xf32, #tpu.memory_space<vmem>>, vector<16xf32>,
        %exp3A_841 = math.exp %get3A_840 : vector<16xf32>
        %get3A_842 = arith.index_cast %scan3A_821 : i32 to index
        %get3A_843 = arith.constant 80 : index
        %get3A_844 = tpu.vector_load %arg7[%get3A_842, %get3A_843] {strides = array<i32>} : memref<16x2048xf32, #tpu.memory_space<vmem>>, vector<16xf32>,
        %exp3A_845 = math.exp %get3A_844 : vector<16xf32>
        %get3A_846 = arith.index_cast %scan3A_821 : i32 to index
        %get3A_847 = arith.constant 96 : index
        %get3A_848 = tpu.vector_load %arg7[%get3A_846, %get3A_847] {strides = array<i32>} : memref<16x2048xf32, #tpu.memory_space<vmem>>, vector<16xf32>,
        %exp3A_849 = math.exp %get3A_848 : vector<16xf32>
        %get3A_850 = arith.index_cast %scan3A_821 : i32 to index
        %get3A_851 = arith.constant 112 : index
        %get3A_852 = tpu.vector_load %arg7[%get3A_850, %get3A_851] {strides = array<i32>} : memref<16x2048xf32, #tpu.memory_space<vmem>>, vector<16xf32>,
        %exp3A_853 = math.exp %get3A_852 : vector<16xf32>
        %get3A_854 = arith.index_cast %scan3A_821 : i32 to index
        %get3A_855 = arith.constant 128 : index
        %get3A_856 = tpu.vector_load %arg7[%get3A_854, %get3A_855] {strides = array<i32>} : memref<16x2048xf32, #tpu.memory_space<vmem>>, vector<16xf32>,
        %exp3A_857 = math.exp %get3A_856 : vector<16xf32>
        %add3A_858 = arith.addf %exp3A_825, %exp3A_857 : vector<16xf32>
        %get3A_859 = arith.index_cast %scan3A_821 : i32 to index
        %get3A_860 = arith.constant 144 : index
        %get3A_861 = tpu.vector_load %arg7[%get3A_859, %get3A_860] {strides = array<i32>} : memref<16x2048xf32, #tpu.memory_space<vmem>>, vector<16xf32>,
        %exp3A_862 = math.exp %get3A_861 : vector<16xf32>
        %add3A_863 = arith.addf %exp3A_829, %exp3A_862 : vector<16xf32>
        %get3A_864 = arith.index_cast %scan3A_821 : i32 to index
        %get3A_865 = arith.constant 160 : index
        %get3A_866 = tpu.vector_load %arg7[%get3A_864, %get3A_865] {strides = array<i32>} : memref<16x2048xf32, #tpu.memory_space<vmem>>, vector<16xf32>,
        %exp3A_867 = math.exp %get3A_866 : vector<16xf32>
        %add3A_868 = arith.addf %exp3A_833, %exp3A_867 : vector<16xf32>
        %get3A_869 = arith.index_cast %scan3A_821 : i32 to index
        %get3A_870 = arith.constant 176 : index
        %get3A_871 = tpu.vector_load %arg7[%get3A_869, %get3A_870] {strides = array<i32>} : memref<16x2048xf32, #tpu.memory_space<vmem>>, vector<16xf32>,
        %exp3A_872 = math.exp %get3A_871 : vector<16xf32>
        %add3A_873 = arith.addf %exp3A_837, %exp3A_872 : vector<16xf32>
        %get3A_874 = arith.index_cast %scan3A_821 : i32 to index
        %get3A_875 = arith.constant 192 : index
        %get3A_876 = tpu.vector_load %arg7[%get3A_874, %get3A_875] {strides = array<i32>} : memref<16x2048xf32, #tpu.memory_space<vmem>>, vector<16xf32>,
        %exp3A_877 = math.exp %get3A_876 : vector<16xf32>
        %add3A_878 = arith.addf %exp3A_841, %exp3A_877 : vector<16xf32>
        %get3A_879 = arith.index_cast %scan3A_821 : i32 to index
        %get3A_880 = arith.constant 208 : index
        %get3A_881 = tpu.vector_load %arg7[%get3A_879, %get3A_880] {strides = array<i32>} : memref<16x2048xf32, #tpu.memory_space<vmem>>, vector<16xf32>,
        %exp3A_882 = math.exp %get3A_881 : vector<16xf32>
        %add3A_883 = arith.addf %exp3A_845, %exp3A_882 : vector<16xf32>
        %get3A_884 = arith.index_cast %scan3A_821 : i32 to index
        %get3A_885 = arith.constant 224 : index
        %get3A_886 = tpu.vector_load %arg7[%get3A_884, %get3A_885] {strides = array<i32>} : memref<16x2048xf32, #tpu.memory_space<vmem>>, vector<16xf32>,
        %exp3A_887 = math.exp %get3A_886 : vector<16xf32>
        %add3A_888 = arith.addf %exp3A_849, %exp3A_887 : vector<16xf32>
        %get3A_889 = arith.index_cast %scan3A_821 : i32 to index
        %get3A_890 = arith.constant 240 : index
        %get3A_891 = tpu.vector_load %arg7[%get3A_889, %get3A_890] {strides = array<i32>} : memref<16x2048xf32, #tpu.memory_space<vmem>>, vector<16xf32>,
        %exp3A_892 = math.exp %get3A_891 : vector<16xf32>
        %add3A_893 = arith.addf %exp3A_853, %exp3A_892 : vector<16xf32>
        %get3A_894 = arith.index_cast %scan3A_821 : i32 to index
        %get3A_895 = arith.constant 256 : index
        %get3A_896 = tpu.vector_load %arg7[%get3A_894, %get3A_895] {strides = array<i32>} : memref<16x2048xf32, #tpu.memory_space<vmem>>, vector<16xf32>,
        %exp3A_897 = math.exp %get3A_896 : vector<16xf32>
        %add3A_898 = arith.addf %add3A_858, %exp3A_897 : vector<16xf32>
        %get3A_899 = arith.index_cast %scan3A_821 : i32 to index
        %get3A_900 = arith.constant 272 : index
        %get3A_901 = tpu.vector_load %arg7[%get3A_899, %get3A_900] {strides = array<i32>} : memref<16x2048xf32, #tpu.memory_space<vmem>>, vector<16xf32>,
        %exp3A_902 = math.exp %get3A_901 : vector<16xf32>
        %add3A_903 = arith.addf %add3A_863, %exp3A_902 : vector<16xf32>
        %get3A_904 = arith.index_cast %scan3A_821 : i32 to index
        %get3A_905 = arith.constant 288 : index
        %get3A_906 = tpu.vector_load %arg7[%get3A_904, %get3A_905] {strides = array<i32>} : memref<16x2048xf32, #tpu.memory_space<vmem>>, vector<16xf32>,
        %exp3A_907 = math.exp %get3A_906 : vector<16xf32>
        %add3A_908 = arith.addf %add3A_868, %exp3A_907 : vector<16xf32>
        %get3A_909 = arith.index_cast %scan3A_821 : i32 to index
        %get3A_910 = arith.constant 304 : index
        %get3A_911 = tpu.vector_load %arg7[%get3A_909, %get3A_910] {strides = array<i32>} : memref<16x2048xf32, #tpu.memory_space<vmem>>, vector<16xf32>,
        %exp3A_912 = math.exp %get3A_911 : vector<16xf32>
        %add3A_913 = arith.addf %add3A_873, %exp3A_912 : vector<16xf32>
        %get3A_914 = arith.index_cast %scan3A_821 : i32 to index
        %get3A_915 = arith.constant 320 : index
        %get3A_916 = tpu.vector_load %arg7[%get3A_914, %get3A_915] {strides = array<i32>} : memref<16x2048xf32, #tpu.memory_space<vmem>>, vector<16xf32>,
        %exp3A_917 = math.exp %get3A_916 : vector<16xf32>
        %add3A_918 = arith.addf %add3A_878, %exp3A_917 : vector<16xf32>
        %get3A_919 = arith.index_cast %scan3A_821 : i32 to index
        %get3A_920 = arith.constant 336 : index
        %get3A_921 = tpu.vector_load %arg7[%get3A_919, %get3A_920] {strides = array<i32>} : memref<16x2048xf32, #tpu.memory_space<vmem>>, vector<16xf32>,
        %exp3A_922 = math.exp %get3A_921 : vector<16xf32>
        %add3A_923 = arith.addf %add3A_883, %exp3A_922 : vector<16xf32>
        %get3A_924 = arith.index_cast %scan3A_821 : i32 to index
        %get3A_925 = arith.constant 352 : index
        %get3A_926 = tpu.vector_load %arg7[%get3A_924, %get3A_925] {strides = array<i32>} : memref<16x2048xf32, #tpu.memory_space<vmem>>, vector<16xf32>,
        %exp3A_927 = math.exp %get3A_926 : vector<16xf32>
        %add3A_928 = arith.addf %add3A_888, %exp3A_927 : vector<16xf32>
        %get3A_929 = arith.index_cast %scan3A_821 : i32 to index
        %get3A_930 = arith.constant 368 : index
        %get3A_931 = tpu.vector_load %arg7[%get3A_929, %get3A_930] {strides = array<i32>} : memref<16x2048xf32, #tpu.memory_space<vmem>>, vector<16xf32>,
        %exp3A_932 = math.exp %get3A_931 : vector<16xf32>
        %add3A_933 = arith.addf %add3A_893, %exp3A_932 : vector<16xf32>
        %get3A_934 = arith.index_cast %scan3A_821 : i32 to index
        %get3A_935 = arith.constant 384 : index
        %get3A_936 = tpu.vector_load %arg7[%get3A_934, %get3A_935] {strides = array<i32>} : memref<16x2048xf32, #tpu.memory_space<vmem>>, vector<16xf32>,
        %exp3A_937 = math.exp %get3A_936 : vector<16xf32>
        %add3A_938 = arith.addf %add3A_898, %exp3A_937 : vector<16xf32>
        %get3A_939 = arith.index_cast %scan3A_821 : i32 to index
        %get3A_940 = arith.constant 400 : index
        %get3A_941 = tpu.vector_load %arg7[%get3A_939, %get3A_940] {strides = array<i32>} : memref<16x2048xf32, #tpu.memory_space<vmem>>, vector<16xf32>,
        %exp3A_942 = math.exp %get3A_941 : vector<16xf32>
        %add3A_943 = arith.addf %add3A_903, %exp3A_942 : vector<16xf32>
        %get3A_944 = arith.index_cast %scan3A_821 : i32 to index
        %get3A_945 = arith.constant 416 : index
        %get3A_946 = tpu.vector_load %arg7[%get3A_944, %get3A_945] {strides = array<i32>} : memref<16x2048xf32, #tpu.memory_space<vmem>>, vector<16xf32>,
        %exp3A_947 = math.exp %get3A_946 : vector<16xf32>
        %add3A_948 = arith.addf %add3A_908, %exp3A_947 : vector<16xf32>
        %get3A_949 = arith.index_cast %scan3A_821 : i32 to index
        %get3A_950 = arith.constant 432 : index
        %get3A_951 = tpu.vector_load %arg7[%get3A_949, %get3A_950] {strides = array<i32>} : memref<16x2048xf32, #tpu.memory_space<vmem>>, vector<16xf32>,
        %exp3A_952 = math.exp %get3A_951 : vector<16xf32>
        %add3A_953 = arith.addf %add3A_913, %exp3A_952 : vector<16xf32>
        %get3A_954 = arith.index_cast %scan3A_821 : i32 to index
        %get3A_955 = arith.constant 448 : index
        %get3A_956 = tpu.vector_load %arg7[%get3A_954, %get3A_955] {strides = array<i32>} : memref<16x2048xf32, #tpu.memory_space<vmem>>, vector<16xf32>,
        %exp3A_957 = math.exp %get3A_956 : vector<16xf32>
        %add3A_958 = arith.addf %add3A_918, %exp3A_957 : vector<16xf32>
        %get3A_959 = arith.index_cast %scan3A_821 : i32 to index
        %get3A_960 = arith.constant 464 : index
        %get3A_961 = tpu.vector_load %arg7[%get3A_959, %get3A_960] {strides = array<i32>} : memref<16x2048xf32, #tpu.memory_space<vmem>>, vector<16xf32>,
        %exp3A_962 = math.exp %get3A_961 : vector<16xf32>
        %add3A_963 = arith.addf %add3A_923, %exp3A_962 : vector<16xf32>
        %get3A_964 = arith.index_cast %scan3A_821 : i32 to index
        %get3A_965 = arith.constant 480 : index
        %get3A_966 = tpu.vector_load %arg7[%get3A_964, %get3A_965] {strides = array<i32>} : memref<16x2048xf32, #tpu.memory_space<vmem>>, vector<16xf32>,
        %exp3A_967 = math.exp %get3A_966 : vector<16xf32>
        %add3A_968 = arith.addf %add3A_928, %exp3A_967 : vector<16xf32>
        %get3A_969 = arith.index_cast %scan3A_821 : i32 to index
        %get3A_970 = arith.constant 496 : index
        %get3A_971 = tpu.vector_load %arg7[%get3A_969, %get3A_970] {strides = array<i32>} : memref<16x2048xf32, #tpu.memory_space<vmem>>, vector<16xf32>,
        %exp3A_972 = math.exp %get3A_971 : vector<16xf32>
        %add3A_973 = arith.addf %add3A_933, %exp3A_972 : vector<16xf32>
        %get3A_974 = arith.index_cast %scan3A_821 : i32 to index
        %get3A_975 = arith.constant 512 : index
        %get3A_976 = tpu.vector_load %arg7[%get3A_974, %get3A_975] {strides = array<i32>} : memref<16x2048xf32, #tpu.memory_space<vmem>>, vector<16xf32>,
        %exp3A_977 = math.exp %get3A_976 : vector<16xf32>
        %add3A_978 = arith.addf %add3A_938, %exp3A_977 : vector<16xf32>
        %get3A_979 = arith.index_cast %scan3A_821 : i32 to index
        %get3A_980 = arith.constant 528 : index
        %get3A_981 = tpu.vector_load %arg7[%get3A_979, %get3A_980] {strides = array<i32>} : memref<16x2048xf32, #tpu.memory_space<vmem>>, vector<16xf32>,
        %exp3A_982 = math.exp %get3A_981 : vector<16xf32>
        %add3A_983 = arith.addf %add3A_943, %exp3A_982 : vector<16xf32>
        %get3A_984 = arith.index_cast %scan3A_821 : i32 to index
        %get3A_985 = arith.constant 544 : index
        %get3A_986 = tpu.vector_load %arg7[%get3A_984, %get3A_985] {strides = array<i32>} : memref<16x2048xf32, #tpu.memory_space<vmem>>, vector<16xf32>,
        %exp3A_987 = math.exp %get3A_986 : vector<16xf32>
        %add3A_988 = arith.addf %add3A_948, %exp3A_987 : vector<16xf32>
        %get3A_989 = arith.index_cast %scan3A_821 : i32 to index
        %get3A_990 = arith.constant 560 : index
        %get3A_991 = tpu.vector_load %arg7[%get3A_989, %get3A_990] {strides = array<i32>} : memref<16x2048xf32, #tpu.memory_space<vmem>>, vector<16xf32>,
        %exp3A_992 = math.exp %get3A_991 : vector<16xf32>
        %add3A_993 = arith.addf %add3A_953, %exp3A_992 : vector<16xf32>
        %get3A_994 = arith.index_cast %scan3A_821 : i32 to index
        %get3A_995 = arith.constant 576 : index
        %get3A_996 = tpu.vector_load %arg7[%get3A_994, %get3A_995] {strides = array<i32>} : memref<16x2048xf32, #tpu.memory_space<vmem>>, vector<16xf32>,
        %exp3A_997 = math.exp %get3A_996 : vector<16xf32>
        %add3A_998 = arith.addf %add3A_958, %exp3A_997 : vector<16xf32>
        %get3A_999 = arith.index_cast %scan3A_821 : i32 to index
        %get3A_1000 = arith.constant 592 : index
        %get3A_1001 = tpu.vector_load %arg7[%get3A_999, %get3A_1000] {strides = array<i32>} : memref<16x2048xf32, #tpu.memory_space<vmem>>, vector<16xf32>,
        %exp3A_1002 = math.exp %get3A_1001 : vector<16xf32>
        %add3A_1003 = arith.addf %add3A_963, %exp3A_1002 : vector<16xf32>
        %get3A_1004 = arith.index_cast %scan3A_821 : i32 to index
        %get3A_1005 = arith.constant 608 : index
        %get3A_1006 = tpu.vector_load %arg7[%get3A_1004, %get3A_1005] {strides = array<i32>} : memref<16x2048xf32, #tpu.memory_space<vmem>>, vector<16xf32>,
        %exp3A_1007 = math.exp %get3A_1006 : vector<16xf32>
        %add3A_1008 = arith.addf %add3A_968, %exp3A_1007 : vector<16xf32>
        %get3A_1009 = arith.index_cast %scan3A_821 : i32 to index
        %get3A_1010 = arith.constant 624 : index
        %get3A_1011 = tpu.vector_load %arg7[%get3A_1009, %get3A_1010] {strides = array<i32>} : memref<16x2048xf32, #tpu.memory_space<vmem>>, vector<16xf32>,
        %exp3A_1012 = math.exp %get3A_1011 : vector<16xf32>
        %add3A_1013 = arith.addf %add3A_973, %exp3A_1012 : vector<16xf32>
        %get3A_1014 = arith.index_cast %scan3A_821 : i32 to index
        %get3A_1015 = arith.constant 640 : index
        %get3A_1016 = tpu.vector_load %arg7[%get3A_1014, %get3A_1015] {strides = array<i32>} : memref<16x2048xf32, #tpu.memory_space<vmem>>, vector<16xf32>,
        %exp3A_1017 = math.exp %get3A_1016 : vector<16xf32>
        %add3A_1018 = arith.addf %add3A_978, %exp3A_1017 : vector<16xf32>
        %get3A_1019 = arith.index_cast %scan3A_821 : i32 to index
        %get3A_1020 = arith.constant 656 : index
        %get3A_1021 = tpu.vector_load %arg7[%get3A_1019, %get3A_1020] {strides = array<i32>} : memref<16x2048xf32, #tpu.memory_space<vmem>>, vector<16xf32>,
        %exp3A_1022 = math.exp %get3A_1021 : vector<16xf32>
        %add3A_1023 = arith.addf %add3A_983, %exp3A_1022 : vector<16xf32>
        %get3A_1024 = arith.index_cast %scan3A_821 : i32 to index
        %get3A_1025 = arith.constant 672 : index
        %get3A_1026 = tpu.vector_load %arg7[%get3A_1024, %get3A_1025] {strides = array<i32>} : memref<16x2048xf32, #tpu.memory_space<vmem>>, vector<16xf32>,
        %exp3A_1027 = math.exp %get3A_1026 : vector<16xf32>
        %add3A_1028 = arith.addf %add3A_988, %exp3A_1027 : vector<16xf32>
        %get3A_1029 = arith.index_cast %scan3A_821 : i32 to index
        %get3A_1030 = arith.constant 688 : index
        %get3A_1031 = tpu.vector_load %arg7[%get3A_1029, %get3A_1030] {strides = array<i32>} : memref<16x2048xf32, #tpu.memory_space<vmem>>, vector<16xf32>,
        %exp3A_1032 = math.exp %get3A_1031 : vector<16xf32>
        %add3A_1033 = arith.addf %add3A_993, %exp3A_1032 : vector<16xf32>
        %get3A_1034 = arith.index_cast %scan3A_821 : i32 to index
        %get3A_1035 = arith.constant 704 : index
        %get3A_1036 = tpu.vector_load %arg7[%get3A_1034, %get3A_1035] {strides = array<i32>} : memref<16x2048xf32, #tpu.memory_space<vmem>>, vector<16xf32>,
        %exp3A_1037 = math.exp %get3A_1036 : vector<16xf32>
        %add3A_1038 = arith.addf %add3A_998, %exp3A_1037 : vector<16xf32>
        %get3A_1039 = arith.index_cast %scan3A_821 : i32 to index
        %get3A_1040 = arith.constant 720 : index
        %get3A_1041 = tpu.vector_load %arg7[%get3A_1039, %get3A_1040] {strides = array<i32>} : memref<16x2048xf32, #tpu.memory_space<vmem>>, vector<16xf32>,
        %exp3A_1042 = math.exp %get3A_1041 : vector<16xf32>
        %add3A_1043 = arith.addf %add3A_1003, %exp3A_1042 : vector<16xf32>
        %get3A_1044 = arith.index_cast %scan3A_821 : i32 to index
        %get3A_1045 = arith.constant 736 : index
        %get3A_1046 = tpu.vector_load %arg7[%get3A_1044, %get3A_1045] {strides = array<i32>} : memref<16x2048xf32, #tpu.memory_space<vmem>>, vector<16xf32>,
        %exp3A_1047 = math.exp %get3A_1046 : vector<16xf32>
        %add3A_1048 = arith.addf %add3A_1008, %exp3A_1047 : vector<16xf32>
        %get3A_1049 = arith.index_cast %scan3A_821 : i32 to index
        %get3A_1050 = arith.constant 752 : index
        %get3A_1051 = tpu.vector_load %arg7[%get3A_1049, %get3A_1050] {strides = array<i32>} : memref<16x2048xf32, #tpu.memory_space<vmem>>, vector<16xf32>,
        %exp3A_1052 = math.exp %get3A_1051 : vector<16xf32>
        %add3A_1053 = arith.addf %add3A_1013, %exp3A_1052 : vector<16xf32>
        %get3A_1054 = arith.index_cast %scan3A_821 : i32 to index
        %get3A_1055 = arith.constant 768 : index
        %get3A_1056 = tpu.vector_load %arg7[%get3A_1054, %get3A_1055] {strides = array<i32>} : memref<16x2048xf32, #tpu.memory_space<vmem>>, vector<16xf32>,
        %exp3A_1057 = math.exp %get3A_1056 : vector<16xf32>
        %add3A_1058 = arith.addf %add3A_1018, %exp3A_1057 : vector<16xf32>
        %get3A_1059 = arith.index_cast %scan3A_821 : i32 to index
        %get3A_1060 = arith.constant 784 : index
        %get3A_1061 = tpu.vector_load %arg7[%get3A_1059, %get3A_1060] {strides = array<i32>} : memref<16x2048xf32, #tpu.memory_space<vmem>>, vector<16xf32>,
        %exp3A_1062 = math.exp %get3A_1061 : vector<16xf32>
        %add3A_1063 = arith.addf %add3A_1023, %exp3A_1062 : vector<16xf32>
        %get3A_1064 = arith.index_cast %scan3A_821 : i32 to index
        %get3A_1065 = arith.constant 800 : index
        %get3A_1066 = tpu.vector_load %arg7[%get3A_1064, %get3A_1065] {strides = array<i32>} : memref<16x2048xf32, #tpu.memory_space<vmem>>, vector<16xf32>,
        %exp3A_1067 = math.exp %get3A_1066 : vector<16xf32>
        %add3A_1068 = arith.addf %add3A_1028, %exp3A_1067 : vector<16xf32>
        %get3A_1069 = arith.index_cast %scan3A_821 : i32 to index
        %get3A_1070 = arith.constant 816 : index
        %get3A_1071 = tpu.vector_load %arg7[%get3A_1069, %get3A_1070] {strides = array<i32>} : memref<16x2048xf32, #tpu.memory_space<vmem>>, vector<16xf32>,
        %exp3A_1072 = math.exp %get3A_1071 : vector<16xf32>
        %add3A_1073 = arith.addf %add3A_1033, %exp3A_1072 : vector<16xf32>
        %get3A_1074 = arith.index_cast %scan3A_821 : i32 to index
        %get3A_1075 = arith.constant 832 : index
        %get3A_1076 = tpu.vector_load %arg7[%get3A_1074, %get3A_1075] {strides = array<i32>} : memref<16x2048xf32, #tpu.memory_space<vmem>>, vector<16xf32>,
        %exp3A_1077 = math.exp %get3A_1076 : vector<16xf32>
        %add3A_1078 = arith.addf %add3A_1038, %exp3A_1077 : vector<16xf32>
        %get3A_1079 = arith.index_cast %scan3A_821 : i32 to index
        %get3A_1080 = arith.constant 848 : index
        %get3A_1081 = tpu.vector_load %arg7[%get3A_1079, %get3A_1080] {strides = array<i32>} : memref<16x2048xf32, #tpu.memory_space<vmem>>, vector<16xf32>,
        %exp3A_1082 = math.exp %get3A_1081 : vector<16xf32>
        %add3A_1083 = arith.addf %add3A_1043, %exp3A_1082 : vector<16xf32>
        %get3A_1084 = arith.index_cast %scan3A_821 : i32 to index
        %get3A_1085 = arith.constant 864 : index
        %get3A_1086 = tpu.vector_load %arg7[%get3A_1084, %get3A_1085] {strides = array<i32>} : memref<16x2048xf32, #tpu.memory_space<vmem>>, vector<16xf32>,
        %exp3A_1087 = math.exp %get3A_1086 : vector<16xf32>
        %add3A_1088 = arith.addf %add3A_1048, %exp3A_1087 : vector<16xf32>
        %get3A_1089 = arith.index_cast %scan3A_821 : i32 to index
        %get3A_1090 = arith.constant 880 : index
        %get3A_1091 = tpu.vector_load %arg7[%get3A_1089, %get3A_1090] {strides = array<i32>} : memref<16x2048xf32, #tpu.memory_space<vmem>>, vector<16xf32>,
        %exp3A_1092 = math.exp %get3A_1091 : vector<16xf32>
        %add3A_1093 = arith.addf %add3A_1053, %exp3A_1092 : vector<16xf32>
        %get3A_1094 = arith.index_cast %scan3A_821 : i32 to index
        %get3A_1095 = arith.constant 896 : index
        %get3A_1096 = tpu.vector_load %arg7[%get3A_1094, %get3A_1095] {strides = array<i32>} : memref<16x2048xf32, #tpu.memory_space<vmem>>, vector<16xf32>,
        %exp3A_1097 = math.exp %get3A_1096 : vector<16xf32>
        %add3A_1098 = arith.addf %add3A_1058, %exp3A_1097 : vector<16xf32>
        %get3A_1099 = arith.index_cast %scan3A_821 : i32 to index
        %get3A_1100 = arith.constant 912 : index
        %get3A_1101 = tpu.vector_load %arg7[%get3A_1099, %get3A_1100] {strides = array<i32>} : memref<16x2048xf32, #tpu.memory_space<vmem>>, vector<16xf32>,
        %exp3A_1102 = math.exp %get3A_1101 : vector<16xf32>
        %add3A_1103 = arith.addf %add3A_1063, %exp3A_1102 : vector<16xf32>
        %get3A_1104 = arith.index_cast %scan3A_821 : i32 to index
        %get3A_1105 = arith.constant 928 : index
        %get3A_1106 = tpu.vector_load %arg7[%get3A_1104, %get3A_1105] {strides = array<i32>} : memref<16x2048xf32, #tpu.memory_space<vmem>>, vector<16xf32>,
        %exp3A_1107 = math.exp %get3A_1106 : vector<16xf32>
        %add3A_1108 = arith.addf %add3A_1068, %exp3A_1107 : vector<16xf32>
        %get3A_1109 = arith.index_cast %scan3A_821 : i32 to index
        %get3A_1110 = arith.constant 944 : index
        %get3A_1111 = tpu.vector_load %arg7[%get3A_1109, %get3A_1110] {strides = array<i32>} : memref<16x2048xf32, #tpu.memory_space<vmem>>, vector<16xf32>,
        %exp3A_1112 = math.exp %get3A_1111 : vector<16xf32>
        %add3A_1113 = arith.addf %add3A_1073, %exp3A_1112 : vector<16xf32>
        %get3A_1114 = arith.index_cast %scan3A_821 : i32 to index
        %get3A_1115 = arith.constant 960 : index
        %get3A_1116 = tpu.vector_load %arg7[%get3A_1114, %get3A_1115] {strides = array<i32>} : memref<16x2048xf32, #tpu.memory_space<vmem>>, vector<16xf32>,
        %exp3A_1117 = math.exp %get3A_1116 : vector<16xf32>
        %add3A_1118 = arith.addf %add3A_1078, %exp3A_1117 : vector<16xf32>
        %get3A_1119 = arith.index_cast %scan3A_821 : i32 to index
        %get3A_1120 = arith.constant 976 : index
        %get3A_1121 = tpu.vector_load %arg7[%get3A_1119, %get3A_1120] {strides = array<i32>} : memref<16x2048xf32, #tpu.memory_space<vmem>>, vector<16xf32>,
        %exp3A_1122 = math.exp %get3A_1121 : vector<16xf32>
        %add3A_1123 = arith.addf %add3A_1083, %exp3A_1122 : vector<16xf32>
        %get3A_1124 = arith.index_cast %scan3A_821 : i32 to index
        %get3A_1125 = arith.constant 992 : index
        %get3A_1126 = tpu.vector_load %arg7[%get3A_1124, %get3A_1125] {strides = array<i32>} : memref<16x2048xf32, #tpu.memory_space<vmem>>, vector<16xf32>,
        %exp3A_1127 = math.exp %get3A_1126 : vector<16xf32>
        %add3A_1128 = arith.addf %add3A_1088, %exp3A_1127 : vector<16xf32>
        %get3A_1129 = arith.index_cast %scan3A_821 : i32 to index
        %get3A_1130 = arith.constant 1008 : index
        %get3A_1131 = tpu.vector_load %arg7[%get3A_1129, %get3A_1130] {strides = array<i32>} : memref<16x2048xf32, #tpu.memory_space<vmem>>, vector<16xf32>,
        %exp3A_1132 = math.exp %get3A_1131 : vector<16xf32>
        %add3A_1133 = arith.addf %add3A_1093, %exp3A_1132 : vector<16xf32>
        %get3A_1134 = arith.index_cast %scan3A_821 : i32 to index
        %get3A_1135 = arith.constant 1024 : index
        %get3A_1136 = tpu.vector_load %arg7[%get3A_1134, %get3A_1135] {strides = array<i32>} : memref<16x2048xf32, #tpu.memory_space<vmem>>, vector<16xf32>,
        %exp3A_1137 = math.exp %get3A_1136 : vector<16xf32>
        %add3A_1138 = arith.addf %add3A_1098, %exp3A_1137 : vector<16xf32>
        %get3A_1139 = arith.index_cast %scan3A_821 : i32 to index
        %get3A_1140 = arith.constant 1040 : index
        %get3A_1141 = tpu.vector_load %arg7[%get3A_1139, %get3A_1140] {strides = array<i32>} : memref<16x2048xf32, #tpu.memory_space<vmem>>, vector<16xf32>,
        %exp3A_1142 = math.exp %get3A_1141 : vector<16xf32>
        %add3A_1143 = arith.addf %add3A_1103, %exp3A_1142 : vector<16xf32>
        %get3A_1144 = arith.index_cast %scan3A_821 : i32 to index
        %get3A_1145 = arith.constant 1056 : index
        %get3A_1146 = tpu.vector_load %arg7[%get3A_1144, %get3A_1145] {strides = array<i32>} : memref<16x2048xf32, #tpu.memory_space<vmem>>, vector<16xf32>,
        %exp3A_1147 = math.exp %get3A_1146 : vector<16xf32>
        %add3A_1148 = arith.addf %add3A_1108, %exp3A_1147 : vector<16xf32>
        %get3A_1149 = arith.index_cast %scan3A_821 : i32 to index
        %get3A_1150 = arith.constant 1072 : index
        %get3A_1151 = tpu.vector_load %arg7[%get3A_1149, %get3A_1150] {strides = array<i32>} : memref<16x2048xf32, #tpu.memory_space<vmem>>, vector<16xf32>,
        %exp3A_1152 = math.exp %get3A_1151 : vector<16xf32>
        %add3A_1153 = arith.addf %add3A_1113, %exp3A_1152 : vector<16xf32>
        %get3A_1154 = arith.index_cast %scan3A_821 : i32 to index
        %get3A_1155 = arith.constant 1088 : index
        %get3A_1156 = tpu.vector_load %arg7[%get3A_1154, %get3A_1155] {strides = array<i32>} : memref<16x2048xf32, #tpu.memory_space<vmem>>, vector<16xf32>,
        %exp3A_1157 = math.exp %get3A_1156 : vector<16xf32>
        %add3A_1158 = arith.addf %add3A_1118, %exp3A_1157 : vector<16xf32>
        %get3A_1159 = arith.index_cast %scan3A_821 : i32 to index
        %get3A_1160 = arith.constant 1104 : index
        %get3A_1161 = tpu.vector_load %arg7[%get3A_1159, %get3A_1160] {strides = array<i32>} : memref<16x2048xf32, #tpu.memory_space<vmem>>, vector<16xf32>,
        %exp3A_1162 = math.exp %get3A_1161 : vector<16xf32>
        %add3A_1163 = arith.addf %add3A_1123, %exp3A_1162 : vector<16xf32>
        %get3A_1164 = arith.index_cast %scan3A_821 : i32 to index
        %get3A_1165 = arith.constant 1120 : index
        %get3A_1166 = tpu.vector_load %arg7[%get3A_1164, %get3A_1165] {strides = array<i32>} : memref<16x2048xf32, #tpu.memory_space<vmem>>, vector<16xf32>,
        %exp3A_1167 = math.exp %get3A_1166 : vector<16xf32>
        %add3A_1168 = arith.addf %add3A_1128, %exp3A_1167 : vector<16xf32>
        %get3A_1169 = arith.index_cast %scan3A_821 : i32 to index
        %get3A_1170 = arith.constant 1136 : index
        %get3A_1171 = tpu.vector_load %arg7[%get3A_1169, %get3A_1170] {strides = array<i32>} : memref<16x2048xf32, #tpu.memory_space<vmem>>, vector<16xf32>,
        %exp3A_1172 = math.exp %get3A_1171 : vector<16xf32>
        %add3A_1173 = arith.addf %add3A_1133, %exp3A_1172 : vector<16xf32>
        %get3A_1174 = arith.index_cast %scan3A_821 : i32 to index
        %get3A_1175 = arith.constant 1152 : index
        %get3A_1176 = tpu.vector_load %arg7[%get3A_1174, %get3A_1175] {strides = array<i32>} : memref<16x2048xf32, #tpu.memory_space<vmem>>, vector<16xf32>,
        %exp3A_1177 = math.exp %get3A_1176 : vector<16xf32>
        %add3A_1178 = arith.addf %add3A_1138, %exp3A_1177 : vector<16xf32>
        %get3A_1179 = arith.index_cast %scan3A_821 : i32 to index
        %get3A_1180 = arith.constant 1168 : index
        %get3A_1181 = tpu.vector_load %arg7[%get3A_1179, %get3A_1180] {strides = array<i32>} : memref<16x2048xf32, #tpu.memory_space<vmem>>, vector<16xf32>,
        %exp3A_1182 = math.exp %get3A_1181 : vector<16xf32>
        %add3A_1183 = arith.addf %add3A_1143, %exp3A_1182 : vector<16xf32>
        %get3A_1184 = arith.index_cast %scan3A_821 : i32 to index
        %get3A_1185 = arith.constant 1184 : index
        %get3A_1186 = tpu.vector_load %arg7[%get3A_1184, %get3A_1185] {strides = array<i32>} : memref<16x2048xf32, #tpu.memory_space<vmem>>, vector<16xf32>,
        %exp3A_1187 = math.exp %get3A_1186 : vector<16xf32>
        %add3A_1188 = arith.addf %add3A_1148, %exp3A_1187 : vector<16xf32>
        %get3A_1189 = arith.index_cast %scan3A_821 : i32 to index
        %get3A_1190 = arith.constant 1200 : index
        %get3A_1191 = tpu.vector_load %arg7[%get3A_1189, %get3A_1190] {strides = array<i32>} : memref<16x2048xf32, #tpu.memory_space<vmem>>, vector<16xf32>,
        %exp3A_1192 = math.exp %get3A_1191 : vector<16xf32>
        %add3A_1193 = arith.addf %add3A_1153, %exp3A_1192 : vector<16xf32>
        %get3A_1194 = arith.index_cast %scan3A_821 : i32 to index
        %get3A_1195 = arith.constant 1216 : index
        %get3A_1196 = tpu.vector_load %arg7[%get3A_1194, %get3A_1195] {strides = array<i32>} : memref<16x2048xf32, #tpu.memory_space<vmem>>, vector<16xf32>,
        %exp3A_1197 = math.exp %get3A_1196 : vector<16xf32>
        %add3A_1198 = arith.addf %add3A_1158, %exp3A_1197 : vector<16xf32>
        %get3A_1199 = arith.index_cast %scan3A_821 : i32 to index
        %get3A_1200 = arith.constant 1232 : index
        %get3A_1201 = tpu.vector_load %arg7[%get3A_1199, %get3A_1200] {strides = array<i32>} : memref<16x2048xf32, #tpu.memory_space<vmem>>, vector<16xf32>,
        %exp3A_1202 = math.exp %get3A_1201 : vector<16xf32>
        %add3A_1203 = arith.addf %add3A_1163, %exp3A_1202 : vector<16xf32>
        %get3A_1204 = arith.index_cast %scan3A_821 : i32 to index
        %get3A_1205 = arith.constant 1248 : index
        %get3A_1206 = tpu.vector_load %arg7[%get3A_1204, %get3A_1205] {strides = array<i32>} : memref<16x2048xf32, #tpu.memory_space<vmem>>, vector<16xf32>,
        %exp3A_1207 = math.exp %get3A_1206 : vector<16xf32>
        %add3A_1208 = arith.addf %add3A_1168, %exp3A_1207 : vector<16xf32>
        %get3A_1209 = arith.index_cast %scan3A_821 : i32 to index
        %get3A_1210 = arith.constant 1264 : index
        %get3A_1211 = tpu.vector_load %arg7[%get3A_1209, %get3A_1210] {strides = array<i32>} : memref<16x2048xf32, #tpu.memory_space<vmem>>, vector<16xf32>,
        %exp3A_1212 = math.exp %get3A_1211 : vector<16xf32>
        %add3A_1213 = arith.addf %add3A_1173, %exp3A_1212 : vector<16xf32>
        %get3A_1214 = arith.index_cast %scan3A_821 : i32 to index
        %get3A_1215 = arith.constant 1280 : index
        %get3A_1216 = tpu.vector_load %arg7[%get3A_1214, %get3A_1215] {strides = array<i32>} : memref<16x2048xf32, #tpu.memory_space<vmem>>, vector<16xf32>,
        %exp3A_1217 = math.exp %get3A_1216 : vector<16xf32>
        %add3A_1218 = arith.addf %add3A_1178, %exp3A_1217 : vector<16xf32>
        %get3A_1219 = arith.index_cast %scan3A_821 : i32 to index
        %get3A_1220 = arith.constant 1296 : index
        %get3A_1221 = tpu.vector_load %arg7[%get3A_1219, %get3A_1220] {strides = array<i32>} : memref<16x2048xf32, #tpu.memory_space<vmem>>, vector<16xf32>,
        %exp3A_1222 = math.exp %get3A_1221 : vector<16xf32>
        %add3A_1223 = arith.addf %add3A_1183, %exp3A_1222 : vector<16xf32>
        %get3A_1224 = arith.index_cast %scan3A_821 : i32 to index
        %get3A_1225 = arith.constant 1312 : index
        %get3A_1226 = tpu.vector_load %arg7[%get3A_1224, %get3A_1225] {strides = array<i32>} : memref<16x2048xf32, #tpu.memory_space<vmem>>, vector<16xf32>,
        %exp3A_1227 = math.exp %get3A_1226 : vector<16xf32>
        %add3A_1228 = arith.addf %add3A_1188, %exp3A_1227 : vector<16xf32>
        %get3A_1229 = arith.index_cast %scan3A_821 : i32 to index
        %get3A_1230 = arith.constant 1328 : index
        %get3A_1231 = tpu.vector_load %arg7[%get3A_1229, %get3A_1230] {strides = array<i32>} : memref<16x2048xf32, #tpu.memory_space<vmem>>, vector<16xf32>,
        %exp3A_1232 = math.exp %get3A_1231 : vector<16xf32>
        %add3A_1233 = arith.addf %add3A_1193, %exp3A_1232 : vector<16xf32>
        %get3A_1234 = arith.index_cast %scan3A_821 : i32 to index
        %get3A_1235 = arith.constant 1344 : index
        %get3A_1236 = tpu.vector_load %arg7[%get3A_1234, %get3A_1235] {strides = array<i32>} : memref<16x2048xf32, #tpu.memory_space<vmem>>, vector<16xf32>,
        %exp3A_1237 = math.exp %get3A_1236 : vector<16xf32>
        %add3A_1238 = arith.addf %add3A_1198, %exp3A_1237 : vector<16xf32>
        %get3A_1239 = arith.index_cast %scan3A_821 : i32 to index
        %get3A_1240 = arith.constant 1360 : index
        %get3A_1241 = tpu.vector_load %arg7[%get3A_1239, %get3A_1240] {strides = array<i32>} : memref<16x2048xf32, #tpu.memory_space<vmem>>, vector<16xf32>,
        %exp3A_1242 = math.exp %get3A_1241 : vector<16xf32>
        %add3A_1243 = arith.addf %add3A_1203, %exp3A_1242 : vector<16xf32>
        %get3A_1244 = arith.index_cast %scan3A_821 : i32 to index
        %get3A_1245 = arith.constant 1376 : index
        %get3A_1246 = tpu.vector_load %arg7[%get3A_1244, %get3A_1245] {strides = array<i32>} : memref<16x2048xf32, #tpu.memory_space<vmem>>, vector<16xf32>,
        %exp3A_1247 = math.exp %get3A_1246 : vector<16xf32>
        %add3A_1248 = arith.addf %add3A_1208, %exp3A_1247 : vector<16xf32>
        %get3A_1249 = arith.index_cast %scan3A_821 : i32 to index
        %get3A_1250 = arith.constant 1392 : index
        %get3A_1251 = tpu.vector_load %arg7[%get3A_1249, %get3A_1250] {strides = array<i32>} : memref<16x2048xf32, #tpu.memory_space<vmem>>, vector<16xf32>,
        %exp3A_1252 = math.exp %get3A_1251 : vector<16xf32>
        %add3A_1253 = arith.addf %add3A_1213, %exp3A_1252 : vector<16xf32>
        %get3A_1254 = arith.index_cast %scan3A_821 : i32 to index
        %get3A_1255 = arith.constant 1408 : index
        %get3A_1256 = tpu.vector_load %arg7[%get3A_1254, %get3A_1255] {strides = array<i32>} : memref<16x2048xf32, #tpu.memory_space<vmem>>, vector<16xf32>,
        %exp3A_1257 = math.exp %get3A_1256 : vector<16xf32>
        %add3A_1258 = arith.addf %add3A_1218, %exp3A_1257 : vector<16xf32>
        %get3A_1259 = arith.index_cast %scan3A_821 : i32 to index
        %get3A_1260 = arith.constant 1424 : index
        %get3A_1261 = tpu.vector_load %arg7[%get3A_1259, %get3A_1260] {strides = array<i32>} : memref<16x2048xf32, #tpu.memory_space<vmem>>, vector<16xf32>,
        %exp3A_1262 = math.exp %get3A_1261 : vector<16xf32>
        %add3A_1263 = arith.addf %add3A_1223, %exp3A_1262 : vector<16xf32>
        %get3A_1264 = arith.index_cast %scan3A_821 : i32 to index
        %get3A_1265 = arith.constant 1440 : index
        %get3A_1266 = tpu.vector_load %arg7[%get3A_1264, %get3A_1265] {strides = array<i32>} : memref<16x2048xf32, #tpu.memory_space<vmem>>, vector<16xf32>,
        %exp3A_1267 = math.exp %get3A_1266 : vector<16xf32>
        %add3A_1268 = arith.addf %add3A_1228, %exp3A_1267 : vector<16xf32>
        %get3A_1269 = arith.index_cast %scan3A_821 : i32 to index
        %get3A_1270 = arith.constant 1456 : index
        %get3A_1271 = tpu.vector_load %arg7[%get3A_1269, %get3A_1270] {strides = array<i32>} : memref<16x2048xf32, #tpu.memory_space<vmem>>, vector<16xf32>,
        %exp3A_1272 = math.exp %get3A_1271 : vector<16xf32>
        %add3A_1273 = arith.addf %add3A_1233, %exp3A_1272 : vector<16xf32>
        %get3A_1274 = arith.index_cast %scan3A_821 : i32 to index
        %get3A_1275 = arith.constant 1472 : index
        %get3A_1276 = tpu.vector_load %arg7[%get3A_1274, %get3A_1275] {strides = array<i32>} : memref<16x2048xf32, #tpu.memory_space<vmem>>, vector<16xf32>,
        %exp3A_1277 = math.exp %get3A_1276 : vector<16xf32>
        %add3A_1278 = arith.addf %add3A_1238, %exp3A_1277 : vector<16xf32>
        %get3A_1279 = arith.index_cast %scan3A_821 : i32 to index
        %get3A_1280 = arith.constant 1488 : index
        %get3A_1281 = tpu.vector_load %arg7[%get3A_1279, %get3A_1280] {strides = array<i32>} : memref<16x2048xf32, #tpu.memory_space<vmem>>, vector<16xf32>,
        %exp3A_1282 = math.exp %get3A_1281 : vector<16xf32>
        %add3A_1283 = arith.addf %add3A_1243, %exp3A_1282 : vector<16xf32>
        %get3A_1284 = arith.index_cast %scan3A_821 : i32 to index
        %get3A_1285 = arith.constant 1504 : index
        %get3A_1286 = tpu.vector_load %arg7[%get3A_1284, %get3A_1285] {strides = array<i32>} : memref<16x2048xf32, #tpu.memory_space<vmem>>, vector<16xf32>,
        %exp3A_1287 = math.exp %get3A_1286 : vector<16xf32>
        %add3A_1288 = arith.addf %add3A_1248, %exp3A_1287 : vector<16xf32>
        %get3A_1289 = arith.index_cast %scan3A_821 : i32 to index
        %get3A_1290 = arith.constant 1520 : index
        %get3A_1291 = tpu.vector_load %arg7[%get3A_1289, %get3A_1290] {strides = array<i32>} : memref<16x2048xf32, #tpu.memory_space<vmem>>, vector<16xf32>,
        %exp3A_1292 = math.exp %get3A_1291 : vector<16xf32>
        %add3A_1293 = arith.addf %add3A_1253, %exp3A_1292 : vector<16xf32>
        %get3A_1294 = arith.index_cast %scan3A_821 : i32 to index
        %get3A_1295 = arith.constant 1536 : index
        %get3A_1296 = tpu.vector_load %arg7[%get3A_1294, %get3A_1295] {strides = array<i32>} : memref<16x2048xf32, #tpu.memory_space<vmem>>, vector<16xf32>,
        %exp3A_1297 = math.exp %get3A_1296 : vector<16xf32>
        %add3A_1298 = arith.addf %add3A_1258, %exp3A_1297 : vector<16xf32>
        %get3A_1299 = arith.index_cast %scan3A_821 : i32 to index
        %get3A_1300 = arith.constant 1552 : index
        %get3A_1301 = tpu.vector_load %arg7[%get3A_1299, %get3A_1300] {strides = array<i32>} : memref<16x2048xf32, #tpu.memory_space<vmem>>, vector<16xf32>,
        %exp3A_1302 = math.exp %get3A_1301 : vector<16xf32>
        %add3A_1303 = arith.addf %add3A_1263, %exp3A_1302 : vector<16xf32>
        %get3A_1304 = arith.index_cast %scan3A_821 : i32 to index
        %get3A_1305 = arith.constant 1568 : index
        %get3A_1306 = tpu.vector_load %arg7[%get3A_1304, %get3A_1305] {strides = array<i32>} : memref<16x2048xf32, #tpu.memory_space<vmem>>, vector<16xf32>,
        %exp3A_1307 = math.exp %get3A_1306 : vector<16xf32>
        %add3A_1308 = arith.addf %add3A_1268, %exp3A_1307 : vector<16xf32>
        %get3A_1309 = arith.index_cast %scan3A_821 : i32 to index
        %get3A_1310 = arith.constant 1584 : index
        %get3A_1311 = tpu.vector_load %arg7[%get3A_1309, %get3A_1310] {strides = array<i32>} : memref<16x2048xf32, #tpu.memory_space<vmem>>, vector<16xf32>,
        %exp3A_1312 = math.exp %get3A_1311 : vector<16xf32>
        %add3A_1313 = arith.addf %add3A_1273, %exp3A_1312 : vector<16xf32>
        %get3A_1314 = arith.index_cast %scan3A_821 : i32 to index
        %get3A_1315 = arith.constant 1600 : index
        %get3A_1316 = tpu.vector_load %arg7[%get3A_1314, %get3A_1315] {strides = array<i32>} : memref<16x2048xf32, #tpu.memory_space<vmem>>, vector<16xf32>,
        %exp3A_1317 = math.exp %get3A_1316 : vector<16xf32>
        %add3A_1318 = arith.addf %add3A_1278, %exp3A_1317 : vector<16xf32>
        %get3A_1319 = arith.index_cast %scan3A_821 : i32 to index
        %get3A_1320 = arith.constant 1616 : index
        %get3A_1321 = tpu.vector_load %arg7[%get3A_1319, %get3A_1320] {strides = array<i32>} : memref<16x2048xf32, #tpu.memory_space<vmem>>, vector<16xf32>,
        %exp3A_1322 = math.exp %get3A_1321 : vector<16xf32>
        %add3A_1323 = arith.addf %add3A_1283, %exp3A_1322 : vector<16xf32>
        %get3A_1324 = arith.index_cast %scan3A_821 : i32 to index
        %get3A_1325 = arith.constant 1632 : index
        %get3A_1326 = tpu.vector_load %arg7[%get3A_1324, %get3A_1325] {strides = array<i32>} : memref<16x2048xf32, #tpu.memory_space<vmem>>, vector<16xf32>,
        %exp3A_1327 = math.exp %get3A_1326 : vector<16xf32>
        %add3A_1328 = arith.addf %add3A_1288, %exp3A_1327 : vector<16xf32>
        %get3A_1329 = arith.index_cast %scan3A_821 : i32 to index
        %get3A_1330 = arith.constant 1648 : index
        %get3A_1331 = tpu.vector_load %arg7[%get3A_1329, %get3A_1330] {strides = array<i32>} : memref<16x2048xf32, #tpu.memory_space<vmem>>, vector<16xf32>,
        %exp3A_1332 = math.exp %get3A_1331 : vector<16xf32>
        %add3A_1333 = arith.addf %add3A_1293, %exp3A_1332 : vector<16xf32>
        %get3A_1334 = arith.index_cast %scan3A_821 : i32 to index
        %get3A_1335 = arith.constant 1664 : index
        %get3A_1336 = tpu.vector_load %arg7[%get3A_1334, %get3A_1335] {strides = array<i32>} : memref<16x2048xf32, #tpu.memory_space<vmem>>, vector<16xf32>,
        %exp3A_1337 = math.exp %get3A_1336 : vector<16xf32>
        %add3A_1338 = arith.addf %add3A_1298, %exp3A_1337 : vector<16xf32>
        %get3A_1339 = arith.index_cast %scan3A_821 : i32 to index
        %get3A_1340 = arith.constant 1680 : index
        %get3A_1341 = tpu.vector_load %arg7[%get3A_1339, %get3A_1340] {strides = array<i32>} : memref<16x2048xf32, #tpu.memory_space<vmem>>, vector<16xf32>,
        %exp3A_1342 = math.exp %get3A_1341 : vector<16xf32>
        %add3A_1343 = arith.addf %add3A_1303, %exp3A_1342 : vector<16xf32>
        %get3A_1344 = arith.index_cast %scan3A_821 : i32 to index
        %get3A_1345 = arith.constant 1696 : index
        %get3A_1346 = tpu.vector_load %arg7[%get3A_1344, %get3A_1345] {strides = array<i32>} : memref<16x2048xf32, #tpu.memory_space<vmem>>, vector<16xf32>,
        %exp3A_1347 = math.exp %get3A_1346 : vector<16xf32>
        %add3A_1348 = arith.addf %add3A_1308, %exp3A_1347 : vector<16xf32>
        %get3A_1349 = arith.index_cast %scan3A_821 : i32 to index
        %get3A_1350 = arith.constant 1712 : index
        %get3A_1351 = tpu.vector_load %arg7[%get3A_1349, %get3A_1350] {strides = array<i32>} : memref<16x2048xf32, #tpu.memory_space<vmem>>, vector<16xf32>,
        %exp3A_1352 = math.exp %get3A_1351 : vector<16xf32>
        %add3A_1353 = arith.addf %add3A_1313, %exp3A_1352 : vector<16xf32>
        %get3A_1354 = arith.index_cast %scan3A_821 : i32 to index
        %get3A_1355 = arith.constant 1728 : index
        %get3A_1356 = tpu.vector_load %arg7[%get3A_1354, %get3A_1355] {strides = array<i32>} : memref<16x2048xf32, #tpu.memory_space<vmem>>, vector<16xf32>,
        %exp3A_1357 = math.exp %get3A_1356 : vector<16xf32>
        %add3A_1358 = arith.addf %add3A_1318, %exp3A_1357 : vector<16xf32>
        %get3A_1359 = arith.index_cast %scan3A_821 : i32 to index
        %get3A_1360 = arith.constant 1744 : index
        %get3A_1361 = tpu.vector_load %arg7[%get3A_1359, %get3A_1360] {strides = array<i32>} : memref<16x2048xf32, #tpu.memory_space<vmem>>, vector<16xf32>,
        %exp3A_1362 = math.exp %get3A_1361 : vector<16xf32>
        %add3A_1363 = arith.addf %add3A_1323, %exp3A_1362 : vector<16xf32>
        %get3A_1364 = arith.index_cast %scan3A_821 : i32 to index
        %get3A_1365 = arith.constant 1760 : index
        %get3A_1366 = tpu.vector_load %arg7[%get3A_1364, %get3A_1365] {strides = array<i32>} : memref<16x2048xf32, #tpu.memory_space<vmem>>, vector<16xf32>,
        %exp3A_1367 = math.exp %get3A_1366 : vector<16xf32>
        %add3A_1368 = arith.addf %add3A_1328, %exp3A_1367 : vector<16xf32>
        %get3A_1369 = arith.index_cast %scan3A_821 : i32 to index
        %get3A_1370 = arith.constant 1776 : index
        %get3A_1371 = tpu.vector_load %arg7[%get3A_1369, %get3A_1370] {strides = array<i32>} : memref<16x2048xf32, #tpu.memory_space<vmem>>, vector<16xf32>,
        %exp3A_1372 = math.exp %get3A_1371 : vector<16xf32>
        %add3A_1373 = arith.addf %add3A_1333, %exp3A_1372 : vector<16xf32>
        %get3A_1374 = arith.index_cast %scan3A_821 : i32 to index
        %get3A_1375 = arith.constant 1792 : index
        %get3A_1376 = tpu.vector_load %arg7[%get3A_1374, %get3A_1375] {strides = array<i32>} : memref<16x2048xf32, #tpu.memory_space<vmem>>, vector<16xf32>,
        %exp3A_1377 = math.exp %get3A_1376 : vector<16xf32>
        %add3A_1378 = arith.addf %add3A_1338, %exp3A_1377 : vector<16xf32>
        %get3A_1379 = arith.index_cast %scan3A_821 : i32 to index
        %get3A_1380 = arith.constant 1808 : index
        %get3A_1381 = tpu.vector_load %arg7[%get3A_1379, %get3A_1380] {strides = array<i32>} : memref<16x2048xf32, #tpu.memory_space<vmem>>, vector<16xf32>,
        %exp3A_1382 = math.exp %get3A_1381 : vector<16xf32>
        %add3A_1383 = arith.addf %add3A_1343, %exp3A_1382 : vector<16xf32>
        %get3A_1384 = arith.index_cast %scan3A_821 : i32 to index
        %get3A_1385 = arith.constant 1824 : index
        %get3A_1386 = tpu.vector_load %arg7[%get3A_1384, %get3A_1385] {strides = array<i32>} : memref<16x2048xf32, #tpu.memory_space<vmem>>, vector<16xf32>,
        %exp3A_1387 = math.exp %get3A_1386 : vector<16xf32>
        %add3A_1388 = arith.addf %add3A_1348, %exp3A_1387 : vector<16xf32>
        %get3A_1389 = arith.index_cast %scan3A_821 : i32 to index
        %get3A_1390 = arith.constant 1840 : index
        %get3A_1391 = tpu.vector_load %arg7[%get3A_1389, %get3A_1390] {strides = array<i32>} : memref<16x2048xf32, #tpu.memory_space<vmem>>, vector<16xf32>,
        %exp3A_1392 = math.exp %get3A_1391 : vector<16xf32>
        %add3A_1393 = arith.addf %add3A_1353, %exp3A_1392 : vector<16xf32>
        %get3A_1394 = arith.index_cast %scan3A_821 : i32 to index
        %get3A_1395 = arith.constant 1856 : index
        %get3A_1396 = tpu.vector_load %arg7[%get3A_1394, %get3A_1395] {strides = array<i32>} : memref<16x2048xf32, #tpu.memory_space<vmem>>, vector<16xf32>,
        %exp3A_1397 = math.exp %get3A_1396 : vector<16xf32>
        %add3A_1398 = arith.addf %add3A_1358, %exp3A_1397 : vector<16xf32>
        %get3A_1399 = arith.index_cast %scan3A_821 : i32 to index
        %get3A_1400 = arith.constant 1872 : index
        %get3A_1401 = tpu.vector_load %arg7[%get3A_1399, %get3A_1400] {strides = array<i32>} : memref<16x2048xf32, #tpu.memory_space<vmem>>, vector<16xf32>,
        %exp3A_1402 = math.exp %get3A_1401 : vector<16xf32>
        %add3A_1403 = arith.addf %add3A_1363, %exp3A_1402 : vector<16xf32>
        %get3A_1404 = arith.index_cast %scan3A_821 : i32 to index
        %get3A_1405 = arith.constant 1888 : index
        %get3A_1406 = tpu.vector_load %arg7[%get3A_1404, %get3A_1405] {strides = array<i32>} : memref<16x2048xf32, #tpu.memory_space<vmem>>, vector<16xf32>,
        %exp3A_1407 = math.exp %get3A_1406 : vector<16xf32>
        %add3A_1408 = arith.addf %add3A_1368, %exp3A_1407 : vector<16xf32>
        %get3A_1409 = arith.index_cast %scan3A_821 : i32 to index
        %get3A_1410 = arith.constant 1904 : index
        %get3A_1411 = tpu.vector_load %arg7[%get3A_1409, %get3A_1410] {strides = array<i32>} : memref<16x2048xf32, #tpu.memory_space<vmem>>, vector<16xf32>,
        %exp3A_1412 = math.exp %get3A_1411 : vector<16xf32>
        %add3A_1413 = arith.addf %add3A_1373, %exp3A_1412 : vector<16xf32>
        %get3A_1414 = arith.index_cast %scan3A_821 : i32 to index
        %get3A_1415 = arith.constant 1920 : index
        %get3A_1416 = tpu.vector_load %arg7[%get3A_1414, %get3A_1415] {strides = array<i32>} : memref<16x2048xf32, #tpu.memory_space<vmem>>, vector<16xf32>,
        %exp3A_1417 = math.exp %get3A_1416 : vector<16xf32>
        %add3A_1418 = arith.addf %add3A_1378, %exp3A_1417 : vector<16xf32>
        %get3A_1419 = arith.index_cast %scan3A_821 : i32 to index
        %get3A_1420 = arith.constant 1936 : index
        %get3A_1421 = tpu.vector_load %arg7[%get3A_1419, %get3A_1420] {strides = array<i32>} : memref<16x2048xf32, #tpu.memory_space<vmem>>, vector<16xf32>,
        %exp3A_1422 = math.exp %get3A_1421 : vector<16xf32>
        %add3A_1423 = arith.addf %add3A_1383, %exp3A_1422 : vector<16xf32>
        %get3A_1424 = arith.index_cast %scan3A_821 : i32 to index
        %get3A_1425 = arith.constant 1952 : index
        %get3A_1426 = tpu.vector_load %arg7[%get3A_1424, %get3A_1425] {strides = array<i32>} : memref<16x2048xf32, #tpu.memory_space<vmem>>, vector<16xf32>,
        %exp3A_1427 = math.exp %get3A_1426 : vector<16xf32>
        %add3A_1428 = arith.addf %add3A_1388, %exp3A_1427 : vector<16xf32>
        %get3A_1429 = arith.index_cast %scan3A_821 : i32 to index
        %get3A_1430 = arith.constant 1968 : index
        %get3A_1431 = tpu.vector_load %arg7[%get3A_1429, %get3A_1430] {strides = array<i32>} : memref<16x2048xf32, #tpu.memory_space<vmem>>, vector<16xf32>,
        %exp3A_1432 = math.exp %get3A_1431 : vector<16xf32>
        %add3A_1433 = arith.addf %add3A_1393, %exp3A_1432 : vector<16xf32>
        %get3A_1434 = arith.index_cast %scan3A_821 : i32 to index
        %get3A_1435 = arith.constant 1984 : index
        %get3A_1436 = tpu.vector_load %arg7[%get3A_1434, %get3A_1435] {strides = array<i32>} : memref<16x2048xf32, #tpu.memory_space<vmem>>, vector<16xf32>,
        %exp3A_1437 = math.exp %get3A_1436 : vector<16xf32>
        %add3A_1438 = arith.addf %add3A_1398, %exp3A_1437 : vector<16xf32>
        %get3A_1439 = arith.index_cast %scan3A_821 : i32 to index
        %get3A_1440 = arith.constant 2000 : index
        %get3A_1441 = tpu.vector_load %arg7[%get3A_1439, %get3A_1440] {strides = array<i32>} : memref<16x2048xf32, #tpu.memory_space<vmem>>, vector<16xf32>,
        %exp3A_1442 = math.exp %get3A_1441 : vector<16xf32>
        %add3A_1443 = arith.addf %add3A_1403, %exp3A_1442 : vector<16xf32>
        %get3A_1444 = arith.index_cast %scan3A_821 : i32 to index
        %get3A_1445 = arith.constant 2016 : index
        %get3A_1446 = tpu.vector_load %arg7[%get3A_1444, %get3A_1445] {strides = array<i32>} : memref<16x2048xf32, #tpu.memory_space<vmem>>, vector<16xf32>,
        %exp3A_1447 = math.exp %get3A_1446 : vector<16xf32>
        %add3A_1448 = arith.addf %add3A_1408, %exp3A_1447 : vector<16xf32>
        %get3A_1449 = arith.index_cast %scan3A_821 : i32 to index
        %get3A_1450 = arith.constant 2032 : index
        %get3A_1451 = tpu.vector_load %arg7[%get3A_1449, %get3A_1450] {strides = array<i32>} : memref<16x2048xf32, #tpu.memory_space<vmem>>, vector<16xf32>,
        %exp3A_1452 = math.exp %get3A_1451 : vector<16xf32>
        %add3A_1453 = arith.addf %add3A_1413, %exp3A_1452 : vector<16xf32>
        %add3A_1454 = arith.addf %add3A_1418, %add3A_1423 : vector<16xf32>
        %add3A_1455 = arith.addf %add3A_1428, %add3A_1433 : vector<16xf32>
        %add3A_1456 = arith.addf %add3A_1438, %add3A_1443 : vector<16xf32>
        %add3A_1457 = arith.addf %add3A_1448, %add3A_1453 : vector<16xf32>
        %add3A_1458 = arith.addf %add3A_1454, %add3A_1455 : vector<16xf32>
        %add3A_1459 = arith.addf %add3A_1456, %add3A_1457 : vector<16xf32>
        %add3A_1460 = arith.addf %add3A_1458, %add3A_1459 : vector<16xf32>
        %swap3A_1461 = arith.index_cast %scan3A_821 : i32 to index
        %swap3A_1462 = arith.constant 0 : index
        %swap3A_1463 = tpu.vector_load %arg9[%swap3A_1461, %swap3A_1462] {strides = array<i32>} : memref<16x16xf32, #tpu.memory_space<vmem>>, vector<16xf32>,
        tpu.vector_store %arg9[%swap3A_1461, %swap3A_1462], %add3A_1460 {strides = array<i32>} : memref<16x16xf32, #tpu.memory_space<vmem>>, vector<16xf32>,
        %broadcast_in_dim3A_1464 = vector.broadcast %scan3A_821 : i32 to vector<16xi32>
        %gather3A_1465 = tpu.vector_load_idx %arg7[%broadcast_in_dim3A_1464, %get3A_33] : memref<16x2048xf32, #tpu.memory_space<vmem>>[vector<16xi32>, vector<16xi32>], vector<16xf32>,
        %swap3A_1466 = arith.index_cast %scan3A_821 : i32 to index
        %swap3A_1467 = arith.constant 0 : index
        %swap3A_1468 = tpu.vector_load %arg8[%swap3A_1466, %swap3A_1467] {strides = array<i32>} : memref<16x208xf32, #tpu.memory_space<vmem>>, vector<16xf32>,
        tpu.vector_store %arg8[%swap3A_1466, %swap3A_1467], %gather3A_1465 {strides = array<i32>} : memref<16x208xf32, #tpu.memory_space<vmem>>, vector<16xf32>,
        %gather3A_1469 = tpu.vector_load_idx %arg7[%broadcast_in_dim3A_1464, %get3A_35] : memref<16x2048xf32, #tpu.memory_space<vmem>>[vector<16xi32>, vector<16xi32>], vector<16xf32>,
        %swap3A_1470 = arith.index_cast %scan3A_821 : i32 to index
        %swap3A_1471 = arith.constant 16 : index
        %swap3A_1472 = tpu.vector_load %arg8[%swap3A_1470, %swap3A_1471] {strides = array<i32>} : memref<16x208xf32, #tpu.memory_space<vmem>>, vector<16xf32>,
        tpu.vector_store %arg8[%swap3A_1470, %swap3A_1471], %gather3A_1469 {strides = array<i32>} : memref<16x208xf32, #tpu.memory_space<vmem>>, vector<16xf32>,
        %gather3A_1473 = tpu.vector_load_idx %arg7[%broadcast_in_dim3A_1464, %get3A_37] : memref<16x2048xf32, #tpu.memory_space<vmem>>[vector<16xi32>, vector<16xi32>], vector<16xf32>,
        %swap3A_1474 = arith.index_cast %scan3A_821 : i32 to index
        %swap3A_1475 = arith.constant 32 : index
        %swap3A_1476 = tpu.vector_load %arg8[%swap3A_1474, %swap3A_1475] {strides = array<i32>} : memref<16x208xf32, #tpu.memory_space<vmem>>, vector<16xf32>,
        tpu.vector_store %arg8[%swap3A_1474, %swap3A_1475], %gather3A_1473 {strides = array<i32>} : memref<16x208xf32, #tpu.memory_space<vmem>>, vector<16xf32>,
        %gather3A_1477 = tpu.vector_load_idx %arg7[%broadcast_in_dim3A_1464, %get3A_39] : memref<16x2048xf32, #tpu.memory_space<vmem>>[vector<16xi32>, vector<16xi32>], vector<16xf32>,
        %swap3A_1478 = arith.index_cast %scan3A_821 : i32 to index
        %swap3A_1479 = arith.constant 48 : index
        %swap3A_1480 = tpu.vector_load %arg8[%swap3A_1478, %swap3A_1479] {strides = array<i32>} : memref<16x208xf32, #tpu.memory_space<vmem>>, vector<16xf32>,
        tpu.vector_store %arg8[%swap3A_1478, %swap3A_1479], %gather3A_1477 {strides = array<i32>} : memref<16x208xf32, #tpu.memory_space<vmem>>, vector<16xf32>,
        %gather3A_1481 = tpu.vector_load_idx %arg7[%broadcast_in_dim3A_1464, %get3A_41] : memref<16x2048xf32, #tpu.memory_space<vmem>>[vector<16xi32>, vector<16xi32>], vector<16xf32>,
        %swap3A_1482 = arith.index_cast %scan3A_821 : i32 to index
        %swap3A_1483 = arith.constant 64 : index
        %swap3A_1484 = tpu.vector_load %arg8[%swap3A_1482, %swap3A_1483] {strides = array<i32>} : memref<16x208xf32, #tpu.memory_space<vmem>>, vector<16xf32>,
        tpu.vector_store %arg8[%swap3A_1482, %swap3A_1483], %gather3A_1481 {strides = array<i32>} : memref<16x208xf32, #tpu.memory_space<vmem>>, vector<16xf32>,
        %gather3A_1485 = tpu.vector_load_idx %arg7[%broadcast_in_dim3A_1464, %get3A_43] : memref<16x2048xf32, #tpu.memory_space<vmem>>[vector<16xi32>, vector<16xi32>], vector<16xf32>,
        %swap3A_1486 = arith.index_cast %scan3A_821 : i32 to index
        %swap3A_1487 = arith.constant 80 : index
        %swap3A_1488 = tpu.vector_load %arg8[%swap3A_1486, %swap3A_1487] {strides = array<i32>} : memref<16x208xf32, #tpu.memory_space<vmem>>, vector<16xf32>,
        tpu.vector_store %arg8[%swap3A_1486, %swap3A_1487], %gather3A_1485 {strides = array<i32>} : memref<16x208xf32, #tpu.memory_space<vmem>>, vector<16xf32>,
        %gather3A_1489 = tpu.vector_load_idx %arg7[%broadcast_in_dim3A_1464, %get3A_45] : memref<16x2048xf32, #tpu.memory_space<vmem>>[vector<16xi32>, vector<16xi32>], vector<16xf32>,
        %swap3A_1490 = arith.index_cast %scan3A_821 : i32 to index
        %swap3A_1491 = arith.constant 96 : index
        %swap3A_1492 = tpu.vector_load %arg8[%swap3A_1490, %swap3A_1491] {strides = array<i32>} : memref<16x208xf32, #tpu.memory_space<vmem>>, vector<16xf32>,
        tpu.vector_store %arg8[%swap3A_1490, %swap3A_1491], %gather3A_1489 {strides = array<i32>} : memref<16x208xf32, #tpu.memory_space<vmem>>, vector<16xf32>,
        %gather3A_1493 = tpu.vector_load_idx %arg7[%broadcast_in_dim3A_1464, %get3A_47] : memref<16x2048xf32, #tpu.memory_space<vmem>>[vector<16xi32>, vector<16xi32>], vector<16xf32>,
        %swap3A_1494 = arith.index_cast %scan3A_821 : i32 to index
        %swap3A_1495 = arith.constant 112 : index
        %swap3A_1496 = tpu.vector_load %arg8[%swap3A_1494, %swap3A_1495] {strides = array<i32>} : memref<16x208xf32, #tpu.memory_space<vmem>>, vector<16xf32>,
        tpu.vector_store %arg8[%swap3A_1494, %swap3A_1495], %gather3A_1493 {strides = array<i32>} : memref<16x208xf32, #tpu.memory_space<vmem>>, vector<16xf32>,
        %gather3A_1497 = tpu.vector_load_idx %arg7[%broadcast_in_dim3A_1464, %get3A_49] : memref<16x2048xf32, #tpu.memory_space<vmem>>[vector<16xi32>, vector<16xi32>], vector<16xf32>,
        %swap3A_1498 = arith.index_cast %scan3A_821 : i32 to index
        %swap3A_1499 = arith.constant 128 : index
        %swap3A_1500 = tpu.vector_load %arg8[%swap3A_1498, %swap3A_1499] {strides = array<i32>} : memref<16x208xf32, #tpu.memory_space<vmem>>, vector<16xf32>,
        tpu.vector_store %arg8[%swap3A_1498, %swap3A_1499], %gather3A_1497 {strides = array<i32>} : memref<16x208xf32, #tpu.memory_space<vmem>>, vector<16xf32>,
        %gather3A_1501 = tpu.vector_load_idx %arg7[%broadcast_in_dim3A_1464, %get3A_51] : memref<16x2048xf32, #tpu.memory_space<vmem>>[vector<16xi32>, vector<16xi32>], vector<16xf32>,
        %swap3A_1502 = arith.index_cast %scan3A_821 : i32 to index
        %swap3A_1503 = arith.constant 144 : index
        %swap3A_1504 = tpu.vector_load %arg8[%swap3A_1502, %swap3A_1503] {strides = array<i32>} : memref<16x208xf32, #tpu.memory_space<vmem>>, vector<16xf32>,
        tpu.vector_store %arg8[%swap3A_1502, %swap3A_1503], %gather3A_1501 {strides = array<i32>} : memref<16x208xf32, #tpu.memory_space<vmem>>, vector<16xf32>,
        %gather3A_1505 = tpu.vector_load_idx %arg7[%broadcast_in_dim3A_1464, %get3A_53] : memref<16x2048xf32, #tpu.memory_space<vmem>>[vector<16xi32>, vector<16xi32>], vector<16xf32>,
        %swap3A_1506 = arith.index_cast %scan3A_821 : i32 to index
        %swap3A_1507 = arith.constant 160 : index
        %swap3A_1508 = tpu.vector_load %arg8[%swap3A_1506, %swap3A_1507] {strides = array<i32>} : memref<16x208xf32, #tpu.memory_space<vmem>>, vector<16xf32>,
        tpu.vector_store %arg8[%swap3A_1506, %swap3A_1507], %gather3A_1505 {strides = array<i32>} : memref<16x208xf32, #tpu.memory_space<vmem>>, vector<16xf32>,
        %gather3A_1509 = tpu.vector_load_idx %arg7[%broadcast_in_dim3A_1464, %get3A_55] : memref<16x2048xf32, #tpu.memory_space<vmem>>[vector<16xi32>, vector<16xi32>], vector<16xf32>,
        %swap3A_1510 = arith.index_cast %scan3A_821 : i32 to index
        %swap3A_1511 = arith.constant 176 : index
        %swap3A_1512 = tpu.vector_load %arg8[%swap3A_1510, %swap3A_1511] {strides = array<i32>} : memref<16x208xf32, #tpu.memory_space<vmem>>, vector<16xf32>,
        tpu.vector_store %arg8[%swap3A_1510, %swap3A_1511], %gather3A_1509 {strides = array<i32>} : memref<16x208xf32, #tpu.memory_space<vmem>>, vector<16xf32>,
        %gather3A_1513 = tpu.vector_load_idx %arg7[%broadcast_in_dim3A_1464, %get3A_57] : memref<16x2048xf32, #tpu.memory_space<vmem>>[vector<16xi32>, vector<16xi32>], vector<16xf32>,
        %swap3A_1514 = arith.index_cast %scan3A_821 : i32 to index
        %swap3A_1515 = arith.constant 192 : index
        %swap3A_1516 = tpu.vector_load %arg8[%swap3A_1514, %swap3A_1515] {strides = array<i32>} : memref<16x208xf32, #tpu.memory_space<vmem>>, vector<16xf32>,
        tpu.vector_store %arg8[%swap3A_1514, %swap3A_1515], %gather3A_1513 {strides = array<i32>} : memref<16x208xf32, #tpu.memory_space<vmem>>, vector<16xf32>,
      }
      %scan3A_127 = arith.constant 16 : i32
      "tpu.region"() ({
        %run_scoped3A = tpu.sem_alloc : memref<!tpu.dma_semaphore, #tpu.memory_space<semaphore_mem>>
        %dma_start3A_128 = arith.constant 0 : i32
        %dma_start3A_129 = tpu.memref_slice %arg4[%add3A_121, %select_n3A, %dma_start3A_128] : memref<1600x16x208xf32, #tpu.memory_space<hbm>> -> memref<16x1x208xf32, #tpu.memory_space<hbm>>
        %dma_start3A_130 = tpu.memref_squeeze %dma_start3A_129 : memref<16x1x208xf32, #tpu.memory_space<hbm>> -> memref<16x208xf32, #tpu.memory_space<hbm>>
        %dma_start3A_131 = arith.constant 0 : i32
        %dma_start3A_132 = tpu.memref_slice %arg4[%add3A_121, %select_n3A, %dma_start3A_131] : memref<1600x16x208xf32, #tpu.memory_space<hbm>> -> memref<16x1x208xf32, #tpu.memory_space<hbm>>
        %dma_start3A_133 = tpu.memref_squeeze %dma_start3A_132 : memref<16x1x208xf32, #tpu.memory_space<hbm>> -> memref<16x208xf32, #tpu.memory_space<hbm>>
        tpu.enqueue_dma source(%arg8 : memref<16x208xf32, #tpu.memory_space<vmem>>) target(%dma_start3A_133 : memref<16x208xf32, #tpu.memory_space<hbm>>) target_semaphore(%run_scoped3A : memref<!tpu.dma_semaphore, #tpu.memory_space<semaphore_mem>>)
        %dma_wait3A_134 = arith.constant 0 : i32
        %dma_wait3A_135 = tpu.memref_slice %arg4[%add3A_121, %select_n3A, %dma_wait3A_134] : memref<1600x16x208xf32, #tpu.memory_space<hbm>> -> memref<16x1x208xf32, #tpu.memory_space<hbm>>
        %dma_wait3A_136 = tpu.memref_squeeze %dma_wait3A_135 : memref<16x1x208xf32, #tpu.memory_space<hbm>> -> memref<16x208xf32, #tpu.memory_space<hbm>>
        %dma_wait3A_137 = arith.constant 0 : i32
        %dma_wait3A_138 = tpu.memref_slice %arg4[%add3A_121, %select_n3A, %dma_wait3A_137] : memref<1600x16x208xf32, #tpu.memory_space<hbm>> -> memref<16x1x208xf32, #tpu.memory_space<hbm>>
        %dma_wait3A_139 = tpu.memref_squeeze %dma_wait3A_138 : memref<16x1x208xf32, #tpu.memory_space<hbm>> -> memref<16x208xf32, #tpu.memory_space<hbm>>
        tpu.wait_dma2 semaphore(%run_scoped3A : memref<!tpu.dma_semaphore, #tpu.memory_space<semaphore_mem>>) src(%arg8 : memref<16x208xf32, #tpu.memory_space<vmem>>) dst(%dma_wait3A_139 : memref<16x208xf32, #tpu.memory_space<hbm>>)
        tpu.yield
      }) : () -> ()
      "tpu.region"() ({
        %run_scoped3A = tpu.sem_alloc : memref<!tpu.dma_semaphore, #tpu.memory_space<semaphore_mem>>
        %dma_start3A_128 = arith.constant 0 : i32
        %dma_start3A_129 = tpu.memref_slice %arg5[%select_n3A, %add3A_121, %dma_start3A_128] : memref<16x1600x16xf32, #tpu.memory_space<hbm>> -> memref<1x16x16xf32, #tpu.memory_space<hbm>>
        %dma_start3A_130 = tpu.memref_squeeze %dma_start3A_129 : memref<1x16x16xf32, #tpu.memory_space<hbm>> -> memref<16x16xf32, #tpu.memory_space<hbm>>
        %dma_start3A_131 = arith.constant 0 : i32
        %dma_start3A_132 = tpu.memref_slice %arg5[%select_n3A, %add3A_121, %dma_start3A_131] : memref<16x1600x16xf32, #tpu.memory_space<hbm>> -> memref<1x16x16xf32, #tpu.memory_space<hbm>>
        %dma_start3A_133 = tpu.memref_squeeze %dma_start3A_132 : memref<1x16x16xf32, #tpu.memory_space<hbm>> -> memref<16x16xf32, #tpu.memory_space<hbm>>
        tpu.enqueue_dma source(%arg9 : memref<16x16xf32, #tpu.memory_space<vmem>>) target(%dma_start3A_133 : memref<16x16xf32, #tpu.memory_space<hbm>>) target_semaphore(%run_scoped3A : memref<!tpu.dma_semaphore, #tpu.memory_space<semaphore_mem>>)
        %dma_wait3A_134 = arith.constant 0 : i32
        %dma_wait3A_135 = tpu.memref_slice %arg5[%select_n3A, %add3A_121, %dma_wait3A_134] : memref<16x1600x16xf32, #tpu.memory_space<hbm>> -> memref<1x16x16xf32, #tpu.memory_space<hbm>>
        %dma_wait3A_136 = tpu.memref_squeeze %dma_wait3A_135 : memref<1x16x16xf32, #tpu.memory_space<hbm>> -> memref<16x16xf32, #tpu.memory_space<hbm>>
        %dma_wait3A_137 = arith.constant 0 : i32
        %dma_wait3A_138 = tpu.memref_slice %arg5[%select_n3A, %add3A_121, %dma_wait3A_137] : memref<16x1600x16xf32, #tpu.memory_space<hbm>> -> memref<1x16x16xf32, #tpu.memory_space<hbm>>
        %dma_wait3A_139 = tpu.memref_squeeze %dma_wait3A_138 : memref<1x16x16xf32, #tpu.memory_space<hbm>> -> memref<16x16xf32, #tpu.memory_space<hbm>>
        tpu.wait_dma2 semaphore(%run_scoped3A : memref<!tpu.dma_semaphore, #tpu.memory_space<semaphore_mem>>) src(%arg9 : memref<16x16xf32, #tpu.memory_space<vmem>>) dst(%dma_wait3A_139 : memref<16x16xf32, #tpu.memory_space<hbm>>)
        tpu.yield
      }) : () -> ()
    }
    %scan3A_70 = arith.constant 25 : i32
    return
  }
}

module attributes {stable_mosaic.version = 14 : i64} {
  func.func @_rec_body(%arg0: i32, %arg1: memref<160x16x208xf32, #tpu.memory_space<vmem>>, %arg2: memref<16x160x16xf32, #tpu.memory_space<vmem>>, %arg3: memref<1x1xf32, #tpu.memory_space<vmem>>, %arg4: memref<16x208xf32, #tpu.memory_space<vmem>>, %arg5: memref<1x1xf32, #tpu.memory_space<vmem>>, %arg6: memref<80x16x208xf32, #tpu.memory_space<vmem>>, %arg7: memref<80x16x208xf32, #tpu.memory_space<vmem>>, %arg8: memref<80x16x208xf32, #tpu.memory_space<vmem>>, %arg9: memref<40x16x208xf32, #tpu.memory_space<vmem>>, %arg10: memref<40x16x208xf32, #tpu.memory_space<vmem>>, %arg11: memref<40x16x208xf32, #tpu.memory_space<vmem>>, %arg12: memref<40x16x208xf32, #tpu.memory_space<vmem>>, %arg13: memref<40x16x208xf32, #tpu.memory_space<vmem>>) attributes {dimension_semantics = [#tpu.dimension_semantics<arbitrary>], iteration_bounds = array<i64: 10>, scalar_prefetch = 0 : i64, scratch_operands = 10 : i64, tpu.core_type = #tpu.core_type<tc>, window_params = [{transform_indices = @transform_0, window_bounds = array<i64: 160, 16, 208>}, {transform_indices = @transform_1, window_bounds = array<i64: 16, 160, 16>}, {pipeline_mode = #tpu.pipeline_mode<synchronous>, transform_indices = @transform_2, window_bounds = array<i64: 1, 1>}]} {
    %eq3A = arith.constant 0 : i32
    %eq3A_0 = arith.cmpi eq, %arg0, %eq3A : i32
    %convert_element_type3A = arith.extui %eq3A_0 : i1 to i32
    %cond3A = arith.constant 0 : i32
    %cond3A_1 = arith.cmpi ne, %convert_element_type3A, %cond3A : i32
    scf.if %cond3A_1 {
      %broadcast_in_dim3A = arith.constant 0.000000e+00 : f32
      %broadcast_in_dim3A_62 = vector.broadcast %broadcast_in_dim3A : f32 to vector<1x1xf32>
      %swap3A_63 = arith.constant 0 : index
      %swap3A_64 = arith.constant 0 : index
      %swap3A_65 = vector.load %arg5[%swap3A_63, %swap3A_64] : memref<1x1xf32, #tpu.memory_space<vmem>>, vector<1x1xf32>
      tpu.vector_store %arg5[%swap3A_63, %swap3A_64], %broadcast_in_dim3A_62 {strides = array<i32>} : memref<1x1xf32, #tpu.memory_space<vmem>>, vector<1x1xf32>,
    } else {
    }
    %get3A = arith.constant 0 : index
    %get3A_2 = arith.constant 0 : index
    %get3A_3 = arith.constant 0 : index
    %get3A_4 = vector.load %arg2[%get3A, %get3A_2, %get3A_3] : memref<16x160x16xf32, #tpu.memory_space<vmem>>, vector<16x160x16xf32>
    %reduce_sum3A = arith.constant dense<0.000000e+00> : vector<16x160xf32>
    %reduce_sum3A_5 = vector.multi_reduction <add>, %get3A_4, %reduce_sum3A [2] : vector<16x160x16xf32> to vector<16x160xf32>
    %get3A_6 = arith.constant 0 : index
    %get3A_7 = arith.constant 0 : index
    %get3A_8 = vector.load %arg5[%get3A_6, %get3A_7] : memref<1x1xf32, #tpu.memory_space<vmem>>, vector<1x1xf32>
    %log3A = math.log %reduce_sum3A_5 : vector<16x160xf32>
    %reduce_sum3A_9 = vector.shape_cast %log3A : vector<16x160xf32> to vector<1x16x160xf32>
    %reduce_sum3A_10 = arith.constant dense<0.000000e+00> : vector<1xf32>
    %reduce_sum3A_11 = vector.multi_reduction <add>, %reduce_sum3A_9, %reduce_sum3A_10 [1, 2] : vector<1x16x160xf32> to vector<1xf32>
    %reduce_sum3A_12 = vector.shape_cast %reduce_sum3A_11 : vector<1xf32> to vector<1x1x1xf32>
    %reduce_sum3A_13 = vector.extract %reduce_sum3A_12[0, 0, 0] : f32 from vector<1x1x1xf32>
    %reshape3A = vector.broadcast %reduce_sum3A_13 : f32 to vector<1x1xf32>
    %add3A = arith.addf %get3A_8, %reshape3A : vector<1x1xf32>
    %swap3A = arith.constant 0 : index
    %swap3A_14 = arith.constant 0 : index
    %swap3A_15 = vector.load %arg5[%swap3A, %swap3A_14] : memref<1x1xf32, #tpu.memory_space<vmem>>, vector<1x1xf32>
    tpu.vector_store %arg5[%swap3A, %swap3A_14], %add3A {strides = array<i32>} : memref<1x1xf32, #tpu.memory_space<vmem>>, vector<1x1xf32>,
    %iota3A = tpu.iota {dimensions = array<i32: 1>} : vector<16x208xi32>
    %eq3A_16 = arith.constant 0 : i32
    %eq3A_17 = vector.broadcast %eq3A_16 : i32 to vector<16x208xi32>
    %eq3A_18 = arith.cmpi eq, %iota3A, %eq3A_17 : vector<16x208xi32>
    %scan3A = arith.constant 0 : i32
    %scan3A_19 = arith.constant 10 : i32
    %scan3A_20 = arith.addi %scan3A, %scan3A_19 : i32
    %scan3A_21 = arith.constant 1 : i32
    scf.for %scan3A_62 = %scan3A to %scan3A_20 step %scan3A_21  : i32 {
      %mul3A = arith.constant 16 : i32
      %mul3A_63 = arith.muli %scan3A_62, %mul3A : i32
      %get3A_64 = arith.index_cast %mul3A_63 : i32 to index
      %get3A_65 = arith.constant 0 : index
      %get3A_66 = arith.constant 0 : index
      %get3A_67 = vector.load %arg1[%get3A_64, %get3A_65, %get3A_66] : memref<160x16x208xf32, #tpu.memory_space<vmem>>, vector<16x16x208xf32>
      %reshape3A_68 = vector.shape_cast %get3A_67 : vector<16x16x208xf32> to vector<8x2x16x208xf32>
      %slice3A = vector.extract_strided_slice %reshape3A_68 {offsets = [0, 0, 0, 0], sizes = [8, 1, 16, 208], strides = [1, 1, 1, 1]} : vector<8x2x16x208xf32> to vector<8x1x16x208xf32>
      %squeeze3A = vector.shape_cast %slice3A : vector<8x1x16x208xf32> to vector<8x16x208xf32>
      %slice3A_69 = vector.extract_strided_slice %reshape3A_68 {offsets = [0, 1, 0, 0], sizes = [8, 1, 16, 208], strides = [1, 1, 1, 1]} : vector<8x2x16x208xf32> to vector<8x1x16x208xf32>
      %squeeze3A_70 = vector.shape_cast %slice3A_69 : vector<8x1x16x208xf32> to vector<8x16x208xf32>
      %broadcast_in_dim3A = arith.constant -1.000000e+30 : f32
      %broadcast_in_dim3A_71 = vector.broadcast %broadcast_in_dim3A : f32 to vector<8x16x1xf32>
      %slice3A_72 = vector.extract_strided_slice %squeeze3A {offsets = [0, 0, 0], sizes = [8, 16, 207], strides = [1, 1, 1]} : vector<8x16x208xf32> to vector<8x16x207xf32>
      %concatenate3A = tpu.concatenate %broadcast_in_dim3A_71, %slice3A_72 in 2 : vector<8x16x1xf32>, vector<8x16x207xf32> -> vector<8x16x208xf32>
      %max3A = arith.maximumf %squeeze3A, %concatenate3A : vector<8x16x208xf32>
      %sub3A = arith.subf %squeeze3A, %concatenate3A : vector<8x16x208xf32>
      %abs3A = math.absf %sub3A : vector<8x16x208xf32>
      %neg3A = arith.constant 0.000000e+00 : f32
      %neg3A_73 = vector.broadcast %neg3A : f32 to vector<8x16x208xf32>
      %neg3A_74 = arith.subf %neg3A_73, %abs3A : vector<8x16x208xf32>
      %add3A_75 = arith.addf %squeeze3A, %squeeze3A_70 : vector<8x16x208xf32>
      %mul3A_76 = arith.constant 8 : i32
      %mul3A_77 = arith.muli %scan3A_62, %mul3A_76 : i32
      %swap3A_78 = arith.index_cast %mul3A_77 : i32 to index
      %swap3A_79 = arith.constant 0 : index
      %swap3A_80 = arith.constant 0 : index
      %swap3A_81 = vector.load %arg6[%swap3A_78, %swap3A_79, %swap3A_80] : memref<80x16x208xf32, #tpu.memory_space<vmem>>, vector<8x16x208xf32>
      tpu.vector_store %arg6[%swap3A_78, %swap3A_79, %swap3A_80], %add3A_75 {strides = array<i32>} : memref<80x16x208xf32, #tpu.memory_space<vmem>>, vector<8x16x208xf32>,
      %exp3A = math.exp %neg3A_74 : vector<8x16x208xf32>
      %log1p3A = math.log1p %exp3A : vector<8x16x208xf32>
      %add3A_82 = arith.addf %max3A, %log1p3A : vector<8x16x208xf32>
      %add3A_83 = arith.addf %add3A_82, %squeeze3A_70 : vector<8x16x208xf32>
      %mul3A_84 = arith.constant 8 : i32
      %mul3A_85 = arith.muli %scan3A_62, %mul3A_84 : i32
      %swap3A_86 = arith.index_cast %mul3A_85 : i32 to index
      %swap3A_87 = arith.constant 0 : index
      %swap3A_88 = arith.constant 0 : index
      %swap3A_89 = vector.load %arg7[%swap3A_86, %swap3A_87, %swap3A_88] : memref<80x16x208xf32, #tpu.memory_space<vmem>>, vector<8x16x208xf32>
      tpu.vector_store %arg7[%swap3A_86, %swap3A_87, %swap3A_88], %add3A_83 {strides = array<i32>} : memref<80x16x208xf32, #tpu.memory_space<vmem>>, vector<8x16x208xf32>,
      %add3A_90 = arith.addf %concatenate3A, %squeeze3A_70 : vector<8x16x208xf32>
      %mul3A_91 = arith.constant 8 : i32
      %mul3A_92 = arith.muli %scan3A_62, %mul3A_91 : i32
      %swap3A_93 = arith.index_cast %mul3A_92 : i32 to index
      %swap3A_94 = arith.constant 0 : index
      %swap3A_95 = arith.constant 0 : index
      %swap3A_96 = vector.load %arg8[%swap3A_93, %swap3A_94, %swap3A_95] : memref<80x16x208xf32, #tpu.memory_space<vmem>>, vector<8x16x208xf32>
      tpu.vector_store %arg8[%swap3A_93, %swap3A_94, %swap3A_95], %add3A_90 {strides = array<i32>} : memref<80x16x208xf32, #tpu.memory_space<vmem>>, vector<8x16x208xf32>,
    }
    %scan3A_22 = arith.constant 10 : i32
    %scan3A_23 = arith.constant 0 : i32
    %scan3A_24 = arith.constant 10 : i32
    %scan3A_25 = arith.addi %scan3A_23, %scan3A_24 : i32
    %scan3A_26 = arith.constant 1 : i32
    scf.for %scan3A_62 = %scan3A_23 to %scan3A_25 step %scan3A_26  : i32 {
      %mul3A = arith.constant 8 : i32
      %mul3A_63 = arith.muli %scan3A_62, %mul3A : i32
      %get3A_64 = arith.index_cast %mul3A_63 : i32 to index
      %get3A_65 = arith.constant 0 : index
      %get3A_66 = arith.constant 0 : index
      %get3A_67 = vector.load %arg6[%get3A_64, %get3A_65, %get3A_66] : memref<80x16x208xf32, #tpu.memory_space<vmem>>, vector<8x16x208xf32>
      %reshape3A_68 = vector.shape_cast %get3A_67 : vector<8x16x208xf32> to vector<4x2x16x208xf32>
      %mul3A_69 = arith.constant 8 : i32
      %mul3A_70 = arith.muli %scan3A_62, %mul3A_69 : i32
      %get3A_71 = arith.index_cast %mul3A_70 : i32 to index
      %get3A_72 = arith.constant 0 : index
      %get3A_73 = arith.constant 0 : index
      %get3A_74 = vector.load %arg7[%get3A_71, %get3A_72, %get3A_73] : memref<80x16x208xf32, #tpu.memory_space<vmem>>, vector<8x16x208xf32>
      %reshape3A_75 = vector.shape_cast %get3A_74 : vector<8x16x208xf32> to vector<4x2x16x208xf32>
      %mul3A_76 = arith.constant 8 : i32
      %mul3A_77 = arith.muli %scan3A_62, %mul3A_76 : i32
      %get3A_78 = arith.index_cast %mul3A_77 : i32 to index
      %get3A_79 = arith.constant 0 : index
      %get3A_80 = arith.constant 0 : index
      %get3A_81 = vector.load %arg8[%get3A_78, %get3A_79, %get3A_80] : memref<80x16x208xf32, #tpu.memory_space<vmem>>, vector<8x16x208xf32>
      %reshape3A_82 = vector.shape_cast %get3A_81 : vector<8x16x208xf32> to vector<4x2x16x208xf32>
      %slice3A = vector.extract_strided_slice %reshape3A_68 {offsets = [0, 0, 0, 0], sizes = [4, 1, 16, 208], strides = [1, 1, 1, 1]} : vector<4x2x16x208xf32> to vector<4x1x16x208xf32>
      %squeeze3A = vector.shape_cast %slice3A : vector<4x1x16x208xf32> to vector<4x16x208xf32>
      %slice3A_83 = vector.extract_strided_slice %reshape3A_68 {offsets = [0, 1, 0, 0], sizes = [4, 1, 16, 208], strides = [1, 1, 1, 1]} : vector<4x2x16x208xf32> to vector<4x1x16x208xf32>
      %squeeze3A_84 = vector.shape_cast %slice3A_83 : vector<4x1x16x208xf32> to vector<4x16x208xf32>
      %slice3A_85 = vector.extract_strided_slice %reshape3A_75 {offsets = [0, 0, 0, 0], sizes = [4, 1, 16, 208], strides = [1, 1, 1, 1]} : vector<4x2x16x208xf32> to vector<4x1x16x208xf32>
      %squeeze3A_86 = vector.shape_cast %slice3A_85 : vector<4x1x16x208xf32> to vector<4x16x208xf32>
      %slice3A_87 = vector.extract_strided_slice %reshape3A_75 {offsets = [0, 1, 0, 0], sizes = [4, 1, 16, 208], strides = [1, 1, 1, 1]} : vector<4x2x16x208xf32> to vector<4x1x16x208xf32>
      %squeeze3A_88 = vector.shape_cast %slice3A_87 : vector<4x1x16x208xf32> to vector<4x16x208xf32>
      %slice3A_89 = vector.extract_strided_slice %reshape3A_82 {offsets = [0, 0, 0, 0], sizes = [4, 1, 16, 208], strides = [1, 1, 1, 1]} : vector<4x2x16x208xf32> to vector<4x1x16x208xf32>
      %squeeze3A_90 = vector.shape_cast %slice3A_89 : vector<4x1x16x208xf32> to vector<4x16x208xf32>
      %slice3A_91 = vector.extract_strided_slice %reshape3A_82 {offsets = [0, 1, 0, 0], sizes = [4, 1, 16, 208], strides = [1, 1, 1, 1]} : vector<4x2x16x208xf32> to vector<4x1x16x208xf32>
      %squeeze3A_92 = vector.shape_cast %slice3A_91 : vector<4x1x16x208xf32> to vector<4x16x208xf32>
      %add3A_93 = arith.addf %squeeze3A, %squeeze3A_84 : vector<4x16x208xf32>
      %mul3A_94 = arith.constant 4 : i32
      %mul3A_95 = arith.muli %scan3A_62, %mul3A_94 : i32
      %swap3A_96 = arith.index_cast %mul3A_95 : i32 to index
      %swap3A_97 = arith.constant 0 : index
      %swap3A_98 = arith.constant 0 : index
      %swap3A_99 = vector.load %arg9[%swap3A_96, %swap3A_97, %swap3A_98] : memref<40x16x208xf32, #tpu.memory_space<vmem>>, vector<4x16x208xf32>
      tpu.vector_store %arg9[%swap3A_96, %swap3A_97, %swap3A_98], %add3A_93 {strides = array<i32>} : memref<40x16x208xf32, #tpu.memory_space<vmem>>, vector<4x16x208xf32>,
      %add3A_100 = arith.addf %squeeze3A_86, %squeeze3A_84 : vector<4x16x208xf32>
      %broadcast_in_dim3A = arith.constant -1.000000e+30 : f32
      %broadcast_in_dim3A_101 = vector.broadcast %broadcast_in_dim3A : f32 to vector<4x16x1xf32>
      %slice3A_102 = vector.extract_strided_slice %squeeze3A {offsets = [0, 0, 0], sizes = [4, 16, 207], strides = [1, 1, 1]} : vector<4x16x208xf32> to vector<4x16x207xf32>
      %concatenate3A = tpu.concatenate %broadcast_in_dim3A_101, %slice3A_102 in 2 : vector<4x16x1xf32>, vector<4x16x207xf32> -> vector<4x16x208xf32>
      %add3A_103 = arith.addf %concatenate3A, %squeeze3A_88 : vector<4x16x208xf32>
      %max3A = arith.maximumf %add3A_100, %add3A_103 : vector<4x16x208xf32>
      %sub3A = arith.subf %add3A_100, %max3A : vector<4x16x208xf32>
      %exp3A = math.exp %sub3A : vector<4x16x208xf32>
      %sub3A_104 = arith.subf %add3A_103, %max3A : vector<4x16x208xf32>
      %exp3A_105 = math.exp %sub3A_104 : vector<4x16x208xf32>
      %add3A_106 = arith.addf %exp3A, %exp3A_105 : vector<4x16x208xf32>
      %log3A_107 = math.log %add3A_106 : vector<4x16x208xf32>
      %add3A_108 = arith.addf %max3A, %log3A_107 : vector<4x16x208xf32>
      %mul3A_109 = arith.constant 4 : i32
      %mul3A_110 = arith.muli %scan3A_62, %mul3A_109 : i32
      %swap3A_111 = arith.index_cast %mul3A_110 : i32 to index
      %swap3A_112 = arith.constant 0 : index
      %swap3A_113 = arith.constant 0 : index
      %swap3A_114 = vector.load %arg10[%swap3A_111, %swap3A_112, %swap3A_113] : memref<40x16x208xf32, #tpu.memory_space<vmem>>, vector<4x16x208xf32>
      tpu.vector_store %arg10[%swap3A_111, %swap3A_112, %swap3A_113], %add3A_108 {strides = array<i32>} : memref<40x16x208xf32, #tpu.memory_space<vmem>>, vector<4x16x208xf32>,
      %add3A_115 = arith.addf %squeeze3A_90, %squeeze3A_84 : vector<4x16x208xf32>
      %broadcast_in_dim3A_116 = arith.constant -1.000000e+30 : f32
      %broadcast_in_dim3A_117 = vector.broadcast %broadcast_in_dim3A_116 : f32 to vector<4x16x1xf32>
      %slice3A_118 = vector.extract_strided_slice %squeeze3A_86 {offsets = [0, 0, 0], sizes = [4, 16, 207], strides = [1, 1, 1]} : vector<4x16x208xf32> to vector<4x16x207xf32>
      %concatenate3A_119 = tpu.concatenate %broadcast_in_dim3A_117, %slice3A_118 in 2 : vector<4x16x1xf32>, vector<4x16x207xf32> -> vector<4x16x208xf32>
      %add3A_120 = arith.addf %concatenate3A_119, %squeeze3A_88 : vector<4x16x208xf32>
      %broadcast_in_dim3A_121 = arith.constant -1.000000e+30 : f32
      %broadcast_in_dim3A_122 = vector.broadcast %broadcast_in_dim3A_121 : f32 to vector<4x16x2xf32>
      %slice3A_123 = vector.extract_strided_slice %squeeze3A {offsets = [0, 0, 0], sizes = [4, 16, 206], strides = [1, 1, 1]} : vector<4x16x208xf32> to vector<4x16x206xf32>
      %concatenate3A_124 = tpu.concatenate %broadcast_in_dim3A_122, %slice3A_123 in 2 : vector<4x16x2xf32>, vector<4x16x206xf32> -> vector<4x16x208xf32>
      %add3A_125 = arith.addf %concatenate3A_124, %squeeze3A_92 : vector<4x16x208xf32>
      %max3A_126 = arith.maximumf %add3A_115, %add3A_120 : vector<4x16x208xf32>
      %max3A_127 = arith.maximumf %max3A_126, %add3A_125 : vector<4x16x208xf32>
      %sub3A_128 = arith.subf %add3A_115, %max3A_127 : vector<4x16x208xf32>
      %exp3A_129 = math.exp %sub3A_128 : vector<4x16x208xf32>
      %sub3A_130 = arith.subf %add3A_120, %max3A_127 : vector<4x16x208xf32>
      %exp3A_131 = math.exp %sub3A_130 : vector<4x16x208xf32>
      %add3A_132 = arith.addf %exp3A_129, %exp3A_131 : vector<4x16x208xf32>
      %sub3A_133 = arith.subf %add3A_125, %max3A_127 : vector<4x16x208xf32>
      %exp3A_134 = math.exp %sub3A_133 : vector<4x16x208xf32>
      %add3A_135 = arith.addf %add3A_132, %exp3A_134 : vector<4x16x208xf32>
      %log3A_136 = math.log %add3A_135 : vector<4x16x208xf32>
      %add3A_137 = arith.addf %max3A_127, %log3A_136 : vector<4x16x208xf32>
      %mul3A_138 = arith.constant 4 : i32
      %mul3A_139 = arith.muli %scan3A_62, %mul3A_138 : i32
      %swap3A_140 = arith.index_cast %mul3A_139 : i32 to index
      %swap3A_141 = arith.constant 0 : index
      %swap3A_142 = arith.constant 0 : index
      %swap3A_143 = vector.load %arg11[%swap3A_140, %swap3A_141, %swap3A_142] : memref<40x16x208xf32, #tpu.memory_space<vmem>>, vector<4x16x208xf32>
      tpu.vector_store %arg11[%swap3A_140, %swap3A_141, %swap3A_142], %add3A_137 {strides = array<i32>} : memref<40x16x208xf32, #tpu.memory_space<vmem>>, vector<4x16x208xf32>,
      %broadcast_in_dim3A_144 = arith.constant -1.000000e+30 : f32
      %broadcast_in_dim3A_145 = vector.broadcast %broadcast_in_dim3A_144 : f32 to vector<4x16x1xf32>
      %slice3A_146 = vector.extract_strided_slice %squeeze3A_90 {offsets = [0, 0, 0], sizes = [4, 16, 207], strides = [1, 1, 1]} : vector<4x16x208xf32> to vector<4x16x207xf32>
      %concatenate3A_147 = tpu.concatenate %broadcast_in_dim3A_145, %slice3A_146 in 2 : vector<4x16x1xf32>, vector<4x16x207xf32> -> vector<4x16x208xf32>
      %add3A_148 = arith.addf %concatenate3A_147, %squeeze3A_88 : vector<4x16x208xf32>
      %broadcast_in_dim3A_149 = arith.constant -1.000000e+30 : f32
      %broadcast_in_dim3A_150 = vector.broadcast %broadcast_in_dim3A_149 : f32 to vector<4x16x2xf32>
      %slice3A_151 = vector.extract_strided_slice %squeeze3A_86 {offsets = [0, 0, 0], sizes = [4, 16, 206], strides = [1, 1, 1]} : vector<4x16x208xf32> to vector<4x16x206xf32>
      %concatenate3A_152 = tpu.concatenate %broadcast_in_dim3A_150, %slice3A_151 in 2 : vector<4x16x2xf32>, vector<4x16x206xf32> -> vector<4x16x208xf32>
      %add3A_153 = arith.addf %concatenate3A_152, %squeeze3A_92 : vector<4x16x208xf32>
      %max3A_154 = arith.maximumf %add3A_148, %add3A_153 : vector<4x16x208xf32>
      %sub3A_155 = arith.subf %add3A_148, %max3A_154 : vector<4x16x208xf32>
      %exp3A_156 = math.exp %sub3A_155 : vector<4x16x208xf32>
      %sub3A_157 = arith.subf %add3A_153, %max3A_154 : vector<4x16x208xf32>
      %exp3A_158 = math.exp %sub3A_157 : vector<4x16x208xf32>
      %add3A_159 = arith.addf %exp3A_156, %exp3A_158 : vector<4x16x208xf32>
      %log3A_160 = math.log %add3A_159 : vector<4x16x208xf32>
      %add3A_161 = arith.addf %max3A_154, %log3A_160 : vector<4x16x208xf32>
      %mul3A_162 = arith.constant 4 : i32
      %mul3A_163 = arith.muli %scan3A_62, %mul3A_162 : i32
      %swap3A_164 = arith.index_cast %mul3A_163 : i32 to index
      %swap3A_165 = arith.constant 0 : index
      %swap3A_166 = arith.constant 0 : index
      %swap3A_167 = vector.load %arg12[%swap3A_164, %swap3A_165, %swap3A_166] : memref<40x16x208xf32, #tpu.memory_space<vmem>>, vector<4x16x208xf32>
      tpu.vector_store %arg12[%swap3A_164, %swap3A_165, %swap3A_166], %add3A_161 {strides = array<i32>} : memref<40x16x208xf32, #tpu.memory_space<vmem>>, vector<4x16x208xf32>,
      %broadcast_in_dim3A_168 = arith.constant -1.000000e+30 : f32
      %broadcast_in_dim3A_169 = vector.broadcast %broadcast_in_dim3A_168 : f32 to vector<4x16x2xf32>
      %slice3A_170 = vector.extract_strided_slice %squeeze3A_90 {offsets = [0, 0, 0], sizes = [4, 16, 206], strides = [1, 1, 1]} : vector<4x16x208xf32> to vector<4x16x206xf32>
      %concatenate3A_171 = tpu.concatenate %broadcast_in_dim3A_169, %slice3A_170 in 2 : vector<4x16x2xf32>, vector<4x16x206xf32> -> vector<4x16x208xf32>
      %add3A_172 = arith.addf %concatenate3A_171, %squeeze3A_92 : vector<4x16x208xf32>
      %mul3A_173 = arith.constant 4 : i32
      %mul3A_174 = arith.muli %scan3A_62, %mul3A_173 : i32
      %swap3A_175 = arith.index_cast %mul3A_174 : i32 to index
      %swap3A_176 = arith.constant 0 : index
      %swap3A_177 = arith.constant 0 : index
      %swap3A_178 = vector.load %arg13[%swap3A_175, %swap3A_176, %swap3A_177] : memref<40x16x208xf32, #tpu.memory_space<vmem>>, vector<4x16x208xf32>
      tpu.vector_store %arg13[%swap3A_175, %swap3A_176, %swap3A_177], %add3A_172 {strides = array<i32>} : memref<40x16x208xf32, #tpu.memory_space<vmem>>, vector<4x16x208xf32>,
    }
    %scan3A_27 = arith.constant 10 : i32
    %eq3A_28 = arith.constant 0 : i32
    %eq3A_29 = arith.cmpi eq, %arg0, %eq3A_28 : i32
    %convert_element_type3A_30 = arith.extui %eq3A_29 : i1 to i32
    %cond3A_31 = arith.constant 0 : i32
    %cond3A_32 = arith.cmpi ne, %convert_element_type3A_30, %cond3A_31 : i32
    scf.if %cond3A_32 {
      %get3A_62 = arith.constant 0 : index
      %get3A_63 = arith.constant 0 : index
      %get3A_64 = arith.constant 0 : index
      %get3A_65 = vector.load %arg1[%get3A_62, %get3A_63, %get3A_64] : memref<160x16x208xf32, #tpu.memory_space<vmem>>, vector<1x16x208xf32>
      %get3A_66 = vector.shape_cast %get3A_65 : vector<1x16x208xf32> to vector<16x208xf32>
      %jit3A_67 = arith.constant -1.000000e+30 : f32
      %broadcast_in_dim3A = vector.broadcast %jit3A_67 : f32 to vector<16x208xf32>
      %select_n3A_68 = arith.select %eq3A_18, %get3A_66, %broadcast_in_dim3A : vector<16x208xi1>, vector<16x208xf32>
      %get3A_69 = arith.constant 1 : index
      %get3A_70 = arith.constant 0 : index
      %get3A_71 = arith.constant 0 : index
      %get3A_72 = vector.load %arg1[%get3A_69, %get3A_70, %get3A_71] : memref<160x16x208xf32, #tpu.memory_space<vmem>>, vector<1x16x208xf32>
      %get3A_73 = vector.shape_cast %get3A_72 : vector<1x16x208xf32> to vector<16x208xf32>
      %broadcast_in_dim3A_74 = arith.constant -1.000000e+30 : f32
      %broadcast_in_dim3A_75 = vector.broadcast %broadcast_in_dim3A_74 : f32 to vector<16x1xf32>
      %slice3A = vector.extract_strided_slice %select_n3A_68 {offsets = [0, 0], sizes = [16, 207], strides = [1, 1]} : vector<16x208xf32> to vector<16x207xf32>
      %concatenate3A = tpu.concatenate %broadcast_in_dim3A_75, %slice3A in 1 : vector<16x1xf32>, vector<16x207xf32> -> vector<16x208xf32>
      %max3A = arith.maximumf %select_n3A_68, %concatenate3A : vector<16x208xf32>
      %sub3A = arith.subf %select_n3A_68, %concatenate3A : vector<16x208xf32>
      %abs3A = math.absf %sub3A : vector<16x208xf32>
      %neg3A = arith.constant 0.000000e+00 : f32
      %neg3A_76 = vector.broadcast %neg3A : f32 to vector<16x208xf32>
      %neg3A_77 = arith.subf %neg3A_76, %abs3A : vector<16x208xf32>
      %exp3A = math.exp %neg3A_77 : vector<16x208xf32>
      %log1p3A = math.log1p %exp3A : vector<16x208xf32>
      %add3A_78 = arith.addf %max3A, %log1p3A : vector<16x208xf32>
      %add3A_79 = arith.addf %add3A_78, %get3A_73 : vector<16x208xf32>
      %swap3A_80 = arith.constant 0 : index
      %swap3A_81 = arith.constant 0 : index
      %swap3A_82 = vector.load %arg4[%swap3A_80, %swap3A_81] : memref<16x208xf32, #tpu.memory_space<vmem>>, vector<16x208xf32>
      tpu.vector_store %arg4[%swap3A_80, %swap3A_81], %add3A_79 {strides = array<i32>} : memref<16x208xf32, #tpu.memory_space<vmem>>, vector<16x208xf32>,
    } else {
    }
    %eq3A_33 = arith.constant 0 : i32
    %eq3A_34 = arith.cmpi eq, %arg0, %eq3A_33 : i32
    %convert_element_type3A_35 = arith.extui %eq3A_34 : i1 to i32
    %cond3A_36 = arith.constant 0 : i32
    %cond3A_37 = arith.cmpi ne, %convert_element_type3A_35, %cond3A_36 : i32
    scf.if %cond3A_37 {
      %get3A_62 = arith.constant 0 : index
      %get3A_63 = arith.constant 0 : index
      %get3A_64 = vector.load %arg4[%get3A_62, %get3A_63] : memref<16x208xf32, #tpu.memory_space<vmem>>, vector<16x208xf32>
      %get3A_65 = arith.constant 1 : index
      %get3A_66 = arith.constant 0 : index
      %get3A_67 = arith.constant 0 : index
      %get3A_68 = vector.load %arg6[%get3A_65, %get3A_66, %get3A_67] : memref<80x16x208xf32, #tpu.memory_space<vmem>>, vector<1x16x208xf32>
      %get3A_69 = vector.shape_cast %get3A_68 : vector<1x16x208xf32> to vector<16x208xf32>
      %add3A_70 = arith.addf %get3A_64, %get3A_69 : vector<16x208xf32>
      %broadcast_in_dim3A = arith.constant -1.000000e+30 : f32
      %broadcast_in_dim3A_71 = vector.broadcast %broadcast_in_dim3A : f32 to vector<16x1xf32>
      %slice3A = vector.extract_strided_slice %get3A_64 {offsets = [0, 0], sizes = [16, 207], strides = [1, 1]} : vector<16x208xf32> to vector<16x207xf32>
      %concatenate3A = tpu.concatenate %broadcast_in_dim3A_71, %slice3A in 1 : vector<16x1xf32>, vector<16x207xf32> -> vector<16x208xf32>
      %get3A_72 = arith.constant 1 : index
      %get3A_73 = arith.constant 0 : index
      %get3A_74 = arith.constant 0 : index
      %get3A_75 = vector.load %arg7[%get3A_72, %get3A_73, %get3A_74] : memref<80x16x208xf32, #tpu.memory_space<vmem>>, vector<1x16x208xf32>
      %get3A_76 = vector.shape_cast %get3A_75 : vector<1x16x208xf32> to vector<16x208xf32>
      %add3A_77 = arith.addf %concatenate3A, %get3A_76 : vector<16x208xf32>
      %broadcast_in_dim3A_78 = arith.constant -1.000000e+30 : f32
      %broadcast_in_dim3A_79 = vector.broadcast %broadcast_in_dim3A_78 : f32 to vector<16x2xf32>
      %slice3A_80 = vector.extract_strided_slice %get3A_64 {offsets = [0, 0], sizes = [16, 206], strides = [1, 1]} : vector<16x208xf32> to vector<16x206xf32>
      %concatenate3A_81 = tpu.concatenate %broadcast_in_dim3A_79, %slice3A_80 in 1 : vector<16x2xf32>, vector<16x206xf32> -> vector<16x208xf32>
      %get3A_82 = arith.constant 1 : index
      %get3A_83 = arith.constant 0 : index
      %get3A_84 = arith.constant 0 : index
      %get3A_85 = vector.load %arg8[%get3A_82, %get3A_83, %get3A_84] : memref<80x16x208xf32, #tpu.memory_space<vmem>>, vector<1x16x208xf32>
      %get3A_86 = vector.shape_cast %get3A_85 : vector<1x16x208xf32> to vector<16x208xf32>
      %add3A_87 = arith.addf %concatenate3A_81, %get3A_86 : vector<16x208xf32>
      %max3A = arith.maximumf %add3A_70, %add3A_77 : vector<16x208xf32>
      %max3A_88 = arith.maximumf %max3A, %add3A_87 : vector<16x208xf32>
      %sub3A = arith.subf %add3A_70, %max3A_88 : vector<16x208xf32>
      %exp3A = math.exp %sub3A : vector<16x208xf32>
      %sub3A_89 = arith.subf %add3A_77, %max3A_88 : vector<16x208xf32>
      %exp3A_90 = math.exp %sub3A_89 : vector<16x208xf32>
      %add3A_91 = arith.addf %exp3A, %exp3A_90 : vector<16x208xf32>
      %sub3A_92 = arith.subf %add3A_87, %max3A_88 : vector<16x208xf32>
      %exp3A_93 = math.exp %sub3A_92 : vector<16x208xf32>
      %add3A_94 = arith.addf %add3A_91, %exp3A_93 : vector<16x208xf32>
      %log3A_95 = math.log %add3A_94 : vector<16x208xf32>
      %add3A_96 = arith.addf %max3A_88, %log3A_95 : vector<16x208xf32>
      %swap3A_97 = arith.constant 0 : index
      %swap3A_98 = arith.constant 0 : index
      %swap3A_99 = vector.load %arg4[%swap3A_97, %swap3A_98] : memref<16x208xf32, #tpu.memory_space<vmem>>, vector<16x208xf32>
      tpu.vector_store %arg4[%swap3A_97, %swap3A_98], %add3A_96 {strides = array<i32>} : memref<16x208xf32, #tpu.memory_space<vmem>>, vector<16x208xf32>,
    } else {
    }
    %eq3A_38 = arith.constant 0 : i32
    %eq3A_39 = arith.cmpi eq, %arg0, %eq3A_38 : i32
    %jit3A = arith.constant 1 : i32
    %jit3A_40 = arith.constant 0 : i32
    %select_n3A = arith.select %eq3A_39, %jit3A, %jit3A_40 : i32
    %get3A_41 = arith.constant 0 : index
    %get3A_42 = arith.constant 0 : index
    %get3A_43 = vector.load %arg4[%get3A_41, %get3A_42] : memref<16x208xf32, #tpu.memory_space<vmem>>, vector<16x208xf32>
    %while3A = arith.constant 40 : i32
    %while3A_44 = arith.subi %while3A, %select_n3A : i32
    %while3A_45 = arith.addi %select_n3A, %while3A_44 : i32
    %while3A_46 = arith.constant 1 : i32
    %while3A_47 = arith.divsi %while3A_44, %while3A_46 : i32
    %while3A_48 = arith.muli %while3A_47, %while3A_46 : i32
    %while3A_49 = arith.addi %select_n3A, %while3A_48 : i32
    %while3A_50 = arith.constant 1 : i32
    %while3A_51 = scf.for %while3A_62 = %select_n3A to %while3A_49 step %while3A_50 iter_args(%while3A_63 = %get3A_43) -> (vector<16x208xf32>)  : i32 {
      %get3A_64 = arith.index_cast %while3A_62 : i32 to index
      %get3A_65 = arith.constant 0 : index
      %get3A_66 = arith.constant 0 : index
      %get3A_67 = vector.load %arg9[%get3A_64, %get3A_65, %get3A_66] : memref<40x16x208xf32, #tpu.memory_space<vmem>>, vector<1x16x208xf32>
      %get3A_68 = vector.shape_cast %get3A_67 : vector<1x16x208xf32> to vector<16x208xf32>
      %add3A_69 = arith.addf %while3A_63, %get3A_68 : vector<16x208xf32>
      %broadcast_in_dim3A = arith.constant -1.000000e+30 : f32
      %broadcast_in_dim3A_70 = vector.broadcast %broadcast_in_dim3A : f32 to vector<16x1xf32>
      %slice3A = vector.extract_strided_slice %while3A_63 {offsets = [0, 0], sizes = [16, 207], strides = [1, 1]} : vector<16x208xf32> to vector<16x207xf32>
      %concatenate3A = tpu.concatenate %broadcast_in_dim3A_70, %slice3A in 1 : vector<16x1xf32>, vector<16x207xf32> -> vector<16x208xf32>
      %get3A_71 = arith.index_cast %while3A_62 : i32 to index
      %get3A_72 = arith.constant 0 : index
      %get3A_73 = arith.constant 0 : index
      %get3A_74 = vector.load %arg10[%get3A_71, %get3A_72, %get3A_73] : memref<40x16x208xf32, #tpu.memory_space<vmem>>, vector<1x16x208xf32>
      %get3A_75 = vector.shape_cast %get3A_74 : vector<1x16x208xf32> to vector<16x208xf32>
      %add3A_76 = arith.addf %concatenate3A, %get3A_75 : vector<16x208xf32>
      %broadcast_in_dim3A_77 = arith.constant -1.000000e+30 : f32
      %broadcast_in_dim3A_78 = vector.broadcast %broadcast_in_dim3A_77 : f32 to vector<16x2xf32>
      %slice3A_79 = vector.extract_strided_slice %while3A_63 {offsets = [0, 0], sizes = [16, 206], strides = [1, 1]} : vector<16x208xf32> to vector<16x206xf32>
      %concatenate3A_80 = tpu.concatenate %broadcast_in_dim3A_78, %slice3A_79 in 1 : vector<16x2xf32>, vector<16x206xf32> -> vector<16x208xf32>
      %get3A_81 = arith.index_cast %while3A_62 : i32 to index
      %get3A_82 = arith.constant 0 : index
      %get3A_83 = arith.constant 0 : index
      %get3A_84 = vector.load %arg11[%get3A_81, %get3A_82, %get3A_83] : memref<40x16x208xf32, #tpu.memory_space<vmem>>, vector<1x16x208xf32>
      %get3A_85 = vector.shape_cast %get3A_84 : vector<1x16x208xf32> to vector<16x208xf32>
      %add3A_86 = arith.addf %concatenate3A_80, %get3A_85 : vector<16x208xf32>
      %broadcast_in_dim3A_87 = arith.constant -1.000000e+30 : f32
      %broadcast_in_dim3A_88 = vector.broadcast %broadcast_in_dim3A_87 : f32 to vector<16x3xf32>
      %slice3A_89 = vector.extract_strided_slice %while3A_63 {offsets = [0, 0], sizes = [16, 205], strides = [1, 1]} : vector<16x208xf32> to vector<16x205xf32>
      %concatenate3A_90 = tpu.concatenate %broadcast_in_dim3A_88, %slice3A_89 in 1 : vector<16x3xf32>, vector<16x205xf32> -> vector<16x208xf32>
      %get3A_91 = arith.index_cast %while3A_62 : i32 to index
      %get3A_92 = arith.constant 0 : index
      %get3A_93 = arith.constant 0 : index
      %get3A_94 = vector.load %arg12[%get3A_91, %get3A_92, %get3A_93] : memref<40x16x208xf32, #tpu.memory_space<vmem>>, vector<1x16x208xf32>
      %get3A_95 = vector.shape_cast %get3A_94 : vector<1x16x208xf32> to vector<16x208xf32>
      %add3A_96 = arith.addf %concatenate3A_90, %get3A_95 : vector<16x208xf32>
      %broadcast_in_dim3A_97 = arith.constant -1.000000e+30 : f32
      %broadcast_in_dim3A_98 = vector.broadcast %broadcast_in_dim3A_97 : f32 to vector<16x4xf32>
      %slice3A_99 = vector.extract_strided_slice %while3A_63 {offsets = [0, 0], sizes = [16, 204], strides = [1, 1]} : vector<16x208xf32> to vector<16x204xf32>
      %concatenate3A_100 = tpu.concatenate %broadcast_in_dim3A_98, %slice3A_99 in 1 : vector<16x4xf32>, vector<16x204xf32> -> vector<16x208xf32>
      %get3A_101 = arith.index_cast %while3A_62 : i32 to index
      %get3A_102 = arith.constant 0 : index
      %get3A_103 = arith.constant 0 : index
      %get3A_104 = vector.load %arg13[%get3A_101, %get3A_102, %get3A_103] : memref<40x16x208xf32, #tpu.memory_space<vmem>>, vector<1x16x208xf32>
      %get3A_105 = vector.shape_cast %get3A_104 : vector<1x16x208xf32> to vector<16x208xf32>
      %add3A_106 = arith.addf %concatenate3A_100, %get3A_105 : vector<16x208xf32>
      %max3A = arith.maximumf %add3A_69, %add3A_76 : vector<16x208xf32>
      %max3A_107 = arith.maximumf %add3A_86, %add3A_96 : vector<16x208xf32>
      %max3A_108 = arith.maximumf %max3A, %max3A_107 : vector<16x208xf32>
      %max3A_109 = arith.maximumf %max3A_108, %add3A_106 : vector<16x208xf32>
      %sub3A = arith.subf %add3A_69, %max3A_109 : vector<16x208xf32>
      %exp3A = math.exp %sub3A : vector<16x208xf32>
      %sub3A_110 = arith.subf %add3A_76, %max3A_109 : vector<16x208xf32>
      %exp3A_111 = math.exp %sub3A_110 : vector<16x208xf32>
      %add3A_112 = arith.addf %exp3A, %exp3A_111 : vector<16x208xf32>
      %sub3A_113 = arith.subf %add3A_86, %max3A_109 : vector<16x208xf32>
      %exp3A_114 = math.exp %sub3A_113 : vector<16x208xf32>
      %add3A_115 = arith.addf %add3A_112, %exp3A_114 : vector<16x208xf32>
      %sub3A_116 = arith.subf %add3A_96, %max3A_109 : vector<16x208xf32>
      %exp3A_117 = math.exp %sub3A_116 : vector<16x208xf32>
      %add3A_118 = arith.addf %add3A_115, %exp3A_117 : vector<16x208xf32>
      %sub3A_119 = arith.subf %add3A_106, %max3A_109 : vector<16x208xf32>
      %exp3A_120 = math.exp %sub3A_119 : vector<16x208xf32>
      %add3A_121 = arith.addf %add3A_118, %exp3A_120 : vector<16x208xf32>
      %log3A_122 = math.log %add3A_121 : vector<16x208xf32>
      %add3A_123 = arith.addf %max3A_109, %log3A_122 : vector<16x208xf32>
      scf.yield %add3A_123 : vector<16x208xf32>
    }
    %while3A_52 = arith.constant 1 : i32
    %while3A_53 = scf.for %while3A_62 = %while3A_49 to %while3A_45 step %while3A_52 iter_args(%while3A_63 = %while3A_51) -> (vector<16x208xf32>)  : i32 {
      %get3A_64 = arith.index_cast %while3A_62 : i32 to index
      %get3A_65 = arith.constant 0 : index
      %get3A_66 = arith.constant 0 : index
      %get3A_67 = vector.load %arg9[%get3A_64, %get3A_65, %get3A_66] : memref<40x16x208xf32, #tpu.memory_space<vmem>>, vector<1x16x208xf32>
      %get3A_68 = vector.shape_cast %get3A_67 : vector<1x16x208xf32> to vector<16x208xf32>
      %add3A_69 = arith.addf %while3A_63, %get3A_68 : vector<16x208xf32>
      %broadcast_in_dim3A = arith.constant -1.000000e+30 : f32
      %broadcast_in_dim3A_70 = vector.broadcast %broadcast_in_dim3A : f32 to vector<16x1xf32>
      %slice3A = vector.extract_strided_slice %while3A_63 {offsets = [0, 0], sizes = [16, 207], strides = [1, 1]} : vector<16x208xf32> to vector<16x207xf32>
      %concatenate3A = tpu.concatenate %broadcast_in_dim3A_70, %slice3A in 1 : vector<16x1xf32>, vector<16x207xf32> -> vector<16x208xf32>
      %get3A_71 = arith.index_cast %while3A_62 : i32 to index
      %get3A_72 = arith.constant 0 : index
      %get3A_73 = arith.constant 0 : index
      %get3A_74 = vector.load %arg10[%get3A_71, %get3A_72, %get3A_73] : memref<40x16x208xf32, #tpu.memory_space<vmem>>, vector<1x16x208xf32>
      %get3A_75 = vector.shape_cast %get3A_74 : vector<1x16x208xf32> to vector<16x208xf32>
      %add3A_76 = arith.addf %concatenate3A, %get3A_75 : vector<16x208xf32>
      %broadcast_in_dim3A_77 = arith.constant -1.000000e+30 : f32
      %broadcast_in_dim3A_78 = vector.broadcast %broadcast_in_dim3A_77 : f32 to vector<16x2xf32>
      %slice3A_79 = vector.extract_strided_slice %while3A_63 {offsets = [0, 0], sizes = [16, 206], strides = [1, 1]} : vector<16x208xf32> to vector<16x206xf32>
      %concatenate3A_80 = tpu.concatenate %broadcast_in_dim3A_78, %slice3A_79 in 1 : vector<16x2xf32>, vector<16x206xf32> -> vector<16x208xf32>
      %get3A_81 = arith.index_cast %while3A_62 : i32 to index
      %get3A_82 = arith.constant 0 : index
      %get3A_83 = arith.constant 0 : index
      %get3A_84 = vector.load %arg11[%get3A_81, %get3A_82, %get3A_83] : memref<40x16x208xf32, #tpu.memory_space<vmem>>, vector<1x16x208xf32>
      %get3A_85 = vector.shape_cast %get3A_84 : vector<1x16x208xf32> to vector<16x208xf32>
      %add3A_86 = arith.addf %concatenate3A_80, %get3A_85 : vector<16x208xf32>
      %broadcast_in_dim3A_87 = arith.constant -1.000000e+30 : f32
      %broadcast_in_dim3A_88 = vector.broadcast %broadcast_in_dim3A_87 : f32 to vector<16x3xf32>
      %slice3A_89 = vector.extract_strided_slice %while3A_63 {offsets = [0, 0], sizes = [16, 205], strides = [1, 1]} : vector<16x208xf32> to vector<16x205xf32>
      %concatenate3A_90 = tpu.concatenate %broadcast_in_dim3A_88, %slice3A_89 in 1 : vector<16x3xf32>, vector<16x205xf32> -> vector<16x208xf32>
      %get3A_91 = arith.index_cast %while3A_62 : i32 to index
      %get3A_92 = arith.constant 0 : index
      %get3A_93 = arith.constant 0 : index
      %get3A_94 = vector.load %arg12[%get3A_91, %get3A_92, %get3A_93] : memref<40x16x208xf32, #tpu.memory_space<vmem>>, vector<1x16x208xf32>
      %get3A_95 = vector.shape_cast %get3A_94 : vector<1x16x208xf32> to vector<16x208xf32>
      %add3A_96 = arith.addf %concatenate3A_90, %get3A_95 : vector<16x208xf32>
      %broadcast_in_dim3A_97 = arith.constant -1.000000e+30 : f32
      %broadcast_in_dim3A_98 = vector.broadcast %broadcast_in_dim3A_97 : f32 to vector<16x4xf32>
      %slice3A_99 = vector.extract_strided_slice %while3A_63 {offsets = [0, 0], sizes = [16, 204], strides = [1, 1]} : vector<16x208xf32> to vector<16x204xf32>
      %concatenate3A_100 = tpu.concatenate %broadcast_in_dim3A_98, %slice3A_99 in 1 : vector<16x4xf32>, vector<16x204xf32> -> vector<16x208xf32>
      %get3A_101 = arith.index_cast %while3A_62 : i32 to index
      %get3A_102 = arith.constant 0 : index
      %get3A_103 = arith.constant 0 : index
      %get3A_104 = vector.load %arg13[%get3A_101, %get3A_102, %get3A_103] : memref<40x16x208xf32, #tpu.memory_space<vmem>>, vector<1x16x208xf32>
      %get3A_105 = vector.shape_cast %get3A_104 : vector<1x16x208xf32> to vector<16x208xf32>
      %add3A_106 = arith.addf %concatenate3A_100, %get3A_105 : vector<16x208xf32>
      %max3A = arith.maximumf %add3A_69, %add3A_76 : vector<16x208xf32>
      %max3A_107 = arith.maximumf %add3A_86, %add3A_96 : vector<16x208xf32>
      %max3A_108 = arith.maximumf %max3A, %max3A_107 : vector<16x208xf32>
      %max3A_109 = arith.maximumf %max3A_108, %add3A_106 : vector<16x208xf32>
      %sub3A = arith.subf %add3A_69, %max3A_109 : vector<16x208xf32>
      %exp3A = math.exp %sub3A : vector<16x208xf32>
      %sub3A_110 = arith.subf %add3A_76, %max3A_109 : vector<16x208xf32>
      %exp3A_111 = math.exp %sub3A_110 : vector<16x208xf32>
      %add3A_112 = arith.addf %exp3A, %exp3A_111 : vector<16x208xf32>
      %sub3A_113 = arith.subf %add3A_86, %max3A_109 : vector<16x208xf32>
      %exp3A_114 = math.exp %sub3A_113 : vector<16x208xf32>
      %add3A_115 = arith.addf %add3A_112, %exp3A_114 : vector<16x208xf32>
      %sub3A_116 = arith.subf %add3A_96, %max3A_109 : vector<16x208xf32>
      %exp3A_117 = math.exp %sub3A_116 : vector<16x208xf32>
      %add3A_118 = arith.addf %add3A_115, %exp3A_117 : vector<16x208xf32>
      %sub3A_119 = arith.subf %add3A_106, %max3A_109 : vector<16x208xf32>
      %exp3A_120 = math.exp %sub3A_119 : vector<16x208xf32>
      %add3A_121 = arith.addf %add3A_118, %exp3A_120 : vector<16x208xf32>
      %log3A_122 = math.log %add3A_121 : vector<16x208xf32>
      %add3A_123 = arith.addf %max3A_109, %log3A_122 : vector<16x208xf32>
      scf.yield %add3A_123 : vector<16x208xf32>
    }
    %swap3A_54 = arith.constant 0 : index
    %swap3A_55 = arith.constant 0 : index
    %swap3A_56 = vector.load %arg4[%swap3A_54, %swap3A_55] : memref<16x208xf32, #tpu.memory_space<vmem>>, vector<16x208xf32>
    tpu.vector_store %arg4[%swap3A_54, %swap3A_55], %while3A_53 {strides = array<i32>} : memref<16x208xf32, #tpu.memory_space<vmem>>, vector<16x208xf32>,
    %eq3A_57 = arith.constant 9 : i32
    %eq3A_58 = arith.cmpi eq, %arg0, %eq3A_57 : i32
    %convert_element_type3A_59 = arith.extui %eq3A_58 : i1 to i32
    %cond3A_60 = arith.constant 0 : i32
    %cond3A_61 = arith.cmpi ne, %convert_element_type3A_59, %cond3A_60 : i32
    scf.if %cond3A_61 {
      %eq3A_62 = arith.constant 199 : i32
      %eq3A_63 = vector.broadcast %eq3A_62 : i32 to vector<16x208xi32>
      %eq3A_64 = arith.cmpi eq, %iota3A, %eq3A_63 : vector<16x208xi32>
      %jit3A_65 = arith.constant 0.000000e+00 : f32
      %broadcast_in_dim3A = vector.broadcast %jit3A_65 : f32 to vector<16x208xf32>
      %select_n3A_66 = arith.select %eq3A_64, %while3A_53, %broadcast_in_dim3A : vector<16x208xi1>, vector<16x208xf32>
      %reduce_sum3A_67 = vector.shape_cast %select_n3A_66 : vector<16x208xf32> to vector<1x16x208xf32>
      %reduce_sum3A_68 = arith.constant dense<0.000000e+00> : vector<1xf32>
      %reduce_sum3A_69 = vector.multi_reduction <add>, %reduce_sum3A_67, %reduce_sum3A_68 [1, 2] : vector<1x16x208xf32> to vector<1xf32>
      %reduce_sum3A_70 = vector.shape_cast %reduce_sum3A_69 : vector<1xf32> to vector<1x1x1xf32>
      %reduce_sum3A_71 = vector.extract %reduce_sum3A_70[0, 0, 0] : f32 from vector<1x1x1xf32>
      %get3A_72 = arith.constant 0 : index
      %get3A_73 = arith.constant 0 : index
      %get3A_74 = vector.load %arg5[%get3A_72, %get3A_73] : memref<1x1xf32, #tpu.memory_space<vmem>>, vector<1x1xf32>
      %reshape3A_75 = vector.broadcast %reduce_sum3A_71 : f32 to vector<1x1xf32>
      %sub3A = arith.subf %get3A_74, %reshape3A_75 : vector<1x1xf32>
      %swap3A_76 = arith.constant 0 : index
      %swap3A_77 = arith.constant 0 : index
      %swap3A_78 = vector.load %arg3[%swap3A_76, %swap3A_77] : memref<1x1xf32, #tpu.memory_space<vmem>>, vector<1x1xf32>
      tpu.vector_store %arg3[%swap3A_76, %swap3A_77], %sub3A {strides = array<i32>} : memref<1x1xf32, #tpu.memory_space<vmem>>, vector<1x1xf32>,
    } else {
    }
    return
  }
  func.func @transform_0(%arg0: i32) -> (i32, i32, i32) {
    %c0_i32 = arith.constant 0 : i32
    %c0_i32_0 = arith.constant 0 : i32
    %c0_i32_1 = arith.constant 0 : i32
    return %arg0, %c0_i32, %c0_i32_0 : i32, i32, i32
  }
  func.func @transform_1(%arg0: i32) -> (i32, i32, i32) {
    %c0_i32 = arith.constant 0 : i32
    %c0_i32_0 = arith.constant 0 : i32
    %c0_i32_1 = arith.constant 0 : i32
    return %c0_i32, %arg0, %c0_i32_0 : i32, i32, i32
  }
  func.func @transform_2(%arg0: i32) -> (i32, i32) {
    %c0_i32 = arith.constant 0 : i32
    %c0_i32_0 = arith.constant 0 : i32
    %c0_i32_1 = arith.constant 0 : i32
    return %c0_i32, %c0_i32_0 : i32, i32
  }
}

</mosaic_0001>

<sc_bundles>
// kernel: kernel.4.cloned.1.call-start
scs
__scs_entry_jumppad:
0x0: {  	(pc) =	sbr.rel $0x88, $3  }
0x1: {  	(tag) =	ssettag $0x0;
	lr =	simm.s32 $0x1  }
0x2: {  	[smem:$0x3F9F] =	sst lr;
	_ =	strace $0xD0000000  }
0x3: {  	_ = 	snop  }
0x4: {  	_ = 	snop  }
0x5: {  	_ = 	snop  }
0x6: {  	_ = 	snop  }
0x7: {  	_ = 	snop  }
__scs_overlays_trampoline_lowered:
0x8: {  	[smem:$0x3FAE] =	sst s0  }
0x9: {  	[smem:$0x3FAF] =	sst s1  }
0xa: {  	[smem:$0x3FB0] =	sst s2  }
0xb: {  	[smem:$0x3FB1] =	sst s3  }
0xc: {  	[smem:$0x3FB2] =	sst s4  }
0xd: {  	[smem:$0x3FB3] =	sst s5  }
0xe: {  	[smem:$0x3FB4] =	sst s6  }
0xf: {  	[smem:$0x3FB5] =	sst s7  }
0x10: {  	[smem:$0x3FB6] =	sst s8  }
0x11: {  	[smem:$0x3FB7] =	sst s9;
	s0 =	simm.s32 @!p0 $0x0  }
0x12: {  	s1 =	sld [smem:$0x3F9D];
	s0 =	simm.s32 @p0 $0x1  }
0x13: {  	[smem:$0x3FB8] =	sst s0;
	s0 =	simm.s32 @!p1 $0x0  }
0x14: {  	s2 =	sld [smem:$0x3F9C];
	s0 =	simm.s32 @p1 $0x1  }
0x15: {  	[smem:$0x3FB9] =	sst s0;
	s0 =	simm.s32 @!p2 $0x0  }
0x16: {  	s3 =	sld [smem:$0x3FDB];
	s0 =	simm.s32 @p2 $0x1  }
0x17: {  	s4 =	simm.s32 $0x1BF5;
	[smem:$0x3FBB] =	sst s0  }
0x18: {  	s0 =	sld [smem:$0x3F9E];
	_ =	swait.ge [sflag:s4], $0x0  }
0x19: {  	s7 =	sld [smem:$0x3F9F]  }
0x1a: {  	s8 =	sadd.s32 $0xFFFFE003, lr  }
0x1b: {  	s9 =	sadd.s32 $0xFFFFFEF7, lr;
	s5 =	simm.s32 $0xFFFFFFFF;
	p2 =	slt.u32 s8, $0xFFFFF086  }
0x1c: {  	p1 =	slt.u32 s9, $0xF7A;
	s5 =	simm.s32 @!p2 $0x0  }
0x1d: {  	s5 =	simm.s32 @p1 $0x1;
	p0 =	seq.s32 s7, s2  }
0x1e: {  	s7 =	smul.u32 @!p0 $0xF7A, s2;
	p2 =	seq.s32 @!p0 s5, $0x0  }
0x1f: {  	s9 =	smul.u32 $0xF7A, s1;
	s8 =	simm.s32 @!p0 $0x1BF5;
	p2 =	por !p2, p0  }
0x20: {  	[sflag:s8] =	ssyncset.s32 @!p0 $0xFFFFF086;
	s6 =	sadd.s32 @!p0 s3, s7;
	s7 =	simm.s32 @!p0 $0x108  }
0x21: {  	s3 =	sadd.s32 s3, s9;
	s6 =	sadd.s32 @!p0 $0x88, s6;
	s7 =	simm.s32 @p2 $0x1082  }
0x22: {  	[simem:s7], [sflag:s8] =	dma.local @!p0 [hbm:s6], $0xF7A  }
0x23: {  	s9 =	sor.u32 $0xD0000000, s2;
	s6 =	simm.s32 $0x108;
	_ =	swait.ge @!p0 [sflag:s8], $0x0  }
0x24: {  	s3 =	sadd.s32 $0x88, s3;
	s6 =	simm.s32 @!p1 $0x1082;
	[sflag:s4] =	ssyncset.s32 $0xFFFFF086  }
0x25: {  	[simem:s6], [sflag:s4] =	dma.local [hbm:s3], $0xF7A  }
0x26: {  	[smem:$0x3F9F] =	sst s1;
	(tag) =	ssettag s2;
	_ =	strace s9  }
0x27: {  	s1 =	sld [smem:$0x3FAF]  }
0x28: {  	s2 =	sld [smem:$0x3FB0]  }
0x29: {  	s4 =	sld [smem:$0x3FB2]  }
0x2a: {  	p0 =	seq.s32 s5, $0x0;
	s5 =	sld [smem:$0x3FB3]  }
0x2b: {  	s6 =	sld [smem:$0x3FB4]  }
0x2c: {  	s7 =	sld [smem:$0x3FB5]  }
0x2d: {  	s3 =	simm.s32 $0x108;
	s8 =	sld [smem:$0x3FB6]  }
0x2e: {  	s3 =	simm.s32 @!p0 $0x1082;
	s9 =	sld [smem:$0x3FB7]  }
0x2f: {  	lr =	sadd.s32 s0, s3;
	s0 =	sld [smem:$0x3FAE]  }
0x30: {  	s3 =	sld [smem:$0x3FB1]  }
0x31: {  	[smem:$0x3FBA] =	sst s10  }
0x32: {  	s10 =	sld [smem:$0x3FB8];
	_ =	sdelay $0x3  }
0x33: {  	p0 =	seq.s32 s10, $0x1;
	s10 =	sld [smem:$0x3FBA];
	_ =	sdelay $0x3  }
0x34: {  	[smem:$0x3FBA] =	sst s10  }
0x35: {  	s10 =	sld [smem:$0x3FB9];
	_ =	sdelay $0x3  }
0x36: {  	p1 =	seq.s32 s10, $0x1;
	s10 =	sld [smem:$0x3FBA];
	_ =	sdelay $0x3  }
0x37: {  	[smem:$0x3FBA] =	sst s10  }
0x38: {  	s10 =	sld [smem:$0x3FBB]  }
0x39: {  	_ = 	snop;
	(pc) =	sbr.ind lr, $3  }
0x3a: {  	_ = 	snop  }
0x3b: {  	_ = 	snop  }
0x3c: {  	p2 =	seq.s32 s10, $0x1;
	s10 =	sld [smem:$0x3FBA]  }
0x3d: {  	_ =	shalt  }
0x3e: {  	_ =	shalt  }
0x3f: {  	_ =	shalt  }
0x40: {  	_ =	shalt  }
0x41: {  	_ =	shalt  }
0x42: {  	_ =	shalt  }
0x43: {  	_ =	shalt  }
0x44: {  	_ =	shalt  }
0x45: {  	_ =	shalt  }
0x46: {  	_ =	shalt  }
0x47: {  	_ =	shalt  }
0x48: {  	_ =	shalt  }
0x49: {  	_ =	shalt  }
0x4a: {  	_ =	shalt  }
0x4b: {  	_ =	shalt  }
0x4c: {  	_ =	shalt  }
0x4d: {  	_ =	shalt  }
0x4e: {  	_ =	shalt  }
0x4f: {  	_ =	shalt  }
0x50: {  	_ =	shalt  }
0x51: {  	_ =	shalt  }
0x52: {  	_ =	shalt  }
0x53: {  	_ =	shalt  }
0x54: {  	_ =	shalt  }
0x55: {  	_ =	shalt  }
0x56: {  	_ =	shalt  }
0x57: {  	_ =	shalt  }
0x58: {  	_ =	shalt  }
0x59: {  	_ =	shalt  }
0x5a: {  	_ =	shalt  }
0x5b: {  	_ =	shalt  }
0x5c: {  	_ =	shalt  }
0x5d: {  	_ =	shalt  }
0x5e: {  	_ =	shalt  }
0x5f: {  	_ =	shalt  }
0x60: {  	_ =	shalt  }
0x61: {  	_ =	shalt  }
0x62: {  	_ =	shalt  }
0x63: {  	_ =	shalt  }
0x64: {  	_ =	shalt  }
0x65: {  	_ =	shalt  }
0x66: {  	_ =	shalt  }
0x67: {  	_ =	shalt  }
0x68: {  	_ =	shalt  }
0x69: {  	_ =	shalt  }
0x6a: {  	_ =	shalt  }
0x6b: {  	_ =	shalt  }
0x6c: {  	_ =	shalt  }
0x6d: {  	_ =	shalt  }
0x6e: {  	_ =	shalt  }
0x6f: {  	_ =	shalt  }
0x70: {  	_ =	shalt  }
0x71: {  	_ =	shalt  }
0x72: {  	_ =	shalt  }
0x73: {  	_ =	shalt  }
0x74: {  	_ =	shalt  }
0x75: {  	_ =	shalt  }
0x76: {  	_ =	shalt  }
0x77: {  	_ =	shalt  }
0x78: {  	_ =	shalt  }
0x79: {  	_ =	shalt  }
0x7a: {  	_ =	shalt  }
0x7b: {  	_ =	shalt  }
0x7c: {  	_ =	shalt  }
0x7d: {  	_ =	shalt  }
0x7e: {  	_ =	shalt  }
0x7f: {  	_ =	shalt  }
0x80: {  	_ =	shalt  }
0x81: {  	_ =	shalt  }
0x82: {  	_ =	shalt  }
0x83: {  	_ =	shalt  }
0x84: {  	_ =	shalt  }
0x85: {  	_ =	shalt  }
0x86: {  	_ =	shalt  }
0x87: {  	_ =	shalt  }
.Lfunc_end0:
.L_simem_size_0:
called_computation_lowered:
.L_overlay_start_0:
0x88: {  	s2 =	sld [smem:$0x3FD9]  }
0x89: {  	s3 =	sld [smem:$0x3FFE];
	_ =	sdelay $0x1  }
0x8a: {  	s1 =	srdreg.scid  }
0x8b: {  	s0 =	sand.u32 $0x1, s1  }
0x8c: {  	s17 =	sshll.u32 s0, $0xA;
	s2 =	sadd.s32 s3, s2  }
0x8d: {  	s2 =	sadd.s32 s2, s17  }
0x8e: {  	[smem:$0x3FC6] =	sst s2  }
0x8f: {  	_ = 	snop  }
0x90: {  	s2 =	sld [smem:$0x3FC9];
	(tm) =	ssettm $0x1  }
0x91: {  	s18 =	sld [smem:$0x3FFB];
	_ =	sdelay $0x3  }
0x92: {  	_ =	strace s18  }
0x93: {  	s3 =	sld [smem:$0x3FFC];
	_ =	sdelay $0x3  }
0x94: {  	_ =	strace s3  }
0x95: {  	s3 =	sld [smem:$0x3FFD];
	_ =	sdelay $0x3  }
0x96: {  	_ =	strace s3  }
0x97: {  	_ =	strace $0x8FFFFFFF  }
0x98: {  	s19 =	sld [smem:$0x3FDB];
	_ =	sdelay $0x1  }
0x99: {  	s4 =	simm.s32 $_scs_section_size  }
0x9a: {  	s5 =	simm.s32 $_size__tile_overlayer_lowered;
	s6 =	simm.s32 $_tile_overlayer_lowered  }
0x9b: {  	s22 =	simm.s32 $0x1BFF;
	s21 =	sshll.u32 s6, $0x1;
	s3 =	sadd.s32 s4, s19  }
0x9c: {  	s7 =	simm.s32 $0x0;
	s20 =	sshll.u32 s5, $0x1;
	s5 =	sadd.s32 s21, s3  }
0x9d: {  	[timem:s7], [sflag:s22] =	dma.local [hbm:s5], s20  }
0x9e: {  	_ =	swait.ge [sflag:s22], s20  }
0x9f: {  	s4 =	ssub.s32 $0x0, s20;
	[sflag:s22] =	ssyncset.done $0x0  }
0xa0: {  	[sflag:s22] =	ssyncadd.s32 s4;
	_ =	sdelay $0x1  }
0xa1: {  	s23 =	simm.s32 $0x1B8B  }
0xa2: {  	_ =	swait.ge [sflag:s23], $0x1  }
0xa3: {  	[sflag:s23] =	ssyncset.done $0x0  }
0xa4: {  	s25 =	simm.s32 $0x1B8E;
	s24 =	sld [smem:$0x3FFE];
	[sflag:s23] =	ssyncadd.s32 $0xFFFFFFFF  }
0xa5: {  	s26 =	simm.s32 $execute0_lowered;
	[smem:$0x3FD2] =	sst s25  }
0xa6: {  	s5 =	sshll.u32 s26, $0x1;
	_ =	strace $0x80000046;
	[dreg:$0x1] =	wrdreg $0xFFFFFFFF  }
0xa7: {  	s28 =	simm.s32 $_size_execute0_lowered;
	s3 =	sadd.s32 s3, s5;
	[dreg:$0x0] =	wrdreg $0x0  }
0xa8: {  	s5 =	sshll.u32 s28, $0x1;
	[dreg:$0x2] =	wrdreg s3  }
0xa9: {  	[dreg:$0x3] =	wrdreg s5  }
0xaa: {  	[dreg:$0x4] =	wrdreg $0xC0  }
0xab: {  	_ =	task [dreg:s7], $0x5FFFF  }
0xac: {  	[dreg:$0x1] =	wrdreg $0xFFFFFFFF  }
0xad: {  	[dreg:$0x0] =	wrdreg $0x60  }
0xae: {  	[dreg:$0x2] =	wrdreg s2  }
0xaf: {  	[dreg:$0x3] =	wrdreg s24  }
0xb0: {  	[dreg:$0x4] =	wrdreg $0x9  }
0xb1: {  	_ =	task.clear_ibuf [dreg:s7], $0x5FFFF;
	_ =	strace $0x90000046  }
0xb2: {  	s29 =	simm.s32 $0x9;
	_ =	strace $0x80000048  }
0xb3: {  	_ =	swait.ge [sflag:s29], $0x1  }
0xb4: {  	[sflag:s29] =	ssyncadd.s32 $0xFFFFFFFF  }
0xb5: {  	_ =	strace $0x90000048  }
0xb6: {  	_ =	sfence  }
0xb7: {  	s30 =	sld [smem:$0x0];
	_ =	sdelay $0x2  }
0xb8: {  	s31 =	sshll.u32 s1, $0xD;
	s1 =	sshrl.u32 s1, $0x2  }
0xb9: {  	s3 =	sand.u32 $0x4000, s31;
	s1 =	sadd.s32 s1, s30  }
0xba: {  	s0 =	sor.u32 s3, s0;
	s1 =	sshll.u32 s1, $0x11  }
0xbb: {  	s0 =	sor.u32 s1, s0  }
0xbc: {  	s0 =	sadd.s32 $0x8F2B, s0  }
0xbd: {  	[sflag:s0] =	ssyncadd.remote.s32 $0x1  }
0xbe: {  	_ =	sfence.sel $0xFFFF  }
0xbf: {  	[dreg:$0x0] =	wrdreg $0xFFFFFFFF;
	(pc) =	sbr.abs _section_cstart, $3  }
0xc0: {  	[dreg:$0x1] =	wrdreg $0xFFFFFFFF  }
0xc1: {  	_ =	task.clear_ibuf [dreg:s7], $0x2FFFF;
	_ =	strace $0x9FFFFFFF  }
0xc2: {  	(tm) =	ssettm $0x7FFFFFFF  }
0xc3: {  	_ =	shalt  }
tec
execute0_lowered:
.L_overlay_start_1:
0x0: {  	(tag) =	ssettag $0x1  }
0x1: {  	s0 =	srdreg.scid  }
0x2: {  	s3 =	stileid.u32;
	s2 =	rddreg [dreg:$0x0]  }
0x3: {  	s8 =	rddreg [dreg:$0x1];
	s15 =	simm.s32 $0x80;
	s0 =	sand.u32 $0x1, s0  }
0x4: {  	s18 =	simm.s32 $0x3;
	s19 =	simm.s32 $0x8000;
	s1 =	sor.u32 s0, s3  }
0x5: {  	s20 =	simm.s32 $0x1000;
	p0 =	seq.s32 s0, $0x1;
	p1 =	seq.s32 s1, $0x0  }
0x6: {  	s21 =	simm.s32 $0x10000;
	s22 =	simm.s32 $0x10400;
	p1 =	por !p1, !p0  }
0x7: {  	s23 =	simm.s32 $0x10800;
	s1 =	simm.s32 $0x1;
	p1 =	por !p1, !p1  }
0x8: {  	s24 =	simm.s32 $0x10C00;
	s25 =	simm.s32 $0x11000;
	s1 =	simm.s32 @!p1 $0x0  }
0x9: {  	s26 =	simm.s32 $0x2;
	s28 =	simm.s32 $0x0;
	s1 =	ssub.s32 s3, s1  }
0xa: {  	s0 =	ssub.s32 $0x2, s0;
	s4 =	sshll.u32 s1, $0x8;
	s5 =	sshll.u32 s1, $0x7  }
0xb: {  	s11 =	sshrl.u32 s0, $0x1;
	s4 =	sand.u32 $0xFFFFF800, s4;
	s5 =	sand.u32 $0x380, s5  }
0xc: {  	s7 =	sadd.s32 $0x64800, s8;
	s0 =	ssub.s32 s0, s11;
	s4 =	sor.u32 s5, s4  }
0xd: {  	s0 =	smax.u32 s0, $0x1;
	s3 =	simm.s32 $0x0;
	s6 =	sshrl.u32 s4, $0x3  }
0xe: {  	s9 =	smul.u32 $0x640, s1;
	s10 =	sadd.s32 s6, s8;
	s6 =	simm.s32 $0x320  }
0xf: {  	[smem:$0x7FF] =	sst s3;
	s12 =	smul.u32 $0x32000, s1;
	s6 =	simm.s32 @!p0 $0x0  }
0x10: {  	_ =	strace $0x80000047;
	[dreg:$0x5] =	wrdreg s0;
	s9 =	sadd.s32 s6, s9  }
0x11: {  	s5 =	simm.s32 $0x1;
	s10 =	sadd.s32 $0x600, s10;
	s30 =	sshll.u32 s9, $0x8  }
0x12: {  	[dreg:$0x3] =	wrdreg s10;
	s31 =	sshll.u32 s9, $0xB;
	s10 =	sadd.s32 s2, s30  }
0x13: {  	s8 =	sadd.s32 $0x800, s8;
	s13 =	sadd.s32 $0x10000, s31;
	[dreg:$0x4] =	wrdreg s10  }
.LBB2_1:
0x14: {  	s0 =	rddreg [dreg:$0x3];
	s1 =	simm.s32 $0x400;
	s10 =	simm.s32 $0x11800  }
0x15: {  	[tilespmem:s10], [sflag:$0x3] =	stream.strided.gather [hbm4b:s0+s15], $0x100, s1, s15, $0x38;
	[tilespmem:$0x11900] =	vst v63  }
0x16: {  	_ =	swait.ge [sflag:s18], $0x100  }
0x17: {  	[sflag:s18] =	ssyncset.done $0x0  }
0x18: {  	[sflag:s18] =	ssyncadd.s32 $0xFFFFFF00  }
0x19: {  	v0 =	vld [tilespmem:$0x11800]  }
0x1a: {  	v1 =	vld [tilespmem:$0x11810]  }
0x1b: {  	v2 =	vld [tilespmem:$0x11820]  }
0x1c: {  	v3 =	vld [tilespmem:$0x11830]  }
0x1d: {  	v4 =	vld [tilespmem:$0x11840]  }
0x1e: {  	v5 =	vld [tilespmem:$0x11850]  }
0x1f: {  	v7 =	vld [tilespmem:$0x11860]  }
0x20: {  	v49 =	vld [tilespmem:$0x11870]  }
0x21: {  	v8 =	vld [tilespmem:$0x11880]  }
0x22: {  	v51 =	vld [tilespmem:$0x11890]  }
0x23: {  	v54 =	vld [tilespmem:$0x118A0]  }
0x24: {  	s31 =	rddreg [dreg:$0x4];
	v55 =	vld [tilespmem:$0x118B0]  }
0x25: {  	v58 =	vld [tilespmem:$0x118C0];
	[tilespmem:s3], [sflag:$0x1] =	stream.linear.gather [hbm4b:s31+s3], $0x8000, $0x38;
	v28 =	vand.u32 $0x7F, v0  }
0x26: {  	v30 =	vand.u32 $0x7F, v1;
	[tilespmem:$0x1FE60] =	vst v28  }
0x27: {  	v32 =	vand.u32 $0x7F, v2;
	[tilespmem:$0x1FE80] =	vst v30  }
0x28: {  	v34 =	vand.u32 $0x7F, v3;
	[tilespmem:$0x1FEA0] =	vst v32  }
0x29: {  	v36 =	vand.u32 $0x7F, v4;
	[tilespmem:$0x1FEC0] =	vst v34  }
0x2a: {  	v38 =	vand.u32 $0x7F, v5;
	[tilespmem:$0x1FEE0] =	vst v36  }
0x2b: {  	v40 =	vand.u32 $0x7F, v7;
	[tilespmem:$0x1FF00] =	vst v38  }
0x2c: {  	v42 =	vand.u32 $0x7F, v49;
	[tilespmem:$0x1FF20] =	vst v40  }
0x2d: {  	v44 =	vand.u32 $0x7F, v8;
	[tilespmem:$0x1FF40] =	vst v42  }
0x2e: {  	v46 =	vand.u32 $0x7F, v51;
	[tilespmem:$0x1FF60] =	vst v44  }
0x2f: {  	v6 =	vshll.u32 v0, $0x3;
	v48 =	vand.u32 $0x7F, v54;
	[tilespmem:$0x1FF80] =	vst v46  }
0x30: {  	v1 =	vshll.u32 v1, $0x3;
	v29 =	vand.u32 $0xFFFFFC00, v6;
	[tilespmem:$0x1FFA0] =	vst v48  }
0x31: {  	v50 =	vshll.u32 v2, $0x3;
	v31 =	vand.u32 $0xFFFFFC00, v1;
	[tilespmem:$0x1FE70] =	vst v29  }
0x32: {  	v52 =	vshll.u32 v3, $0x3;
	v33 =	vand.u32 $0xFFFFFC00, v50;
	[tilespmem:$0x1FE90] =	vst v31  }
0x33: {  	v53 =	vshll.u32 v4, $0x3;
	v35 =	vand.u32 $0xFFFFFC00, v52;
	[tilespmem:$0x1FEB0] =	vst v33  }
0x34: {  	v56 =	vshll.u32 v5, $0x3;
	v37 =	vand.u32 $0xFFFFFC00, v53;
	[tilespmem:$0x1FED0] =	vst v35  }
0x35: {  	v57 =	vshll.u32 v7, $0x3;
	v39 =	vand.u32 $0xFFFFFC00, v56;
	[tilespmem:$0x1FEF0] =	vst v37  }
0x36: {  	v0 =	vshll.u32 v49, $0x3;
	v41 =	vand.u32 $0xFFFFFC00, v57;
	[tilespmem:$0x1FF10] =	vst v39  }
0x37: {  	v59 =	vshll.u32 v8, $0x3;
	v43 =	vand.u32 $0xFFFFFC00, v0;
	[tilespmem:$0x1FF30] =	vst v41  }
0x38: {  	v60 =	vshll.u32 v51, $0x3;
	v45 =	vand.u32 $0xFFFFFC00, v59;
	[tilespmem:$0x1FF50] =	vst v43  }
0x39: {  	v61 =	vshll.u32 v54, $0x3;
	v47 =	vand.u32 $0xFFFFFC00, v60;
	[tilespmem:$0x1FF70] =	vst v45  }
0x3a: {  	v49 =	vand.u32 $0xFFFFFC00, v61;
	[tilespmem:$0x1FF90] =	vst v47  }
0x3b: {  	v62 =	vshll.u32 v55, $0x3;
	v50 =	vand.u32 $0x7F, v55;
	[tilespmem:$0x1FFB0] =	vst v49  }
0x3c: {  	v51 =	vand.u32 $0xFFFFFC00, v62;
	[tilespmem:$0x1FFC0] =	vst v50  }
0x3d: {  	v63 =	vshll.u32 v58, $0x3;
	v52 =	vand.u32 $0x7F, v58;
	[tilespmem:$0x1FFD0] =	vst v51  }
0x3e: {  	v53 =	vand.u32 $0xFFFFFC00, v63;
	[tilespmem:$0x1FFE0] =	vst v52  }
0x3f: {  	s29 =	simm.s32 $0x0;
	[tilespmem:$0x1FFF0] =	vst v53  }
.LBB2_2:
0x40: {  	s31 =	sshll.u32 s29, $0x5  }
0x41: {  	s30 =	sor.u32 $0x10, s31  }
0x42: {  	_ =	swait.ge [sflag:s5], $0x8000;
	s0 =	sadd.s32 s9, s30  }
0x43: {  	[sflag:s5] =	ssyncset.done $0x0;
	s0 =	sshll.u32 s0, $0x8  }
0x44: {  	s1 =	simm.s32 $0x0;
	[sflag:s5] =	ssyncadd.s32 $0xFFFF8000;
	s0 =	sadd.s32 s2, s0  }
0x45: {  	[tilespmem:s19], [sflag:$0x2] =	stream.linear.gather [hbm4b:s0+s1], $0x8000, $0x38;
	[tilespmem:$0x11900] =	vst v63  }
0x46: {  	s16 =	simm.s32 $0x80;
	s0 =	simm.s32 $0x11080  }
.LBB2_3:
0x47: {  	s10 =	sadd.s32 $0xFFFFFF80, s16;
	s17 =	sshll.u32 s1, $0xB  }
0x48: {  	s11 =	sand.u32 $0x300, s10;
	s17 =	sand.u32 $0x3FFFC000, s17  }
0x49: {  	s10 =	sor.u32 s11, s17  }
0x4a: {  	v0 =	vld [tilespmem:s10+$0x0]  }
0x4b: {  	v1 =	vld [tilespmem:s10+$0x10]  }
0x4c: {  	v2 =	vld [tilespmem:s10+$0x20]  }
0x4d: {  	v3 =	vld [tilespmem:s10+$0x30]  }
0x4e: {  	v4 =	vld [tilespmem:s10+$0x40]  }
0x4f: {  	v5 =	vld [tilespmem:s10+$0x50];
	v0 =	vmul.f32 $1.442695020e+00, v0  }
0x50: {  	v6 =	vld [tilespmem:s10+$0x60];
	v1 =	vmul.f32 $1.442695020e+00, v1  }
0x51: {  	v53 =	vld [tilespmem:s10+$0x70];
	v52 =	vmul.f32 $1.442695020e+00, v2;
	(erf) = vpow2.f32 v0  }
0x52: {  	v55 =	vld [tilespmem:s10+$0x400];
	v54 =	vmul.f32 $1.442695020e+00, v3;
	(erf) = vpow2.f32 v1  }
0x53: {  	v57 =	vld [tilespmem:s10+$0x410];
	v56 =	vmul.f32 $1.442695020e+00, v4;
	(erf) = vpow2.f32 v52  }
0x54: {  	v59 =	vld [tilespmem:s10+$0x420];
	v58 =	vmul.f32 $1.442695020e+00, v5;
	(erf) = vpow2.f32 v54  }
0x55: {  	v61 =	vld [tilespmem:s10+$0x430];
	v60 =	vmul.f32 $1.442695020e+00, v6;
	(erf) = vpow2.f32 v56  }
0x56: {  	v63 =	vld [tilespmem:s10+$0x440];
	v62 =	vmul.f32 $1.442695020e+00, v53;
	(erf) = vpow2.f32 v58  }
0x57: {  	v10 =	vld [tilespmem:s10+$0x450];
	v9 =	vmul.f32 $1.442695020e+00, v55;
	(erf) = vpow2.f32 v60  }
0x58: {  	v12 =	vld [tilespmem:s10+$0x460];
	v11 =	vmul.f32 $1.442695020e+00, v57;
	(erf) = vpow2.f32 v62  }
0x59: {  	v14 =	vld [tilespmem:s10+$0x470];
	v13 =	vmul.f32 $1.442695020e+00, v59;
	(erf) = vpow2.f32 v9  }
0x5a: {  	v16 =	vld [tilespmem:s10+$0x800];
	v15 =	vmul.f32 $1.442695020e+00, v61;
	v41 =	vpop (erf);
	(erf) = vpow2.f32 v11  }
0x5b: {  	v18 =	vld [tilespmem:s10+$0x810];
	v17 =	vmul.f32 $1.442695020e+00, v63;
	v39 =	vpop (erf);
	(erf) = vpow2.f32 v13  }
0x5c: {  	v20 =	vld [tilespmem:s10+$0x820];
	v19 =	vmul.f32 $1.442695020e+00, v10;
	v37 =	vpop (erf);
	(erf) = vpow2.f32 v15  }
0x5d: {  	v22 =	vld [tilespmem:s10+$0x830];
	v21 =	vmul.f32 $1.442695020e+00, v12;
	v30 =	vpop (erf);
	(erf) = vpow2.f32 v17  }
0x5e: {  	v32 =	vld [tilespmem:s10+$0x840];
	v23 =	vmul.f32 $1.442695020e+00, v14;
	v29 =	vpop (erf);
	(erf) = vpow2.f32 v19  }
0x5f: {  	v34 =	vld [tilespmem:s10+$0x850];
	v33 =	vmul.f32 $1.442695020e+00, v16;
	v28 =	vpop (erf);
	(erf) = vpow2.f32 v21  }
0x60: {  	v36 =	vld [tilespmem:s10+$0x860];
	v35 =	vmul.f32 $1.442695020e+00, v18;
	v27 =	vpop (erf);
	(erf) = vpow2.f32 v23  }
0x61: {  	v40 =	vld [tilespmem:s10+$0x870];
	v38 =	vmul.f32 $1.442695020e+00, v20;
	v26 =	vpop (erf);
	(erf) = vpow2.f32 v33  }
0x62: {  	v43 =	vld [tilespmem:s10+$0xC00];
	v42 =	vmul.f32 $1.442695020e+00, v22;
	v17 =	vpop (erf);
	(erf) = vpow2.f32 v35  }
0x63: {  	v45 =	vld [tilespmem:s10+$0xC10];
	v44 =	vmul.f32 $1.442695020e+00, v32;
	v16 =	vpop (erf);
	(erf) = vpow2.f32 v38  }
0x64: {  	v47 =	vld [tilespmem:s10+$0xC20];
	v46 =	vmul.f32 $1.442695020e+00, v34;
	v15 =	vpop (erf);
	(erf) = vpow2.f32 v42  }
0x65: {  	v49 =	vld [tilespmem:s10+$0xC30];
	v48 =	vmul.f32 $1.442695020e+00, v36;
	v14 =	vpop (erf);
	(erf) = vpow2.f32 v44  }
0x66: {  	v51 =	vld [tilespmem:s10+$0xC40];
	v50 =	vmul.f32 $1.442695020e+00, v40;
	v13 =	vpop (erf);
	(erf) = vpow2.f32 v46  }
0x67: {  	v53 =	vld [tilespmem:s10+$0xC50];
	v52 =	vmul.f32 $1.442695020e+00, v43;
	v12 =	vpop (erf);
	(erf) = vpow2.f32 v48  }
0x68: {  	v55 =	vld [tilespmem:s10+$0xC60];
	v54 =	vmul.f32 $1.442695020e+00, v45;
	v11 =	vpop (erf);
	(erf) = vpow2.f32 v50  }
0x69: {  	v31 =	vld [tilespmem:s10+$0xC70];
	v56 =	vmul.f32 $1.442695020e+00, v47;
	v10 =	vpop (erf);
	(erf) = vpow2.f32 v52  }
0x6a: {  	v57 =	vmul.f32 $1.442695020e+00, v49;
	v58 =	vld [tilespmem:s10+$0x1000];
	v9 =	vpop (erf);
	(erf) = vpow2.f32 v54  }
0x6b: {  	v59 =	vmul.f32 $1.442695020e+00, v51;
	v32 =	vld [tilespmem:s10+$0x1010];
	v8 =	vpop (erf);
	(erf) = vpow2.f32 v56  }
0x6c: {  	v60 =	vmul.f32 $1.442695020e+00, v53;
	v33 =	vld [tilespmem:s10+$0x1020];
	v7 =	vpop (erf);
	(erf) = vpow2.f32 v57  }
0x6d: {  	v34 =	vld [tilespmem:s10+$0x1030];
	v61 =	vmul.f32 $1.442695020e+00, v55;
	v6 =	vpop (erf);
	(erf) = vpow2.f32 v59  }
0x6e: {  	v63 =	vld [tilespmem:s10+$0x1040];
	v62 =	vmul.f32 $1.442695020e+00, v31;
	v5 =	vpop (erf);
	(erf) = vpow2.f32 v60  }
0x6f: {  	v18 =	vmul.f32 $1.442695020e+00, v58;
	v35 =	vld [tilespmem:s10+$0x1050];
	v4 =	vpop (erf);
	(erf) = vpow2.f32 v61  }
0x70: {  	v36 =	vld [tilespmem:s10+$0x1060];
	v32 =	vmul.f32 $1.442695020e+00, v32;
	v3 =	vpop (erf);
	(erf) = vpow2.f32 v62  }
0x71: {  	v38 =	vld [tilespmem:s10+$0x1070];
	v33 =	vmul.f32 $1.442695020e+00, v33;
	v2 =	vpop (erf);
	(erf) = vpow2.f32 v18  }
0x72: {  	v20 =	vld [tilespmem:s10+$0x1400];
	v19 =	vmul.f32 $1.442695020e+00, v34;
	v1 =	vpop (erf);
	(erf) = vpow2.f32 v32  }
0x73: {  	v31 =	vmul.f32 $1.442695020e+00, v63;
	v21 =	vld [tilespmem:s10+$0x1410];
	v40 =	vpop (erf);
	(erf) = vpow2.f32 v33  }
0x74: {  	v23 =	vld [tilespmem:s10+$0x1420];
	v22 =	vmul.f32 $1.442695020e+00, v35;
	v63 =	vpop (erf);
	(erf) = vpow2.f32 v19  }
0x75: {  	v25 =	vld [tilespmem:s10+$0x1430];
	v24 =	vmul.f32 $1.442695020e+00, v36;
	v61 =	vpop (erf);
	(erf) = vpow2.f32 v31  }
0x76: {  	v43 =	vld [tilespmem:s10+$0x1440];
	v42 =	vmul.f32 $1.442695020e+00, v38;
	v60 =	vpop (erf);
	(erf) = vpow2.f32 v22  }
0x77: {  	v45 =	vld [tilespmem:s10+$0x1450];
	v44 =	vmul.f32 $1.442695020e+00, v20;
	v59 =	vpop (erf);
	(erf) = vpow2.f32 v24  }
0x78: {  	v47 =	vld [tilespmem:s10+$0x1460];
	v46 =	vmul.f32 $1.442695020e+00, v21;
	v57 =	vpop (erf);
	(erf) = vpow2.f32 v42  }
0x79: {  	v58 =	vld [tilespmem:s10+$0x1470];
	v50 =	vmul.f32 $1.442695020e+00, v23;
	v56 =	vpop (erf);
	(erf) = vpow2.f32 v44  }
0x7a: {  	v0 =	vld [tilespmem:s10+$0x1800];
	v62 =	vmul.f32 $1.442695020e+00, v25;
	v54 =	vpop (erf);
	(erf) = vpow2.f32 v46  }
0x7b: {  	v18 =	vmul.f32 $1.442695020e+00, v43;
	v19 =	vld [tilespmem:s10+$0x1810];
	v53 =	vpop (erf);
	(erf) = vpow2.f32 v50  }
0x7c: {  	v20 =	vmul.f32 $1.442695020e+00, v45;
	v21 =	vld [tilespmem:s10+$0x1820];
	v52 =	vpop (erf);
	(erf) = vpow2.f32 v62  }
0x7d: {  	v23 =	vld [tilespmem:s10+$0x1830];
	v22 =	vmul.f32 $1.442695020e+00, v47;
	v50 =	vpop (erf);
	(erf) = vpow2.f32 v18  }
0x7e: {  	v25 =	vld [tilespmem:s10+$0x1840];
	v24 =	vmul.f32 $1.442695020e+00, v58;
	v48 =	vpop (erf);
	(erf) = vpow2.f32 v20  }
0x7f: {  	v51 =	vld [tilespmem:s10+$0x1850];
	v49 =	vmul.f32 $1.442695020e+00, v0;
	v47 =	vpop (erf);
	(erf) = vpow2.f32 v22  }
0x80: {  	v43 =	vld [tilespmem:s10+$0x1860];
	v55 =	vmul.f32 $1.442695020e+00, v19;
	v46 =	vpop (erf);
	(erf) = vpow2.f32 v24  }
0x81: {  	v58 =	vmul.f32 $1.442695020e+00, v21;
	v62 =	vld [tilespmem:s10+$0x1870];
	v44 =	vpop (erf);
	(erf) = vpow2.f32 v49  }
0x82: {  	v45 =	vld [tilespmem:s10+$0x1C00];
	v18 =	vmul.f32 $1.442695020e+00, v23;
	v42 =	vpop (erf);
	(erf) = vpow2.f32 v55  }
0x83: {  	v19 =	vmul.f32 $1.442695020e+00, v25;
	v20 =	vld [tilespmem:s10+$0x1C10];
	v38 =	vpop (erf);
	(erf) = vpow2.f32 v58  }
0x84: {  	v36 =	vmul.f32 $1.442695020e+00, v51;
	v49 =	vld [tilespmem:s10+$0x1C20];
	v31 =	vpop (erf);
	(erf) = vpow2.f32 v18  }
0x85: {  	v51 =	vld [tilespmem:s10+$0x1C30];
	v43 =	vmul.f32 $1.442695020e+00, v43;
	v21 =	vpop (erf);
	(erf) = vpow2.f32 v19  }
0x86: {  	v22 =	vmul.f32 $1.442695020e+00, v62;
	v55 =	vld [tilespmem:s10+$0x1C40];
	v32 =	vpop (erf);
	(erf) = vpow2.f32 v36  }
0x87: {  	v23 =	vmul.f32 $1.442695020e+00, v45;
	v58 =	vld [tilespmem:s10+$0x1C50];
	v33 =	vpop (erf);
	(erf) = vpow2.f32 v43  }
0x88: {  	v62 =	vld [tilespmem:s10+$0x1C60];
	v24 =	vmul.f32 $1.442695020e+00, v20;
	v34 =	vpop (erf);
	(erf) = vpow2.f32 v22  }
0x89: {  	v18 =	vld [tilespmem:s10+$0x1C70];
	v49 =	vmul.f32 $1.442695020e+00, v49;
	v35 =	vpop (erf);
	(erf) = vpow2.f32 v23  }
0x8a: {  	v51 =	vmul.f32 $1.442695020e+00, v51;
	v19 =	vld [tilespmem:s10+$0x2000];
	v36 =	vpop (erf);
	(erf) = vpow2.f32 v24  }
0x8b: {  	v20 =	vld [tilespmem:s10+$0x2010];
	v55 =	vmul.f32 $1.442695020e+00, v55;
	v43 =	vpop (erf);
	(erf) = vpow2.f32 v49  }
0x8c: {  	[tilespmem:$0x1FE50] =	vst v21;
	v21 =	vld [tilespmem:s10+$0x2020];
	v58 =	vmul.f32 $1.442695020e+00, v58;
	v45 =	vpop (erf);
	(erf) = vpow2.f32 v51  }
0x8d: {  	v62 =	vmul.f32 $1.442695020e+00, v62;
	v22 =	vld [tilespmem:s10+$0x2030];
	v49 =	vpop (erf);
	(erf) = vpow2.f32 v55  }
0x8e: {  	v18 =	vmul.f32 $1.442695020e+00, v18;
	v23 =	vld [tilespmem:s10+$0x2040];
	v51 =	vpop (erf);
	(erf) = vpow2.f32 v58  }
0x8f: {  	v19 =	vmul.f32 $1.442695020e+00, v19;
	v24 =	vld [tilespmem:s10+$0x2050];
	v55 =	vpop (erf);
	(erf) = vpow2.f32 v62  }
0x90: {  	v25 =	vmul.f32 $1.442695020e+00, v20;
	v20 =	vld [tilespmem:s10+$0x2060];
	v58 =	vpop (erf);
	(erf) = vpow2.f32 v18  }
0x91: {  	v0 =	vmul.f32 $1.442695020e+00, v21;
	v21 =	vld [tilespmem:s10+$0x2070];
	v62 =	vpop (erf);
	(erf) = vpow2.f32 v19  }
0x92: {  	v17 =	vadd.f32 v17, v41;
	v41 =	vpop (erf);
	(erf) = vpow2.f32 v25;
	v25 =	vmul.f32 $1.442695020e+00, v22;
	v22 =	vld [tilespmem:s10+$0x2400]  }
0x93: {  	v16 =	vadd.f32 v16, v39;
	v19 =	vmul.f32 $1.442695020e+00, v23;
	v23 =	vld [tilespmem:s10+$0x2410];
	v39 =	vpop (erf);
	(erf) = vpow2.f32 v0  }
0x94: {  	v15 =	vadd.f32 v15, v37;
	v0 =	vmul.f32 $1.442695020e+00, v24;
	v24 =	vld [tilespmem:s10+$0x2420];
	v37 =	vpop (erf);
	(erf) = vpow2.f32 v25  }
0x95: {  	v14 =	vadd.f32 v14, v30;
	v25 =	vmul.f32 $1.442695020e+00, v20;
	v20 =	vld [tilespmem:s10+$0x2430];
	v30 =	vpop (erf);
	(erf) = vpow2.f32 v19  }
0x96: {  	v29 =	vadd.f32 v13, v29;
	v18 =	vmul.f32 $1.442695020e+00, v21;
	v21 =	vld [tilespmem:s10+$0x2440];
	v13 =	vpop (erf);
	(erf) = vpow2.f32 v0  }
0x97: {  	v28 =	vadd.f32 v12, v28;
	v12 =	vpop (erf);
	(erf) = vpow2.f32 v25;
	v0 =	vmul.f32 $1.442695020e+00, v22;
	v22 =	vld [tilespmem:s10+$0x2450]  }
0x98: {  	v27 =	vadd.f32 v11, v27;
	v11 =	vpop (erf);
	(erf) = vpow2.f32 v18;
	v18 =	vmul.f32 $1.442695020e+00, v23;
	v23 =	vld [tilespmem:s10+$0x2460]  }
0x99: {  	v26 =	vadd.f32 v10, v26;
	v10 =	vpop (erf);
	(erf) = vpow2.f32 v0;
	v0 =	vmul.f32 $1.442695020e+00, v24;
	v24 =	vld [tilespmem:s10+$0x2470]  }
0x9a: {  	v17 =	vadd.f32 v9, v17;
	v25 =	vmul.f32 $1.442695020e+00, v20;
	v20 =	vld [tilespmem:s10+$0x2800];
	v9 =	vpop (erf);
	(erf) = vpow2.f32 v18  }
0x9b: {  	v16 =	vadd.f32 v8, v16;
	v8 =	vpop (erf);
	(erf) = vpow2.f32 v0;
	v0 =	vmul.f32 $1.442695020e+00, v21;
	v21 =	vld [tilespmem:s10+$0x2810]  }
0x9c: {  	v15 =	vadd.f32 v7, v15;
	v7 =	vpop (erf);
	(erf) = vpow2.f32 v25;
	v18 =	vmul.f32 $1.442695020e+00, v22  }
0x9d: {  	v22 =	vld [tilespmem:s10+$0x2820];
	v25 =	vadd.f32 v6, v14;
	v6 =	vpop (erf);
	(erf) = vpow2.f32 v0;
	v0 =	vmul.f32 $1.442695020e+00, v23  }
0x9e: {  	v19 =	vld [tilespmem:s10+$0x2830];
	v23 =	vadd.f32 v5, v29;
	v5 =	vpop (erf);
	(erf) = vpow2.f32 v18;
	v18 =	vmul.f32 $1.442695020e+00, v24  }
0x9f: {  	v28 =	vadd.f32 v4, v28;
	v24 =	vld [tilespmem:s10+$0x2840];
	v14 =	vmul.f32 $1.442695020e+00, v20;
	v4 =	vpop (erf);
	(erf) = vpow2.f32 v0  }
0xa0: {  	v27 =	vadd.f32 v3, v27;
	v20 =	vld [tilespmem:s10+$0x2850];
	v3 =	vpop (erf);
	(erf) = vpow2.f32 v18;
	v18 =	vmul.f32 $1.442695020e+00, v21;
	_ =	sdelay $0x1  }
0xa1: {  	v29 =	vadd.f32 v2, v26;
	v21 =	vld [tilespmem:s10+$0x2860];
	v2 =	vpop (erf);
	(erf) = vpow2.f32 v14;
	v26 =	vmul.f32 $1.442695020e+00, v22  }
0xa2: {  	v0 =	vadd.f32 v1, v17;
	v17 =	vmul.f32 $1.442695020e+00, v19;
	v22 =	vld [tilespmem:s10+$0x2870];
	v1 =	vpop (erf);
	(erf) = vpow2.f32 v18  }
0xa3: {  	v40 =	vadd.f32 v40, v16;
	v19 =	vld [tilespmem:s10+$0x2C00];
	v16 =	vmul.f32 $1.442695020e+00, v24;
	v18 =	vpop (erf);
	(erf) = vpow2.f32 v26  }
0xa4: {  	v24 =	vld [tilespmem:s10+$0x2C10];
	v14 =	vpop (erf);
	(erf) = vpow2.f32 v17;
	v17 =	vmul.f32 $1.442695020e+00, v20  }
0xa5: {  	v63 =	vadd.f32 v63, v15;
	v28 =	vadd.f32 v59, v28;
	v20 =	vld [tilespmem:s10+$0x2C20]  }
0xa6: {  	v25 =	vadd.f32 v61, v25;
	v61 =	vld [tilespmem:s10+$0x2C30];
	v21 =	vmul.f32 $1.442695020e+00, v21;
	v15 =	vpop (erf);
	(erf) = vpow2.f32 v16  }
0xa7: {  	v23 =	vadd.f32 v60, v23;
	v60 =	vld [tilespmem:s10+$0x2C40];
	v22 =	vmul.f32 $1.442695020e+00, v22;
	v16 =	vpop (erf);
	(erf) = vpow2.f32 v17  }
0xa8: {  	v57 =	vadd.f32 v57, v27;
	v19 =	vmul.f32 $1.442695020e+00, v19;
	v17 =	vpop (erf);
	(erf) = vpow2.f32 v21;
	v21 =	vld [tilespmem:s10+$0x2C50]  }
0xa9: {  	v40 =	vadd.f32 v53, v40;
	v59 =	vmul.f32 $1.442695020e+00, v24;
	v24 =	vld [tilespmem:s10+$0x2C60];
	v26 =	vpop (erf);
	(erf) = vpow2.f32 v22  }
0xaa: {  	v29 =	vadd.f32 v56, v29;
	v27 =	vpop (erf);
	(erf) = vpow2.f32 v19;
	v19 =	vmul.f32 $1.442695020e+00, v20;
	v20 =	vld [tilespmem:s10+$0x2C70]  }
0xab: {  	v56 =	vld [tilespmem:s10+$0x3000];
	v0 =	vadd.f32 v54, v0;
	v22 =	vmul.f32 $1.442695020e+00, v61;
	v54 =	vpop (erf);
	(erf) = vpow2.f32 v59  }
0xac: {  	v52 =	vadd.f32 v52, v63;
	v59 =	vld [tilespmem:s10+$0x3010];
	v53 =	vpop (erf);
	(erf) = vpow2.f32 v19;
	v19 =	vmul.f32 $1.442695020e+00, v60  }
0xad: {  	v28 =	vadd.f32 v47, v28;
	v60 =	vpop (erf);
	(erf) = vpow2.f32 v22;
	v21 =	vmul.f32 $1.442695020e+00, v21;
	v22 =	vld [tilespmem:s10+$0x3020]  }
0xae: {  	v25 =	vadd.f32 v50, v25;
	v61 =	vmul.f32 $1.442695020e+00, v24;
	v24 =	vld [tilespmem:s10+$0x3030];
	v50 =	vpop (erf);
	(erf) = vpow2.f32 v19  }
0xaf: {  	v23 =	vadd.f32 v48, v23;
	v48 =	vpop (erf);
	(erf) = vpow2.f32 v21;
	v20 =	vmul.f32 $1.442695020e+00, v20  }
0xb0: {  	v46 =	vadd.f32 v46, v57;
	v63 =	vmul.f32 $1.442695020e+00, v56;
	v47 =	vpop (erf);
	(erf) = vpow2.f32 v61  }
0xb1: {  	v29 =	vadd.f32 v44, v29;
	v61 =	vmul.f32 $1.442695020e+00, v59;
	v59 =	vld [tilespmem:s10+$0x3060];
	v57 =	vpop (erf);
	(erf) = vpow2.f32 v20  }
0xb2: {  	v0 =	vadd.f32 v42, v0;
	v44 =	vpop (erf);
	(erf) = vpow2.f32 v63;
	v63 =	vmul.f32 $1.442695020e+00, v22;
	v22 =	vld [tilespmem:s10+$0x3070]  }
0xb3: {  	v21 =	vld [tilespmem:s10+$0x3040];
	v42 =	vpop (erf);
	(erf) = vpow2.f32 v61;
	v61 =	vmul.f32 $1.442695020e+00, v24  }
0xb4: {  	v38 =	vadd.f32 v38, v40;
	v56 =	vld [tilespmem:s10+$0x3050];
	v0 =	vadd.f32 v36, v0;
	v40 =	vpop (erf);
	(erf) = vpow2.f32 v63  }
0xb5: {  	v31 =	vadd.f32 v31, v52;
	v52 =	vpop (erf);
	(erf) = vpow2.f32 v61;
	v61 =	vld [tilespmem:$0x1FE50]  }
0xb6: {  	v0 =	vadd.f32 v41, v0;
	v41 =	vld [tilespmem:$0x1FF30]  }
0xb7: {  	v24 =	vld [tilespmem:s10+$0x3400];
	v63 =	vmul.f32 $1.442695020e+00, v59;
	v59 =	vmul.f32 $1.442695020e+00, v22;
	v22 =	vadd.f32 v33, v28  }
0xb8: {  	v19 =	vmul.f32 $1.442695020e+00, v21;
	v21 =	vld [tilespmem:s10+$0x3410]  }
0xb9: {  	v20 =	vmul.f32 $1.442695020e+00, v56;
	v56 =	vld [tilespmem:s10+$0x3420];
	v22 =	vadd.f32 v55, v22  }
0xba: {  	v55 =	vld [tilespmem:s10+$0x3800];
	v25 =	vadd.f32 v61, v25;
	v61 =	vpop (erf);
	(erf) = vpow2.f32 v19  }
0xbb: {  	v23 =	vadd.f32 v32, v23;
	v32 =	vpop (erf);
	(erf) = vpow2.f32 v20;
	v12 =	vadd.f32 v12, v22;
	v22 =	vld [tilespmem:s10+$0x3440]  }
0xbc: {  	v28 =	vpop (erf);
	(erf) = vpow2.f32 v63;
	v63 =	vmul.f32 $1.442695020e+00, v24;
	v24 =	vadd.f32 v34, v46;
	v46 =	vld [tilespmem:$0x1FF80]  }
0xbd: {  	v20 =	vmul.f32 $1.442695020e+00, v21;
	v21 =	vadd.f32 v35, v29;
	v25 =	vadd.f32 v49, v25;
	v49 =	vld [tilespmem:$0x1FFB0]  }
0xbe: {  	v33 =	vpop (erf);
	(erf) = vpow2.f32 v59;
	v59 =	vmul.f32 $1.442695020e+00, v56;
	v56 =	vadd.f32 v45, v31;
	v45 =	vld [tilespmem:$0x1FF70]  }
0xbf: {  	v21 =	vadd.f32 v62, v21;
	v62 =	vld [tilespmem:s10+$0x3430]  }
0xc0: {  	v29 =	vpop (erf);
	(erf) = vpow2.f32 v63;
	v63 =	vadd.f32 v43, v38;
	v43 =	vld [tilespmem:$0x1FF50]  }
0xc1: {  	v0 =	vadd.f32 v9, v0;
	v24 =	vadd.f32 v58, v24;
	v58 =	vld [tilespmem:s10+$0x3820]  }
0xc2: {  	v35 =	vpop (erf);
	(erf) = vpow2.f32 v20;
	v20 =	vadd.f32 v37, v56;
	v37 =	vld [tilespmem:$0x1FEF0]  }
0xc3: {  	v0 =	vadd.f32 v1, v0;
	v4 =	vadd.f32 v4, v12;
	v56 =	vld [tilespmem:s10+$0x3810]  }
0xc4: {  	v25 =	vadd.f32 v30, v25;
	v31 =	vpop (erf);
	(erf) = vpow2.f32 v59;
	v59 =	vadd.f32 v51, v23;
	v51 =	vld [tilespmem:$0x1FFD0]  }
0xc5: {  	v10 =	vadd.f32 v10, v21;
	v34 =	vadd.f32 v39, v63;
	v39 =	vld [tilespmem:$0x1FF10]  }
0xc6: {  	v4 =	vadd.f32 v17, v4;
	v11 =	vadd.f32 v11, v24;
	v24 =	vld [tilespmem:s10+$0x3450]  }
0xc7: {  	v6 =	vadd.f32 v6, v25;
	v25 =	vld [tilespmem:s10+$0x3460];
	v7 =	vadd.f32 v7, v20  }
0xc8: {  	v23 =	vpop (erf);
	v2 =	vadd.f32 v2, v10;
	v4 =	vadd.f32 v47, v4;
	v47 =	vld [tilespmem:$0x1FF90]  }
0xc9: {  	v36 =	vpop (erf);
	v8 =	vadd.f32 v8, v34;
	v34 =	vld [tilespmem:$0x1FEC0];
	v6 =	vadd.f32 v15, v6  }
0xca: {  	v13 =	vadd.f32 v13, v59;
	v63 =	vmul.f32 $1.442695020e+00, v62;
	v38 =	vpop (erf);
	v2 =	vadd.f32 v27, v2;
	v27 =	vld [tilespmem:s10+$0x3470]  }
0xcb: {  	v7 =	vadd.f32 v14, v7;
	v30 =	vpop (erf);
	v6 =	vadd.f32 v50, v6;
	v50 =	vld [tilespmem:$0x1FFC0]  }
0xcc: {  	v0 =	vadd.f32 v54, v0;
	v5 =	vadd.f32 v5, v13;
	(erf) = vpow2.f32 v63;
	v63 =	vld [tilespmem:s10+$0x3840];
	v19 =	vpop (erf)  }
0xcd: {  	v18 =	vadd.f32 v18, v8;
	v8 =	vmul.f32 $1.442695020e+00, v22;
	v7 =	vadd.f32 v60, v7;
	v60 =	vld [tilespmem:s10+$0x3830];
	v21 =	vpop (erf)  }
0xce: {  	v10 =	vmul.f32 $1.442695020e+00, v24;
	v2 =	vadd.f32 v44, v2;
	v44 =	vld [tilespmem:$0x1FF60];
	v5 =	vadd.f32 v16, v5;
	v9 =	vpop (erf)  }
0xcf: {  	v0 =	vadd.f32 v42, v0;
	v1 =	vadd.f32 v53, v18;
	v53 =	vld [tilespmem:$0x1FFF0];
	(erf) = vpow2.f32 v8;
	v20 =	vpop (erf)  }
0xd0: {  	v59 =	vmul.f32 $1.442695020e+00, v25;
	(erf) = vpow2.f32 v10;
	v5 =	vadd.f32 v48, v5;
	v48 =	vld [tilespmem:$0x1FFA0];
	v12 =	vpop (erf)  }
0xd1: {  	v0 =	vadd.f32 v35, v0;
	v3 =	vadd.f32 v3, v11;
	v62 =	vmul.f32 $1.442695020e+00, v27;
	v42 =	vld [tilespmem:$0x1FF40]  }
0xd2: {  	v4 =	vadd.f32 v28, v4;
	v22 =	vmul.f32 $1.442695020e+00, v55;
	(erf) = vpow2.f32 v59;
	v24 =	vld [tilespmem:s10+$0x3850]  }
0xd3: {  	v3 =	vadd.f32 v26, v3;
	v25 =	vmul.f32 $1.442695020e+00, v56;
	v26 =	vld [tilespmem:s10+$0x3860];
	(erf) = vpow2.f32 v62  }
0xd4: {  	v54 =	vmul.f32 $1.442695020e+00, v58;
	v4 =	vadd.f32 v30, v4;
	v55 =	vld [tilespmem:s10+$0x3870];
	(erf) = vpow2.f32 v22  }
0xd5: {  	v3 =	vadd.f32 v57, v3;
	v56 =	vmul.f32 $1.442695020e+00, v60;
	v57 =	vld [tilespmem:s10+$0x3C00];
	(erf) = vpow2.f32 v25  }
0xd6: {  	v6 =	vadd.f32 v61, v6;
	v58 =	vmul.f32 $1.442695020e+00, v63;
	v59 =	vld [tilespmem:s10+$0x3C10];
	(erf) = vpow2.f32 v54  }
0xd7: {  	v7 =	vadd.f32 v52, v7;
	v61 =	vld [tilespmem:s10+$0x3C20];
	(erf) = vpow2.f32 v56;
	v60 =	vmul.f32 $1.442695020e+00, v24  }
0xd8: {  	v2 =	vadd.f32 v29, v2;
	v63 =	vld [tilespmem:s10+$0x3C30];
	v17 =	vpop (erf);
	v62 =	vmul.f32 $1.442695020e+00, v26;
	(erf) = vpow2.f32 v58  }
0xd9: {  	v1 =	vadd.f32 v40, v1;
	v18 =	vpop (erf);
	v54 =	vmul.f32 $1.442695020e+00, v55;
	v55 =	vld [tilespmem:s10+$0x3C40];
	(erf) = vpow2.f32 v60  }
0xda: {  	v3 =	vadd.f32 v33, v3;
	v56 =	vmul.f32 $1.442695020e+00, v57;
	v57 =	vld [tilespmem:s10+$0x3C50];
	v22 =	vpop (erf);
	(erf) = vpow2.f32 v62  }
0xdb: {  	v6 =	vadd.f32 v36, v6;
	v58 =	vmul.f32 $1.442695020e+00, v59;
	v59 =	vld [tilespmem:s10+$0x3C60];
	v24 =	vpop (erf);
	(erf) = vpow2.f32 v54  }
0xdc: {  	v7 =	vadd.f32 v23, v7;
	v60 =	vmul.f32 $1.442695020e+00, v61;
	v61 =	vld [tilespmem:s10+$0x3C70];
	v23 =	vpop (erf);
	(erf) = vpow2.f32 v56  }
0xdd: {  	v0 =	vadd.f32 v9, v0;
	v62 =	vmul.f32 $1.442695020e+00, v63;
	v25 =	vpop (erf);
	(erf) = vpow2.f32 v58  }
0xde: {  	v2 =	vadd.f32 v21, v2;
	v26 =	vmul.f32 $1.442695020e+00, v55;
	v63 =	vpop (erf);
	(erf) = vpow2.f32 v60  }
0xdf: {  	v5 =	vadd.f32 v32, v5;
	v54 =	vmul.f32 $1.442695020e+00, v57;
	v27 =	vpop (erf);
	(erf) = vpow2.f32 v62  }
0xe0: {  	v1 =	vadd.f32 v31, v1;
	v56 =	vmul.f32 $1.442695020e+00, v59;
	v55 =	vpop (erf);
	(erf) = vpow2.f32 v26  }
0xe1: {  	v3 =	vadd.f32 v19, v3;
	v58 =	vmul.f32 $1.442695020e+00, v61;
	v57 =	vpop (erf);
	(erf) = vpow2.f32 v54  }
0xe2: {  	v7 =	vadd.f32 v12, v7;
	v5 =	vadd.f32 v38, v5;
	v59 =	vpop (erf);
	(erf) = vpow2.f32 v56  }
0xe3: {  	v1 =	vadd.f32 v20, v1;
	v6 =	vadd.f32 v17, v6;
	v60 =	vpop (erf);
	(erf) = vpow2.f32 v58  }
0xe4: {  	v5 =	vadd.f32 v18, v5;
	v4 =	vadd.f32 v22, v4;
	v61 =	vpop (erf)  }
0xe5: {  	v3 =	vadd.f32 v24, v3;
	v2 =	vadd.f32 v23, v2;
	v62 =	vpop (erf)  }
0xe6: {  	v0 =	vadd.f32 v25, v0;
	v1 =	vadd.f32 v63, v1;
	v63 =	vpop (erf)  }
0xe7: {  	v7 =	vadd.f32 v27, v7;
	v6 =	vadd.f32 v55, v6;
	v15 =	vpop (erf)  }
0xe8: {  	v5 =	vadd.f32 v57, v5;
	v4 =	vadd.f32 v59, v4;
	v16 =	vpop (erf)  }
0xe9: {  	v29 =	vld [tilespmem:$0x1FE70];
	v3 =	vadd.f32 v60, v3;
	v2 =	vadd.f32 v61, v2;
	v17 =	vpop (erf)  }
0xea: {  	v21 =	vmov s1;
	v0 =	vadd.f32 v62, v0;
	v1 =	vadd.f32 v63, v1;
	v18 =	vpop (erf)  }
0xeb: {  	v23 =	vshll.u32 v21, $0xB;
	v7 =	vadd.f32 v15, v7;
	v6 =	vadd.f32 v16, v6;
	v19 =	vpop (erf)  }
0xec: {  	v28 =	vld [tilespmem:$0x1FE60];
	v24 =	vand.u32 $0x4000, v23;
	v5 =	vadd.f32 v17, v5;
	v4 =	vadd.f32 v18, v4;
	v20 =	vpop (erf)  }
0xed: {  	v25 =	vshll.u32 v21, $0x7;
	v3 =	vadd.f32 v19, v3;
	v2 =	vadd.f32 v20, v2  }
0xee: {  	v26 =	vadd.s32 v29, v24;
	v0 =	vadd.f32 v1, v0;
	v22 =	vadd.f32 v6, v7  }
0xef: {  	v6 =	vand.u32 $0x300, v25;
	v4 =	vadd.f32 v4, v5;
	v2 =	vadd.f32 v2, v3  }
0xf0: {  	v31 =	vld [tilespmem:$0x1FE90];
	v3 =	vor.u32 v6, v26  }
0xf1: {  	v0 =	vadd.f32 v22, v0;
	v54 =	vor.u32 v28, v3;
	v27 =	vadd.f32 v2, v4  }
0xf2: {  	v30 =	vld [tilespmem:$0x1FE80]  }
0xf3: {  	v0 =	vadd.f32 v27, v0;
	_ =	sdelay $0x1  }
0xf4: {  	v33 =	vld [tilespmem:$0x1FEB0];
	v55 =	vadd.s32 v31, v24;
	[tilespmem:s0+$0xFFFFFF80] =	vst v0  }
0xf5: {  	v0 =	vor.u32 v6, v55;
	v56 =	vld.idx.msk [tilespmem:v54+s3+$0x0], $0xffff  }
0xf6: {  	s14 =	sshll.u32 s1, $0x8;
	v0 =	vor.u32 v30, v0  }
0xf7: {  	v32 =	vld [tilespmem:$0x1FEA0];
	s10 =	sand.u32 $0x3FFFF800, s14  }
0xf8: {  	s10 =	sadd.s32 $0x10000, s10  }
0xf9: {  	s14 =	sor.u32 s11, s10  }
0xfa: {  	v35 =	vld [tilespmem:$0x1FED0];
	v57 =	vadd.s32 v33, v24;
	[tilespmem:s14+$0x0] =	vst v56  }
0xfb: {  	v1 =	vor.u32 v6, v57;
	v0 =	vld.idx.msk [tilespmem:v0+s3+$0x0], $0xffff  }
0xfc: {  	v1 =	vor.u32 v32, v1;
	_ =	sdelay $0x3  }
0xfd: {  	v58 =	vadd.s32 v35, v24;
	[tilespmem:s14+$0x10] =	vst v0  }
0xfe: {  	v0 =	vor.u32 v6, v58;
	v1 =	vld.idx.msk [tilespmem:v1+s3+$0x0], $0xffff  }
0xff: {  	v0 =	vor.u32 v34, v0  }
0x100: {  	v36 =	vld [tilespmem:$0x1FEE0];
	_ =	sdelay $0x2  }
0x101: {  	v59 =	vadd.s32 v37, v24;
	[tilespmem:s14+$0x20] =	vst v1  }
0x102: {  	v1 =	vor.u32 v6, v59;
	v0 =	vld.idx.msk [tilespmem:v0+s3+$0x0], $0xffff  }
0x103: {  	v1 =	vor.u32 v36, v1  }
0x104: {  	v38 =	vld [tilespmem:$0x1FF00];
	_ =	sdelay $0x2  }
0x105: {  	v60 =	vadd.s32 v39, v24;
	[tilespmem:s14+$0x30] =	vst v0  }
0x106: {  	v0 =	vor.u32 v6, v60;
	v1 =	vld.idx.msk [tilespmem:v1+s3+$0x0], $0xffff  }
0x107: {  	v0 =	vor.u32 v38, v0  }
0x108: {  	v40 =	vld [tilespmem:$0x1FF20];
	_ =	sdelay $0x2  }
0x109: {  	v61 =	vadd.s32 v41, v24;
	[tilespmem:s14+$0x40] =	vst v1  }
0x10a: {  	v1 =	vor.u32 v6, v61;
	v0 =	vld.idx.msk [tilespmem:v0+s3+$0x0], $0xffff  }
0x10b: {  	v1 =	vor.u32 v40, v1;
	_ =	sdelay $0x3  }
0x10c: {  	v62 =	vadd.s32 v43, v24;
	[tilespmem:s14+$0x50] =	vst v0  }
0x10d: {  	v0 =	vor.u32 v6, v62;
	v1 =	vld.idx.msk [tilespmem:v1+s3+$0x0], $0xffff  }
0x10e: {  	v0 =	vor.u32 v42, v0;
	_ =	sdelay $0x3  }
0x10f: {  	v63 =	vadd.s32 v45, v24;
	[tilespmem:s14+$0x60] =	vst v1  }
0x110: {  	v1 =	vor.u32 v6, v63;
	v0 =	vld.idx.msk [tilespmem:v0+s3+$0x0], $0xffff  }
0x111: {  	v1 =	vor.u32 v44, v1;
	_ =	sdelay $0x3  }
0x112: {  	v4 =	vadd.s32 v47, v24;
	[tilespmem:s14+$0x70] =	vst v0  }
0x113: {  	v0 =	vor.u32 v6, v4;
	v1 =	vld.idx.msk [tilespmem:v1+s3+$0x0], $0xffff  }
0x114: {  	v0 =	vor.u32 v46, v0;
	_ =	sdelay $0x3  }
0x115: {  	v7 =	vadd.s32 v49, v24;
	[tilespmem:s14+$0x400] =	vst v1  }
0x116: {  	v1 =	vor.u32 v6, v7;
	v0 =	vld.idx.msk [tilespmem:v0+s3+$0x0], $0xffff  }
0x117: {  	v1 =	vor.u32 v48, v1;
	_ =	sdelay $0x3  }
0x118: {  	v8 =	vadd.s32 v51, v24;
	[tilespmem:s14+$0x410] =	vst v0  }
0x119: {  	v0 =	vor.u32 v6, v8;
	v1 =	vld.idx.msk [tilespmem:v1+s3+$0x0], $0xffff  }
0x11a: {  	v0 =	vor.u32 v50, v0  }
0x11b: {  	v52 =	vld [tilespmem:$0x1FFE0];
	_ =	sdelay $0x2  }
0x11c: {  	v9 =	vadd.s32 v53, v24;
	[tilespmem:s14+$0x420] =	vst v1  }
0x11d: {  	v1 =	vor.u32 v6, v9;
	v0 =	vld.idx.msk [tilespmem:v0+s3+$0x0], $0xffff  }
0x11e: {  	v1 =	vor.u32 v52, v1;
	_ =	sdelay $0x3  }
0x11f: {  	[tilespmem:s14+$0x430] =	vst v0  }
0x120: {  	v0 =	vld.idx.msk [tilespmem:v1+s3+$0x0], $0xffff;
	_ =	sdelay $0x3  }
0x121: {  	s11 =	sand.u32 $0x380, s16  }
0x122: {  	s17 =	sor.u32 s11, s17;
	[tilespmem:s14+$0x440] =	vst v0  }
0x123: {  	v0 =	vld [tilespmem:s17+$0x0]  }
0x124: {  	v10 =	vld [tilespmem:s17+$0x10]  }
0x125: {  	v11 =	vld [tilespmem:s17+$0x20]  }
0x126: {  	v12 =	vld [tilespmem:s17+$0x30]  }
0x127: {  	v13 =	vld [tilespmem:s17+$0x40]  }
0x128: {  	v14 =	vld [tilespmem:s17+$0x50];
	v0 =	vmul.f32 $1.442695020e+00, v0  }
0x129: {  	v15 =	vld [tilespmem:s17+$0x60];
	v1 =	vmul.f32 $1.442695020e+00, v10  }
0x12a: {  	v17 =	vld [tilespmem:s17+$0x70];
	v16 =	vmul.f32 $1.442695020e+00, v11;
	(erf) = vpow2.f32 v0  }
0x12b: {  	v19 =	vld [tilespmem:s17+$0x400];
	v18 =	vmul.f32 $1.442695020e+00, v12;
	(erf) = vpow2.f32 v1  }
0x12c: {  	v21 =	vld [tilespmem:s17+$0x410];
	v20 =	vmul.f32 $1.442695020e+00, v13;
	(erf) = vpow2.f32 v16  }
0x12d: {  	v23 =	vld [tilespmem:s17+$0x420];
	v22 =	vmul.f32 $1.442695020e+00, v14;
	(erf) = vpow2.f32 v18  }
0x12e: {  	v25 =	vld [tilespmem:s17+$0x430];
	v24 =	vmul.f32 $1.442695020e+00, v15;
	(erf) = vpow2.f32 v20  }
0x12f: {  	v27 =	vld [tilespmem:s17+$0x440];
	v26 =	vmul.f32 $1.442695020e+00, v17;
	(erf) = vpow2.f32 v22  }
0x130: {  	v55 =	vld [tilespmem:s17+$0x450];
	v54 =	vmul.f32 $1.442695020e+00, v19;
	(erf) = vpow2.f32 v24  }
0x131: {  	v57 =	vld [tilespmem:s17+$0x460];
	v56 =	vmul.f32 $1.442695020e+00, v21;
	(erf) = vpow2.f32 v26  }
0x132: {  	v59 =	vld [tilespmem:s17+$0x470];
	v58 =	vmul.f32 $1.442695020e+00, v23;
	(erf) = vpow2.f32 v54  }
0x133: {  	v61 =	vld [tilespmem:s17+$0x800];
	v60 =	vmul.f32 $1.442695020e+00, v25;
	v7 =	vpop (erf);
	(erf) = vpow2.f32 v56  }
0x134: {  	v63 =	vld [tilespmem:s17+$0x810];
	v62 =	vmul.f32 $1.442695020e+00, v27;
	v8 =	vpop (erf);
	(erf) = vpow2.f32 v58  }
0x135: {  	v17 =	vld [tilespmem:s17+$0x820];
	v16 =	vmul.f32 $1.442695020e+00, v55;
	v9 =	vpop (erf);
	(erf) = vpow2.f32 v60  }
0x136: {  	v19 =	vld [tilespmem:s17+$0x830];
	v18 =	vmul.f32 $1.442695020e+00, v57;
	v10 =	vpop (erf);
	(erf) = vpow2.f32 v62  }
0x137: {  	v21 =	vld [tilespmem:s17+$0x840];
	v20 =	vmul.f32 $1.442695020e+00, v59;
	v11 =	vpop (erf);
	(erf) = vpow2.f32 v16  }
0x138: {  	v23 =	vld [tilespmem:s17+$0x850];
	v22 =	vmul.f32 $1.442695020e+00, v61;
	v12 =	vpop (erf);
	(erf) = vpow2.f32 v18  }
0x139: {  	v25 =	vld [tilespmem:s17+$0x860];
	v24 =	vmul.f32 $1.442695020e+00, v63;
	v13 =	vpop (erf);
	(erf) = vpow2.f32 v20  }
0x13a: {  	v27 =	vld [tilespmem:s17+$0x870];
	v26 =	vmul.f32 $1.442695020e+00, v17;
	v14 =	vpop (erf);
	(erf) = vpow2.f32 v22  }
0x13b: {  	v55 =	vld [tilespmem:s17+$0xC00];
	v54 =	vmul.f32 $1.442695020e+00, v19;
	v15 =	vpop (erf);
	(erf) = vpow2.f32 v24  }
0x13c: {  	v57 =	vld [tilespmem:s17+$0xC10];
	v56 =	vmul.f32 $1.442695020e+00, v21;
	v16 =	vpop (erf);
	(erf) = vpow2.f32 v26  }
0x13d: {  	v59 =	vld [tilespmem:s17+$0xC20];
	v58 =	vmul.f32 $1.442695020e+00, v23;
	v17 =	vpop (erf);
	(erf) = vpow2.f32 v54  }
0x13e: {  	v61 =	vld [tilespmem:s17+$0xC30];
	v60 =	vmul.f32 $1.442695020e+00, v25;
	v18 =	vpop (erf);
	(erf) = vpow2.f32 v56  }
0x13f: {  	v63 =	vld [tilespmem:s17+$0xC40];
	v62 =	vmul.f32 $1.442695020e+00, v27;
	v19 =	vpop (erf);
	(erf) = vpow2.f32 v58  }
0x140: {  	v27 =	vmul.f32 $1.442695020e+00, v55;
	v54 =	vld [tilespmem:s17+$0xC50];
	v20 =	vpop (erf);
	(erf) = vpow2.f32 v60  }
0x141: {  	v55 =	vmul.f32 $1.442695020e+00, v57;
	v56 =	vld [tilespmem:s17+$0xC60];
	v21 =	vpop (erf);
	(erf) = vpow2.f32 v62  }
0x142: {  	v57 =	vmul.f32 $1.442695020e+00, v59;
	v58 =	vld [tilespmem:s17+$0xC70];
	v22 =	vpop (erf);
	(erf) = vpow2.f32 v27  }
0x143: {  	v59 =	vmul.f32 $1.442695020e+00, v61;
	v60 =	vld [tilespmem:s17+$0x1000];
	v23 =	vpop (erf);
	(erf) = vpow2.f32 v55  }
0x144: {  	v61 =	vmul.f32 $1.442695020e+00, v63;
	v62 =	vld [tilespmem:s17+$0x1010];
	v24 =	vpop (erf);
	(erf) = vpow2.f32 v57  }
0x145: {  	v63 =	vmul.f32 $1.442695020e+00, v54;
	v54 =	vld [tilespmem:s17+$0x1020];
	v25 =	vpop (erf);
	(erf) = vpow2.f32 v59  }
0x146: {  	v55 =	vmul.f32 $1.442695020e+00, v56;
	v56 =	vld [tilespmem:s17+$0x1030];
	v26 =	vpop (erf);
	(erf) = vpow2.f32 v61  }
0x147: {  	v57 =	vmul.f32 $1.442695020e+00, v58;
	v58 =	vld [tilespmem:s17+$0x1040];
	v27 =	vpop (erf);
	(erf) = vpow2.f32 v63  }
0x148: {  	v7 =	vadd.f32 v15, v7;
	v59 =	vmul.f32 $1.442695020e+00, v60;
	v60 =	vld [tilespmem:s17+$0x1050];
	v15 =	vpop (erf);
	(erf) = vpow2.f32 v55  }
0x149: {  	v8 =	vadd.f32 v16, v8;
	v61 =	vmul.f32 $1.442695020e+00, v62;
	v62 =	vld [tilespmem:s17+$0x1060];
	v16 =	vpop (erf);
	(erf) = vpow2.f32 v57  }
0x14a: {  	v9 =	vadd.f32 v17, v9;
	v63 =	vmul.f32 $1.442695020e+00, v54;
	v54 =	vld [tilespmem:s17+$0x1070];
	v17 =	vpop (erf);
	(erf) = vpow2.f32 v59  }
0x14b: {  	v10 =	vadd.f32 v18, v10;
	v55 =	vmul.f32 $1.442695020e+00, v56;
	v56 =	vld [tilespmem:s17+$0x1400];
	v18 =	vpop (erf);
	(erf) = vpow2.f32 v61  }
0x14c: {  	v11 =	vadd.f32 v19, v11;
	v57 =	vmul.f32 $1.442695020e+00, v58;
	v58 =	vld [tilespmem:s17+$0x1410];
	v19 =	vpop (erf);
	(erf) = vpow2.f32 v63  }
0x14d: {  	v12 =	vadd.f32 v20, v12;
	v59 =	vmul.f32 $1.442695020e+00, v60;
	v60 =	vld [tilespmem:s17+$0x1420];
	v20 =	vpop (erf);
	(erf) = vpow2.f32 v55  }
0x14e: {  	v13 =	vadd.f32 v21, v13;
	v61 =	vmul.f32 $1.442695020e+00, v62;
	v62 =	vld [tilespmem:s17+$0x1430];
	v21 =	vpop (erf);
	(erf) = vpow2.f32 v57  }
0x14f: {  	v14 =	vadd.f32 v22, v14;
	v63 =	vmul.f32 $1.442695020e+00, v54;
	v54 =	vld [tilespmem:s17+$0x1440];
	v22 =	vpop (erf);
	(erf) = vpow2.f32 v59  }
0x150: {  	v7 =	vadd.f32 v23, v7;
	v55 =	vmul.f32 $1.442695020e+00, v56;
	v56 =	vld [tilespmem:s17+$0x1450];
	v23 =	vpop (erf);
	(erf) = vpow2.f32 v61  }
0x151: {  	v8 =	vadd.f32 v24, v8;
	v57 =	vmul.f32 $1.442695020e+00, v58;
	v58 =	vld [tilespmem:s17+$0x1460];
	v24 =	vpop (erf);
	(erf) = vpow2.f32 v63  }
0x152: {  	v9 =	vadd.f32 v25, v9;
	v59 =	vmul.f32 $1.442695020e+00, v60;
	v60 =	vld [tilespmem:s17+$0x1470];
	v25 =	vpop (erf);
	(erf) = vpow2.f32 v55  }
0x153: {  	v10 =	vadd.f32 v26, v10;
	v61 =	vmul.f32 $1.442695020e+00, v62;
	v62 =	vld [tilespmem:s17+$0x1800];
	v26 =	vpop (erf);
	(erf) = vpow2.f32 v57  }
0x154: {  	v11 =	vadd.f32 v27, v11;
	v63 =	vmul.f32 $1.442695020e+00, v54;
	v54 =	vld [tilespmem:s17+$0x1810];
	v27 =	vpop (erf);
	(erf) = vpow2.f32 v59  }
0x155: {  	v12 =	vadd.f32 v15, v12;
	v55 =	vmul.f32 $1.442695020e+00, v56;
	v56 =	vld [tilespmem:s17+$0x1820];
	v15 =	vpop (erf);
	(erf) = vpow2.f32 v61  }
0x156: {  	v13 =	vadd.f32 v16, v13;
	v57 =	vmul.f32 $1.442695020e+00, v58;
	v58 =	vld [tilespmem:s17+$0x1830];
	v16 =	vpop (erf);
	(erf) = vpow2.f32 v63  }
0x157: {  	v14 =	vadd.f32 v17, v14;
	v59 =	vmul.f32 $1.442695020e+00, v60;
	v60 =	vld [tilespmem:s17+$0x1840];
	v17 =	vpop (erf);
	(erf) = vpow2.f32 v55  }
0x158: {  	v7 =	vadd.f32 v18, v7;
	v61 =	vmul.f32 $1.442695020e+00, v62;
	v62 =	vld [tilespmem:s17+$0x1850];
	v18 =	vpop (erf);
	(erf) = vpow2.f32 v57  }
0x159: {  	v8 =	vadd.f32 v19, v8;
	v63 =	vmul.f32 $1.442695020e+00, v54;
	v54 =	vld [tilespmem:s17+$0x1860];
	v19 =	vpop (erf);
	(erf) = vpow2.f32 v59  }
0x15a: {  	v9 =	vadd.f32 v20, v9;
	v55 =	vmul.f32 $1.442695020e+00, v56;
	v56 =	vld [tilespmem:s17+$0x1870];
	v20 =	vpop (erf);
	(erf) = vpow2.f32 v61  }
0x15b: {  	v10 =	vadd.f32 v21, v10;
	v57 =	vmul.f32 $1.442695020e+00, v58;
	v58 =	vld [tilespmem:s17+$0x1C00];
	v21 =	vpop (erf);
	(erf) = vpow2.f32 v63  }
0x15c: {  	v11 =	vadd.f32 v22, v11;
	v59 =	vmul.f32 $1.442695020e+00, v60;
	v60 =	vld [tilespmem:s17+$0x1C10];
	v22 =	vpop (erf);
	(erf) = vpow2.f32 v55  }
0x15d: {  	v12 =	vadd.f32 v23, v12;
	v61 =	vmul.f32 $1.442695020e+00, v62;
	v62 =	vld [tilespmem:s17+$0x1C20];
	v23 =	vpop (erf);
	(erf) = vpow2.f32 v57  }
0x15e: {  	v13 =	vadd.f32 v24, v13;
	v63 =	vmul.f32 $1.442695020e+00, v54;
	v54 =	vld [tilespmem:s17+$0x1C30];
	v24 =	vpop (erf);
	(erf) = vpow2.f32 v59  }
0x15f: {  	v14 =	vadd.f32 v25, v14;
	v55 =	vmul.f32 $1.442695020e+00, v56;
	v56 =	vld [tilespmem:s17+$0x1C40];
	v25 =	vpop (erf);
	(erf) = vpow2.f32 v61  }
0x160: {  	v7 =	vadd.f32 v26, v7;
	v57 =	vmul.f32 $1.442695020e+00, v58;
	v58 =	vld [tilespmem:s17+$0x1C50];
	v26 =	vpop (erf);
	(erf) = vpow2.f32 v63  }
0x161: {  	v8 =	vadd.f32 v27, v8;
	v59 =	vmul.f32 $1.442695020e+00, v60;
	v60 =	vld [tilespmem:s17+$0x1C60];
	v27 =	vpop (erf);
	(erf) = vpow2.f32 v55  }
0x162: {  	v9 =	vadd.f32 v15, v9;
	v61 =	vmul.f32 $1.442695020e+00, v62;
	v62 =	vld [tilespmem:s17+$0x1C70];
	v15 =	vpop (erf);
	(erf) = vpow2.f32 v57  }
0x163: {  	v10 =	vadd.f32 v16, v10;
	v63 =	vmul.f32 $1.442695020e+00, v54;
	v54 =	vld [tilespmem:s17+$0x2000];
	v16 =	vpop (erf);
	(erf) = vpow2.f32 v59  }
0x164: {  	v11 =	vadd.f32 v17, v11;
	v55 =	vmul.f32 $1.442695020e+00, v56;
	v56 =	vld [tilespmem:s17+$0x2010];
	v17 =	vpop (erf);
	(erf) = vpow2.f32 v61  }
0x165: {  	v12 =	vadd.f32 v18, v12;
	v57 =	vmul.f32 $1.442695020e+00, v58;
	v58 =	vld [tilespmem:s17+$0x2020];
	v18 =	vpop (erf);
	(erf) = vpow2.f32 v63  }
0x166: {  	v13 =	vadd.f32 v19, v13;
	v59 =	vmul.f32 $1.442695020e+00, v60;
	v60 =	vld [tilespmem:s17+$0x2030];
	v19 =	vpop (erf);
	(erf) = vpow2.f32 v55  }
0x167: {  	v14 =	vadd.f32 v20, v14;
	v61 =	vmul.f32 $1.442695020e+00, v62;
	v62 =	vld [tilespmem:s17+$0x2040];
	v20 =	vpop (erf);
	(erf) = vpow2.f32 v57  }
0x168: {  	v7 =	vadd.f32 v21, v7;
	v63 =	vmul.f32 $1.442695020e+00, v54;
	v54 =	vld [tilespmem:s17+$0x2050];
	v21 =	vpop (erf);
	(erf) = vpow2.f32 v59  }
0x169: {  	v8 =	vadd.f32 v22, v8;
	v55 =	vmul.f32 $1.442695020e+00, v56;
	v56 =	vld [tilespmem:s17+$0x2060];
	v22 =	vpop (erf);
	(erf) = vpow2.f32 v61  }
0x16a: {  	v9 =	vadd.f32 v23, v9;
	v57 =	vmul.f32 $1.442695020e+00, v58;
	v58 =	vld [tilespmem:s17+$0x2070];
	v23 =	vpop (erf);
	(erf) = vpow2.f32 v63  }
0x16b: {  	v10 =	vadd.f32 v24, v10;
	v59 =	vmul.f32 $1.442695020e+00, v60;
	v60 =	vld [tilespmem:s17+$0x2400];
	v24 =	vpop (erf);
	(erf) = vpow2.f32 v55  }
0x16c: {  	v11 =	vadd.f32 v25, v11;
	v61 =	vmul.f32 $1.442695020e+00, v62;
	v62 =	vld [tilespmem:s17+$0x2410];
	v25 =	vpop (erf);
	(erf) = vpow2.f32 v57  }
0x16d: {  	v12 =	vadd.f32 v26, v12;
	v63 =	vmul.f32 $1.442695020e+00, v54;
	v54 =	vld [tilespmem:s17+$0x2420];
	v26 =	vpop (erf);
	(erf) = vpow2.f32 v59  }
0x16e: {  	v13 =	vadd.f32 v27, v13;
	v55 =	vmul.f32 $1.442695020e+00, v56;
	v56 =	vld [tilespmem:s17+$0x2430];
	v27 =	vpop (erf);
	(erf) = vpow2.f32 v61  }
0x16f: {  	v14 =	vadd.f32 v15, v14;
	v57 =	vmul.f32 $1.442695020e+00, v58;
	v58 =	vld [tilespmem:s17+$0x2440];
	v15 =	vpop (erf);
	(erf) = vpow2.f32 v63  }
0x170: {  	v7 =	vadd.f32 v16, v7;
	v59 =	vmul.f32 $1.442695020e+00, v60;
	v60 =	vld [tilespmem:s17+$0x2450];
	v16 =	vpop (erf);
	(erf) = vpow2.f32 v55  }
0x171: {  	v8 =	vadd.f32 v17, v8;
	v61 =	vmul.f32 $1.442695020e+00, v62;
	v62 =	vld [tilespmem:s17+$0x2460];
	v17 =	vpop (erf);
	(erf) = vpow2.f32 v57  }
0x172: {  	v9 =	vadd.f32 v18, v9;
	v63 =	vmul.f32 $1.442695020e+00, v54;
	v54 =	vld [tilespmem:s17+$0x2470];
	v18 =	vpop (erf);
	(erf) = vpow2.f32 v59  }
0x173: {  	v10 =	vadd.f32 v19, v10;
	v55 =	vmul.f32 $1.442695020e+00, v56;
	v56 =	vld [tilespmem:s17+$0x2800];
	v19 =	vpop (erf);
	(erf) = vpow2.f32 v61  }
0x174: {  	v11 =	vadd.f32 v20, v11;
	v57 =	vmul.f32 $1.442695020e+00, v58;
	v58 =	vld [tilespmem:s17+$0x2810];
	v20 =	vpop (erf);
	(erf) = vpow2.f32 v63  }
0x175: {  	v12 =	vadd.f32 v21, v12;
	v59 =	vmul.f32 $1.442695020e+00, v60;
	v60 =	vld [tilespmem:s17+$0x2820];
	v21 =	vpop (erf);
	(erf) = vpow2.f32 v55  }
0x176: {  	v13 =	vadd.f32 v22, v13;
	v61 =	vmul.f32 $1.442695020e+00, v62;
	v62 =	vld [tilespmem:s17+$0x2830];
	v22 =	vpop (erf);
	(erf) = vpow2.f32 v57  }
0x177: {  	v14 =	vadd.f32 v23, v14;
	v63 =	vmul.f32 $1.442695020e+00, v54;
	v54 =	vld [tilespmem:s17+$0x2840];
	v23 =	vpop (erf);
	(erf) = vpow2.f32 v59  }
0x178: {  	v7 =	vadd.f32 v24, v7;
	v55 =	vmul.f32 $1.442695020e+00, v56;
	v56 =	vld [tilespmem:s17+$0x2850];
	v24 =	vpop (erf);
	(erf) = vpow2.f32 v61  }
0x179: {  	v8 =	vadd.f32 v25, v8;
	v57 =	vmul.f32 $1.442695020e+00, v58;
	v58 =	vld [tilespmem:s17+$0x2860];
	v25 =	vpop (erf);
	(erf) = vpow2.f32 v63  }
0x17a: {  	v9 =	vadd.f32 v26, v9;
	v59 =	vmul.f32 $1.442695020e+00, v60;
	v60 =	vld [tilespmem:s17+$0x2870];
	v26 =	vpop (erf);
	(erf) = vpow2.f32 v55  }
0x17b: {  	v10 =	vadd.f32 v27, v10;
	v61 =	vmul.f32 $1.442695020e+00, v62;
	v62 =	vld [tilespmem:s17+$0x2C00];
	v27 =	vpop (erf);
	(erf) = vpow2.f32 v57  }
0x17c: {  	v11 =	vadd.f32 v15, v11;
	v63 =	vmul.f32 $1.442695020e+00, v54;
	v54 =	vld [tilespmem:s17+$0x2C10];
	v15 =	vpop (erf);
	(erf) = vpow2.f32 v59  }
0x17d: {  	v12 =	vadd.f32 v16, v12;
	v55 =	vmul.f32 $1.442695020e+00, v56;
	v56 =	vld [tilespmem:s17+$0x2C20];
	v16 =	vpop (erf);
	(erf) = vpow2.f32 v61  }
0x17e: {  	v13 =	vadd.f32 v17, v13;
	v57 =	vmul.f32 $1.442695020e+00, v58;
	v58 =	vld [tilespmem:s17+$0x2C30];
	v17 =	vpop (erf);
	(erf) = vpow2.f32 v63  }
0x17f: {  	v14 =	vadd.f32 v18, v14;
	v59 =	vmul.f32 $1.442695020e+00, v60;
	v60 =	vld [tilespmem:s17+$0x2C40];
	v18 =	vpop (erf);
	(erf) = vpow2.f32 v55  }
0x180: {  	v7 =	vadd.f32 v19, v7;
	v61 =	vmul.f32 $1.442695020e+00, v62;
	v62 =	vld [tilespmem:s17+$0x2C50];
	v19 =	vpop (erf);
	(erf) = vpow2.f32 v57  }
0x181: {  	v8 =	vadd.f32 v20, v8;
	v63 =	vmul.f32 $1.442695020e+00, v54;
	v54 =	vld [tilespmem:s17+$0x2C60];
	v20 =	vpop (erf);
	(erf) = vpow2.f32 v59  }
0x182: {  	v9 =	vadd.f32 v21, v9;
	v55 =	vmul.f32 $1.442695020e+00, v56;
	v56 =	vld [tilespmem:s17+$0x2C70];
	v21 =	vpop (erf);
	(erf) = vpow2.f32 v61  }
0x183: {  	v10 =	vadd.f32 v22, v10;
	v57 =	vmul.f32 $1.442695020e+00, v58;
	v58 =	vld [tilespmem:s17+$0x3000];
	v22 =	vpop (erf);
	(erf) = vpow2.f32 v63  }
0x184: {  	v11 =	vadd.f32 v23, v11;
	v59 =	vmul.f32 $1.442695020e+00, v60;
	v60 =	vld [tilespmem:s17+$0x3010];
	v23 =	vpop (erf);
	(erf) = vpow2.f32 v55  }
0x185: {  	v12 =	vadd.f32 v24, v12;
	v61 =	vmul.f32 $1.442695020e+00, v62;
	v62 =	vld [tilespmem:s17+$0x3020];
	v24 =	vpop (erf);
	(erf) = vpow2.f32 v57  }
0x186: {  	v13 =	vadd.f32 v25, v13;
	v63 =	vmul.f32 $1.442695020e+00, v54;
	v54 =	vld [tilespmem:s17+$0x3030];
	v25 =	vpop (erf);
	(erf) = vpow2.f32 v59  }
0x187: {  	v14 =	vadd.f32 v26, v14;
	v55 =	vmul.f32 $1.442695020e+00, v56;
	v56 =	vld [tilespmem:s17+$0x3040];
	v26 =	vpop (erf);
	(erf) = vpow2.f32 v61  }
0x188: {  	v7 =	vadd.f32 v27, v7;
	v57 =	vmul.f32 $1.442695020e+00, v58;
	v58 =	vld [tilespmem:s17+$0x3050];
	v27 =	vpop (erf);
	(erf) = vpow2.f32 v63  }
0x189: {  	v8 =	vadd.f32 v15, v8;
	v59 =	vmul.f32 $1.442695020e+00, v60;
	v60 =	vld [tilespmem:s17+$0x3060];
	v15 =	vpop (erf);
	(erf) = vpow2.f32 v55  }
0x18a: {  	v9 =	vadd.f32 v16, v9;
	v61 =	vmul.f32 $1.442695020e+00, v62;
	v62 =	vld [tilespmem:s17+$0x3070];
	v16 =	vpop (erf);
	(erf) = vpow2.f32 v57  }
0x18b: {  	v10 =	vadd.f32 v17, v10;
	v63 =	vmul.f32 $1.442695020e+00, v54;
	v54 =	vld [tilespmem:s17+$0x3400];
	v17 =	vpop (erf);
	(erf) = vpow2.f32 v59  }
0x18c: {  	v11 =	vadd.f32 v18, v11;
	v55 =	vmul.f32 $1.442695020e+00, v56;
	v56 =	vld [tilespmem:s17+$0x3410];
	v18 =	vpop (erf);
	(erf) = vpow2.f32 v61  }
0x18d: {  	v12 =	vadd.f32 v19, v12;
	v57 =	vmul.f32 $1.442695020e+00, v58;
	v58 =	vld [tilespmem:s17+$0x3420];
	v19 =	vpop (erf);
	(erf) = vpow2.f32 v63  }
0x18e: {  	v13 =	vadd.f32 v20, v13;
	v59 =	vmul.f32 $1.442695020e+00, v60;
	v60 =	vld [tilespmem:s17+$0x3430];
	v20 =	vpop (erf);
	(erf) = vpow2.f32 v55  }
0x18f: {  	v14 =	vadd.f32 v21, v14;
	v61 =	vmul.f32 $1.442695020e+00, v62;
	v62 =	vld [tilespmem:s17+$0x3440];
	v21 =	vpop (erf);
	(erf) = vpow2.f32 v57  }
0x190: {  	v7 =	vadd.f32 v22, v7;
	v63 =	vmul.f32 $1.442695020e+00, v54;
	v54 =	vld [tilespmem:s17+$0x3450];
	v22 =	vpop (erf);
	(erf) = vpow2.f32 v59  }
0x191: {  	v8 =	vadd.f32 v23, v8;
	v55 =	vmul.f32 $1.442695020e+00, v56;
	v56 =	vld [tilespmem:s17+$0x3460];
	v23 =	vpop (erf);
	(erf) = vpow2.f32 v61  }
0x192: {  	v9 =	vadd.f32 v24, v9;
	v57 =	vmul.f32 $1.442695020e+00, v58;
	v58 =	vld [tilespmem:s17+$0x3470];
	v24 =	vpop (erf);
	(erf) = vpow2.f32 v63  }
0x193: {  	v10 =	vadd.f32 v25, v10;
	v59 =	vmul.f32 $1.442695020e+00, v60;
	v60 =	vld [tilespmem:s17+$0x3800];
	v25 =	vpop (erf);
	(erf) = vpow2.f32 v55  }
0x194: {  	v11 =	vadd.f32 v26, v11;
	v61 =	vmul.f32 $1.442695020e+00, v62;
	v62 =	vld [tilespmem:s17+$0x3810];
	v26 =	vpop (erf);
	(erf) = vpow2.f32 v57  }
0x195: {  	v12 =	vadd.f32 v27, v12;
	v63 =	vmul.f32 $1.442695020e+00, v54;
	v54 =	vld [tilespmem:s17+$0x3820];
	v27 =	vpop (erf);
	(erf) = vpow2.f32 v59  }
0x196: {  	v13 =	vadd.f32 v15, v13;
	v55 =	vmul.f32 $1.442695020e+00, v56;
	v56 =	vld [tilespmem:s17+$0x3830];
	v15 =	vpop (erf);
	(erf) = vpow2.f32 v61  }
0x197: {  	v14 =	vadd.f32 v16, v14;
	v57 =	vmul.f32 $1.442695020e+00, v58;
	v58 =	vld [tilespmem:s17+$0x3840];
	v16 =	vpop (erf);
	(erf) = vpow2.f32 v63  }
0x198: {  	v7 =	vadd.f32 v17, v7;
	v59 =	vmul.f32 $1.442695020e+00, v60;
	v60 =	vld [tilespmem:s17+$0x3850];
	v17 =	vpop (erf);
	(erf) = vpow2.f32 v55  }
0x199: {  	v8 =	vadd.f32 v18, v8;
	v61 =	vmul.f32 $1.442695020e+00, v62;
	v62 =	vld [tilespmem:s17+$0x3860];
	v18 =	vpop (erf);
	(erf) = vpow2.f32 v57  }
0x19a: {  	v9 =	vadd.f32 v19, v9;
	v63 =	vmul.f32 $1.442695020e+00, v54;
	v54 =	vld [tilespmem:s17+$0x3870];
	v19 =	vpop (erf);
	(erf) = vpow2.f32 v59  }
0x19b: {  	v10 =	vadd.f32 v20, v10;
	v55 =	vmul.f32 $1.442695020e+00, v56;
	v56 =	vld [tilespmem:s17+$0x3C00];
	v20 =	vpop (erf);
	(erf) = vpow2.f32 v61  }
0x19c: {  	v11 =	vadd.f32 v21, v11;
	v57 =	vmul.f32 $1.442695020e+00, v58;
	v58 =	vld [tilespmem:s17+$0x3C10];
	v21 =	vpop (erf);
	(erf) = vpow2.f32 v63  }
0x19d: {  	v12 =	vadd.f32 v22, v12;
	v59 =	vmul.f32 $1.442695020e+00, v60;
	v60 =	vld [tilespmem:s17+$0x3C20];
	v22 =	vpop (erf);
	(erf) = vpow2.f32 v55  }
0x19e: {  	v13 =	vadd.f32 v23, v13;
	v61 =	vmul.f32 $1.442695020e+00, v62;
	v62 =	vld [tilespmem:s17+$0x3C30];
	v23 =	vpop (erf);
	(erf) = vpow2.f32 v57  }
0x19f: {  	v14 =	vadd.f32 v24, v14;
	v63 =	vmul.f32 $1.442695020e+00, v54;
	v54 =	vld [tilespmem:s17+$0x3C40];
	v24 =	vpop (erf);
	(erf) = vpow2.f32 v59  }
0x1a0: {  	v7 =	vadd.f32 v25, v7;
	v55 =	vmul.f32 $1.442695020e+00, v56;
	v56 =	vld [tilespmem:s17+$0x3C50];
	v25 =	vpop (erf);
	(erf) = vpow2.f32 v61  }
0x1a1: {  	v8 =	vadd.f32 v26, v8;
	v57 =	vmul.f32 $1.442695020e+00, v58;
	v58 =	vld [tilespmem:s17+$0x3C60];
	v26 =	vpop (erf);
	(erf) = vpow2.f32 v63  }
0x1a2: {  	v9 =	vadd.f32 v27, v9;
	v59 =	vmul.f32 $1.442695020e+00, v60;
	v60 =	vld [tilespmem:s17+$0x3C70];
	v27 =	vpop (erf);
	(erf) = vpow2.f32 v55  }
0x1a3: {  	v10 =	vadd.f32 v15, v10;
	v63 =	vmul.f32 $1.442695020e+00, v62;
	v15 =	vpop (erf);
	(erf) = vpow2.f32 v57  }
0x1a4: {  	v3 =	vadd.f32 v16, v11;
	v16 =	vmul.f32 $1.442695020e+00, v54;
	v11 =	vpop (erf);
	(erf) = vpow2.f32 v59  }
0x1a5: {  	v17 =	vadd.f32 v17, v12;
	v61 =	vmul.f32 $1.442695020e+00, v56;
	v12 =	vpop (erf);
	(erf) = vpow2.f32 v63  }
0x1a6: {  	v5 =	vadd.f32 v18, v13;
	v62 =	vmul.f32 $1.442695020e+00, v58;
	v13 =	vpop (erf);
	(erf) = vpow2.f32 v16  }
0x1a7: {  	v54 =	vmul.f32 $1.442695020e+00, v60;
	v63 =	vadd.f32 v19, v14;
	v14 =	vpop (erf);
	(erf) = vpow2.f32 v61  }
0x1a8: {  	v3 =	vadd.f32 v24, v3;
	v4 =	vadd.f32 v25, v17;
	v57 =	vpop (erf);
	(erf) = vpow2.f32 v62  }
0x1a9: {  	v55 =	vadd.f32 v20, v7;
	v56 =	vadd.f32 v21, v8;
	v60 =	vpop (erf);
	(erf) = vpow2.f32 v54  }
0x1aa: {  	v5 =	vadd.f32 v26, v5;
	v58 =	vadd.f32 v22, v9;
	v61 =	vpop (erf)  }
0x1ab: {  	v59 =	vadd.f32 v23, v10;
	v2 =	vadd.f32 v15, v55;
	v62 =	vpop (erf)  }
0x1ac: {  	v7 =	vadd.f32 v11, v56;
	v6 =	vadd.f32 v27, v63;
	v63 =	vpop (erf)  }
0x1ad: {  	v0 =	vadd.f32 v12, v58;
	v9 =	vadd.f32 v13, v59;
	v18 =	vpop (erf)  }
0x1ae: {  	v3 =	vadd.f32 v14, v3;
	v4 =	vadd.f32 v57, v4;
	v19 =	vpop (erf)  }
0x1af: {  	s17 =	sadd.s32 $0x1, s1;
	v5 =	vadd.f32 v60, v5;
	v1 =	vadd.f32 v61, v6;
	v20 =	vpop (erf)  }
0x1b0: {  	v24 =	vmov s17;
	v2 =	vadd.f32 v62, v2;
	v7 =	vadd.f32 v63, v7;
	v21 =	vpop (erf)  }
0x1b1: {  	v25 =	vshll.u32 v24, $0xB;
	v0 =	vadd.f32 v18, v0;
	v9 =	vadd.f32 v19, v9;
	v22 =	vpop (erf)  }
0x1b2: {  	v26 =	vand.u32 $0x4000, v25;
	v3 =	vadd.f32 v20, v3;
	v4 =	vadd.f32 v21, v4;
	v23 =	vpop (erf)  }
0x1b3: {  	v27 =	vadd.s32 v29, v26;
	v5 =	vadd.f32 v22, v5;
	v1 =	vadd.f32 v23, v1  }
0x1b4: {  	v6 =	vshll.u32 v24, $0x7;
	v2 =	vadd.f32 v7, v2;
	v0 =	vadd.f32 v9, v0  }
0x1b5: {  	v6 =	vand.u32 $0x380, v6;
	v3 =	vadd.f32 v4, v3;
	v1 =	vadd.f32 v1, v5  }
0x1b6: {  	v5 =	vor.u32 v6, v27  }
0x1b7: {  	v0 =	vadd.f32 v0, v2;
	v28 =	vor.u32 v28, v5;
	v1 =	vadd.f32 v1, v3;
	_ =	sdelay $0x1  }
0x1b8: {  	v0 =	vadd.f32 v1, v0;
	_ =	sdelay $0x1  }
0x1b9: {  	v29 =	vadd.s32 v31, v26;
	[tilespmem:s0+$0x0] =	vst v0  }
0x1ba: {  	v0 =	vor.u32 v6, v29;
	v31 =	vld.idx.msk [tilespmem:v28+s3+$0x0], $0xffff  }
0x1bb: {  	v0 =	vor.u32 v30, v0;
	_ =	sdelay $0x2  }
0x1bc: {  	s10 =	sor.u32 s11, s10  }
0x1bd: {  	v33 =	vadd.s32 v33, v26;
	[tilespmem:s10+$0x0] =	vst v31  }
0x1be: {  	v1 =	vor.u32 v6, v33;
	v0 =	vld.idx.msk [tilespmem:v0+s3+$0x0], $0xffff  }
0x1bf: {  	v1 =	vor.u32 v32, v1;
	_ =	sdelay $0x3  }
0x1c0: {  	v54 =	vadd.s32 v35, v26;
	[tilespmem:s10+$0x10] =	vst v0  }
0x1c1: {  	v0 =	vor.u32 v6, v54;
	v1 =	vld.idx.msk [tilespmem:v1+s3+$0x0], $0xffff  }
0x1c2: {  	v0 =	vor.u32 v34, v0;
	_ =	sdelay $0x3  }
0x1c3: {  	v55 =	vadd.s32 v37, v26;
	[tilespmem:s10+$0x20] =	vst v1  }
0x1c4: {  	v1 =	vor.u32 v6, v55;
	v0 =	vld.idx.msk [tilespmem:v0+s3+$0x0], $0xffff  }
0x1c5: {  	v1 =	vor.u32 v36, v1;
	_ =	sdelay $0x3  }
0x1c6: {  	v56 =	vadd.s32 v39, v26;
	[tilespmem:s10+$0x30] =	vst v0  }
0x1c7: {  	v0 =	vor.u32 v6, v56;
	v1 =	vld.idx.msk [tilespmem:v1+s3+$0x0], $0xffff  }
0x1c8: {  	v0 =	vor.u32 v38, v0;
	_ =	sdelay $0x3  }
0x1c9: {  	v57 =	vadd.s32 v41, v26;
	[tilespmem:s10+$0x40] =	vst v1  }
0x1ca: {  	v1 =	vor.u32 v6, v57;
	v0 =	vld.idx.msk [tilespmem:v0+s3+$0x0], $0xffff  }
0x1cb: {  	v1 =	vor.u32 v40, v1;
	_ =	sdelay $0x3  }
0x1cc: {  	v58 =	vadd.s32 v43, v26;
	[tilespmem:s10+$0x50] =	vst v0  }
0x1cd: {  	v0 =	vor.u32 v6, v58;
	v1 =	vld.idx.msk [tilespmem:v1+s3+$0x0], $0xffff  }
0x1ce: {  	v0 =	vor.u32 v42, v0;
	_ =	sdelay $0x3  }
0x1cf: {  	v59 =	vadd.s32 v45, v26;
	[tilespmem:s10+$0x60] =	vst v1  }
0x1d0: {  	v1 =	vor.u32 v6, v59;
	v0 =	vld.idx.msk [tilespmem:v0+s3+$0x0], $0xffff  }
0x1d1: {  	v1 =	vor.u32 v44, v1;
	_ =	sdelay $0x3  }
0x1d2: {  	v60 =	vadd.s32 v47, v26;
	[tilespmem:s10+$0x70] =	vst v0  }
0x1d3: {  	v0 =	vor.u32 v6, v60;
	v1 =	vld.idx.msk [tilespmem:v1+s3+$0x0], $0xffff  }
0x1d4: {  	v0 =	vor.u32 v46, v0;
	_ =	sdelay $0x3  }
0x1d5: {  	v61 =	vadd.s32 v49, v26;
	[tilespmem:s10+$0x400] =	vst v1  }
0x1d6: {  	v1 =	vor.u32 v6, v61;
	v0 =	vld.idx.msk [tilespmem:v0+s3+$0x0], $0xffff  }
0x1d7: {  	v1 =	vor.u32 v48, v1;
	_ =	sdelay $0x3  }
0x1d8: {  	v62 =	vadd.s32 v51, v26;
	[tilespmem:s10+$0x410] =	vst v0  }
0x1d9: {  	v0 =	vor.u32 v6, v62;
	v1 =	vld.idx.msk [tilespmem:v1+s3+$0x0], $0xffff  }
0x1da: {  	v0 =	vor.u32 v50, v0;
	_ =	sdelay $0x3  }
0x1db: {  	v63 =	vadd.s32 v53, v26;
	[tilespmem:s10+$0x420] =	vst v1  }
0x1dc: {  	v1 =	vor.u32 v6, v63;
	v0 =	vld.idx.msk [tilespmem:v0+s3+$0x0], $0xffff  }
0x1dd: {  	v1 =	vor.u32 v52, v1;
	_ =	sdelay $0x3  }
0x1de: {  	[tilespmem:s10+$0x430] =	vst v0  }
0x1df: {  	p0 =	slt.u32 s1, $0xE;
	v0 =	vld.idx.msk [tilespmem:v1+s3+$0x0], $0xffff  }
.Ltmp0:
0x1e0: {  	_ = 	snop;
	(pc) =	sbr.rel @p0 .LBB2_3-.Ltmp0, $2  }
0x1e1: {  	_ =	sdelay $0x2  }
0x1e2: {  	s16 =	sadd.s32 $0x100, s16;
	s1 =	sadd.s32 $0x2, s1;
	s0 =	sadd.s32 $0x100, s0;
	[tilespmem:s10+$0x440] =	vst v0  }
0x1e3: {  	s0 =	sadd.s32 s6, s31  }
0x1e4: {  	s1 =	sshll.u32 s0, $0xC  }
0x1e5: {  	s1 =	sadd.s32 s4, s1  }
0x1e6: {  	s1 =	sshrl.u32 s1, $0x3  }
0x1e7: {  	s1 =	sadd.s32 s7, s1  }
0x1e8: {  	[hbm4b:s1+s15] =	stream.strided.scatter [tilespmem:s21], [sflag:$0x3], $0x400, s20, s15, $0x38;
	[tilespmem:$0x11900] =	vst v63  }
0x1e9: {  	s10 =	sadd.s32 $0x80, s1  }
0x1ea: {  	[hbm4b:s10+s15] =	stream.strided.scatter [tilespmem:s22], [sflag:$0x3], $0x400, s20, s15, $0x38;
	[tilespmem:$0x11900] =	vst v63  }
0x1eb: {  	s17 =	sadd.s32 $0x1000, s1  }
0x1ec: {  	[hbm4b:s17+s15] =	stream.strided.scatter [tilespmem:s23], [sflag:$0x3], $0x400, s20, s15, $0x38;
	[tilespmem:$0x11900] =	vst v63  }
0x1ed: {  	s0 =	sshll.u32 s0, $0x7;
	s1 =	sadd.s32 $0x1080, s1  }
0x1ee: {  	[hbm4b:s1+s15] =	stream.strided.scatter [tilespmem:s24], [sflag:$0x3], $0x400, s20, s15, $0x38;
	[tilespmem:$0x11900] =	vst v63  }
0x1ef: {  	s0 =	sadd.s32 s12, s0;
	_ =	swait.ge [sflag:s18], $0x1000  }
0x1f0: {  	s0 =	sshrl.u32 s0, $0x3;
	[sflag:s18] =	ssyncset.done $0x0  }
0x1f1: {  	s0 =	sadd.s32 s8, s0;
	[sflag:s18] =	ssyncadd.s32 $0xFFFFF000  }
0x1f2: {  	[hbm4b:s0+s3] =	stream.linear.scatter [tilespmem:s25], [sflag:$0x3], $0x800, $0x38;
	[tilespmem:$0x11900] =	vst v63  }
0x1f3: {  	_ =	swait.ge [sflag:s18], $0x800  }
0x1f4: {  	p0 =	seq.s32 s29, $0x18;
	[sflag:s18] =	ssyncset.done $0x0  }
0x1f5: {  	s0 =	sshll.u32 @!p0 s29, $0x10;
	[sflag:s18] =	ssyncadd.s32 $0xFFFFF800  }
0x1f6: {  	s0 =	sadd.s32 @!p0 s0, s13;
	_ =	swait.ge [sflag:s26], $0x8000  }
0x1f7: {  	s0 =	sshrl.u32 @!p0 s0, $0x3;
	[sflag:s26] =	ssyncset.done $0x0  }
0x1f8: {  	s1 =	simm.s32 @!p0 $0x0;
	s0 =	sadd.s32 @!p0 s2, s0;
	[sflag:s26] =	ssyncadd.s32 $0xFFFF8000  }
0x1f9: {  	[tilespmem:s1], [sflag:$0x1] =	stream.linear.gather @!p0 [hbm4b:s0+s1], $0x8000, $0x38;
	[tilespmem:$0x11900] =	vst v63  }
0x1fa: {  	s31 =	simm.s32 $0x11080;
	s1 =	simm.s32 $0x0;
	s0 =	simm.s32 $0x80  }
.LBB2_5:
0x1fb: {  	s10 =	sshll.u32 s1, $0xB  }
0x1fc: {  	s11 =	sadd.s32 $0xFFFFFF80, s0;
	s10 =	sand.u32 $0x3FFFC000, s10  }
0x1fd: {  	s11 =	sand.u32 $0x300, s11;
	s16 =	sadd.s32 $0x8000, s10  }
0x1fe: {  	s10 =	sor.u32 s11, s16  }
0x1ff: {  	v0 =	vld [tilespmem:s10+$0x0]  }
0x200: {  	v1 =	vld [tilespmem:s10+$0x10]  }
0x201: {  	v2 =	vld [tilespmem:s10+$0x20]  }
0x202: {  	v3 =	vld [tilespmem:s10+$0x30]  }
0x203: {  	v4 =	vld [tilespmem:s10+$0x40]  }
0x204: {  	v5 =	vld [tilespmem:s10+$0x50]  }
0x205: {  	v6 =	vld [tilespmem:s10+$0x60];
	v0 =	vmul.f32 $1.442695020e+00, v0  }
0x206: {  	v63 =	vld [tilespmem:s10+$0x70];
	v1 =	vmul.f32 $1.442695020e+00, v1;
	v62 =	vmul.f32 $1.442695020e+00, v2  }
0x207: {  	v10 =	vld [tilespmem:s10+$0x400];
	v9 =	vmul.f32 $1.442695020e+00, v3;
	(erf) = vpow2.f32 v0  }
0x208: {  	v12 =	vld [tilespmem:s10+$0x410];
	v11 =	vmul.f32 $1.442695020e+00, v4;
	(erf) = vpow2.f32 v1  }
0x209: {  	v14 =	vld [tilespmem:s10+$0x420];
	v13 =	vmul.f32 $1.442695020e+00, v5;
	(erf) = vpow2.f32 v62  }
0x20a: {  	v16 =	vld [tilespmem:s10+$0x430];
	v15 =	vmul.f32 $1.442695020e+00, v6;
	(erf) = vpow2.f32 v9  }
0x20b: {  	v18 =	vld [tilespmem:s10+$0x440];
	v17 =	vmul.f32 $1.442695020e+00, v63;
	(erf) = vpow2.f32 v11  }
0x20c: {  	v20 =	vld [tilespmem:s10+$0x450];
	v19 =	vmul.f32 $1.442695020e+00, v10;
	(erf) = vpow2.f32 v13  }
0x20d: {  	v22 =	vld [tilespmem:s10+$0x460];
	v21 =	vmul.f32 $1.442695020e+00, v12;
	(erf) = vpow2.f32 v15  }
0x20e: {  	v24 =	vld [tilespmem:s10+$0x470];
	v23 =	vmul.f32 $1.442695020e+00, v14;
	(erf) = vpow2.f32 v17  }
0x20f: {  	v26 =	vld [tilespmem:s10+$0x800];
	v25 =	vmul.f32 $1.442695020e+00, v16;
	(erf) = vpow2.f32 v19  }
0x210: {  	v34 =	vld [tilespmem:s10+$0x810];
	v33 =	vmul.f32 $1.442695020e+00, v18;
	v41 =	vpop (erf);
	(erf) = vpow2.f32 v21  }
0x211: {  	v36 =	vld [tilespmem:s10+$0x820];
	v35 =	vmul.f32 $1.442695020e+00, v20;
	v39 =	vpop (erf);
	(erf) = vpow2.f32 v23  }
0x212: {  	v40 =	vld [tilespmem:s10+$0x830];
	v38 =	vmul.f32 $1.442695020e+00, v22;
	v37 =	vpop (erf);
	(erf) = vpow2.f32 v25  }
0x213: {  	v43 =	vld [tilespmem:s10+$0x840];
	v42 =	vmul.f32 $1.442695020e+00, v24;
	v30 =	vpop (erf);
	(erf) = vpow2.f32 v33  }
0x214: {  	v45 =	vld [tilespmem:s10+$0x850];
	v44 =	vmul.f32 $1.442695020e+00, v26;
	v29 =	vpop (erf);
	(erf) = vpow2.f32 v35  }
0x215: {  	v47 =	vld [tilespmem:s10+$0x860];
	v46 =	vmul.f32 $1.442695020e+00, v34;
	v28 =	vpop (erf);
	(erf) = vpow2.f32 v38  }
0x216: {  	v49 =	vld [tilespmem:s10+$0x870];
	v48 =	vmul.f32 $1.442695020e+00, v36;
	v27 =	vpop (erf);
	(erf) = vpow2.f32 v42  }
0x217: {  	v51 =	vld [tilespmem:s10+$0xC00];
	v50 =	vmul.f32 $1.442695020e+00, v40;
	v26 =	vpop (erf);
	(erf) = vpow2.f32 v44  }
0x218: {  	v57 =	vld [tilespmem:s10+$0xC30];
	v52 =	vmul.f32 $1.442695020e+00, v43;
	v17 =	vpop (erf);
	(erf) = vpow2.f32 v46  }
0x219: {  	v53 =	vld [tilespmem:s10+$0xC10];
	v54 =	vmul.f32 $1.442695020e+00, v45;
	v16 =	vpop (erf);
	(erf) = vpow2.f32 v48  }
0x21a: {  	v55 =	vld [tilespmem:s10+$0xC20];
	v56 =	vmul.f32 $1.442695020e+00, v47;
	v15 =	vpop (erf);
	(erf) = vpow2.f32 v50  }
0x21b: {  	v59 =	vld [tilespmem:s10+$0xC40];
	v58 =	vmul.f32 $1.442695020e+00, v49;
	v14 =	vpop (erf);
	(erf) = vpow2.f32 v52  }
0x21c: {  	v61 =	vld [tilespmem:s10+$0xC50];
	v60 =	vmul.f32 $1.442695020e+00, v51;
	v13 =	vpop (erf);
	(erf) = vpow2.f32 v54  }
0x21d: {  	v18 =	vld [tilespmem:s10+$0xC70];
	v24 =	vmul.f32 $1.442695020e+00, v57;
	v12 =	vpop (erf);
	(erf) = vpow2.f32 v56  }
0x21e: {  	v63 =	vld [tilespmem:s10+$0xC60];
	v62 =	vmul.f32 $1.442695020e+00, v53;
	v11 =	vpop (erf);
	(erf) = vpow2.f32 v58  }
0x21f: {  	v20 =	vld [tilespmem:s10+$0x1020];
	v23 =	vmul.f32 $1.442695020e+00, v55;
	v10 =	vpop (erf);
	(erf) = vpow2.f32 v60  }
0x220: {  	v31 =	vmul.f32 $1.442695020e+00, v59;
	v25 =	vld [tilespmem:s10+$0x1000];
	v9 =	vpop (erf);
	(erf) = vpow2.f32 v62  }
0x221: {  	v32 =	vmul.f32 $1.442695020e+00, v61;
	v19 =	vld [tilespmem:s10+$0x1010];
	v8 =	vpop (erf);
	(erf) = vpow2.f32 v23  }
0x222: {  	v22 =	vld [tilespmem:s10+$0x1050];
	v34 =	vmul.f32 $1.442695020e+00, v18;
	v7 =	vpop (erf);
	(erf) = vpow2.f32 v24  }
0x223: {  	v21 =	vld [tilespmem:s10+$0x1030];
	v33 =	vmul.f32 $1.442695020e+00, v63;
	v6 =	vpop (erf);
	(erf) = vpow2.f32 v31  }
0x224: {  	v20 =	vmul.f32 $1.442695020e+00, v20;
	v35 =	vld [tilespmem:s10+$0x1040];
	v5 =	vpop (erf);
	(erf) = vpow2.f32 v32  }
0x225: {  	v40 =	vld [tilespmem:s10+$0x1400];
	v36 =	vmul.f32 $1.442695020e+00, v25;
	v4 =	vpop (erf);
	(erf) = vpow2.f32 v33  }
0x226: {  	v19 =	vmul.f32 $1.442695020e+00, v19;
	v23 =	vld [tilespmem:s10+$0x1060];
	v3 =	vpop (erf);
	(erf) = vpow2.f32 v34  }
0x227: {  	v43 =	vmul.f32 $1.442695020e+00, v22;
	v24 =	vld [tilespmem:s10+$0x1070];
	v2 =	vpop (erf);
	(erf) = vpow2.f32 v36  }
0x228: {  	v0 =	vld [tilespmem:s10+$0x1460];
	v38 =	vmul.f32 $1.442695020e+00, v21;
	v1 =	vpop (erf);
	(erf) = vpow2.f32 v19  }
0x229: {  	v42 =	vld [tilespmem:s10+$0x1410];
	v18 =	vmul.f32 $1.442695020e+00, v35;
	v31 =	vpop (erf);
	(erf) = vpow2.f32 v20  }
0x22a: {  	v49 =	vmul.f32 $1.442695020e+00, v40;
	v44 =	vld [tilespmem:s10+$0x1420];
	v63 =	vpop (erf);
	(erf) = vpow2.f32 v38  }
0x22b: {  	v46 =	vld [tilespmem:s10+$0x1430];
	v45 =	vmul.f32 $1.442695020e+00, v23;
	v61 =	vpop (erf);
	(erf) = vpow2.f32 v18  }
0x22c: {  	v48 =	vld [tilespmem:s10+$0x1440];
	v47 =	vmul.f32 $1.442695020e+00, v24;
	v60 =	vpop (erf);
	(erf) = vpow2.f32 v43  }
0x22d: {  	v55 =	vmul.f32 $1.442695020e+00, v0;
	v50 =	vld [tilespmem:s10+$0x1450];
	v59 =	vpop (erf);
	(erf) = vpow2.f32 v45  }
0x22e: {  	v62 =	vmul.f32 $1.442695020e+00, v42;
	v32 =	vld [tilespmem:s10+$0x1470];
	v57 =	vpop (erf);
	(erf) = vpow2.f32 v47  }
0x22f: {  	v25 =	vmul.f32 $1.442695020e+00, v44;
	v34 =	vld [tilespmem:s10+$0x1800];
	v56 =	vpop (erf);
	(erf) = vpow2.f32 v49  }
0x230: {  	v33 =	vmul.f32 $1.442695020e+00, v46;
	v36 =	vld [tilespmem:s10+$0x1810];
	v54 =	vpop (erf);
	(erf) = vpow2.f32 v62  }
0x231: {  	v40 =	vld [tilespmem:s10+$0x1820];
	v35 =	vmul.f32 $1.442695020e+00, v48;
	v53 =	vpop (erf);
	(erf) = vpow2.f32 v25  }
0x232: {  	v0 =	vld [tilespmem:s10+$0x1840];
	v38 =	vmul.f32 $1.442695020e+00, v50;
	v52 =	vpop (erf);
	(erf) = vpow2.f32 v33  }
0x233: {  	v58 =	vld [tilespmem:s10+$0x1830];
	v62 =	vmul.f32 $1.442695020e+00, v32;
	v50 =	vpop (erf);
	(erf) = vpow2.f32 v35  }
0x234: {  	v21 =	vld [tilespmem:s10+$0x1870];
	v32 =	vmul.f32 $1.442695020e+00, v34;
	v48 =	vpop (erf);
	(erf) = vpow2.f32 v38  }
0x235: {  	v34 =	vmul.f32 $1.442695020e+00, v36;
	v33 =	vld [tilespmem:s10+$0x1850];
	v47 =	vpop (erf);
	(erf) = vpow2.f32 v55  }
0x236: {  	v35 =	vld [tilespmem:s10+$0x1860];
	v38 =	vmul.f32 $1.442695020e+00, v40;
	v46 =	vpop (erf);
	(erf) = vpow2.f32 v62  }
0x237: {  	v51 =	vmul.f32 $1.442695020e+00, v0;
	v49 =	vld [tilespmem:s10+$0x1C00];
	v44 =	vpop (erf);
	(erf) = vpow2.f32 v32  }
0x238: {  	v22 =	vld [tilespmem:s10+$0x1C10];
	v45 =	vmul.f32 $1.442695020e+00, v58;
	v42 =	vpop (erf);
	(erf) = vpow2.f32 v34  }
0x239: {  	v43 =	vmul.f32 $1.442695020e+00, v21;
	v36 =	vld [tilespmem:s10+$0x1C20];
	v40 =	vpop (erf);
	(erf) = vpow2.f32 v38  }
0x23a: {  	v0 =	vld [tilespmem:s10+$0x1C30];
	v55 =	vmul.f32 $1.442695020e+00, v33;
	v38 =	vpop (erf);
	(erf) = vpow2.f32 v45  }
0x23b: {  	v62 =	vmul.f32 $1.442695020e+00, v35;
	v45 =	vld [tilespmem:s10+$0x1C40];
	v58 =	vpop (erf);
	(erf) = vpow2.f32 v51  }
0x23c: {  	v49 =	vmul.f32 $1.442695020e+00, v49;
	v51 =	vld [tilespmem:s10+$0x1C50];
	v32 =	vpop (erf);
	(erf) = vpow2.f32 v55  }
0x23d: {  	v55 =	vmul.f32 $1.442695020e+00, v22;
	v22 =	vld [tilespmem:s10+$0x1C60];
	v33 =	vpop (erf);
	(erf) = vpow2.f32 v62  }
0x23e: {  	v23 =	vld [tilespmem:s10+$0x1C70];
	[tilespmem:$0x1FE40] =	vst v58;
	v58 =	vmul.f32 $1.442695020e+00, v36;
	v34 =	vpop (erf);
	(erf) = vpow2.f32 v43  }
0x23f: {  	v62 =	vmul.f32 $1.442695020e+00, v0;
	v35 =	vpop (erf);
	(erf) = vpow2.f32 v49  }
0x240: {  	v0 =	vld [tilespmem:s10+$0x2000];
	v25 =	vmul.f32 $1.442695020e+00, v45;
	v36 =	vpop (erf);
	(erf) = vpow2.f32 v55  }
0x241: {  	v21 =	vld [tilespmem:s10+$0x2010];
	v55 =	vmul.f32 $1.442695020e+00, v51;
	v43 =	vpop (erf);
	(erf) = vpow2.f32 v58  }
0x242: {  	v20 =	vld [tilespmem:s10+$0x2020];
	v58 =	vmul.f32 $1.442695020e+00, v22;
	v45 =	vpop (erf);
	(erf) = vpow2.f32 v62  }
0x243: {  	v22 =	vld [tilespmem:s10+$0x2030];
	v62 =	vmul.f32 $1.442695020e+00, v23;
	v49 =	vpop (erf);
	(erf) = vpow2.f32 v25  }
0x244: {  	v23 =	vld [tilespmem:s10+$0x2040];
	v51 =	vpop (erf);
	(erf) = vpow2.f32 v55  }
0x245: {  	v17 =	vadd.f32 v17, v41;
	v24 =	vld [tilespmem:s10+$0x2050];
	v0 =	vmul.f32 $1.442695020e+00, v0;
	v55 =	vpop (erf);
	(erf) = vpow2.f32 v58  }
0x246: {  	v16 =	vadd.f32 v16, v39;
	v25 =	vmul.f32 $1.442695020e+00, v21;
	v21 =	vld [tilespmem:s10+$0x2060];
	v58 =	vpop (erf);
	(erf) = vpow2.f32 v62  }
0x247: {  	v15 =	vadd.f32 v15, v37;
	v62 =	vpop (erf);
	(erf) = vpow2.f32 v0;
	v0 =	vmul.f32 $1.442695020e+00, v20;
	v20 =	vld [tilespmem:s10+$0x2070]  }
0x248: {  	v14 =	vadd.f32 v14, v30;
	v41 =	vpop (erf);
	(erf) = vpow2.f32 v25;
	v25 =	vmul.f32 $1.442695020e+00, v22;
	v22 =	vld [tilespmem:s10+$0x2400]  }
0x249: {  	v28 =	vadd.f32 v12, v28;
	v39 =	vpop (erf);
	(erf) = vpow2.f32 v0;
	v0 =	vmul.f32 $1.442695020e+00, v23;
	v23 =	vld [tilespmem:s10+$0x2410]  }
0x24a: {  	v27 =	vadd.f32 v11, v27;
	v19 =	vmul.f32 $1.442695020e+00, v24;
	v24 =	vld [tilespmem:s10+$0x2420];
	v37 =	vpop (erf);
	(erf) = vpow2.f32 v25  }
0x24b: {  	v16 =	vadd.f32 v8, v16;
	v30 =	vpop (erf);
	(erf) = vpow2.f32 v0;
	v0 =	vmul.f32 $1.442695020e+00, v21;
	v21 =	vld [tilespmem:s10+$0x2430]  }
0x24c: {  	v25 =	vadd.f32 v13, v29;
	v13 =	vpop (erf);
	(erf) = vpow2.f32 v19;
	v19 =	vmul.f32 $1.442695020e+00, v20;
	v20 =	vld [tilespmem:s10+$0x2440]  }
0x24d: {  	v26 =	vadd.f32 v10, v26;
	v12 =	vpop (erf);
	(erf) = vpow2.f32 v0;
	v0 =	vmul.f32 $1.442695020e+00, v22;
	v22 =	vld [tilespmem:s10+$0x2450]  }
0x24e: {  	v31 =	vadd.f32 v31, v16;
	v11 =	vpop (erf);
	(erf) = vpow2.f32 v19;
	v29 =	vmul.f32 $1.442695020e+00, v23;
	v23 =	vld [tilespmem:s10+$0x2460]  }
0x24f: {  	v17 =	vadd.f32 v9, v17;
	v10 =	vpop (erf);
	(erf) = vpow2.f32 v0;
	v0 =	vmul.f32 $1.442695020e+00, v24;
	v24 =	vld [tilespmem:s10+$0x2470]  }
0x250: {  	v18 =	vld [tilespmem:s10+$0x2830];
	v31 =	vadd.f32 v53, v31;
	v9 =	vpop (erf);
	(erf) = vpow2.f32 v29;
	v29 =	vmul.f32 $1.442695020e+00, v21  }
0x251: {  	v15 =	vadd.f32 v7, v15;
	v21 =	vld [tilespmem:s10+$0x2800];
	v8 =	vpop (erf);
	(erf) = vpow2.f32 v0;
	v0 =	vmul.f32 $1.442695020e+00, v20  }
0x252: {  	v31 =	vadd.f32 v40, v31;
	v20 =	vld [tilespmem:s10+$0x2810];
	v7 =	vpop (erf);
	(erf) = vpow2.f32 v29;
	v19 =	vmul.f32 $1.442695020e+00, v22  }
0x253: {  	v22 =	vld [tilespmem:s10+$0x2820];
	v29 =	vadd.f32 v6, v14;
	v6 =	vpop (erf);
	(erf) = vpow2.f32 v0;
	v0 =	vmul.f32 $1.442695020e+00, v23  }
0x254: {  	v23 =	vadd.f32 v5, v25;
	v5 =	vpop (erf);
	(erf) = vpow2.f32 v19;
	v19 =	vmul.f32 $1.442695020e+00, v24;
	v24 =	vld [tilespmem:s10+$0x2840]  }
0x255: {  	v31 =	vadd.f32 v43, v31;
	v43 =	vld [tilespmem:$0x1FF50];
	v25 =	vadd.f32 v4, v28;
	v4 =	vpop (erf);
	(erf) = vpow2.f32 v0  }
0x256: {  	v14 =	vmul.f32 $1.442695020e+00, v21;
	v21 =	vld [tilespmem:s10+$0x2850];
	v0 =	vadd.f32 v1, v17;
	v17 =	vmul.f32 $1.442695020e+00, v18  }
0x257: {  	v27 =	vadd.f32 v3, v27;
	v3 =	vpop (erf);
	(erf) = vpow2.f32 v19;
	v19 =	vmul.f32 $1.442695020e+00, v20;
	v20 =	vld [tilespmem:s10+$0x2860]  }
0x258: {  	v28 =	vadd.f32 v2, v26;
	v2 =	vpop (erf);
	(erf) = vpow2.f32 v14;
	v26 =	vmul.f32 $1.442695020e+00, v22;
	v22 =	vld [tilespmem:s10+$0x2870]  }
0x259: {  	v1 =	vpop (erf);
	(erf) = vpow2.f32 v19;
	v19 =	vld [tilespmem:s10+$0x2C00];
	v16 =	vmul.f32 $1.442695020e+00, v24  }
0x25a: {  	v18 =	vpop (erf);
	(erf) = vpow2.f32 v26;
	v24 =	vld [tilespmem:s10+$0x2C10]  }
0x25b: {  	v63 =	vadd.f32 v63, v15;
	v14 =	vpop (erf);
	(erf) = vpow2.f32 v17;
	v26 =	vmul.f32 $1.442695020e+00, v21;
	v21 =	vld [tilespmem:s10+$0x2C20]  }
0x25c: {  	v29 =	vadd.f32 v61, v29;
	v61 =	vld [tilespmem:s10+$0x2C30];
	v15 =	vpop (erf);
	(erf) = vpow2.f32 v16;
	v20 =	vmul.f32 $1.442695020e+00, v20  }
0x25d: {  	v23 =	vadd.f32 v60, v23;
	v60 =	vld [tilespmem:s10+$0x2C40];
	v22 =	vmul.f32 $1.442695020e+00, v22;
	v16 =	vpop (erf);
	(erf) = vpow2.f32 v26  }
0x25e: {  	v57 =	vadd.f32 v57, v27;
	v19 =	vmul.f32 $1.442695020e+00, v19;
	v17 =	vpop (erf);
	(erf) = vpow2.f32 v20;
	v20 =	vld [tilespmem:s10+$0x2C50]  }
0x25f: {  	v25 =	vadd.f32 v59, v25;
	v59 =	vmul.f32 $1.442695020e+00, v24;
	v24 =	vld [tilespmem:s10+$0x2C60];
	v26 =	vpop (erf);
	(erf) = vpow2.f32 v22  }
0x260: {  	v28 =	vadd.f32 v56, v28;
	v27 =	vpop (erf);
	(erf) = vpow2.f32 v19;
	v19 =	vmul.f32 $1.442695020e+00, v21;
	v21 =	vld [tilespmem:s10+$0x2C70]  }
0x261: {  	v56 =	vld [tilespmem:s10+$0x3000];
	v0 =	vadd.f32 v54, v0;
	v22 =	vmul.f32 $1.442695020e+00, v61;
	v54 =	vpop (erf);
	(erf) = vpow2.f32 v59  }
0x262: {  	v52 =	vadd.f32 v52, v63;
	v59 =	vld [tilespmem:s10+$0x3010];
	v53 =	vpop (erf);
	(erf) = vpow2.f32 v19;
	v19 =	vmul.f32 $1.442695020e+00, v60  }
0x263: {  	v31 =	vadd.f32 v39, v31;
	v60 =	vpop (erf);
	(erf) = vpow2.f32 v22;
	v20 =	vmul.f32 $1.442695020e+00, v20;
	v22 =	vld [tilespmem:s10+$0x3020]  }
0x264: {  	v39 =	vld [tilespmem:$0x1FF10];
	v29 =	vadd.f32 v50, v29;
	v61 =	vmul.f32 $1.442695020e+00, v24;
	v50 =	vpop (erf);
	(erf) = vpow2.f32 v19  }
0x265: {  	v23 =	vadd.f32 v48, v23;
	v24 =	vld [tilespmem:s10+$0x3030];
	v48 =	vpop (erf);
	(erf) = vpow2.f32 v20;
	v63 =	vmul.f32 $1.442695020e+00, v21  }
0x266: {  	v25 =	vadd.f32 v47, v25;
	v21 =	vld [tilespmem:s10+$0x3040];
	v47 =	vpop (erf);
	(erf) = vpow2.f32 v61;
	v61 =	vmul.f32 $1.442695020e+00, v56  }
0x267: {  	v46 =	vadd.f32 v46, v57;
	v56 =	vld [tilespmem:s10+$0x3050];
	v57 =	vpop (erf);
	(erf) = vpow2.f32 v63;
	v63 =	vmul.f32 $1.442695020e+00, v59  }
0x268: {  	v28 =	vadd.f32 v44, v28;
	v59 =	vld [tilespmem:s10+$0x3060];
	v44 =	vpop (erf);
	(erf) = vpow2.f32 v61;
	v61 =	vmul.f32 $1.442695020e+00, v22  }
0x269: {  	v0 =	vadd.f32 v42, v0;
	v22 =	vld [tilespmem:s10+$0x3070];
	v42 =	vpop (erf);
	(erf) = vpow2.f32 v63  }
0x26a: {  	v40 =	vpop (erf);
	(erf) = vpow2.f32 v61;
	v61 =	vld [tilespmem:$0x1FE40]  }
0x26b: {  	v8 =	vadd.f32 v8, v31;
	v31 =	vld [tilespmem:$0x1FE90];
	v0 =	vadd.f32 v36, v0;
	v63 =	vmul.f32 $1.442695020e+00, v24  }
0x26c: {  	v38 =	vadd.f32 v38, v52;
	v23 =	vadd.f32 v32, v23;
	v24 =	vld [tilespmem:s10+$0x3400]  }
0x26d: {  	v0 =	vadd.f32 v41, v0;
	v41 =	vld [tilespmem:$0x1FF30];
	v19 =	vmul.f32 $1.442695020e+00, v21;
	v52 =	vpop (erf);
	(erf) = vpow2.f32 v63  }
0x26e: {  	v21 =	vld [tilespmem:s10+$0x3410];
	v20 =	vmul.f32 $1.442695020e+00, v56;
	v63 =	vmul.f32 $1.442695020e+00, v22;
	v22 =	vadd.f32 v33, v25  }
0x26f: {  	v56 =	vld [tilespmem:s10+$0x3420];
	v59 =	vmul.f32 $1.442695020e+00, v59;
	v29 =	vadd.f32 v61, v29;
	v61 =	vpop (erf);
	(erf) = vpow2.f32 v19  }
0x270: {  	v0 =	vadd.f32 v9, v0;
	v22 =	vadd.f32 v55, v22;
	v55 =	vld [tilespmem:s10+$0x3800];
	v32 =	vpop (erf);
	(erf) = vpow2.f32 v20  }
0x271: {  	v25 =	vpop (erf);
	(erf) = vpow2.f32 v59;
	v59 =	vmul.f32 $1.442695020e+00, v24;
	v24 =	vadd.f32 v34, v46;
	v46 =	vld [tilespmem:$0x1FF80]  }
0x272: {  	v29 =	vadd.f32 v49, v29;
	v49 =	vld [tilespmem:$0x1FFB0];
	v12 =	vadd.f32 v12, v22  }
0x273: {  	v22 =	vld [tilespmem:s10+$0x3450];
	v33 =	vpop (erf);
	(erf) = vpow2.f32 v63;
	v63 =	vmul.f32 $1.442695020e+00, v21;
	v21 =	vadd.f32 v35, v28  }
0x274: {  	v28 =	vpop (erf);
	(erf) = vpow2.f32 v59;
	v59 =	vmul.f32 $1.442695020e+00, v56;
	v56 =	vadd.f32 v51, v23;
	v51 =	vld [tilespmem:$0x1FFD0]  }
0x275: {  	v0 =	vadd.f32 v1, v0;
	v24 =	vadd.f32 v58, v24;
	v58 =	vld [tilespmem:s10+$0x3820]  }
0x276: {  	v29 =	vadd.f32 v30, v29;
	v34 =	vpop (erf);
	(erf) = vpow2.f32 v63;
	v63 =	vadd.f32 v45, v38;
	v45 =	vld [tilespmem:$0x1FF70]  }
0x277: {  	v0 =	vadd.f32 v54, v0;
	v4 =	vadd.f32 v4, v12;
	v35 =	vpop (erf);
	(erf) = vpow2.f32 v59;
	v59 =	vld [tilespmem:s10+$0x3430]  }
0x278: {  	v21 =	vadd.f32 v62, v21;
	v6 =	vadd.f32 v6, v29;
	v29 =	vld [tilespmem:$0x1FE70]  }
0x279: {  	v13 =	vadd.f32 v13, v56;
	v11 =	vadd.f32 v11, v24;
	v24 =	vld [tilespmem:s10+$0x3460]  }
0x27a: {  	v4 =	vadd.f32 v17, v4;
	v56 =	vld [tilespmem:s10+$0x3810];
	v20 =	vadd.f32 v37, v63  }
0x27b: {  	v23 =	vpop (erf);
	v10 =	vadd.f32 v10, v21;
	v63 =	vadd.f32 v18, v8;
	v18 =	vld [tilespmem:s10+$0x3440]  }
0x27c: {  	v37 =	vld [tilespmem:$0x1FEF0];
	v36 =	vpop (erf);
	v5 =	vadd.f32 v5, v13;
	v6 =	vadd.f32 v15, v6  }
0x27d: {  	v4 =	vadd.f32 v47, v4;
	v47 =	vld [tilespmem:$0x1FF90];
	v38 =	vpop (erf);
	v2 =	vadd.f32 v2, v10  }
0x27e: {  	v7 =	vadd.f32 v7, v20;
	v1 =	vadd.f32 v53, v63;
	v53 =	vld [tilespmem:$0x1FFF0];
	v30 =	vpop (erf)  }
0x27f: {  	v5 =	vadd.f32 v16, v5;
	v19 =	vpop (erf);
	v62 =	vmul.f32 $1.442695020e+00, v59;
	v2 =	vadd.f32 v27, v2;
	v27 =	vld [tilespmem:s10+$0x3470]  }
0x280: {  	v6 =	vadd.f32 v50, v6;
	v50 =	vld [tilespmem:$0x1FFC0];
	v7 =	vadd.f32 v14, v7;
	v21 =	vpop (erf);
	v8 =	vmul.f32 $1.442695020e+00, v18  }
0x281: {  	v10 =	vmul.f32 $1.442695020e+00, v22;
	v5 =	vadd.f32 v48, v5;
	v48 =	vld [tilespmem:$0x1FFA0];
	v9 =	vpop (erf);
	(erf) = vpow2.f32 v62  }
0x282: {  	v0 =	vadd.f32 v42, v0;
	v7 =	vadd.f32 v60, v7;
	v60 =	vld [tilespmem:s10+$0x3830];
	v20 =	vpop (erf);
	(erf) = vpow2.f32 v8  }
0x283: {  	v59 =	vmul.f32 $1.442695020e+00, v24;
	v2 =	vadd.f32 v44, v2;
	v44 =	vld [tilespmem:$0x1FF60];
	v12 =	vpop (erf);
	(erf) = vpow2.f32 v10  }
0x284: {  	v3 =	vadd.f32 v3, v11;
	v22 =	vmul.f32 $1.442695020e+00, v55;
	v62 =	vmul.f32 $1.442695020e+00, v27;
	v63 =	vld [tilespmem:s10+$0x3840]  }
0x285: {  	v0 =	vadd.f32 v34, v0;
	v54 =	vmul.f32 $1.442695020e+00, v58;
	(erf) = vpow2.f32 v59;
	v24 =	vld [tilespmem:s10+$0x3850]  }
0x286: {  	v3 =	vadd.f32 v26, v3;
	v26 =	vmul.f32 $1.442695020e+00, v56;
	v27 =	vld [tilespmem:s10+$0x3860];
	(erf) = vpow2.f32 v62  }
0x287: {  	v4 =	vadd.f32 v25, v4;
	v1 =	vadd.f32 v40, v1;
	v55 =	vld [tilespmem:s10+$0x3870];
	(erf) = vpow2.f32 v22  }
0x288: {  	v3 =	vadd.f32 v57, v3;
	v57 =	vld [tilespmem:s10+$0x3C00];
	v56 =	vmul.f32 $1.442695020e+00, v60;
	(erf) = vpow2.f32 v26  }
0x289: {  	v6 =	vadd.f32 v61, v6;
	v59 =	vld [tilespmem:s10+$0x3C10];
	(erf) = vpow2.f32 v54;
	v58 =	vmul.f32 $1.442695020e+00, v63  }
0x28a: {  	v4 =	vadd.f32 v30, v4;
	v61 =	vld [tilespmem:s10+$0x3C20];
	v60 =	vmul.f32 $1.442695020e+00, v24;
	(erf) = vpow2.f32 v56  }
0x28b: {  	v1 =	vadd.f32 v35, v1;
	v62 =	vmul.f32 $1.442695020e+00, v27;
	v63 =	vld [tilespmem:s10+$0x3C30];
	v17 =	vpop (erf);
	(erf) = vpow2.f32 v58  }
0x28c: {  	v5 =	vadd.f32 v32, v5;
	v54 =	vmul.f32 $1.442695020e+00, v55;
	v55 =	vld [tilespmem:s10+$0x3C40];
	v18 =	vpop (erf);
	(erf) = vpow2.f32 v60  }
0x28d: {  	v7 =	vadd.f32 v52, v7;
	v56 =	vmul.f32 $1.442695020e+00, v57;
	v57 =	vld [tilespmem:s10+$0x3C50];
	v22 =	vpop (erf);
	(erf) = vpow2.f32 v62  }
0x28e: {  	v3 =	vadd.f32 v33, v3;
	v58 =	vmul.f32 $1.442695020e+00, v59;
	v59 =	vld [tilespmem:s10+$0x3C60];
	v24 =	vpop (erf);
	(erf) = vpow2.f32 v54  }
0x28f: {  	v7 =	vadd.f32 v23, v7;
	v60 =	vmul.f32 $1.442695020e+00, v61;
	v61 =	vld [tilespmem:s10+$0x3C70];
	v23 =	vpop (erf);
	(erf) = vpow2.f32 v56  }
0x290: {  	v6 =	vadd.f32 v36, v6;
	v62 =	vmul.f32 $1.442695020e+00, v63;
	v25 =	vpop (erf);
	(erf) = vpow2.f32 v58  }
0x291: {  	v0 =	vadd.f32 v9, v0;
	v26 =	vmul.f32 $1.442695020e+00, v55;
	v63 =	vpop (erf);
	(erf) = vpow2.f32 v60  }
0x292: {  	v2 =	vadd.f32 v28, v2;
	v54 =	vmul.f32 $1.442695020e+00, v57;
	v27 =	vpop (erf);
	(erf) = vpow2.f32 v62  }
0x293: {  	v1 =	vadd.f32 v20, v1;
	v56 =	vmul.f32 $1.442695020e+00, v59;
	v55 =	vpop (erf);
	(erf) = vpow2.f32 v26  }
0x294: {  	v5 =	vadd.f32 v38, v5;
	v58 =	vmul.f32 $1.442695020e+00, v61;
	v57 =	vpop (erf);
	(erf) = vpow2.f32 v54  }
0x295: {  	v3 =	vadd.f32 v19, v3;
	v2 =	vadd.f32 v21, v2;
	v59 =	vpop (erf);
	(erf) = vpow2.f32 v56  }
0x296: {  	v7 =	vadd.f32 v12, v7;
	v6 =	vadd.f32 v17, v6;
	v60 =	vpop (erf);
	(erf) = vpow2.f32 v58  }
0x297: {  	v5 =	vadd.f32 v18, v5;
	v4 =	vadd.f32 v22, v4;
	v61 =	vpop (erf)  }
0x298: {  	v3 =	vadd.f32 v24, v3;
	v2 =	vadd.f32 v23, v2;
	v62 =	vpop (erf)  }
0x299: {  	v0 =	vadd.f32 v25, v0;
	v1 =	vadd.f32 v63, v1;
	v63 =	vpop (erf)  }
0x29a: {  	v7 =	vadd.f32 v27, v7;
	v6 =	vadd.f32 v55, v6;
	v15 =	vpop (erf)  }
0x29b: {  	v5 =	vadd.f32 v57, v5;
	v4 =	vadd.f32 v59, v4;
	v16 =	vpop (erf)  }
0x29c: {  	v3 =	vadd.f32 v60, v3;
	v2 =	vadd.f32 v61, v2;
	v17 =	vpop (erf)  }
0x29d: {  	v21 =	vmov s1;
	v0 =	vadd.f32 v62, v0;
	v1 =	vadd.f32 v63, v1;
	v18 =	vpop (erf)  }
0x29e: {  	v23 =	vshll.u32 v21, $0xB;
	v7 =	vadd.f32 v15, v7;
	v6 =	vadd.f32 v16, v6;
	v19 =	vpop (erf)  }
0x29f: {  	v28 =	vld [tilespmem:$0x1FE60];
	v24 =	vand.u32 $0x4000, v23;
	v5 =	vadd.f32 v17, v5;
	v4 =	vadd.f32 v18, v4;
	v20 =	vpop (erf)  }
0x2a0: {  	v25 =	vshll.u32 v21, $0x7;
	v3 =	vadd.f32 v19, v3;
	v2 =	vadd.f32 v20, v2  }
0x2a1: {  	v26 =	vadd.s32 v29, v24;
	v0 =	vadd.f32 v1, v0;
	v22 =	vadd.f32 v6, v7  }
0x2a2: {  	v6 =	vand.u32 $0x300, v25;
	v4 =	vadd.f32 v4, v5;
	v2 =	vadd.f32 v2, v3  }
0x2a3: {  	v3 =	vor.u32 v6, v26  }
0x2a4: {  	v0 =	vadd.f32 v22, v0;
	v54 =	vor.u32 v28, v3;
	v27 =	vadd.f32 v2, v4  }
0x2a5: {  	v30 =	vld [tilespmem:$0x1FE80]  }
0x2a6: {  	v0 =	vadd.f32 v27, v0;
	_ =	sdelay $0x1  }
0x2a7: {  	v33 =	vld [tilespmem:$0x1FEB0];
	v55 =	vadd.s32 v31, v24;
	[tilespmem:s31+$0xFFFFFF80] =	vst v0  }
0x2a8: {  	v0 =	vor.u32 v6, v55;
	v56 =	vld.idx.msk [tilespmem:v54+s19+$0x0], $0xffff  }
0x2a9: {  	s14 =	sshll.u32 s1, $0x8;
	v0 =	vor.u32 v30, v0  }
0x2aa: {  	v32 =	vld [tilespmem:$0x1FEA0];
	s10 =	sand.u32 $0x3FFFF800, s14  }
0x2ab: {  	s10 =	sadd.s32 $0x10000, s10  }
0x2ac: {  	s14 =	sor.u32 s11, s10  }
0x2ad: {  	v35 =	vld [tilespmem:$0x1FED0];
	v57 =	vadd.s32 v33, v24;
	[tilespmem:s14+$0x0] =	vst v56  }
0x2ae: {  	v1 =	vor.u32 v6, v57;
	v0 =	vld.idx.msk [tilespmem:v0+s19+$0x0], $0xffff  }
0x2af: {  	v1 =	vor.u32 v32, v1  }
0x2b0: {  	v34 =	vld [tilespmem:$0x1FEC0];
	_ =	sdelay $0x2  }
0x2b1: {  	v58 =	vadd.s32 v35, v24;
	[tilespmem:s14+$0x10] =	vst v0  }
0x2b2: {  	v0 =	vor.u32 v6, v58;
	v1 =	vld.idx.msk [tilespmem:v1+s19+$0x0], $0xffff  }
0x2b3: {  	v0 =	vor.u32 v34, v0  }
0x2b4: {  	v36 =	vld [tilespmem:$0x1FEE0];
	_ =	sdelay $0x2  }
0x2b5: {  	v59 =	vadd.s32 v37, v24;
	[tilespmem:s14+$0x20] =	vst v1  }
0x2b6: {  	v1 =	vor.u32 v6, v59;
	v0 =	vld.idx.msk [tilespmem:v0+s19+$0x0], $0xffff  }
0x2b7: {  	v1 =	vor.u32 v36, v1  }
0x2b8: {  	v38 =	vld [tilespmem:$0x1FF00];
	_ =	sdelay $0x2  }
0x2b9: {  	v60 =	vadd.s32 v39, v24;
	[tilespmem:s14+$0x30] =	vst v0  }
0x2ba: {  	v0 =	vor.u32 v6, v60;
	v1 =	vld.idx.msk [tilespmem:v1+s19+$0x0], $0xffff  }
0x2bb: {  	v0 =	vor.u32 v38, v0  }
0x2bc: {  	v40 =	vld [tilespmem:$0x1FF20];
	_ =	sdelay $0x2  }
0x2bd: {  	v61 =	vadd.s32 v41, v24;
	[tilespmem:s14+$0x40] =	vst v1  }
0x2be: {  	v1 =	vor.u32 v6, v61;
	v0 =	vld.idx.msk [tilespmem:v0+s19+$0x0], $0xffff  }
0x2bf: {  	v1 =	vor.u32 v40, v1  }
0x2c0: {  	v42 =	vld [tilespmem:$0x1FF40];
	_ =	sdelay $0x2  }
0x2c1: {  	v62 =	vadd.s32 v43, v24;
	[tilespmem:s14+$0x50] =	vst v0  }
0x2c2: {  	v0 =	vor.u32 v6, v62;
	v1 =	vld.idx.msk [tilespmem:v1+s19+$0x0], $0xffff  }
0x2c3: {  	v0 =	vor.u32 v42, v0;
	_ =	sdelay $0x3  }
0x2c4: {  	v63 =	vadd.s32 v45, v24;
	[tilespmem:s14+$0x60] =	vst v1  }
0x2c5: {  	v1 =	vor.u32 v6, v63;
	v0 =	vld.idx.msk [tilespmem:v0+s19+$0x0], $0xffff  }
0x2c6: {  	v1 =	vor.u32 v44, v1;
	_ =	sdelay $0x3  }
0x2c7: {  	v4 =	vadd.s32 v47, v24;
	[tilespmem:s14+$0x70] =	vst v0  }
0x2c8: {  	v0 =	vor.u32 v6, v4;
	v1 =	vld.idx.msk [tilespmem:v1+s19+$0x0], $0xffff  }
0x2c9: {  	v0 =	vor.u32 v46, v0;
	_ =	sdelay $0x3  }
0x2ca: {  	v7 =	vadd.s32 v49, v24;
	[tilespmem:s14+$0x400] =	vst v1  }
0x2cb: {  	v1 =	vor.u32 v6, v7;
	v0 =	vld.idx.msk [tilespmem:v0+s19+$0x0], $0xffff  }
0x2cc: {  	v1 =	vor.u32 v48, v1;
	_ =	sdelay $0x3  }
0x2cd: {  	v8 =	vadd.s32 v51, v24;
	[tilespmem:s14+$0x410] =	vst v0  }
0x2ce: {  	v0 =	vor.u32 v6, v8;
	v1 =	vld.idx.msk [tilespmem:v1+s19+$0x0], $0xffff  }
0x2cf: {  	v0 =	vor.u32 v50, v0  }
0x2d0: {  	v52 =	vld [tilespmem:$0x1FFE0];
	_ =	sdelay $0x2  }
0x2d1: {  	v9 =	vadd.s32 v53, v24;
	[tilespmem:s14+$0x420] =	vst v1  }
0x2d2: {  	v1 =	vor.u32 v6, v9;
	v0 =	vld.idx.msk [tilespmem:v0+s19+$0x0], $0xffff  }
0x2d3: {  	v1 =	vor.u32 v52, v1;
	_ =	sdelay $0x3  }
0x2d4: {  	[tilespmem:s14+$0x430] =	vst v0  }
0x2d5: {  	v0 =	vld.idx.msk [tilespmem:v1+s19+$0x0], $0xffff;
	_ =	sdelay $0x3  }
0x2d6: {  	s11 =	sand.u32 $0x380, s0  }
0x2d7: {  	s16 =	sor.u32 s11, s16;
	[tilespmem:s14+$0x440] =	vst v0  }
0x2d8: {  	v0 =	vld [tilespmem:s16+$0x0]  }
0x2d9: {  	v10 =	vld [tilespmem:s16+$0x10]  }
0x2da: {  	v11 =	vld [tilespmem:s16+$0x20]  }
0x2db: {  	v12 =	vld [tilespmem:s16+$0x30]  }
0x2dc: {  	v13 =	vld [tilespmem:s16+$0x40]  }
0x2dd: {  	v14 =	vld [tilespmem:s16+$0x50];
	v0 =	vmul.f32 $1.442695020e+00, v0  }
0x2de: {  	v15 =	vld [tilespmem:s16+$0x60];
	v1 =	vmul.f32 $1.442695020e+00, v10  }
0x2df: {  	v17 =	vld [tilespmem:s16+$0x70];
	v16 =	vmul.f32 $1.442695020e+00, v11;
	(erf) = vpow2.f32 v0  }
0x2e0: {  	v19 =	vld [tilespmem:s16+$0x400];
	v18 =	vmul.f32 $1.442695020e+00, v12;
	(erf) = vpow2.f32 v1  }
0x2e1: {  	v21 =	vld [tilespmem:s16+$0x410];
	v20 =	vmul.f32 $1.442695020e+00, v13;
	(erf) = vpow2.f32 v16  }
0x2e2: {  	v23 =	vld [tilespmem:s16+$0x420];
	v22 =	vmul.f32 $1.442695020e+00, v14;
	(erf) = vpow2.f32 v18  }
0x2e3: {  	v25 =	vld [tilespmem:s16+$0x430];
	v24 =	vmul.f32 $1.442695020e+00, v15;
	(erf) = vpow2.f32 v20  }
0x2e4: {  	v27 =	vld [tilespmem:s16+$0x440];
	v26 =	vmul.f32 $1.442695020e+00, v17;
	(erf) = vpow2.f32 v22  }
0x2e5: {  	v55 =	vld [tilespmem:s16+$0x450];
	v54 =	vmul.f32 $1.442695020e+00, v19;
	(erf) = vpow2.f32 v24  }
0x2e6: {  	v57 =	vld [tilespmem:s16+$0x460];
	v56 =	vmul.f32 $1.442695020e+00, v21;
	(erf) = vpow2.f32 v26  }
0x2e7: {  	v59 =	vld [tilespmem:s16+$0x470];
	v58 =	vmul.f32 $1.442695020e+00, v23;
	(erf) = vpow2.f32 v54  }
0x2e8: {  	v61 =	vld [tilespmem:s16+$0x800];
	v60 =	vmul.f32 $1.442695020e+00, v25;
	v7 =	vpop (erf);
	(erf) = vpow2.f32 v56  }
0x2e9: {  	v63 =	vld [tilespmem:s16+$0x810];
	v62 =	vmul.f32 $1.442695020e+00, v27;
	v8 =	vpop (erf);
	(erf) = vpow2.f32 v58  }
0x2ea: {  	v17 =	vld [tilespmem:s16+$0x820];
	v16 =	vmul.f32 $1.442695020e+00, v55;
	v9 =	vpop (erf);
	(erf) = vpow2.f32 v60  }
0x2eb: {  	v19 =	vld [tilespmem:s16+$0x830];
	v18 =	vmul.f32 $1.442695020e+00, v57;
	v10 =	vpop (erf);
	(erf) = vpow2.f32 v62  }
0x2ec: {  	v21 =	vld [tilespmem:s16+$0x840];
	v20 =	vmul.f32 $1.442695020e+00, v59;
	v11 =	vpop (erf);
	(erf) = vpow2.f32 v16  }
0x2ed: {  	v23 =	vld [tilespmem:s16+$0x850];
	v22 =	vmul.f32 $1.442695020e+00, v61;
	v12 =	vpop (erf);
	(erf) = vpow2.f32 v18  }
0x2ee: {  	v25 =	vld [tilespmem:s16+$0x860];
	v24 =	vmul.f32 $1.442695020e+00, v63;
	v13 =	vpop (erf);
	(erf) = vpow2.f32 v20  }
0x2ef: {  	v27 =	vld [tilespmem:s16+$0x870];
	v26 =	vmul.f32 $1.442695020e+00, v17;
	v14 =	vpop (erf);
	(erf) = vpow2.f32 v22  }
0x2f0: {  	v55 =	vld [tilespmem:s16+$0xC00];
	v54 =	vmul.f32 $1.442695020e+00, v19;
	v15 =	vpop (erf);
	(erf) = vpow2.f32 v24  }
0x2f1: {  	v57 =	vld [tilespmem:s16+$0xC10];
	v56 =	vmul.f32 $1.442695020e+00, v21;
	v16 =	vpop (erf);
	(erf) = vpow2.f32 v26  }
0x2f2: {  	v59 =	vld [tilespmem:s16+$0xC20];
	v58 =	vmul.f32 $1.442695020e+00, v23;
	v17 =	vpop (erf);
	(erf) = vpow2.f32 v54  }
0x2f3: {  	v61 =	vld [tilespmem:s16+$0xC30];
	v60 =	vmul.f32 $1.442695020e+00, v25;
	v18 =	vpop (erf);
	(erf) = vpow2.f32 v56  }
0x2f4: {  	v63 =	vld [tilespmem:s16+$0xC40];
	v62 =	vmul.f32 $1.442695020e+00, v27;
	v19 =	vpop (erf);
	(erf) = vpow2.f32 v58  }
0x2f5: {  	v27 =	vmul.f32 $1.442695020e+00, v55;
	v54 =	vld [tilespmem:s16+$0xC50];
	v20 =	vpop (erf);
	(erf) = vpow2.f32 v60  }
0x2f6: {  	v55 =	vmul.f32 $1.442695020e+00, v57;
	v56 =	vld [tilespmem:s16+$0xC60];
	v21 =	vpop (erf);
	(erf) = vpow2.f32 v62  }
0x2f7: {  	v57 =	vmul.f32 $1.442695020e+00, v59;
	v58 =	vld [tilespmem:s16+$0xC70];
	v22 =	vpop (erf);
	(erf) = vpow2.f32 v27  }
0x2f8: {  	v59 =	vmul.f32 $1.442695020e+00, v61;
	v60 =	vld [tilespmem:s16+$0x1000];
	v23 =	vpop (erf);
	(erf) = vpow2.f32 v55  }
0x2f9: {  	v61 =	vmul.f32 $1.442695020e+00, v63;
	v62 =	vld [tilespmem:s16+$0x1010];
	v24 =	vpop (erf);
	(erf) = vpow2.f32 v57  }
0x2fa: {  	v63 =	vmul.f32 $1.442695020e+00, v54;
	v54 =	vld [tilespmem:s16+$0x1020];
	v25 =	vpop (erf);
	(erf) = vpow2.f32 v59  }
0x2fb: {  	v55 =	vmul.f32 $1.442695020e+00, v56;
	v56 =	vld [tilespmem:s16+$0x1030];
	v26 =	vpop (erf);
	(erf) = vpow2.f32 v61  }
0x2fc: {  	v57 =	vmul.f32 $1.442695020e+00, v58;
	v58 =	vld [tilespmem:s16+$0x1040];
	v27 =	vpop (erf);
	(erf) = vpow2.f32 v63  }
0x2fd: {  	v7 =	vadd.f32 v15, v7;
	v59 =	vmul.f32 $1.442695020e+00, v60;
	v60 =	vld [tilespmem:s16+$0x1050];
	v15 =	vpop (erf);
	(erf) = vpow2.f32 v55  }
0x2fe: {  	v8 =	vadd.f32 v16, v8;
	v61 =	vmul.f32 $1.442695020e+00, v62;
	v62 =	vld [tilespmem:s16+$0x1060];
	v16 =	vpop (erf);
	(erf) = vpow2.f32 v57  }
0x2ff: {  	v9 =	vadd.f32 v17, v9;
	v63 =	vmul.f32 $1.442695020e+00, v54;
	v54 =	vld [tilespmem:s16+$0x1070];
	v17 =	vpop (erf);
	(erf) = vpow2.f32 v59  }
0x300: {  	v10 =	vadd.f32 v18, v10;
	v55 =	vmul.f32 $1.442695020e+00, v56;
	v56 =	vld [tilespmem:s16+$0x1400];
	v18 =	vpop (erf);
	(erf) = vpow2.f32 v61  }
0x301: {  	v11 =	vadd.f32 v19, v11;
	v57 =	vmul.f32 $1.442695020e+00, v58;
	v58 =	vld [tilespmem:s16+$0x1410];
	v19 =	vpop (erf);
	(erf) = vpow2.f32 v63  }
0x302: {  	v12 =	vadd.f32 v20, v12;
	v59 =	vmul.f32 $1.442695020e+00, v60;
	v60 =	vld [tilespmem:s16+$0x1420];
	v20 =	vpop (erf);
	(erf) = vpow2.f32 v55  }
0x303: {  	v13 =	vadd.f32 v21, v13;
	v61 =	vmul.f32 $1.442695020e+00, v62;
	v62 =	vld [tilespmem:s16+$0x1430];
	v21 =	vpop (erf);
	(erf) = vpow2.f32 v57  }
0x304: {  	v14 =	vadd.f32 v22, v14;
	v63 =	vmul.f32 $1.442695020e+00, v54;
	v54 =	vld [tilespmem:s16+$0x1440];
	v22 =	vpop (erf);
	(erf) = vpow2.f32 v59  }
0x305: {  	v7 =	vadd.f32 v23, v7;
	v55 =	vmul.f32 $1.442695020e+00, v56;
	v56 =	vld [tilespmem:s16+$0x1450];
	v23 =	vpop (erf);
	(erf) = vpow2.f32 v61  }
0x306: {  	v8 =	vadd.f32 v24, v8;
	v57 =	vmul.f32 $1.442695020e+00, v58;
	v58 =	vld [tilespmem:s16+$0x1460];
	v24 =	vpop (erf);
	(erf) = vpow2.f32 v63  }
0x307: {  	v9 =	vadd.f32 v25, v9;
	v59 =	vmul.f32 $1.442695020e+00, v60;
	v60 =	vld [tilespmem:s16+$0x1470];
	v25 =	vpop (erf);
	(erf) = vpow2.f32 v55  }
0x308: {  	v10 =	vadd.f32 v26, v10;
	v61 =	vmul.f32 $1.442695020e+00, v62;
	v62 =	vld [tilespmem:s16+$0x1800];
	v26 =	vpop (erf);
	(erf) = vpow2.f32 v57  }
0x309: {  	v11 =	vadd.f32 v27, v11;
	v63 =	vmul.f32 $1.442695020e+00, v54;
	v54 =	vld [tilespmem:s16+$0x1810];
	v27 =	vpop (erf);
	(erf) = vpow2.f32 v59  }
0x30a: {  	v12 =	vadd.f32 v15, v12;
	v55 =	vmul.f32 $1.442695020e+00, v56;
	v56 =	vld [tilespmem:s16+$0x1820];
	v15 =	vpop (erf);
	(erf) = vpow2.f32 v61  }
0x30b: {  	v13 =	vadd.f32 v16, v13;
	v57 =	vmul.f32 $1.442695020e+00, v58;
	v58 =	vld [tilespmem:s16+$0x1830];
	v16 =	vpop (erf);
	(erf) = vpow2.f32 v63  }
0x30c: {  	v14 =	vadd.f32 v17, v14;
	v59 =	vmul.f32 $1.442695020e+00, v60;
	v60 =	vld [tilespmem:s16+$0x1840];
	v17 =	vpop (erf);
	(erf) = vpow2.f32 v55  }
0x30d: {  	v7 =	vadd.f32 v18, v7;
	v61 =	vmul.f32 $1.442695020e+00, v62;
	v62 =	vld [tilespmem:s16+$0x1850];
	v18 =	vpop (erf);
	(erf) = vpow2.f32 v57  }
0x30e: {  	v8 =	vadd.f32 v19, v8;
	v63 =	vmul.f32 $1.442695020e+00, v54;
	v54 =	vld [tilespmem:s16+$0x1860];
	v19 =	vpop (erf);
	(erf) = vpow2.f32 v59  }
0x30f: {  	v9 =	vadd.f32 v20, v9;
	v55 =	vmul.f32 $1.442695020e+00, v56;
	v56 =	vld [tilespmem:s16+$0x1870];
	v20 =	vpop (erf);
	(erf) = vpow2.f32 v61  }
0x310: {  	v10 =	vadd.f32 v21, v10;
	v57 =	vmul.f32 $1.442695020e+00, v58;
	v58 =	vld [tilespmem:s16+$0x1C00];
	v21 =	vpop (erf);
	(erf) = vpow2.f32 v63  }
0x311: {  	v11 =	vadd.f32 v22, v11;
	v59 =	vmul.f32 $1.442695020e+00, v60;
	v60 =	vld [tilespmem:s16+$0x1C10];
	v22 =	vpop (erf);
	(erf) = vpow2.f32 v55  }
0x312: {  	v12 =	vadd.f32 v23, v12;
	v61 =	vmul.f32 $1.442695020e+00, v62;
	v62 =	vld [tilespmem:s16+$0x1C20];
	v23 =	vpop (erf);
	(erf) = vpow2.f32 v57  }
0x313: {  	v13 =	vadd.f32 v24, v13;
	v63 =	vmul.f32 $1.442695020e+00, v54;
	v54 =	vld [tilespmem:s16+$0x1C30];
	v24 =	vpop (erf);
	(erf) = vpow2.f32 v59  }
0x314: {  	v14 =	vadd.f32 v25, v14;
	v55 =	vmul.f32 $1.442695020e+00, v56;
	v56 =	vld [tilespmem:s16+$0x1C40];
	v25 =	vpop (erf);
	(erf) = vpow2.f32 v61  }
0x315: {  	v7 =	vadd.f32 v26, v7;
	v57 =	vmul.f32 $1.442695020e+00, v58;
	v58 =	vld [tilespmem:s16+$0x1C50];
	v26 =	vpop (erf);
	(erf) = vpow2.f32 v63  }
0x316: {  	v8 =	vadd.f32 v27, v8;
	v59 =	vmul.f32 $1.442695020e+00, v60;
	v60 =	vld [tilespmem:s16+$0x1C60];
	v27 =	vpop (erf);
	(erf) = vpow2.f32 v55  }
0x317: {  	v9 =	vadd.f32 v15, v9;
	v61 =	vmul.f32 $1.442695020e+00, v62;
	v62 =	vld [tilespmem:s16+$0x1C70];
	v15 =	vpop (erf);
	(erf) = vpow2.f32 v57  }
0x318: {  	v10 =	vadd.f32 v16, v10;
	v63 =	vmul.f32 $1.442695020e+00, v54;
	v54 =	vld [tilespmem:s16+$0x2000];
	v16 =	vpop (erf);
	(erf) = vpow2.f32 v59  }
0x319: {  	v11 =	vadd.f32 v17, v11;
	v55 =	vmul.f32 $1.442695020e+00, v56;
	v56 =	vld [tilespmem:s16+$0x2010];
	v17 =	vpop (erf);
	(erf) = vpow2.f32 v61  }
0x31a: {  	v12 =	vadd.f32 v18, v12;
	v57 =	vmul.f32 $1.442695020e+00, v58;
	v58 =	vld [tilespmem:s16+$0x2020];
	v18 =	vpop (erf);
	(erf) = vpow2.f32 v63  }
0x31b: {  	v13 =	vadd.f32 v19, v13;
	v59 =	vmul.f32 $1.442695020e+00, v60;
	v60 =	vld [tilespmem:s16+$0x2030];
	v19 =	vpop (erf);
	(erf) = vpow2.f32 v55  }
0x31c: {  	v14 =	vadd.f32 v20, v14;
	v61 =	vmul.f32 $1.442695020e+00, v62;
	v62 =	vld [tilespmem:s16+$0x2040];
	v20 =	vpop (erf);
	(erf) = vpow2.f32 v57  }
0x31d: {  	v7 =	vadd.f32 v21, v7;
	v63 =	vmul.f32 $1.442695020e+00, v54;
	v54 =	vld [tilespmem:s16+$0x2050];
	v21 =	vpop (erf);
	(erf) = vpow2.f32 v59  }
0x31e: {  	v8 =	vadd.f32 v22, v8;
	v55 =	vmul.f32 $1.442695020e+00, v56;
	v56 =	vld [tilespmem:s16+$0x2060];
	v22 =	vpop (erf);
	(erf) = vpow2.f32 v61  }
0x31f: {  	v9 =	vadd.f32 v23, v9;
	v57 =	vmul.f32 $1.442695020e+00, v58;
	v58 =	vld [tilespmem:s16+$0x2070];
	v23 =	vpop (erf);
	(erf) = vpow2.f32 v63  }
0x320: {  	v10 =	vadd.f32 v24, v10;
	v59 =	vmul.f32 $1.442695020e+00, v60;
	v60 =	vld [tilespmem:s16+$0x2400];
	v24 =	vpop (erf);
	(erf) = vpow2.f32 v55  }
0x321: {  	v11 =	vadd.f32 v25, v11;
	v61 =	vmul.f32 $1.442695020e+00, v62;
	v62 =	vld [tilespmem:s16+$0x2410];
	v25 =	vpop (erf);
	(erf) = vpow2.f32 v57  }
0x322: {  	v12 =	vadd.f32 v26, v12;
	v63 =	vmul.f32 $1.442695020e+00, v54;
	v54 =	vld [tilespmem:s16+$0x2420];
	v26 =	vpop (erf);
	(erf) = vpow2.f32 v59  }
0x323: {  	v13 =	vadd.f32 v27, v13;
	v55 =	vmul.f32 $1.442695020e+00, v56;
	v56 =	vld [tilespmem:s16+$0x2430];
	v27 =	vpop (erf);
	(erf) = vpow2.f32 v61  }
0x324: {  	v14 =	vadd.f32 v15, v14;
	v57 =	vmul.f32 $1.442695020e+00, v58;
	v58 =	vld [tilespmem:s16+$0x2440];
	v15 =	vpop (erf);
	(erf) = vpow2.f32 v63  }
0x325: {  	v7 =	vadd.f32 v16, v7;
	v59 =	vmul.f32 $1.442695020e+00, v60;
	v60 =	vld [tilespmem:s16+$0x2450];
	v16 =	vpop (erf);
	(erf) = vpow2.f32 v55  }
0x326: {  	v8 =	vadd.f32 v17, v8;
	v61 =	vmul.f32 $1.442695020e+00, v62;
	v62 =	vld [tilespmem:s16+$0x2460];
	v17 =	vpop (erf);
	(erf) = vpow2.f32 v57  }
0x327: {  	v9 =	vadd.f32 v18, v9;
	v63 =	vmul.f32 $1.442695020e+00, v54;
	v54 =	vld [tilespmem:s16+$0x2470];
	v18 =	vpop (erf);
	(erf) = vpow2.f32 v59  }
0x328: {  	v10 =	vadd.f32 v19, v10;
	v55 =	vmul.f32 $1.442695020e+00, v56;
	v56 =	vld [tilespmem:s16+$0x2800];
	v19 =	vpop (erf);
	(erf) = vpow2.f32 v61  }
0x329: {  	v11 =	vadd.f32 v20, v11;
	v57 =	vmul.f32 $1.442695020e+00, v58;
	v58 =	vld [tilespmem:s16+$0x2810];
	v20 =	vpop (erf);
	(erf) = vpow2.f32 v63  }
0x32a: {  	v12 =	vadd.f32 v21, v12;
	v59 =	vmul.f32 $1.442695020e+00, v60;
	v60 =	vld [tilespmem:s16+$0x2820];
	v21 =	vpop (erf);
	(erf) = vpow2.f32 v55  }
0x32b: {  	v13 =	vadd.f32 v22, v13;
	v61 =	vmul.f32 $1.442695020e+00, v62;
	v62 =	vld [tilespmem:s16+$0x2830];
	v22 =	vpop (erf);
	(erf) = vpow2.f32 v57  }
0x32c: {  	v14 =	vadd.f32 v23, v14;
	v63 =	vmul.f32 $1.442695020e+00, v54;
	v54 =	vld [tilespmem:s16+$0x2840];
	v23 =	vpop (erf);
	(erf) = vpow2.f32 v59  }
0x32d: {  	v7 =	vadd.f32 v24, v7;
	v55 =	vmul.f32 $1.442695020e+00, v56;
	v56 =	vld [tilespmem:s16+$0x2850];
	v24 =	vpop (erf);
	(erf) = vpow2.f32 v61  }
0x32e: {  	v8 =	vadd.f32 v25, v8;
	v57 =	vmul.f32 $1.442695020e+00, v58;
	v58 =	vld [tilespmem:s16+$0x2860];
	v25 =	vpop (erf);
	(erf) = vpow2.f32 v63  }
0x32f: {  	v9 =	vadd.f32 v26, v9;
	v59 =	vmul.f32 $1.442695020e+00, v60;
	v60 =	vld [tilespmem:s16+$0x2870];
	v26 =	vpop (erf);
	(erf) = vpow2.f32 v55  }
0x330: {  	v10 =	vadd.f32 v27, v10;
	v61 =	vmul.f32 $1.442695020e+00, v62;
	v62 =	vld [tilespmem:s16+$0x2C00];
	v27 =	vpop (erf);
	(erf) = vpow2.f32 v57  }
0x331: {  	v11 =	vadd.f32 v15, v11;
	v63 =	vmul.f32 $1.442695020e+00, v54;
	v54 =	vld [tilespmem:s16+$0x2C10];
	v15 =	vpop (erf);
	(erf) = vpow2.f32 v59  }
0x332: {  	v12 =	vadd.f32 v16, v12;
	v55 =	vmul.f32 $1.442695020e+00, v56;
	v56 =	vld [tilespmem:s16+$0x2C20];
	v16 =	vpop (erf);
	(erf) = vpow2.f32 v61  }
0x333: {  	v13 =	vadd.f32 v17, v13;
	v57 =	vmul.f32 $1.442695020e+00, v58;
	v58 =	vld [tilespmem:s16+$0x2C30];
	v17 =	vpop (erf);
	(erf) = vpow2.f32 v63  }
0x334: {  	v14 =	vadd.f32 v18, v14;
	v59 =	vmul.f32 $1.442695020e+00, v60;
	v60 =	vld [tilespmem:s16+$0x2C40];
	v18 =	vpop (erf);
	(erf) = vpow2.f32 v55  }
0x335: {  	v7 =	vadd.f32 v19, v7;
	v61 =	vmul.f32 $1.442695020e+00, v62;
	v62 =	vld [tilespmem:s16+$0x2C50];
	v19 =	vpop (erf);
	(erf) = vpow2.f32 v57  }
0x336: {  	v8 =	vadd.f32 v20, v8;
	v63 =	vmul.f32 $1.442695020e+00, v54;
	v54 =	vld [tilespmem:s16+$0x2C60];
	v20 =	vpop (erf);
	(erf) = vpow2.f32 v59  }
0x337: {  	v9 =	vadd.f32 v21, v9;
	v55 =	vmul.f32 $1.442695020e+00, v56;
	v56 =	vld [tilespmem:s16+$0x2C70];
	v21 =	vpop (erf);
	(erf) = vpow2.f32 v61  }
0x338: {  	v10 =	vadd.f32 v22, v10;
	v57 =	vmul.f32 $1.442695020e+00, v58;
	v58 =	vld [tilespmem:s16+$0x3000];
	v22 =	vpop (erf);
	(erf) = vpow2.f32 v63  }
0x339: {  	v11 =	vadd.f32 v23, v11;
	v59 =	vmul.f32 $1.442695020e+00, v60;
	v60 =	vld [tilespmem:s16+$0x3010];
	v23 =	vpop (erf);
	(erf) = vpow2.f32 v55  }
0x33a: {  	v12 =	vadd.f32 v24, v12;
	v61 =	vmul.f32 $1.442695020e+00, v62;
	v62 =	vld [tilespmem:s16+$0x3020];
	v24 =	vpop (erf);
	(erf) = vpow2.f32 v57  }
0x33b: {  	v13 =	vadd.f32 v25, v13;
	v63 =	vmul.f32 $1.442695020e+00, v54;
	v54 =	vld [tilespmem:s16+$0x3030];
	v25 =	vpop (erf);
	(erf) = vpow2.f32 v59  }
0x33c: {  	v14 =	vadd.f32 v26, v14;
	v55 =	vmul.f32 $1.442695020e+00, v56;
	v56 =	vld [tilespmem:s16+$0x3040];
	v26 =	vpop (erf);
	(erf) = vpow2.f32 v61  }
0x33d: {  	v7 =	vadd.f32 v27, v7;
	v57 =	vmul.f32 $1.442695020e+00, v58;
	v58 =	vld [tilespmem:s16+$0x3050];
	v27 =	vpop (erf);
	(erf) = vpow2.f32 v63  }
0x33e: {  	v8 =	vadd.f32 v15, v8;
	v59 =	vmul.f32 $1.442695020e+00, v60;
	v60 =	vld [tilespmem:s16+$0x3060];
	v15 =	vpop (erf);
	(erf) = vpow2.f32 v55  }
0x33f: {  	v9 =	vadd.f32 v16, v9;
	v61 =	vmul.f32 $1.442695020e+00, v62;
	v62 =	vld [tilespmem:s16+$0x3070];
	v16 =	vpop (erf);
	(erf) = vpow2.f32 v57  }
0x340: {  	v10 =	vadd.f32 v17, v10;
	v63 =	vmul.f32 $1.442695020e+00, v54;
	v54 =	vld [tilespmem:s16+$0x3400];
	v17 =	vpop (erf);
	(erf) = vpow2.f32 v59  }
0x341: {  	v11 =	vadd.f32 v18, v11;
	v55 =	vmul.f32 $1.442695020e+00, v56;
	v56 =	vld [tilespmem:s16+$0x3410];
	v18 =	vpop (erf);
	(erf) = vpow2.f32 v61  }
0x342: {  	v12 =	vadd.f32 v19, v12;
	v57 =	vmul.f32 $1.442695020e+00, v58;
	v58 =	vld [tilespmem:s16+$0x3420];
	v19 =	vpop (erf);
	(erf) = vpow2.f32 v63  }
0x343: {  	v13 =	vadd.f32 v20, v13;
	v59 =	vmul.f32 $1.442695020e+00, v60;
	v60 =	vld [tilespmem:s16+$0x3430];
	v20 =	vpop (erf);
	(erf) = vpow2.f32 v55  }
0x344: {  	v14 =	vadd.f32 v21, v14;
	v61 =	vmul.f32 $1.442695020e+00, v62;
	v62 =	vld [tilespmem:s16+$0x3440];
	v21 =	vpop (erf);
	(erf) = vpow2.f32 v57  }
0x345: {  	v7 =	vadd.f32 v22, v7;
	v63 =	vmul.f32 $1.442695020e+00, v54;
	v54 =	vld [tilespmem:s16+$0x3450];
	v22 =	vpop (erf);
	(erf) = vpow2.f32 v59  }
0x346: {  	v8 =	vadd.f32 v23, v8;
	v55 =	vmul.f32 $1.442695020e+00, v56;
	v56 =	vld [tilespmem:s16+$0x3460];
	v23 =	vpop (erf);
	(erf) = vpow2.f32 v61  }
0x347: {  	v9 =	vadd.f32 v24, v9;
	v57 =	vmul.f32 $1.442695020e+00, v58;
	v58 =	vld [tilespmem:s16+$0x3470];
	v24 =	vpop (erf);
	(erf) = vpow2.f32 v63  }
0x348: {  	v10 =	vadd.f32 v25, v10;
	v59 =	vmul.f32 $1.442695020e+00, v60;
	v60 =	vld [tilespmem:s16+$0x3800];
	v25 =	vpop (erf);
	(erf) = vpow2.f32 v55  }
0x349: {  	v11 =	vadd.f32 v26, v11;
	v61 =	vmul.f32 $1.442695020e+00, v62;
	v62 =	vld [tilespmem:s16+$0x3810];
	v26 =	vpop (erf);
	(erf) = vpow2.f32 v57  }
0x34a: {  	v12 =	vadd.f32 v27, v12;
	v63 =	vmul.f32 $1.442695020e+00, v54;
	v54 =	vld [tilespmem:s16+$0x3820];
	v27 =	vpop (erf);
	(erf) = vpow2.f32 v59  }
0x34b: {  	v13 =	vadd.f32 v15, v13;
	v55 =	vmul.f32 $1.442695020e+00, v56;
	v56 =	vld [tilespmem:s16+$0x3830];
	v15 =	vpop (erf);
	(erf) = vpow2.f32 v61  }
0x34c: {  	v14 =	vadd.f32 v16, v14;
	v57 =	vmul.f32 $1.442695020e+00, v58;
	v58 =	vld [tilespmem:s16+$0x3840];
	v16 =	vpop (erf);
	(erf) = vpow2.f32 v63  }
0x34d: {  	v7 =	vadd.f32 v17, v7;
	v59 =	vmul.f32 $1.442695020e+00, v60;
	v60 =	vld [tilespmem:s16+$0x3850];
	v17 =	vpop (erf);
	(erf) = vpow2.f32 v55  }
0x34e: {  	v8 =	vadd.f32 v18, v8;
	v61 =	vmul.f32 $1.442695020e+00, v62;
	v62 =	vld [tilespmem:s16+$0x3860];
	v18 =	vpop (erf);
	(erf) = vpow2.f32 v57  }
0x34f: {  	v9 =	vadd.f32 v19, v9;
	v63 =	vmul.f32 $1.442695020e+00, v54;
	v54 =	vld [tilespmem:s16+$0x3870];
	v19 =	vpop (erf);
	(erf) = vpow2.f32 v59  }
0x350: {  	v10 =	vadd.f32 v20, v10;
	v55 =	vmul.f32 $1.442695020e+00, v56;
	v56 =	vld [tilespmem:s16+$0x3C00];
	v20 =	vpop (erf);
	(erf) = vpow2.f32 v61  }
0x351: {  	v11 =	vadd.f32 v21, v11;
	v57 =	vmul.f32 $1.442695020e+00, v58;
	v58 =	vld [tilespmem:s16+$0x3C10];
	v21 =	vpop (erf);
	(erf) = vpow2.f32 v63  }
0x352: {  	v12 =	vadd.f32 v22, v12;
	v59 =	vmul.f32 $1.442695020e+00, v60;
	v60 =	vld [tilespmem:s16+$0x3C20];
	v22 =	vpop (erf);
	(erf) = vpow2.f32 v55  }
0x353: {  	v13 =	vadd.f32 v23, v13;
	v61 =	vmul.f32 $1.442695020e+00, v62;
	v62 =	vld [tilespmem:s16+$0x3C30];
	v23 =	vpop (erf);
	(erf) = vpow2.f32 v57  }
0x354: {  	v14 =	vadd.f32 v24, v14;
	v63 =	vmul.f32 $1.442695020e+00, v54;
	v54 =	vld [tilespmem:s16+$0x3C40];
	v24 =	vpop (erf);
	(erf) = vpow2.f32 v59  }
0x355: {  	v7 =	vadd.f32 v25, v7;
	v55 =	vmul.f32 $1.442695020e+00, v56;
	v56 =	vld [tilespmem:s16+$0x3C50];
	v25 =	vpop (erf);
	(erf) = vpow2.f32 v61  }
0x356: {  	v8 =	vadd.f32 v26, v8;
	v57 =	vmul.f32 $1.442695020e+00, v58;
	v58 =	vld [tilespmem:s16+$0x3C60];
	v26 =	vpop (erf);
	(erf) = vpow2.f32 v63  }
0x357: {  	v9 =	vadd.f32 v27, v9;
	v59 =	vmul.f32 $1.442695020e+00, v60;
	v60 =	vld [tilespmem:s16+$0x3C70];
	v27 =	vpop (erf);
	(erf) = vpow2.f32 v55  }
0x358: {  	v10 =	vadd.f32 v15, v10;
	v63 =	vmul.f32 $1.442695020e+00, v62;
	v15 =	vpop (erf);
	(erf) = vpow2.f32 v57  }
0x359: {  	v3 =	vadd.f32 v16, v11;
	v16 =	vmul.f32 $1.442695020e+00, v54;
	v11 =	vpop (erf);
	(erf) = vpow2.f32 v59  }
0x35a: {  	v17 =	vadd.f32 v17, v12;
	v61 =	vmul.f32 $1.442695020e+00, v56;
	v12 =	vpop (erf);
	(erf) = vpow2.f32 v63  }
0x35b: {  	v5 =	vadd.f32 v18, v13;
	v62 =	vmul.f32 $1.442695020e+00, v58;
	v13 =	vpop (erf);
	(erf) = vpow2.f32 v16  }
0x35c: {  	v54 =	vmul.f32 $1.442695020e+00, v60;
	v63 =	vadd.f32 v19, v14;
	v14 =	vpop (erf);
	(erf) = vpow2.f32 v61  }
0x35d: {  	v3 =	vadd.f32 v24, v3;
	v4 =	vadd.f32 v25, v17;
	v57 =	vpop (erf);
	(erf) = vpow2.f32 v62  }
0x35e: {  	v55 =	vadd.f32 v20, v7;
	v56 =	vadd.f32 v21, v8;
	v60 =	vpop (erf);
	(erf) = vpow2.f32 v54  }
0x35f: {  	v5 =	vadd.f32 v26, v5;
	v58 =	vadd.f32 v22, v9;
	v61 =	vpop (erf)  }
0x360: {  	v59 =	vadd.f32 v23, v10;
	v2 =	vadd.f32 v15, v55;
	v62 =	vpop (erf)  }
0x361: {  	v7 =	vadd.f32 v11, v56;
	v6 =	vadd.f32 v27, v63;
	v63 =	vpop (erf)  }
0x362: {  	v0 =	vadd.f32 v12, v58;
	v9 =	vadd.f32 v13, v59;
	v18 =	vpop (erf)  }
0x363: {  	v3 =	vadd.f32 v14, v3;
	v4 =	vadd.f32 v57, v4;
	v19 =	vpop (erf)  }
0x364: {  	s17 =	sadd.s32 $0x1, s1;
	v5 =	vadd.f32 v60, v5;
	v1 =	vadd.f32 v61, v6;
	v20 =	vpop (erf)  }
0x365: {  	v24 =	vmov s17;
	v2 =	vadd.f32 v62, v2;
	v7 =	vadd.f32 v63, v7;
	v21 =	vpop (erf)  }
0x366: {  	v25 =	vshll.u32 v24, $0xB;
	v0 =	vadd.f32 v18, v0;
	v9 =	vadd.f32 v19, v9;
	v22 =	vpop (erf)  }
0x367: {  	v26 =	vand.u32 $0x4000, v25;
	v3 =	vadd.f32 v20, v3;
	v4 =	vadd.f32 v21, v4;
	v23 =	vpop (erf)  }
0x368: {  	v27 =	vadd.s32 v29, v26;
	v5 =	vadd.f32 v22, v5;
	v1 =	vadd.f32 v23, v1  }
0x369: {  	v6 =	vshll.u32 v24, $0x7;
	v2 =	vadd.f32 v7, v2;
	v0 =	vadd.f32 v9, v0  }
0x36a: {  	v6 =	vand.u32 $0x380, v6;
	v3 =	vadd.f32 v4, v3;
	v1 =	vadd.f32 v1, v5  }
0x36b: {  	v5 =	vor.u32 v6, v27  }
0x36c: {  	v0 =	vadd.f32 v0, v2;
	v28 =	vor.u32 v28, v5;
	v1 =	vadd.f32 v1, v3;
	_ =	sdelay $0x1  }
0x36d: {  	v0 =	vadd.f32 v1, v0;
	_ =	sdelay $0x1  }
0x36e: {  	v29 =	vadd.s32 v31, v26;
	[tilespmem:s31+$0x0] =	vst v0  }
0x36f: {  	v0 =	vor.u32 v6, v29;
	v31 =	vld.idx.msk [tilespmem:v28+s19+$0x0], $0xffff  }
0x370: {  	v0 =	vor.u32 v30, v0;
	_ =	sdelay $0x2  }
0x371: {  	s10 =	sor.u32 s11, s10  }
0x372: {  	v33 =	vadd.s32 v33, v26;
	[tilespmem:s10+$0x0] =	vst v31  }
0x373: {  	v1 =	vor.u32 v6, v33;
	v0 =	vld.idx.msk [tilespmem:v0+s19+$0x0], $0xffff  }
0x374: {  	v1 =	vor.u32 v32, v1;
	_ =	sdelay $0x3  }
0x375: {  	v54 =	vadd.s32 v35, v26;
	[tilespmem:s10+$0x10] =	vst v0  }
0x376: {  	v0 =	vor.u32 v6, v54;
	v1 =	vld.idx.msk [tilespmem:v1+s19+$0x0], $0xffff  }
0x377: {  	v0 =	vor.u32 v34, v0;
	_ =	sdelay $0x3  }
0x378: {  	v55 =	vadd.s32 v37, v26;
	[tilespmem:s10+$0x20] =	vst v1  }
0x379: {  	v1 =	vor.u32 v6, v55;
	v0 =	vld.idx.msk [tilespmem:v0+s19+$0x0], $0xffff  }
0x37a: {  	v1 =	vor.u32 v36, v1;
	_ =	sdelay $0x3  }
0x37b: {  	v56 =	vadd.s32 v39, v26;
	[tilespmem:s10+$0x30] =	vst v0  }
0x37c: {  	v0 =	vor.u32 v6, v56;
	v1 =	vld.idx.msk [tilespmem:v1+s19+$0x0], $0xffff  }
0x37d: {  	v0 =	vor.u32 v38, v0;
	_ =	sdelay $0x3  }
0x37e: {  	v57 =	vadd.s32 v41, v26;
	[tilespmem:s10+$0x40] =	vst v1  }
0x37f: {  	v1 =	vor.u32 v6, v57;
	v0 =	vld.idx.msk [tilespmem:v0+s19+$0x0], $0xffff  }
0x380: {  	v1 =	vor.u32 v40, v1;
	_ =	sdelay $0x3  }
0x381: {  	v58 =	vadd.s32 v43, v26;
	[tilespmem:s10+$0x50] =	vst v0  }
0x382: {  	v0 =	vor.u32 v6, v58;
	v1 =	vld.idx.msk [tilespmem:v1+s19+$0x0], $0xffff  }
0x383: {  	v0 =	vor.u32 v42, v0;
	_ =	sdelay $0x3  }
0x384: {  	v59 =	vadd.s32 v45, v26;
	[tilespmem:s10+$0x60] =	vst v1  }
0x385: {  	v1 =	vor.u32 v6, v59;
	v0 =	vld.idx.msk [tilespmem:v0+s19+$0x0], $0xffff  }
0x386: {  	v1 =	vor.u32 v44, v1;
	_ =	sdelay $0x3  }
0x387: {  	v60 =	vadd.s32 v47, v26;
	[tilespmem:s10+$0x70] =	vst v0  }
0x388: {  	v0 =	vor.u32 v6, v60;
	v1 =	vld.idx.msk [tilespmem:v1+s19+$0x0], $0xffff  }
0x389: {  	v0 =	vor.u32 v46, v0;
	_ =	sdelay $0x3  }
0x38a: {  	v61 =	vadd.s32 v49, v26;
	[tilespmem:s10+$0x400] =	vst v1  }
0x38b: {  	v1 =	vor.u32 v6, v61;
	v0 =	vld.idx.msk [tilespmem:v0+s19+$0x0], $0xffff  }
0x38c: {  	v1 =	vor.u32 v48, v1;
	_ =	sdelay $0x3  }
0x38d: {  	v62 =	vadd.s32 v51, v26;
	[tilespmem:s10+$0x410] =	vst v0  }
0x38e: {  	v0 =	vor.u32 v6, v62;
	v1 =	vld.idx.msk [tilespmem:v1+s19+$0x0], $0xffff  }
0x38f: {  	v0 =	vor.u32 v50, v0;
	_ =	sdelay $0x3  }
0x390: {  	v63 =	vadd.s32 v53, v26;
	[tilespmem:s10+$0x420] =	vst v1  }
0x391: {  	v1 =	vor.u32 v6, v63;
	v0 =	vld.idx.msk [tilespmem:v0+s19+$0x0], $0xffff  }
0x392: {  	v1 =	vor.u32 v52, v1;
	_ =	sdelay $0x3  }
0x393: {  	[tilespmem:s10+$0x430] =	vst v0  }
0x394: {  	p0 =	slt.u32 s1, $0xE;
	v0 =	vld.idx.msk [tilespmem:v1+s19+$0x0], $0xffff  }
.Ltmp1:
0x395: {  	_ = 	snop;
	(pc) =	sbr.rel @p0 .LBB2_5-.Ltmp1, $2  }
0x396: {  	_ =	sdelay $0x2  }
0x397: {  	s1 =	sadd.s32 $0x2, s1;
	s0 =	sadd.s32 $0x100, s0;
	s31 =	sadd.s32 $0x100, s31;
	[tilespmem:s10+$0x440] =	vst v0  }
0x398: {  	s0 =	sadd.s32 s6, s30  }
0x399: {  	s1 =	sshll.u32 s0, $0xC  }
0x39a: {  	s1 =	sadd.s32 s4, s1  }
0x39b: {  	s1 =	sshrl.u32 s1, $0x3  }
0x39c: {  	s1 =	sadd.s32 s7, s1  }
0x39d: {  	[hbm4b:s1+s15] =	stream.strided.scatter [tilespmem:s21], [sflag:$0x3], $0x400, s20, s15, $0x38;
	[tilespmem:$0x11900] =	vst v63  }
0x39e: {  	s10 =	sadd.s32 $0x80, s1  }
0x39f: {  	[hbm4b:s10+s15] =	stream.strided.scatter [tilespmem:s22], [sflag:$0x3], $0x400, s20, s15, $0x38;
	[tilespmem:$0x11900] =	vst v63  }
0x3a0: {  	s31 =	sadd.s32 $0x1000, s1  }
0x3a1: {  	[hbm4b:s31+s15] =	stream.strided.scatter [tilespmem:s23], [sflag:$0x3], $0x400, s20, s15, $0x38;
	[tilespmem:$0x11900] =	vst v63  }
0x3a2: {  	s0 =	sshll.u32 s0, $0x7;
	s1 =	sadd.s32 $0x1080, s1  }
0x3a3: {  	[hbm4b:s1+s15] =	stream.strided.scatter [tilespmem:s24], [sflag:$0x3], $0x400, s20, s15, $0x38;
	[tilespmem:$0x11900] =	vst v63  }
0x3a4: {  	s29 =	sadd.s32 $0x1, s29;
	s0 =	sadd.s32 s12, s0;
	_ =	swait.ge [sflag:s18], $0x1000  }
0x3a5: {  	p0 =	sne.s32 s29, $0x19;
	s0 =	sshrl.u32 s0, $0x3;
	[sflag:s18] =	ssyncset.done $0x0  }
.Ltmp2:
0x3a6: {  	s0 =	sadd.s32 s8, s0;
	[sflag:s18] =	ssyncadd.s32 $0xFFFFF000;
	(pc) =	sbr.rel @p0 .LBB2_2-.Ltmp2, $4  }
0x3a7: {  	[hbm4b:s0+s3] =	stream.linear.scatter [tilespmem:s25], [sflag:$0x3], $0x800, $0x38;
	[tilespmem:$0x11900] =	vst v63  }
0x3a8: {  	_ =	swait.ge [sflag:s18], $0x800  }
0x3a9: {  	[sflag:s18] =	ssyncset.done $0x0  }
0x3aa: {  	[sflag:s18] =	ssyncadd.s32 $0xFFFFF800  }
0x3ab: {  	s28 =	sadd.s32 $0x1, s28;
	s0 =	rddreg [dreg:$0x5]  }
0x3ac: {  	p0 =	sne.s32 s28, s0  }
.Ltmp3:
0x3ad: {  	_ = 	snop;
	(pc) =	sbr.rel @p0 .LBB2_1-.Ltmp3, $1  }
0x3ae: {  	_ =	sdelay $0x3  }
0x3af: {  	_ =	sfence.sel $0x180000  }
0x3b0: {  	[bflag:$0x0] =	sbarrier.arrive $0xFFFF  }
0x3b1: {  	_ =	strace $0x90000047  }
0x3b2: {  	s0 =	stileid.u32;
	[bflag:$0x2] =	sbarrier.arrive $0xFFFF  }
0x3b3: {  	p0 =	sne.s32 s0, $0x0;
	s0 =	rddreg [dreg:$0x2]  }
0x3b4: {  	s0 =	sadd.s32 @!p0 $0x100000, s0  }
0x3b5: {  	[sflag:s0] =	ssyncadd.tile.s32 @!p0 $0x1;
	_ =	shalt  }
.Lfunc_end2:
_tile_overlayer_lowered:
.L_overlay_start_2:
0x3b6: {  	(tag) =	ssettag $0x2  }
0x3b7: {  	s0 =	rddreg [dreg:$0x0];
	s2 =	stileid.u32  }
0x3b8: {  	s1 =	rddreg [dreg:$0x1];
	p0 =	sne.s32 s2, $0x0  }
0x3b9: {  	s3 =	rddreg [dreg:$0x2];
	[bflag:$0x3] =	sbarrier.arrive $0xFFFF;
	s2 =	simm.s32 @!p0 $0x1C03  }
0x3ba: {  	[timem:s3], [sflag:s2] =	dma.local @!p0 [hbm:s0], s1  }
0x3bb: {  	s0 =	simm.s32 @!p0 $0x3  }
0x3bc: {  	_ =	swait.ge @!p0 [sflag:s0], s1  }
0x3bd: {  	s1 =	ssub.s32 @!p0 $0x0, s1;
	[sflag:s0] =	ssyncset.done @!p0 $0x0  }
0x3be: {  	[sflag:s0] =	ssyncadd.s32 @!p0 s1  }
0x3bf: {  	[bflag:$0x3] =	sbarrier.arrive $0xFFFF  }
0x3c0: {  	_ =	shalt  }

</sc_bundles>
